<compile_context>
chip_gen: v7x
topology: tpu7x:2x2x1
jax: 0.10.2.dev20260603
libtpu: 0.0.44.dev20260713+nightly
codegen_flags: <defaults>
</compile_context>

<pallas_src>
import functools

import jax
import jax.numpy as jnp
from jax import lax
from jax.experimental import pallas as pl
from jax.experimental.pallas import tpu as pltpu
from jax.experimental.pallas import tpu_sc as plsc

N = 10000
E = 320000
NB = 20
CUTOFF = 5.0

NC = 2
NS = 16
NW = NC * NS

EB = 2560


def _silu(x):
    return x * jax.nn.sigmoid(x)


def _silu_t(x):
    return x * (0.5 * jnp.tanh(0.5 * x) + 0.5)


def _sc_gather_z(z, row, col):
    mesh = plsc.VectorSubcoreMesh(core_axis_name="c", subcore_axis_name="s")
    seg = row.shape[0]
    epw = seg // NW

    @functools.partial(
        pl.kernel,
        out_type=[jax.ShapeDtypeStruct((seg,), jnp.int32),
                  jax.ShapeDtypeStruct((seg,), jnp.int32)],
        mesh=mesh,
        scratch_types=[pltpu.VMEM((N,), jnp.int32),
                       pltpu.VMEM((epw,), jnp.int32),
                       pltpu.VMEM((epw,), jnp.int32)],
        compiler_params=pltpu.CompilerParams(needs_layout_passes=False),
    )
    def k(z_hbm, row_hbm, col_hbm, zr_hbm, zc_hbm, z_v, idx_v, out_v):
        wid = lax.axis_index("s") * NC + lax.axis_index("c")
        base = wid * epw
        pltpu.sync_copy(z_hbm, z_v)

        def one(src_hbm, dst_hbm):
            pltpu.sync_copy(src_hbm.at[pl.ds(base, epw)], idx_v)

            def body(i, _):
                iv = idx_v[pl.ds(i * 16, 16)]
                out_v[pl.ds(i * 16, 16)] = plsc.load_gather(z_v, [iv])
                return ()

            lax.fori_loop(0, epw // 16, body, (), unroll=4)
            pltpu.sync_copy(out_v, dst_hbm.at[pl.ds(base, epw)])

        one(row_hbm, zr_hbm)
        one(col_hbm, zc_hbm)

    return k(z, row, col)


def _tc_tables(embp, sW1, sb1, sW2, sb2, tW1, tb1, tW2, tb2,
               eW1_top, eW1_mid, eW1_bot, dW2, db2, eb1):
    def k(embp_r, sW1_r, sb1_r, sW2_r, sb2_r, tW1_r, tb1_r, tW2_r, tb2_r,
          eW1t_r, eW1m_r, eW1b_r, dW2_r, db2_r, eb1_r,
          sc_o, tc_o, m_o, c_o):
        f32 = jnp.float32
        emb_v = embp_r[...]
        s_all = _silu(jnp.dot(emb_v, sW1_r[...], preferred_element_type=f32) + sb1_r[...])
        s_all = jnp.dot(s_all, sW2_r[...], preferred_element_type=f32) + sb2_r[...]
        sc_o[...] = jnp.dot(s_all, eW1m_r[...], preferred_element_type=f32)
        t_all = _silu(jnp.dot(emb_v, tW1_r[...], preferred_element_type=f32) + tb1_r[...])
        t_all = jnp.dot(t_all, tW2_r[...], preferred_element_type=f32) + tb2_r[...]
        tc_o[...] = jnp.dot(t_all, eW1b_r[...], preferred_element_type=f32)
        m_o[...] = jnp.dot(dW2_r[...], eW1t_r[...], preferred_element_type=f32)
        c_o[...] = eb1_r[...] + jnp.dot(db2_r[...], eW1t_r[...], preferred_element_type=f32)

    return pl.pallas_call(
        k,
        out_shape=[jax.ShapeDtypeStruct((128, 128), jnp.float32),
                   jax.ShapeDtypeStruct((128, 128), jnp.float32),
                   jax.ShapeDtypeStruct((128, 128), jnp.float32),
                   jax.ShapeDtypeStruct((1, 128), jnp.float32)],
    )(embp, sW1, sb1.reshape(1, 128), sW2, sb2.reshape(1, 128),
      tW1, tb1.reshape(1, 128), tW2, tb2.reshape(1, 128),
      eW1_top, eW1_mid, eW1_bot, dW2, db2.reshape(1, 128), eb1.reshape(1, 128))


def _tc_edges(w3, zr3, zc3, dW1p, db1, s_con, t_con, M, cvec, eW2, eb2):
    def k(w_r, zr_r, zc_r, dW1_r, db1_r, sc_r, tc_r, m_r, c_r, eW2_r, eb2_r, out_r):
        f32 = jnp.float32
        r = w_r[0]
        n = lax.broadcasted_iota(jnp.int32, (24, EB), 0).astype(f32) + 1.0
        x = n * ((jnp.pi / CUTOFF) * r)
        k = jnp.round(x * 0.15915493667125702)
        xr = (x - k * 6.2831854820251465) - k * (-1.7484555314695172e-07)
        x2 = xr * xr
        p = jnp.float32(-2.069779872493349e-08)
        p = p * x2 + jnp.float32(2.708822857390436e-06)
        p = p * x2 + jnp.float32(-0.0001981762360091944)
        p = p * x2 + jnp.float32(0.008332791218600519)
        p = p * x2 + jnp.float32(-0.16666621064339257)
        p = p * x2 + jnp.float32(0.9999999376350313)
        sins = xr * p
        basis_t = (jnp.sqrt(2.0 / CUTOFF) / r) * sins
        hpre = lax.dot_general(basis_t, dW1_r[...],
                               (((0,), (0,)), ((), ())),
                               preferred_element_type=f32)
        h = _silu(hpre + db1_r[...])
        pre = jnp.dot(h, m_r[...], preferred_element_type=f32)
        lanes = lax.broadcasted_iota(jnp.int32, (EB, 128), 1)
        ohr = (lanes == zr_r[0, 0, :].reshape(EB, 1)).astype(f32)
        ohc = (lanes == zc_r[0, 0, :].reshape(EB, 1)).astype(f32)
        pre = pre + jnp.dot(ohr, sc_r[...], preferred_element_type=f32)
        pre = pre + jnp.dot(ohc, tc_r[...], preferred_element_type=f32)
        pre = _silu(pre + c_r[...])
        out_r[...] = jnp.dot(pre, eW2_r[...], preferred_element_type=f32) + eb2_r[...]

    nblk = w3.shape[0]
    full = lambda s: pl.BlockSpec(s, lambda i: (0,) * len(s))
    return pl.pallas_call(
        k,
        grid=(nblk,),
        in_specs=[
            pl.BlockSpec((1, 1, EB), lambda i: (i, 0, 0)),
            pl.BlockSpec((1, 1, EB), lambda i: (i, 0, 0)),
            pl.BlockSpec((1, 1, EB), lambda i: (i, 0, 0)),
            full((24, 128)), full((1, 128)), full((128, 128)),
            full((128, 128)), full((128, 128)), full((1, 128)),
            full((128, 128)), full((1, 128)),
        ],
        out_specs=pl.BlockSpec((EB, 128), lambda i: (i, 0)),
        out_shape=jax.ShapeDtypeStruct((nblk * EB, 128), jnp.float32),
    )(w3, zr3, zc3, dW1p, db1, s_con, t_con, M, cvec, eW2, eb2)


def _sc_scatter(ef, row3, init):
    mesh = plsc.VectorSubcoreMesh(core_axis_name="c", subcore_axis_name="s")
    nchunk, chunk = row3.shape[1], row3.shape[2]
    epw = nchunk * chunk

    @functools.partial(
        pl.kernel,
        out_type=jax.ShapeDtypeStruct((NC, N, 128), jnp.float32),
        mesh=mesh,
        scratch_types=[pltpu.VMEM((nchunk, chunk), jnp.int32),
                       pltpu.VMEM((chunk, 128), jnp.float32),
                       pltpu.VMEM((chunk, 128), jnp.float32),
                       pltpu.VMEM_SHARED((N, 128), jnp.float32),
                       pltpu.SemaphoreType.DMA,
                       pltpu.SemaphoreType.DMA],
    )
    def k(ef_hbm, row_hbm, init_hbm, out_hbm, idx_v, buf0, buf1, acc_sh,
          sem0, sem1):
        c = lax.axis_index("c")
        s = lax.axis_index("s")
        wid = s * NC + c
        base = wid * epw

        @pl.when(s < 10)
        def _init():
            pltpu.sync_copy(init_hbm.at[c, pl.ds(s * 1000, 1000)],
                            acc_sh.at[pl.ds(s * 1000, 1000)])

        pltpu.sync_copy(row_hbm.at[wid], idx_v)
        plsc.subcore_barrier()

        def fetch(j, buf, sem):
            off = pl.multiple_of(base + j * chunk, 8)
            pltpu.async_copy(ef_hbm.at[pl.ds(off, chunk)], buf, sem)

        def drain(buf, sem):
            pltpu.make_async_copy(ef_hbm.at[pl.ds(base, chunk)], buf, sem).wait()

        def scat(j, buf):
            pltpu.sync_copy(buf, acc_sh.at[idx_v.at[j]], add=True)

        fetch(0, buf0, sem0)

        def body(jj, _):
            j = 2 * jj
            fetch(j + 1, buf1, sem1)
            drain(buf0, sem0)
            scat(j, buf0)

            @pl.when(j + 2 < nchunk)
            def _pre():
                fetch(j + 2, buf0, sem0)

            drain(buf1, sem1)
            scat(j + 1, buf1)
            return ()

        lax.fori_loop(0, nchunk // 2, body, ())
        if nchunk % 2:
            drain(buf0, sem0)
            scat(nchunk - 1, buf0)
        plsc.subcore_barrier()

        @pl.when(s < 10)
        def _dump():
            pltpu.sync_copy(acc_sh.at[pl.ds(s * 1000, 1000)],
                            out_hbm.at[c, pl.ds(s * 1000, 1000)])

    return k(ef, row3, init)


def _tc_sum2(a, b):
    def k(a_r, b_r, out_r):
        out_r[...] = a_r[...] + b_r[...]

    spec = pl.BlockSpec((N // 10, 128), lambda i: (i, 0))
    return pl.pallas_call(
        k,
        grid=(10,),
        in_specs=[spec, spec],
        out_specs=spec,
        out_shape=jax.ShapeDtypeStruct((N, 128), jnp.float32),
    )(a, b)


def kernel(z, edge_index, edge_weight, emb, dW1, db1, dW2, db2, sW1, sb1,
           sW2, sb2, tW1, tb1, tW2, tb2, eW1, eb1, eW2, eb2):
    z = z.astype(jnp.int32)
    row = edge_index[0].astype(jnp.int32)
    col = edge_index[1].astype(jnp.int32)

    s0 = 16 * EB
    zr0, zc0 = _sc_gather_z(z, row[:s0], col[:s0])
    zr1, zc1 = _sc_gather_z(z, row[s0:], col[s0:])

    embp = jnp.zeros((128, 128), jnp.float32).at[:120].set(emb)
    s_con, t_con, M, cvec = _tc_tables(
        embp, sW1, sb1, sW2, sb2, tW1, tb1, tW2, tb2,
        eW1[0:128], eW1[128:256], eW1[256:384], dW2, db2, eb1)

    dW1p = jnp.zeros((24, 128), jnp.float32).at[:NB].set(dW1)
    part = jnp.zeros((NC, N, 128), jnp.float32)
    lo = 0
    for nblk, chunk in ((16, 128), (32, 128), (32, 128), (32, 128), (13, 80)):
        hi = lo + nblk * EB
        if hi <= s0:
            zrs, zcs = zr0[lo:hi], zc0[lo:hi]
        else:
            zrs, zcs = zr1[lo - s0:hi - s0], zc1[lo - s0:hi - s0]
        ef = _tc_edges(edge_weight[lo:hi].reshape(nblk, 1, EB),
                       zrs.reshape(nblk, 1, EB), zcs.reshape(nblk, 1, EB),
                       dW1p, db1.reshape(1, 128), s_con, t_con, M, cvec,
                       eW2, eb2.reshape(1, 128))
        nch = (hi - lo) // NW // chunk
        part = _sc_scatter(ef, row[lo:hi].reshape(NW, nch, chunk), part)
        lo = hi

    return _tc_sum2(part[0], part[1])

# --- scband reference (transcript-rebuilt; emitter-appended) ---
"""Pipeline reference for scband-deep-set-15994458210314 (READ-ONLY COPY).

The authoritative reference and input builder live on the scoring server;
editing this copy changes nothing except your own understanding.
"""

import jax, jax.numpy as jnp
import numpy as np

N = 10000
E = 320000
EMB = 128
HID = 128
FILT = 128
NB = 20
CUTOFF = 5.0
NUM_EL = 120


def _silu(x):
    return x * jax.nn.sigmoid(x)


def _mlp(x, W1, b1, W2, b2):
    return _silu(x @ W1 + b1) @ W2 + b2


def _bessel(r):
    n = jnp.arange(1, NB + 1, dtype=jnp.float32)
    r = r[:, None]
    return jnp.sqrt(2.0 / CUTOFF) * jnp.sin(n * jnp.pi * r / CUTOFF) / r


def setup_inputs(seed: int = 0):
    key = jax.random.key(seed)
    ks = jax.random.split(key, 24)
    inp = {}
    inp["z"] = jax.random.randint(ks[0], (N,), 0, NUM_EL)
    inp["edge_index"] = jax.random.randint(ks[1], (2, E), 0, N)
    inp["edge_weight"] = jax.random.uniform(ks[2], (E,), dtype=jnp.float32) * (CUTOFF - 0.5) + 0.5
    inp["emb"] = jax.random.normal(ks[3], (NUM_EL, EMB), dtype=jnp.float32) * 0.1

    def lin(k, fan_in, fan_out):
        s = 1.0 / np.sqrt(fan_in)
        kw, kb = jax.random.split(k)
        W = jax.random.uniform(kw, (fan_in, fan_out), dtype=jnp.float32, minval=-s, maxval=s)
        b = jax.random.uniform(kb, (fan_out,), dtype=jnp.float32, minval=-s, maxval=s)
        return W, b

    inp["dW1"], inp["db1"] = lin(ks[4], NB, HID)
    inp["dW2"], inp["db2"] = lin(ks[5], HID, FILT)
    inp["sW1"], inp["sb1"] = lin(ks[6], EMB, HID)
    inp["sW2"], inp["sb2"] = lin(ks[7], HID, FILT)
    inp["tW1"], inp["tb1"] = lin(ks[8], EMB, HID)
    inp["tW2"], inp["tb2"] = lin(ks[9], HID, FILT)
    inp["eW1"], inp["eb1"] = lin(ks[10], 3 * FILT, HID)
    inp["eW2"], inp["eb2"] = lin(ks[11], HID, HID)
    return inp


def reference(z, edge_index, edge_weight, emb, dW1, db1, dW2, db2, sW1, sb1, sW2, sb2, tW1, tb1, tW2, tb2, eW1, eb1, eW2, eb2):
    row = edge_index[0]
    col = edge_index[1]
    h = jnp.take(emb, z, axis=0)
    edge_basis = _bessel(edge_weight)
    d_proj = _mlp(edge_basis, dW1, db1, dW2, db2)
    src_proj = _mlp(jnp.take(h, row, axis=0), sW1, sb1, sW2, sb2)
    tgt_proj = _mlp(jnp.take(h, col, axis=0), tW1, tb1, tW2, tb2)
    edge_feats = jnp.concatenate([d_proj, src_proj, tgt_proj], axis=-1)
    edge_feats = _mlp(edge_feats, eW1, eb1, eW2, eb2)
    node_feats = jax.ops.segment_sum(edge_feats, row, num_segments=N)
    return node_feats

if __name__ == "__main__":
    import jax
    _d = setup_inputs()
    print(jax.jit(kernel)(*tuple(_d.values())))

</pallas_src>

<mosaic_0001>
#map = affine_map<(d0, d1) -> (0)>
module attributes {stable_mosaic.version = 14 : i64} {
  func.func @k(%arg0: i32, %arg1: i32, %arg2: memref<10000xi32, #tpu.memory_space<hbm>>, %arg3: memref<40960xi32, #tpu.memory_space<hbm>>, %arg4: memref<40960xi32, #tpu.memory_space<hbm>>, %arg5: memref<40960xi32, #tpu.memory_space<hbm>>, %arg6: memref<40960xi32, #tpu.memory_space<hbm>>, %arg7: memref<10000xi32, #tpu.memory_space<vmem>>, %arg8: memref<1280xi32, #tpu.memory_space<vmem>>, %arg9: memref<1280xi32, #tpu.memory_space<vmem>>) attributes {dimension_semantics = [#tpu.dimension_semantics<core_parallel>, #tpu.dimension_semantics<subcore_parallel>], iteration_bounds = array<i64: 2, 16>, scalar_prefetch = 0 : i64, scratch_operands = 3 : i64, tpu.core_type = #tpu.core_type<sc_vector_subcore>, window_params = [{transform_indices = #map}, {transform_indices = #map}, {transform_indices = #map}, {transform_indices = #map}, {transform_indices = #map}]} {
    %mul3A = arith.constant 2 : i32
    %mul3A_0 = arith.muli %arg1, %mul3A : i32
    %add3A = arith.addi %mul3A_0, %arg0 : i32
    %mul3A_1 = arith.constant 1280 : i32
    %mul3A_2 = arith.muli %add3A, %mul3A_1 : i32
    "tpu.region"() ({
      %run_scoped3A = tpu.sem_alloc : memref<!tpu.dma_semaphore, #tpu.memory_space<semaphore_mem>>
      tpu.enqueue_dma source(%arg2 : memref<10000xi32, #tpu.memory_space<hbm>>) target(%arg7 : memref<10000xi32, #tpu.memory_space<vmem>>) target_semaphore(%run_scoped3A : memref<!tpu.dma_semaphore, #tpu.memory_space<semaphore_mem>>)
      tpu.wait_dma2 semaphore(%run_scoped3A : memref<!tpu.dma_semaphore, #tpu.memory_space<semaphore_mem>>) src(%arg2 : memref<10000xi32, #tpu.memory_space<hbm>>) dst(%arg7 : memref<10000xi32, #tpu.memory_space<vmem>>)
      tpu.yield
    }) : () -> ()
    "tpu.region"() ({
      %run_scoped3A = tpu.sem_alloc : memref<!tpu.dma_semaphore, #tpu.memory_space<semaphore_mem>>
      %dma_start3A = tpu.memref_slice %arg3[%mul3A_2] : memref<40960xi32, #tpu.memory_space<hbm>> -> memref<1280xi32, #tpu.memory_space<hbm>>
      %dma_start3A_12 = tpu.memref_slice %arg3[%mul3A_2] : memref<40960xi32, #tpu.memory_space<hbm>> -> memref<1280xi32, #tpu.memory_space<hbm>>
      tpu.enqueue_dma source(%dma_start3A_12 : memref<1280xi32, #tpu.memory_space<hbm>>) target(%arg8 : memref<1280xi32, #tpu.memory_space<vmem>>) target_semaphore(%run_scoped3A : memref<!tpu.dma_semaphore, #tpu.memory_space<semaphore_mem>>)
      %dma_wait3A = tpu.memref_slice %arg3[%mul3A_2] : memref<40960xi32, #tpu.memory_space<hbm>> -> memref<1280xi32, #tpu.memory_space<hbm>>
      %dma_wait3A_13 = tpu.memref_slice %arg3[%mul3A_2] : memref<40960xi32, #tpu.memory_space<hbm>> -> memref<1280xi32, #tpu.memory_space<hbm>>
      tpu.wait_dma2 semaphore(%run_scoped3A : memref<!tpu.dma_semaphore, #tpu.memory_space<semaphore_mem>>) src(%dma_wait3A_13 : memref<1280xi32, #tpu.memory_space<hbm>>) dst(%arg8 : memref<1280xi32, #tpu.memory_space<vmem>>)
      tpu.yield
    }) : () -> ()
    %scan3A = arith.constant 0 : i32
    %scan3A_3 = arith.constant 80 : i32
    %scan3A_4 = arith.addi %scan3A, %scan3A_3 : i32
    %scan3A_5 = arith.constant 4 : i32
    scf.for %scan3A_12 = %scan3A to %scan3A_4 step %scan3A_5  : i32 {
      %mul3A_13 = arith.constant 16 : i32
      %mul3A_14 = arith.muli %scan3A_12, %mul3A_13 : i32
      %get3A = arith.index_cast %mul3A_14 : i32 to index
      %get3A_15 = tpu.vector_load %arg8[%get3A] {strides = array<i32>} : memref<1280xi32, #tpu.memory_space<vmem>>, vector<16xi32>,
      %gather3A = tpu.vector_load_idx %arg7[%get3A_15] : memref<10000xi32, #tpu.memory_space<vmem>>[vector<16xi32>], vector<16xi32>,
      %mul3A_16 = arith.constant 16 : i32
      %mul3A_17 = arith.muli %scan3A_12, %mul3A_16 : i32
      %swap3A = arith.index_cast %mul3A_17 : i32 to index
      %swap3A_18 = tpu.vector_load %arg9[%swap3A] {strides = array<i32>} : memref<1280xi32, #tpu.memory_space<vmem>>, vector<16xi32>,
      tpu.vector_store %arg9[%swap3A], %gather3A {strides = array<i32>} : memref<1280xi32, #tpu.memory_space<vmem>>, vector<16xi32>,
      %scan3A_19 = arith.constant 1 : i32
      %scan3A_20 = arith.addi %scan3A_12, %scan3A_19 : i32
      %mul3A_21 = arith.constant 16 : i32
      %mul3A_22 = arith.muli %scan3A_20, %mul3A_21 : i32
      %get3A_23 = arith.index_cast %mul3A_22 : i32 to index
      %get3A_24 = tpu.vector_load %arg8[%get3A_23] {strides = array<i32>} : memref<1280xi32, #tpu.memory_space<vmem>>, vector<16xi32>,
      %gather3A_25 = tpu.vector_load_idx %arg7[%get3A_24] : memref<10000xi32, #tpu.memory_space<vmem>>[vector<16xi32>], vector<16xi32>,
      %mul3A_26 = arith.constant 16 : i32
      %mul3A_27 = arith.muli %scan3A_20, %mul3A_26 : i32
      %swap3A_28 = arith.index_cast %mul3A_27 : i32 to index
      %swap3A_29 = tpu.vector_load %arg9[%swap3A_28] {strides = array<i32>} : memref<1280xi32, #tpu.memory_space<vmem>>, vector<16xi32>,
      tpu.vector_store %arg9[%swap3A_28], %gather3A_25 {strides = array<i32>} : memref<1280xi32, #tpu.memory_space<vmem>>, vector<16xi32>,
      %scan3A_30 = arith.constant 2 : i32
      %scan3A_31 = arith.addi %scan3A_12, %scan3A_30 : i32
      %mul3A_32 = arith.constant 16 : i32
      %mul3A_33 = arith.muli %scan3A_31, %mul3A_32 : i32
      %get3A_34 = arith.index_cast %mul3A_33 : i32 to index
      %get3A_35 = tpu.vector_load %arg8[%get3A_34] {strides = array<i32>} : memref<1280xi32, #tpu.memory_space<vmem>>, vector<16xi32>,
      %gather3A_36 = tpu.vector_load_idx %arg7[%get3A_35] : memref<10000xi32, #tpu.memory_space<vmem>>[vector<16xi32>], vector<16xi32>,
      %mul3A_37 = arith.constant 16 : i32
      %mul3A_38 = arith.muli %scan3A_31, %mul3A_37 : i32
      %swap3A_39 = arith.index_cast %mul3A_38 : i32 to index
      %swap3A_40 = tpu.vector_load %arg9[%swap3A_39] {strides = array<i32>} : memref<1280xi32, #tpu.memory_space<vmem>>, vector<16xi32>,
      tpu.vector_store %arg9[%swap3A_39], %gather3A_36 {strides = array<i32>} : memref<1280xi32, #tpu.memory_space<vmem>>, vector<16xi32>,
      %scan3A_41 = arith.constant 3 : i32
      %scan3A_42 = arith.addi %scan3A_12, %scan3A_41 : i32
      %mul3A_43 = arith.constant 16 : i32
      %mul3A_44 = arith.muli %scan3A_42, %mul3A_43 : i32
      %get3A_45 = arith.index_cast %mul3A_44 : i32 to index
      %get3A_46 = tpu.vector_load %arg8[%get3A_45] {strides = array<i32>} : memref<1280xi32, #tpu.memory_space<vmem>>, vector<16xi32>,
      %gather3A_47 = tpu.vector_load_idx %arg7[%get3A_46] : memref<10000xi32, #tpu.memory_space<vmem>>[vector<16xi32>], vector<16xi32>,
      %mul3A_48 = arith.constant 16 : i32
      %mul3A_49 = arith.muli %scan3A_42, %mul3A_48 : i32
      %swap3A_50 = arith.index_cast %mul3A_49 : i32 to index
      %swap3A_51 = tpu.vector_load %arg9[%swap3A_50] {strides = array<i32>} : memref<1280xi32, #tpu.memory_space<vmem>>, vector<16xi32>,
      tpu.vector_store %arg9[%swap3A_50], %gather3A_47 {strides = array<i32>} : memref<1280xi32, #tpu.memory_space<vmem>>, vector<16xi32>,
    }
    %scan3A_6 = arith.constant 80 : i32
    "tpu.region"() ({
      %run_scoped3A = tpu.sem_alloc : memref<!tpu.dma_semaphore, #tpu.memory_space<semaphore_mem>>
      %dma_start3A = tpu.memref_slice %arg5[%mul3A_2] : memref<40960xi32, #tpu.memory_space<hbm>> -> memref<1280xi32, #tpu.memory_space<hbm>>
      %dma_start3A_12 = tpu.memref_slice %arg5[%mul3A_2] : memref<40960xi32, #tpu.memory_space<hbm>> -> memref<1280xi32, #tpu.memory_space<hbm>>
      tpu.enqueue_dma source(%arg9 : memref<1280xi32, #tpu.memory_space<vmem>>) target(%dma_start3A_12 : memref<1280xi32, #tpu.memory_space<hbm>>) target_semaphore(%run_scoped3A : memref<!tpu.dma_semaphore, #tpu.memory_space<semaphore_mem>>)
      %dma_wait3A = tpu.memref_slice %arg5[%mul3A_2] : memref<40960xi32, #tpu.memory_space<hbm>> -> memref<1280xi32, #tpu.memory_space<hbm>>
      %dma_wait3A_13 = tpu.memref_slice %arg5[%mul3A_2] : memref<40960xi32, #tpu.memory_space<hbm>> -> memref<1280xi32, #tpu.memory_space<hbm>>
      tpu.wait_dma2 semaphore(%run_scoped3A : memref<!tpu.dma_semaphore, #tpu.memory_space<semaphore_mem>>) src(%arg9 : memref<1280xi32, #tpu.memory_space<vmem>>) dst(%dma_wait3A_13 : memref<1280xi32, #tpu.memory_space<hbm>>)
      tpu.yield
    }) : () -> ()
    "tpu.region"() ({
      %run_scoped3A = tpu.sem_alloc : memref<!tpu.dma_semaphore, #tpu.memory_space<semaphore_mem>>
      %dma_start3A = tpu.memref_slice %arg4[%mul3A_2] : memref<40960xi32, #tpu.memory_space<hbm>> -> memref<1280xi32, #tpu.memory_space<hbm>>
      %dma_start3A_12 = tpu.memref_slice %arg4[%mul3A_2] : memref<40960xi32, #tpu.memory_space<hbm>> -> memref<1280xi32, #tpu.memory_space<hbm>>
      tpu.enqueue_dma source(%dma_start3A_12 : memref<1280xi32, #tpu.memory_space<hbm>>) target(%arg8 : memref<1280xi32, #tpu.memory_space<vmem>>) target_semaphore(%run_scoped3A : memref<!tpu.dma_semaphore, #tpu.memory_space<semaphore_mem>>)
      %dma_wait3A = tpu.memref_slice %arg4[%mul3A_2] : memref<40960xi32, #tpu.memory_space<hbm>> -> memref<1280xi32, #tpu.memory_space<hbm>>
      %dma_wait3A_13 = tpu.memref_slice %arg4[%mul3A_2] : memref<40960xi32, #tpu.memory_space<hbm>> -> memref<1280xi32, #tpu.memory_space<hbm>>
      tpu.wait_dma2 semaphore(%run_scoped3A : memref<!tpu.dma_semaphore, #tpu.memory_space<semaphore_mem>>) src(%dma_wait3A_13 : memref<1280xi32, #tpu.memory_space<hbm>>) dst(%arg8 : memref<1280xi32, #tpu.memory_space<vmem>>)
      tpu.yield
    }) : () -> ()
    %scan3A_7 = arith.constant 0 : i32
    %scan3A_8 = arith.constant 80 : i32
    %scan3A_9 = arith.addi %scan3A_7, %scan3A_8 : i32
    %scan3A_10 = arith.constant 4 : i32
    scf.for %scan3A_12 = %scan3A_7 to %scan3A_9 step %scan3A_10  : i32 {
      %mul3A_13 = arith.constant 16 : i32
      %mul3A_14 = arith.muli %scan3A_12, %mul3A_13 : i32
      %get3A = arith.index_cast %mul3A_14 : i32 to index
      %get3A_15 = tpu.vector_load %arg8[%get3A] {strides = array<i32>} : memref<1280xi32, #tpu.memory_space<vmem>>, vector<16xi32>,
      %gather3A = tpu.vector_load_idx %arg7[%get3A_15] : memref<10000xi32, #tpu.memory_space<vmem>>[vector<16xi32>], vector<16xi32>,
      %mul3A_16 = arith.constant 16 : i32
      %mul3A_17 = arith.muli %scan3A_12, %mul3A_16 : i32
      %swap3A = arith.index_cast %mul3A_17 : i32 to index
      %swap3A_18 = tpu.vector_load %arg9[%swap3A] {strides = array<i32>} : memref<1280xi32, #tpu.memory_space<vmem>>, vector<16xi32>,
      tpu.vector_store %arg9[%swap3A], %gather3A {strides = array<i32>} : memref<1280xi32, #tpu.memory_space<vmem>>, vector<16xi32>,
      %scan3A_19 = arith.constant 1 : i32
      %scan3A_20 = arith.addi %scan3A_12, %scan3A_19 : i32
      %mul3A_21 = arith.constant 16 : i32
      %mul3A_22 = arith.muli %scan3A_20, %mul3A_21 : i32
      %get3A_23 = arith.index_cast %mul3A_22 : i32 to index
      %get3A_24 = tpu.vector_load %arg8[%get3A_23] {strides = array<i32>} : memref<1280xi32, #tpu.memory_space<vmem>>, vector<16xi32>,
      %gather3A_25 = tpu.vector_load_idx %arg7[%get3A_24] : memref<10000xi32, #tpu.memory_space<vmem>>[vector<16xi32>], vector<16xi32>,
      %mul3A_26 = arith.constant 16 : i32
      %mul3A_27 = arith.muli %scan3A_20, %mul3A_26 : i32
      %swap3A_28 = arith.index_cast %mul3A_27 : i32 to index
      %swap3A_29 = tpu.vector_load %arg9[%swap3A_28] {strides = array<i32>} : memref<1280xi32, #tpu.memory_space<vmem>>, vector<16xi32>,
      tpu.vector_store %arg9[%swap3A_28], %gather3A_25 {strides = array<i32>} : memref<1280xi32, #tpu.memory_space<vmem>>, vector<16xi32>,
      %scan3A_30 = arith.constant 2 : i32
      %scan3A_31 = arith.addi %scan3A_12, %scan3A_30 : i32
      %mul3A_32 = arith.constant 16 : i32
      %mul3A_33 = arith.muli %scan3A_31, %mul3A_32 : i32
      %get3A_34 = arith.index_cast %mul3A_33 : i32 to index
      %get3A_35 = tpu.vector_load %arg8[%get3A_34] {strides = array<i32>} : memref<1280xi32, #tpu.memory_space<vmem>>, vector<16xi32>,
      %gather3A_36 = tpu.vector_load_idx %arg7[%get3A_35] : memref<10000xi32, #tpu.memory_space<vmem>>[vector<16xi32>], vector<16xi32>,
      %mul3A_37 = arith.constant 16 : i32
      %mul3A_38 = arith.muli %scan3A_31, %mul3A_37 : i32
      %swap3A_39 = arith.index_cast %mul3A_38 : i32 to index
      %swap3A_40 = tpu.vector_load %arg9[%swap3A_39] {strides = array<i32>} : memref<1280xi32, #tpu.memory_space<vmem>>, vector<16xi32>,
      tpu.vector_store %arg9[%swap3A_39], %gather3A_36 {strides = array<i32>} : memref<1280xi32, #tpu.memory_space<vmem>>, vector<16xi32>,
      %scan3A_41 = arith.constant 3 : i32
      %scan3A_42 = arith.addi %scan3A_12, %scan3A_41 : i32
      %mul3A_43 = arith.constant 16 : i32
      %mul3A_44 = arith.muli %scan3A_42, %mul3A_43 : i32
      %get3A_45 = arith.index_cast %mul3A_44 : i32 to index
      %get3A_46 = tpu.vector_load %arg8[%get3A_45] {strides = array<i32>} : memref<1280xi32, #tpu.memory_space<vmem>>, vector<16xi32>,
      %gather3A_47 = tpu.vector_load_idx %arg7[%get3A_46] : memref<10000xi32, #tpu.memory_space<vmem>>[vector<16xi32>], vector<16xi32>,
      %mul3A_48 = arith.constant 16 : i32
      %mul3A_49 = arith.muli %scan3A_42, %mul3A_48 : i32
      %swap3A_50 = arith.index_cast %mul3A_49 : i32 to index
      %swap3A_51 = tpu.vector_load %arg9[%swap3A_50] {strides = array<i32>} : memref<1280xi32, #tpu.memory_space<vmem>>, vector<16xi32>,
      tpu.vector_store %arg9[%swap3A_50], %gather3A_47 {strides = array<i32>} : memref<1280xi32, #tpu.memory_space<vmem>>, vector<16xi32>,
    }
    %scan3A_11 = arith.constant 80 : i32
    "tpu.region"() ({
      %run_scoped3A = tpu.sem_alloc : memref<!tpu.dma_semaphore, #tpu.memory_space<semaphore_mem>>
      %dma_start3A = tpu.memref_slice %arg6[%mul3A_2] : memref<40960xi32, #tpu.memory_space<hbm>> -> memref<1280xi32, #tpu.memory_space<hbm>>
      %dma_start3A_12 = tpu.memref_slice %arg6[%mul3A_2] : memref<40960xi32, #tpu.memory_space<hbm>> -> memref<1280xi32, #tpu.memory_space<hbm>>
      tpu.enqueue_dma source(%arg9 : memref<1280xi32, #tpu.memory_space<vmem>>) target(%dma_start3A_12 : memref<1280xi32, #tpu.memory_space<hbm>>) target_semaphore(%run_scoped3A : memref<!tpu.dma_semaphore, #tpu.memory_space<semaphore_mem>>)
      %dma_wait3A = tpu.memref_slice %arg6[%mul3A_2] : memref<40960xi32, #tpu.memory_space<hbm>> -> memref<1280xi32, #tpu.memory_space<hbm>>
      %dma_wait3A_13 = tpu.memref_slice %arg6[%mul3A_2] : memref<40960xi32, #tpu.memory_space<hbm>> -> memref<1280xi32, #tpu.memory_space<hbm>>
      tpu.wait_dma2 semaphore(%run_scoped3A : memref<!tpu.dma_semaphore, #tpu.memory_space<semaphore_mem>>) src(%arg9 : memref<1280xi32, #tpu.memory_space<vmem>>) dst(%dma_wait3A_13 : memref<1280xi32, #tpu.memory_space<hbm>>)
      tpu.yield
    }) : () -> ()
    return
  }
}

#map = affine_map<(d0, d1) -> (0, 0)>
#map1 = affine_map<(d0, d1) -> (0, 0, 0)>
module attributes {stable_mosaic.version = 14 : i64} {
  func.func @k(%arg0: i32, %arg1: i32, %arg2: memref<40960x128xf32, #tpu.memory_space<hbm>>, %arg3: memref<32x10x128xi32, #tpu.memory_space<hbm>>, %arg4: memref<2x10000x128xf32, #tpu.memory_space<hbm>>, %arg5: memref<2x10000x128xf32, #tpu.memory_space<hbm>>, %arg6: memref<10x128xi32, #tpu.memory_space<vmem>>, %arg7: memref<128x128xf32, #tpu.memory_space<vmem>>, %arg8: memref<128x128xf32, #tpu.memory_space<vmem>>, %arg9: memref<10000x128xf32, #tpu.memory_space<vmem_shared>>, %arg10: memref<!tpu.dma_semaphore, #tpu.memory_space<semaphore_mem>>, %arg11: memref<!tpu.dma_semaphore, #tpu.memory_space<semaphore_mem>>) attributes {dimension_semantics = [#tpu.dimension_semantics<core_parallel>, #tpu.dimension_semantics<subcore_parallel>], iteration_bounds = array<i64: 2, 16>, scalar_prefetch = 0 : i64, scratch_operands = 6 : i64, tpu.core_type = #tpu.core_type<sc_vector_subcore>, window_params = [{transform_indices = #map}, {transform_indices = #map1}, {transform_indices = #map1}, {transform_indices = #map1}]} {
    %mul3A = arith.constant 2 : i32
    %mul3A_0 = arith.muli %arg1, %mul3A : i32
    %add3A = arith.addi %mul3A_0, %arg0 : i32
    %mul3A_1 = arith.constant 1280 : i32
    %mul3A_2 = arith.muli %add3A, %mul3A_1 : i32
    %lt3A = arith.constant 10 : i32
    %lt3A_3 = arith.cmpi slt, %arg1, %lt3A : i32
    %convert_element_type3A = arith.extui %lt3A_3 : i1 to i32
    %cond3A = arith.constant 0 : i32
    %cond3A_4 = arith.cmpi ne, %convert_element_type3A, %cond3A : i32
    scf.if %cond3A_4 {
      %mul3A_20 = arith.constant 1000 : i32
      %mul3A_21 = arith.muli %arg1, %mul3A_20 : i32
      %mul3A_22 = arith.constant 1000 : i32
      %mul3A_23 = arith.muli %arg1, %mul3A_22 : i32
      "tpu.region"() ({
        %run_scoped3A = tpu.sem_alloc : memref<!tpu.dma_semaphore, #tpu.memory_space<semaphore_mem>>
        %dma_start3A_24 = arith.constant 0 : i32
        %dma_start3A_25 = tpu.memref_slice %arg9[%mul3A_23, %dma_start3A_24] : memref<10000x128xf32, #tpu.memory_space<vmem_shared>> -> memref<1000x128xf32, #tpu.memory_space<vmem_shared>>
        %dma_start3A_26 = arith.constant 0 : i32
        %dma_start3A_27 = tpu.memref_slice %arg4[%arg0, %mul3A_21, %dma_start3A_26] : memref<2x10000x128xf32, #tpu.memory_space<hbm>> -> memref<1x1000x128xf32, #tpu.memory_space<hbm>>
        %dma_start3A_28 = tpu.memref_squeeze %dma_start3A_27 : memref<1x1000x128xf32, #tpu.memory_space<hbm>> -> memref<1000x128xf32, #tpu.memory_space<hbm>>
        tpu.enqueue_dma source(%dma_start3A_28 : memref<1000x128xf32, #tpu.memory_space<hbm>>) target(%dma_start3A_25 : memref<1000x128xf32, #tpu.memory_space<vmem_shared>>) target_semaphore(%run_scoped3A : memref<!tpu.dma_semaphore, #tpu.memory_space<semaphore_mem>>)
        %dma_wait3A = arith.constant 0 : i32
        %dma_wait3A_29 = tpu.memref_slice %arg9[%mul3A_23, %dma_wait3A] : memref<10000x128xf32, #tpu.memory_space<vmem_shared>> -> memref<1000x128xf32, #tpu.memory_space<vmem_shared>>
        %dma_wait3A_30 = arith.constant 0 : i32
        %dma_wait3A_31 = tpu.memref_slice %arg4[%arg0, %mul3A_21, %dma_wait3A_30] : memref<2x10000x128xf32, #tpu.memory_space<hbm>> -> memref<1x1000x128xf32, #tpu.memory_space<hbm>>
        %dma_wait3A_32 = tpu.memref_squeeze %dma_wait3A_31 : memref<1x1000x128xf32, #tpu.memory_space<hbm>> -> memref<1000x128xf32, #tpu.memory_space<hbm>>
        tpu.wait_dma2 semaphore(%run_scoped3A : memref<!tpu.dma_semaphore, #tpu.memory_space<semaphore_mem>>) src(%dma_wait3A_32 : memref<1000x128xf32, #tpu.memory_space<hbm>>) dst(%dma_wait3A_29 : memref<1000x128xf32, #tpu.memory_space<vmem_shared>>)
        tpu.yield
      }) : () -> ()
    } else {
    }
    "tpu.region"() ({
      %run_scoped3A = tpu.sem_alloc : memref<!tpu.dma_semaphore, #tpu.memory_space<semaphore_mem>>
      %dma_start3A_20 = arith.constant 0 : i32
      %dma_start3A_21 = arith.constant 0 : i32
      %dma_start3A_22 = tpu.memref_slice %arg3[%add3A, %dma_start3A_20, %dma_start3A_21] : memref<32x10x128xi32, #tpu.memory_space<hbm>> -> memref<1x10x128xi32, #tpu.memory_space<hbm>>
      %dma_start3A_23 = tpu.memref_squeeze %dma_start3A_22 : memref<1x10x128xi32, #tpu.memory_space<hbm>> -> memref<10x128xi32, #tpu.memory_space<hbm>>
      %dma_start3A_24 = arith.constant 0 : i32
      %dma_start3A_25 = arith.constant 0 : i32
      %dma_start3A_26 = tpu.memref_slice %arg3[%add3A, %dma_start3A_24, %dma_start3A_25] : memref<32x10x128xi32, #tpu.memory_space<hbm>> -> memref<1x10x128xi32, #tpu.memory_space<hbm>>
      %dma_start3A_27 = tpu.memref_squeeze %dma_start3A_26 : memref<1x10x128xi32, #tpu.memory_space<hbm>> -> memref<10x128xi32, #tpu.memory_space<hbm>>
      tpu.enqueue_dma source(%dma_start3A_27 : memref<10x128xi32, #tpu.memory_space<hbm>>) target(%arg6 : memref<10x128xi32, #tpu.memory_space<vmem>>) target_semaphore(%run_scoped3A : memref<!tpu.dma_semaphore, #tpu.memory_space<semaphore_mem>>)
      %dma_wait3A = arith.constant 0 : i32
      %dma_wait3A_28 = arith.constant 0 : i32
      %dma_wait3A_29 = tpu.memref_slice %arg3[%add3A, %dma_wait3A, %dma_wait3A_28] : memref<32x10x128xi32, #tpu.memory_space<hbm>> -> memref<1x10x128xi32, #tpu.memory_space<hbm>>
      %dma_wait3A_30 = tpu.memref_squeeze %dma_wait3A_29 : memref<1x10x128xi32, #tpu.memory_space<hbm>> -> memref<10x128xi32, #tpu.memory_space<hbm>>
      %dma_wait3A_31 = arith.constant 0 : i32
      %dma_wait3A_32 = arith.constant 0 : i32
      %dma_wait3A_33 = tpu.memref_slice %arg3[%add3A, %dma_wait3A_31, %dma_wait3A_32] : memref<32x10x128xi32, #tpu.memory_space<hbm>> -> memref<1x10x128xi32, #tpu.memory_space<hbm>>
      %dma_wait3A_34 = tpu.memref_squeeze %dma_wait3A_33 : memref<1x10x128xi32, #tpu.memory_space<hbm>> -> memref<10x128xi32, #tpu.memory_space<hbm>>
      tpu.wait_dma2 semaphore(%run_scoped3A : memref<!tpu.dma_semaphore, #tpu.memory_space<semaphore_mem>>) src(%dma_wait3A_34 : memref<10x128xi32, #tpu.memory_space<hbm>>) dst(%arg6 : memref<10x128xi32, #tpu.memory_space<vmem>>)
      tpu.yield
    }) : () -> ()
    %barrier3A = arith.constant 0 : index
    tpu.barrier barrier_id(%barrier3A)
    %add3A_5 = arith.constant 0 : i32
    %add3A_6 = arith.addi %mul3A_2, %add3A_5 : i32
    %multiple_of3A = tpu.assume_multiple %add3A_6, 8 : i32
    %dma_start3A = arith.constant 0 : i32
    %dma_start3A_7 = tpu.memref_slice %arg2[%multiple_of3A, %dma_start3A] : memref<40960x128xf32, #tpu.memory_space<hbm>> -> memref<128x128xf32, #tpu.memory_space<hbm>>
    %dma_start3A_8 = arith.constant 0 : i32
    %dma_start3A_9 = tpu.memref_slice %arg2[%multiple_of3A, %dma_start3A_8] : memref<40960x128xf32, #tpu.memory_space<hbm>> -> memref<128x128xf32, #tpu.memory_space<hbm>>
    tpu.enqueue_dma source(%dma_start3A_9 : memref<128x128xf32, #tpu.memory_space<hbm>>) target(%arg7 : memref<128x128xf32, #tpu.memory_space<vmem>>) target_semaphore(%arg10 : memref<!tpu.dma_semaphore, #tpu.memory_space<semaphore_mem>>)
    %scan3A = arith.constant 0 : i32
    %scan3A_10 = arith.constant 5 : i32
    %scan3A_11 = arith.addi %scan3A, %scan3A_10 : i32
    %scan3A_12 = arith.constant 1 : i32
    scf.for %scan3A_20 = %scan3A to %scan3A_11 step %scan3A_12  : i32 {
      %mul3A_21 = arith.constant 2 : i32
      %mul3A_22 = arith.muli %mul3A_21, %scan3A_20 : i32
      %add3A_23 = arith.constant 1 : i32
      %add3A_24 = arith.addi %mul3A_22, %add3A_23 : i32
      %mul3A_25 = arith.constant 128 : i32
      %mul3A_26 = arith.muli %add3A_24, %mul3A_25 : i32
      %add3A_27 = arith.addi %mul3A_2, %mul3A_26 : i32
      %multiple_of3A_28 = tpu.assume_multiple %add3A_27, 8 : i32
      %dma_start3A_29 = arith.constant 0 : i32
      %dma_start3A_30 = tpu.memref_slice %arg2[%multiple_of3A_28, %dma_start3A_29] : memref<40960x128xf32, #tpu.memory_space<hbm>> -> memref<128x128xf32, #tpu.memory_space<hbm>>
      %dma_start3A_31 = arith.constant 0 : i32
      %dma_start3A_32 = tpu.memref_slice %arg2[%multiple_of3A_28, %dma_start3A_31] : memref<40960x128xf32, #tpu.memory_space<hbm>> -> memref<128x128xf32, #tpu.memory_space<hbm>>
      tpu.enqueue_dma source(%dma_start3A_32 : memref<128x128xf32, #tpu.memory_space<hbm>>) target(%arg8 : memref<128x128xf32, #tpu.memory_space<vmem>>) target_semaphore(%arg11 : memref<!tpu.dma_semaphore, #tpu.memory_space<semaphore_mem>>)
      %dma_wait3A = arith.constant 0 : i32
      %dma_wait3A_33 = tpu.memref_slice %arg2[%mul3A_2, %dma_wait3A] : memref<40960x128xf32, #tpu.memory_space<hbm>> -> memref<128x128xf32, #tpu.memory_space<hbm>>
      %dma_wait3A_34 = arith.constant 0 : i32
      %dma_wait3A_35 = tpu.memref_slice %arg2[%mul3A_2, %dma_wait3A_34] : memref<40960x128xf32, #tpu.memory_space<hbm>> -> memref<128x128xf32, #tpu.memory_space<hbm>>
      tpu.wait_dma2 semaphore(%arg10 : memref<!tpu.dma_semaphore, #tpu.memory_space<semaphore_mem>>) src(%dma_wait3A_35 : memref<128x128xf32, #tpu.memory_space<hbm>>) dst(%arg7 : memref<128x128xf32, #tpu.memory_space<vmem>>)
      "tpu.region"() ({
        %run_scoped3A = tpu.sem_alloc : memref<!tpu.dma_semaphore, #tpu.memory_space<semaphore_mem>>
        %dma_start3A_49 = arith.constant 0 : i32
        %dma_start3A_50 = tpu.memref_slice %arg6[%mul3A_22, %dma_start3A_49] : memref<10x128xi32, #tpu.memory_space<vmem>> -> memref<1x128xi32, #tpu.memory_space<vmem>>
        %dma_start3A_51 = tpu.memref_squeeze %dma_start3A_50 : memref<1x128xi32, #tpu.memory_space<vmem>> -> memref<128xi32, #tpu.memory_space<vmem>>
        %dma_start3A_52 = arith.constant 0 : i32
        %dma_start3A_53 = arith.constant 0 : i32
        %dma_start3A_54 = tpu.memref_slice %arg9[%dma_start3A_52, %dma_start3A_53] : memref<10000x128xf32, #tpu.memory_space<vmem_shared>> -> memref<10000x128xf32, #tpu.memory_space<vmem_shared>>
        tpu.enqueue_indirect_dma source(%arg7 : memref<128x128xf32, #tpu.memory_space<vmem>>) target(%dma_start3A_54 : memref<10000x128xf32, #tpu.memory_space<vmem_shared>>) offsets(%dma_start3A_51 : memref<128xi32, #tpu.memory_space<vmem>>) semaphore(%run_scoped3A : memref<!tpu.dma_semaphore, #tpu.memory_space<semaphore_mem>>) {add = true}
        %dma_wait3A_55 = arith.constant 0 : i32
        %dma_wait3A_56 = tpu.memref_slice %arg6[%mul3A_22, %dma_wait3A_55] : memref<10x128xi32, #tpu.memory_space<vmem>> -> memref<1x128xi32, #tpu.memory_space<vmem>>
        %dma_wait3A_57 = tpu.memref_squeeze %dma_wait3A_56 : memref<1x128xi32, #tpu.memory_space<vmem>> -> memref<128xi32, #tpu.memory_space<vmem>>
        %dma_wait3A_58 = arith.constant 0 : i32
        %dma_wait3A_59 = arith.constant 0 : i32
        %dma_wait3A_60 = tpu.memref_slice %arg9[%dma_wait3A_58, %dma_wait3A_59] : memref<10000x128xf32, #tpu.memory_space<vmem_shared>> -> memref<10000x128xf32, #tpu.memory_space<vmem_shared>>
        tpu.wait_indirect_dma semaphore(%run_scoped3A : memref<!tpu.dma_semaphore, #tpu.memory_space<semaphore_mem>>) src(%arg7 : memref<128x128xf32, #tpu.memory_space<vmem>>) dst(%dma_wait3A_60 : memref<10000x128xf32, #tpu.memory_space<vmem_shared>>)
        tpu.yield
      }) : () -> ()
      %add3A_36 = arith.constant 2 : i32
      %add3A_37 = arith.addi %mul3A_22, %add3A_36 : i32
      %lt3A_38 = arith.constant 10 : i32
      %lt3A_39 = arith.cmpi slt, %add3A_37, %lt3A_38 : i32
      %convert_element_type3A_40 = arith.extui %lt3A_39 : i1 to i32
      %cond3A_41 = arith.constant 0 : i32
      %cond3A_42 = arith.cmpi ne, %convert_element_type3A_40, %cond3A_41 : i32
      scf.if %cond3A_42 {
        %add3A_49 = arith.constant 2 : i32
        %add3A_50 = arith.addi %mul3A_22, %add3A_49 : i32
        %mul3A_51 = arith.constant 128 : i32
        %mul3A_52 = arith.muli %add3A_50, %mul3A_51 : i32
        %add3A_53 = arith.addi %mul3A_2, %mul3A_52 : i32
        %multiple_of3A_54 = tpu.assume_multiple %add3A_53, 8 : i32
        %dma_start3A_55 = arith.constant 0 : i32
        %dma_start3A_56 = tpu.memref_slice %arg2[%multiple_of3A_54, %dma_start3A_55] : memref<40960x128xf32, #tpu.memory_space<hbm>> -> memref<128x128xf32, #tpu.memory_space<hbm>>
        %dma_start3A_57 = arith.constant 0 : i32
        %dma_start3A_58 = tpu.memref_slice %arg2[%multiple_of3A_54, %dma_start3A_57] : memref<40960x128xf32, #tpu.memory_space<hbm>> -> memref<128x128xf32, #tpu.memory_space<hbm>>
        tpu.enqueue_dma source(%dma_start3A_58 : memref<128x128xf32, #tpu.memory_space<hbm>>) target(%arg7 : memref<128x128xf32, #tpu.memory_space<vmem>>) target_semaphore(%arg10 : memref<!tpu.dma_semaphore, #tpu.memory_space<semaphore_mem>>)
      } else {
      }
      %dma_wait3A_43 = arith.constant 0 : i32
      %dma_wait3A_44 = tpu.memref_slice %arg2[%mul3A_2, %dma_wait3A_43] : memref<40960x128xf32, #tpu.memory_space<hbm>> -> memref<128x128xf32, #tpu.memory_space<hbm>>
      %dma_wait3A_45 = arith.constant 0 : i32
      %dma_wait3A_46 = tpu.memref_slice %arg2[%mul3A_2, %dma_wait3A_45] : memref<40960x128xf32, #tpu.memory_space<hbm>> -> memref<128x128xf32, #tpu.memory_space<hbm>>
      tpu.wait_dma2 semaphore(%arg11 : memref<!tpu.dma_semaphore, #tpu.memory_space<semaphore_mem>>) src(%dma_wait3A_46 : memref<128x128xf32, #tpu.memory_space<hbm>>) dst(%arg8 : memref<128x128xf32, #tpu.memory_space<vmem>>)
      %add3A_47 = arith.constant 1 : i32
      %add3A_48 = arith.addi %mul3A_22, %add3A_47 : i32
      "tpu.region"() ({
        %run_scoped3A = tpu.sem_alloc : memref<!tpu.dma_semaphore, #tpu.memory_space<semaphore_mem>>
        %dma_start3A_49 = arith.constant 0 : i32
        %dma_start3A_50 = tpu.memref_slice %arg6[%add3A_48, %dma_start3A_49] : memref<10x128xi32, #tpu.memory_space<vmem>> -> memref<1x128xi32, #tpu.memory_space<vmem>>
        %dma_start3A_51 = tpu.memref_squeeze %dma_start3A_50 : memref<1x128xi32, #tpu.memory_space<vmem>> -> memref<128xi32, #tpu.memory_space<vmem>>
        %dma_start3A_52 = arith.constant 0 : i32
        %dma_start3A_53 = arith.constant 0 : i32
        %dma_start3A_54 = tpu.memref_slice %arg9[%dma_start3A_52, %dma_start3A_53] : memref<10000x128xf32, #tpu.memory_space<vmem_shared>> -> memref<10000x128xf32, #tpu.memory_space<vmem_shared>>
        tpu.enqueue_indirect_dma source(%arg8 : memref<128x128xf32, #tpu.memory_space<vmem>>) target(%dma_start3A_54 : memref<10000x128xf32, #tpu.memory_space<vmem_shared>>) offsets(%dma_start3A_51 : memref<128xi32, #tpu.memory_space<vmem>>) semaphore(%run_scoped3A : memref<!tpu.dma_semaphore, #tpu.memory_space<semaphore_mem>>) {add = true}
        %dma_wait3A_55 = arith.constant 0 : i32
        %dma_wait3A_56 = tpu.memref_slice %arg6[%add3A_48, %dma_wait3A_55] : memref<10x128xi32, #tpu.memory_space<vmem>> -> memref<1x128xi32, #tpu.memory_space<vmem>>
        %dma_wait3A_57 = tpu.memref_squeeze %dma_wait3A_56 : memref<1x128xi32, #tpu.memory_space<vmem>> -> memref<128xi32, #tpu.memory_space<vmem>>
        %dma_wait3A_58 = arith.constant 0 : i32
        %dma_wait3A_59 = arith.constant 0 : i32
        %dma_wait3A_60 = tpu.memref_slice %arg9[%dma_wait3A_58, %dma_wait3A_59] : memref<10000x128xf32, #tpu.memory_space<vmem_shared>> -> memref<10000x128xf32, #tpu.memory_space<vmem_shared>>
        tpu.wait_indirect_dma semaphore(%run_scoped3A : memref<!tpu.dma_semaphore, #tpu.memory_space<semaphore_mem>>) src(%arg8 : memref<128x128xf32, #tpu.memory_space<vmem>>) dst(%dma_wait3A_60 : memref<10000x128xf32, #tpu.memory_space<vmem_shared>>)
        tpu.yield
      }) : () -> ()
    }
    %scan3A_13 = arith.constant 5 : i32
    %barrier3A_14 = arith.constant 0 : index
    tpu.barrier barrier_id(%barrier3A_14)
    %lt3A_15 = arith.constant 10 : i32
    %lt3A_16 = arith.cmpi slt, %arg1, %lt3A_15 : i32
    %convert_element_type3A_17 = arith.extui %lt3A_16 : i1 to i32
    %cond3A_18 = arith.constant 0 : i32
    %cond3A_19 = arith.cmpi ne, %convert_element_type3A_17, %cond3A_18 : i32
    scf.if %cond3A_19 {
      %mul3A_20 = arith.constant 1000 : i32
      %mul3A_21 = arith.muli %arg1, %mul3A_20 : i32
      %mul3A_22 = arith.constant 1000 : i32
      %mul3A_23 = arith.muli %arg1, %mul3A_22 : i32
      "tpu.region"() ({
        %run_scoped3A = tpu.sem_alloc : memref<!tpu.dma_semaphore, #tpu.memory_space<semaphore_mem>>
        %dma_start3A_24 = arith.constant 0 : i32
        %dma_start3A_25 = tpu.memref_slice %arg5[%arg0, %mul3A_23, %dma_start3A_24] : memref<2x10000x128xf32, #tpu.memory_space<hbm>> -> memref<1x1000x128xf32, #tpu.memory_space<hbm>>
        %dma_start3A_26 = tpu.memref_squeeze %dma_start3A_25 : memref<1x1000x128xf32, #tpu.memory_space<hbm>> -> memref<1000x128xf32, #tpu.memory_space<hbm>>
        %dma_start3A_27 = arith.constant 0 : i32
        %dma_start3A_28 = tpu.memref_slice %arg9[%mul3A_21, %dma_start3A_27] : memref<10000x128xf32, #tpu.memory_space<vmem_shared>> -> memref<1000x128xf32, #tpu.memory_space<vmem_shared>>
        tpu.enqueue_dma source(%dma_start3A_28 : memref<1000x128xf32, #tpu.memory_space<vmem_shared>>) target(%dma_start3A_26 : memref<1000x128xf32, #tpu.memory_space<hbm>>) target_semaphore(%run_scoped3A : memref<!tpu.dma_semaphore, #tpu.memory_space<semaphore_mem>>)
        %dma_wait3A = arith.constant 0 : i32
        %dma_wait3A_29 = tpu.memref_slice %arg5[%arg0, %mul3A_23, %dma_wait3A] : memref<2x10000x128xf32, #tpu.memory_space<hbm>> -> memref<1x1000x128xf32, #tpu.memory_space<hbm>>
        %dma_wait3A_30 = tpu.memref_squeeze %dma_wait3A_29 : memref<1x1000x128xf32, #tpu.memory_space<hbm>> -> memref<1000x128xf32, #tpu.memory_space<hbm>>
        %dma_wait3A_31 = arith.constant 0 : i32
        %dma_wait3A_32 = tpu.memref_slice %arg9[%mul3A_21, %dma_wait3A_31] : memref<10000x128xf32, #tpu.memory_space<vmem_shared>> -> memref<1000x128xf32, #tpu.memory_space<vmem_shared>>
        tpu.wait_dma2 semaphore(%run_scoped3A : memref<!tpu.dma_semaphore, #tpu.memory_space<semaphore_mem>>) src(%dma_wait3A_32 : memref<1000x128xf32, #tpu.memory_space<vmem_shared>>) dst(%dma_wait3A_30 : memref<1000x128xf32, #tpu.memory_space<hbm>>)
        tpu.yield
      }) : () -> ()
    } else {
    }
    return
  }
}

#map = affine_map<(d0, d1) -> (0)>
module attributes {stable_mosaic.version = 14 : i64} {
  func.func @k(%arg0: i32, %arg1: i32, %arg2: memref<10000xi32, #tpu.memory_space<hbm>>, %arg3: memref<279040xi32, #tpu.memory_space<hbm>>, %arg4: memref<279040xi32, #tpu.memory_space<hbm>>, %arg5: memref<279040xi32, #tpu.memory_space<hbm>>, %arg6: memref<279040xi32, #tpu.memory_space<hbm>>, %arg7: memref<10000xi32, #tpu.memory_space<vmem>>, %arg8: memref<8720xi32, #tpu.memory_space<vmem>>, %arg9: memref<8720xi32, #tpu.memory_space<vmem>>) attributes {dimension_semantics = [#tpu.dimension_semantics<core_parallel>, #tpu.dimension_semantics<subcore_parallel>], iteration_bounds = array<i64: 2, 16>, scalar_prefetch = 0 : i64, scratch_operands = 3 : i64, tpu.core_type = #tpu.core_type<sc_vector_subcore>, window_params = [{transform_indices = #map}, {transform_indices = #map}, {transform_indices = #map}, {transform_indices = #map}, {transform_indices = #map}]} {
    %mul3A = arith.constant 2 : i32
    %mul3A_0 = arith.muli %arg1, %mul3A : i32
    %add3A = arith.addi %mul3A_0, %arg0 : i32
    %mul3A_1 = arith.constant 8720 : i32
    %mul3A_2 = arith.muli %add3A, %mul3A_1 : i32
    "tpu.region"() ({
      %run_scoped3A = tpu.sem_alloc : memref<!tpu.dma_semaphore, #tpu.memory_space<semaphore_mem>>
      tpu.enqueue_dma source(%arg2 : memref<10000xi32, #tpu.memory_space<hbm>>) target(%arg7 : memref<10000xi32, #tpu.memory_space<vmem>>) target_semaphore(%run_scoped3A : memref<!tpu.dma_semaphore, #tpu.memory_space<semaphore_mem>>)
      tpu.wait_dma2 semaphore(%run_scoped3A : memref<!tpu.dma_semaphore, #tpu.memory_space<semaphore_mem>>) src(%arg2 : memref<10000xi32, #tpu.memory_space<hbm>>) dst(%arg7 : memref<10000xi32, #tpu.memory_space<vmem>>)
      tpu.yield
    }) : () -> ()
    "tpu.region"() ({
      %run_scoped3A = tpu.sem_alloc : memref<!tpu.dma_semaphore, #tpu.memory_space<semaphore_mem>>
      %dma_start3A = tpu.memref_slice %arg3[%mul3A_2] : memref<279040xi32, #tpu.memory_space<hbm>> -> memref<8720xi32, #tpu.memory_space<hbm>>
      %dma_start3A_31 = tpu.memref_slice %arg3[%mul3A_2] : memref<279040xi32, #tpu.memory_space<hbm>> -> memref<8720xi32, #tpu.memory_space<hbm>>
      tpu.enqueue_dma source(%dma_start3A_31 : memref<8720xi32, #tpu.memory_space<hbm>>) target(%arg8 : memref<8720xi32, #tpu.memory_space<vmem>>) target_semaphore(%run_scoped3A : memref<!tpu.dma_semaphore, #tpu.memory_space<semaphore_mem>>)
      %dma_wait3A = tpu.memref_slice %arg3[%mul3A_2] : memref<279040xi32, #tpu.memory_space<hbm>> -> memref<8720xi32, #tpu.memory_space<hbm>>
      %dma_wait3A_32 = tpu.memref_slice %arg3[%mul3A_2] : memref<279040xi32, #tpu.memory_space<hbm>> -> memref<8720xi32, #tpu.memory_space<hbm>>
      tpu.wait_dma2 semaphore(%run_scoped3A : memref<!tpu.dma_semaphore, #tpu.memory_space<semaphore_mem>>) src(%dma_wait3A_32 : memref<8720xi32, #tpu.memory_space<hbm>>) dst(%arg8 : memref<8720xi32, #tpu.memory_space<vmem>>)
      tpu.yield
    }) : () -> ()
    %scan3A = arith.constant 0 : i32
    %scan3A_3 = arith.constant 544 : i32
    %scan3A_4 = arith.addi %scan3A, %scan3A_3 : i32
    %scan3A_5 = arith.constant 4 : i32
    scf.for %scan3A_31 = %scan3A to %scan3A_4 step %scan3A_5  : i32 {
      %mul3A_32 = arith.constant 16 : i32
      %mul3A_33 = arith.muli %scan3A_31, %mul3A_32 : i32
      %get3A_34 = arith.index_cast %mul3A_33 : i32 to index
      %get3A_35 = tpu.vector_load %arg8[%get3A_34] {strides = array<i32>} : memref<8720xi32, #tpu.memory_space<vmem>>, vector<16xi32>,
      %gather3A_36 = tpu.vector_load_idx %arg7[%get3A_35] : memref<10000xi32, #tpu.memory_space<vmem>>[vector<16xi32>], vector<16xi32>,
      %mul3A_37 = arith.constant 16 : i32
      %mul3A_38 = arith.muli %scan3A_31, %mul3A_37 : i32
      %swap3A_39 = arith.index_cast %mul3A_38 : i32 to index
      %swap3A_40 = tpu.vector_load %arg9[%swap3A_39] {strides = array<i32>} : memref<8720xi32, #tpu.memory_space<vmem>>, vector<16xi32>,
      tpu.vector_store %arg9[%swap3A_39], %gather3A_36 {strides = array<i32>} : memref<8720xi32, #tpu.memory_space<vmem>>, vector<16xi32>,
      %scan3A_41 = arith.constant 1 : i32
      %scan3A_42 = arith.addi %scan3A_31, %scan3A_41 : i32
      %mul3A_43 = arith.constant 16 : i32
      %mul3A_44 = arith.muli %scan3A_42, %mul3A_43 : i32
      %get3A_45 = arith.index_cast %mul3A_44 : i32 to index
      %get3A_46 = tpu.vector_load %arg8[%get3A_45] {strides = array<i32>} : memref<8720xi32, #tpu.memory_space<vmem>>, vector<16xi32>,
      %gather3A_47 = tpu.vector_load_idx %arg7[%get3A_46] : memref<10000xi32, #tpu.memory_space<vmem>>[vector<16xi32>], vector<16xi32>,
      %mul3A_48 = arith.constant 16 : i32
      %mul3A_49 = arith.muli %scan3A_42, %mul3A_48 : i32
      %swap3A_50 = arith.index_cast %mul3A_49 : i32 to index
      %swap3A_51 = tpu.vector_load %arg9[%swap3A_50] {strides = array<i32>} : memref<8720xi32, #tpu.memory_space<vmem>>, vector<16xi32>,
      tpu.vector_store %arg9[%swap3A_50], %gather3A_47 {strides = array<i32>} : memref<8720xi32, #tpu.memory_space<vmem>>, vector<16xi32>,
      %scan3A_52 = arith.constant 2 : i32
      %scan3A_53 = arith.addi %scan3A_31, %scan3A_52 : i32
      %mul3A_54 = arith.constant 16 : i32
      %mul3A_55 = arith.muli %scan3A_53, %mul3A_54 : i32
      %get3A_56 = arith.index_cast %mul3A_55 : i32 to index
      %get3A_57 = tpu.vector_load %arg8[%get3A_56] {strides = array<i32>} : memref<8720xi32, #tpu.memory_space<vmem>>, vector<16xi32>,
      %gather3A_58 = tpu.vector_load_idx %arg7[%get3A_57] : memref<10000xi32, #tpu.memory_space<vmem>>[vector<16xi32>], vector<16xi32>,
      %mul3A_59 = arith.constant 16 : i32
      %mul3A_60 = arith.muli %scan3A_53, %mul3A_59 : i32
      %swap3A_61 = arith.index_cast %mul3A_60 : i32 to index
      %swap3A_62 = tpu.vector_load %arg9[%swap3A_61] {strides = array<i32>} : memref<8720xi32, #tpu.memory_space<vmem>>, vector<16xi32>,
      tpu.vector_store %arg9[%swap3A_61], %gather3A_58 {strides = array<i32>} : memref<8720xi32, #tpu.memory_space<vmem>>, vector<16xi32>,
      %scan3A_63 = arith.constant 3 : i32
      %scan3A_64 = arith.addi %scan3A_31, %scan3A_63 : i32
      %mul3A_65 = arith.constant 16 : i32
      %mul3A_66 = arith.muli %scan3A_64, %mul3A_65 : i32
      %get3A_67 = arith.index_cast %mul3A_66 : i32 to index
      %get3A_68 = tpu.vector_load %arg8[%get3A_67] {strides = array<i32>} : memref<8720xi32, #tpu.memory_space<vmem>>, vector<16xi32>,
      %gather3A_69 = tpu.vector_load_idx %arg7[%get3A_68] : memref<10000xi32, #tpu.memory_space<vmem>>[vector<16xi32>], vector<16xi32>,
      %mul3A_70 = arith.constant 16 : i32
      %mul3A_71 = arith.muli %scan3A_64, %mul3A_70 : i32
      %swap3A_72 = arith.index_cast %mul3A_71 : i32 to index
      %swap3A_73 = tpu.vector_load %arg9[%swap3A_72] {strides = array<i32>} : memref<8720xi32, #tpu.memory_space<vmem>>, vector<16xi32>,
      tpu.vector_store %arg9[%swap3A_72], %gather3A_69 {strides = array<i32>} : memref<8720xi32, #tpu.memory_space<vmem>>, vector<16xi32>,
    }
    %scan3A_6 = arith.constant 544 : i32
    %scan3A_7 = arith.addi %scan3A, %scan3A_6 : i32
    %mul3A_8 = arith.constant 16 : i32
    %mul3A_9 = arith.muli %scan3A_7, %mul3A_8 : i32
    %get3A = arith.index_cast %mul3A_9 : i32 to index
    %get3A_10 = tpu.vector_load %arg8[%get3A] {strides = array<i32>} : memref<8720xi32, #tpu.memory_space<vmem>>, vector<16xi32>,
    %gather3A = tpu.vector_load_idx %arg7[%get3A_10] : memref<10000xi32, #tpu.memory_space<vmem>>[vector<16xi32>], vector<16xi32>,
    %mul3A_11 = arith.constant 16 : i32
    %mul3A_12 = arith.muli %scan3A_7, %mul3A_11 : i32
    %swap3A = arith.index_cast %mul3A_12 : i32 to index
    %swap3A_13 = tpu.vector_load %arg9[%swap3A] {strides = array<i32>} : memref<8720xi32, #tpu.memory_space<vmem>>, vector<16xi32>,
    tpu.vector_store %arg9[%swap3A], %gather3A {strides = array<i32>} : memref<8720xi32, #tpu.memory_space<vmem>>, vector<16xi32>,
    %scan3A_14 = arith.constant 545 : i32
    "tpu.region"() ({
      %run_scoped3A = tpu.sem_alloc : memref<!tpu.dma_semaphore, #tpu.memory_space<semaphore_mem>>
      %dma_start3A = tpu.memref_slice %arg5[%mul3A_2] : memref<279040xi32, #tpu.memory_space<hbm>> -> memref<8720xi32, #tpu.memory_space<hbm>>
      %dma_start3A_31 = tpu.memref_slice %arg5[%mul3A_2] : memref<279040xi32, #tpu.memory_space<hbm>> -> memref<8720xi32, #tpu.memory_space<hbm>>
      tpu.enqueue_dma source(%arg9 : memref<8720xi32, #tpu.memory_space<vmem>>) target(%dma_start3A_31 : memref<8720xi32, #tpu.memory_space<hbm>>) target_semaphore(%run_scoped3A : memref<!tpu.dma_semaphore, #tpu.memory_space<semaphore_mem>>)
      %dma_wait3A = tpu.memref_slice %arg5[%mul3A_2] : memref<279040xi32, #tpu.memory_space<hbm>> -> memref<8720xi32, #tpu.memory_space<hbm>>
      %dma_wait3A_32 = tpu.memref_slice %arg5[%mul3A_2] : memref<279040xi32, #tpu.memory_space<hbm>> -> memref<8720xi32, #tpu.memory_space<hbm>>
      tpu.wait_dma2 semaphore(%run_scoped3A : memref<!tpu.dma_semaphore, #tpu.memory_space<semaphore_mem>>) src(%arg9 : memref<8720xi32, #tpu.memory_space<vmem>>) dst(%dma_wait3A_32 : memref<8720xi32, #tpu.memory_space<hbm>>)
      tpu.yield
    }) : () -> ()
    "tpu.region"() ({
      %run_scoped3A = tpu.sem_alloc : memref<!tpu.dma_semaphore, #tpu.memory_space<semaphore_mem>>
      %dma_start3A = tpu.memref_slice %arg4[%mul3A_2] : memref<279040xi32, #tpu.memory_space<hbm>> -> memref<8720xi32, #tpu.memory_space<hbm>>
      %dma_start3A_31 = tpu.memref_slice %arg4[%mul3A_2] : memref<279040xi32, #tpu.memory_space<hbm>> -> memref<8720xi32, #tpu.memory_space<hbm>>
      tpu.enqueue_dma source(%dma_start3A_31 : memref<8720xi32, #tpu.memory_space<hbm>>) target(%arg8 : memref<8720xi32, #tpu.memory_space<vmem>>) target_semaphore(%run_scoped3A : memref<!tpu.dma_semaphore, #tpu.memory_space<semaphore_mem>>)
      %dma_wait3A = tpu.memref_slice %arg4[%mul3A_2] : memref<279040xi32, #tpu.memory_space<hbm>> -> memref<8720xi32, #tpu.memory_space<hbm>>
      %dma_wait3A_32 = tpu.memref_slice %arg4[%mul3A_2] : memref<279040xi32, #tpu.memory_space<hbm>> -> memref<8720xi32, #tpu.memory_space<hbm>>
      tpu.wait_dma2 semaphore(%run_scoped3A : memref<!tpu.dma_semaphore, #tpu.memory_space<semaphore_mem>>) src(%dma_wait3A_32 : memref<8720xi32, #tpu.memory_space<hbm>>) dst(%arg8 : memref<8720xi32, #tpu.memory_space<vmem>>)
      tpu.yield
    }) : () -> ()
    %scan3A_15 = arith.constant 0 : i32
    %scan3A_16 = arith.constant 544 : i32
    %scan3A_17 = arith.addi %scan3A_15, %scan3A_16 : i32
    %scan3A_18 = arith.constant 4 : i32
    scf.for %scan3A_31 = %scan3A_15 to %scan3A_17 step %scan3A_18  : i32 {
      %mul3A_32 = arith.constant 16 : i32
      %mul3A_33 = arith.muli %scan3A_31, %mul3A_32 : i32
      %get3A_34 = arith.index_cast %mul3A_33 : i32 to index
      %get3A_35 = tpu.vector_load %arg8[%get3A_34] {strides = array<i32>} : memref<8720xi32, #tpu.memory_space<vmem>>, vector<16xi32>,
      %gather3A_36 = tpu.vector_load_idx %arg7[%get3A_35] : memref<10000xi32, #tpu.memory_space<vmem>>[vector<16xi32>], vector<16xi32>,
      %mul3A_37 = arith.constant 16 : i32
      %mul3A_38 = arith.muli %scan3A_31, %mul3A_37 : i32
      %swap3A_39 = arith.index_cast %mul3A_38 : i32 to index
      %swap3A_40 = tpu.vector_load %arg9[%swap3A_39] {strides = array<i32>} : memref<8720xi32, #tpu.memory_space<vmem>>, vector<16xi32>,
      tpu.vector_store %arg9[%swap3A_39], %gather3A_36 {strides = array<i32>} : memref<8720xi32, #tpu.memory_space<vmem>>, vector<16xi32>,
      %scan3A_41 = arith.constant 1 : i32
      %scan3A_42 = arith.addi %scan3A_31, %scan3A_41 : i32
      %mul3A_43 = arith.constant 16 : i32
      %mul3A_44 = arith.muli %scan3A_42, %mul3A_43 : i32
      %get3A_45 = arith.index_cast %mul3A_44 : i32 to index
      %get3A_46 = tpu.vector_load %arg8[%get3A_45] {strides = array<i32>} : memref<8720xi32, #tpu.memory_space<vmem>>, vector<16xi32>,
      %gather3A_47 = tpu.vector_load_idx %arg7[%get3A_46] : memref<10000xi32, #tpu.memory_space<vmem>>[vector<16xi32>], vector<16xi32>,
      %mul3A_48 = arith.constant 16 : i32
      %mul3A_49 = arith.muli %scan3A_42, %mul3A_48 : i32
      %swap3A_50 = arith.index_cast %mul3A_49 : i32 to index
      %swap3A_51 = tpu.vector_load %arg9[%swap3A_50] {strides = array<i32>} : memref<8720xi32, #tpu.memory_space<vmem>>, vector<16xi32>,
      tpu.vector_store %arg9[%swap3A_50], %gather3A_47 {strides = array<i32>} : memref<8720xi32, #tpu.memory_space<vmem>>, vector<16xi32>,
      %scan3A_52 = arith.constant 2 : i32
      %scan3A_53 = arith.addi %scan3A_31, %scan3A_52 : i32
      %mul3A_54 = arith.constant 16 : i32
      %mul3A_55 = arith.muli %scan3A_53, %mul3A_54 : i32
      %get3A_56 = arith.index_cast %mul3A_55 : i32 to index
      %get3A_57 = tpu.vector_load %arg8[%get3A_56] {strides = array<i32>} : memref<8720xi32, #tpu.memory_space<vmem>>, vector<16xi32>,
      %gather3A_58 = tpu.vector_load_idx %arg7[%get3A_57] : memref<10000xi32, #tpu.memory_space<vmem>>[vector<16xi32>], vector<16xi32>,
      %mul3A_59 = arith.constant 16 : i32
      %mul3A_60 = arith.muli %scan3A_53, %mul3A_59 : i32
      %swap3A_61 = arith.index_cast %mul3A_60 : i32 to index
      %swap3A_62 = tpu.vector_load %arg9[%swap3A_61] {strides = array<i32>} : memref<8720xi32, #tpu.memory_space<vmem>>, vector<16xi32>,
      tpu.vector_store %arg9[%swap3A_61], %gather3A_58 {strides = array<i32>} : memref<8720xi32, #tpu.memory_space<vmem>>, vector<16xi32>,
      %scan3A_63 = arith.constant 3 : i32
      %scan3A_64 = arith.addi %scan3A_31, %scan3A_63 : i32
      %mul3A_65 = arith.constant 16 : i32
      %mul3A_66 = arith.muli %scan3A_64, %mul3A_65 : i32
      %get3A_67 = arith.index_cast %mul3A_66 : i32 to index
      %get3A_68 = tpu.vector_load %arg8[%get3A_67] {strides = array<i32>} : memref<8720xi32, #tpu.memory_space<vmem>>, vector<16xi32>,
      %gather3A_69 = tpu.vector_load_idx %arg7[%get3A_68] : memref<10000xi32, #tpu.memory_space<vmem>>[vector<16xi32>], vector<16xi32>,
      %mul3A_70 = arith.constant 16 : i32
      %mul3A_71 = arith.muli %scan3A_64, %mul3A_70 : i32
      %swap3A_72 = arith.index_cast %mul3A_71 : i32 to index
      %swap3A_73 = tpu.vector_load %arg9[%swap3A_72] {strides = array<i32>} : memref<8720xi32, #tpu.memory_space<vmem>>, vector<16xi32>,
      tpu.vector_store %arg9[%swap3A_72], %gather3A_69 {strides = array<i32>} : memref<8720xi32, #tpu.memory_space<vmem>>, vector<16xi32>,
    }
    %scan3A_19 = arith.constant 544 : i32
    %scan3A_20 = arith.addi %scan3A_15, %scan3A_19 : i32
    %mul3A_21 = arith.constant 16 : i32
    %mul3A_22 = arith.muli %scan3A_20, %mul3A_21 : i32
    %get3A_23 = arith.index_cast %mul3A_22 : i32 to index
    %get3A_24 = tpu.vector_load %arg8[%get3A_23] {strides = array<i32>} : memref<8720xi32, #tpu.memory_space<vmem>>, vector<16xi32>,
    %gather3A_25 = tpu.vector_load_idx %arg7[%get3A_24] : memref<10000xi32, #tpu.memory_space<vmem>>[vector<16xi32>], vector<16xi32>,
    %mul3A_26 = arith.constant 16 : i32
    %mul3A_27 = arith.muli %scan3A_20, %mul3A_26 : i32
    %swap3A_28 = arith.index_cast %mul3A_27 : i32 to index
    %swap3A_29 = tpu.vector_load %arg9[%swap3A_28] {strides = array<i32>} : memref<8720xi32, #tpu.memory_space<vmem>>, vector<16xi32>,
    tpu.vector_store %arg9[%swap3A_28], %gather3A_25 {strides = array<i32>} : memref<8720xi32, #tpu.memory_space<vmem>>, vector<16xi32>,
    %scan3A_30 = arith.constant 545 : i32
    "tpu.region"() ({
      %run_scoped3A = tpu.sem_alloc : memref<!tpu.dma_semaphore, #tpu.memory_space<semaphore_mem>>
      %dma_start3A = tpu.memref_slice %arg6[%mul3A_2] : memref<279040xi32, #tpu.memory_space<hbm>> -> memref<8720xi32, #tpu.memory_space<hbm>>
      %dma_start3A_31 = tpu.memref_slice %arg6[%mul3A_2] : memref<279040xi32, #tpu.memory_space<hbm>> -> memref<8720xi32, #tpu.memory_space<hbm>>
      tpu.enqueue_dma source(%arg9 : memref<8720xi32, #tpu.memory_space<vmem>>) target(%dma_start3A_31 : memref<8720xi32, #tpu.memory_space<hbm>>) target_semaphore(%run_scoped3A : memref<!tpu.dma_semaphore, #tpu.memory_space<semaphore_mem>>)
      %dma_wait3A = tpu.memref_slice %arg6[%mul3A_2] : memref<279040xi32, #tpu.memory_space<hbm>> -> memref<8720xi32, #tpu.memory_space<hbm>>
      %dma_wait3A_32 = tpu.memref_slice %arg6[%mul3A_2] : memref<279040xi32, #tpu.memory_space<hbm>> -> memref<8720xi32, #tpu.memory_space<hbm>>
      tpu.wait_dma2 semaphore(%run_scoped3A : memref<!tpu.dma_semaphore, #tpu.memory_space<semaphore_mem>>) src(%arg9 : memref<8720xi32, #tpu.memory_space<vmem>>) dst(%dma_wait3A_32 : memref<8720xi32, #tpu.memory_space<hbm>>)
      tpu.yield
    }) : () -> ()
    return
  }
}

#map = affine_map<(d0, d1) -> (0, 0)>
#map1 = affine_map<(d0, d1) -> (0, 0, 0)>
module attributes {stable_mosaic.version = 14 : i64} {
  func.func @k(%arg0: i32, %arg1: i32, %arg2: memref<81920x128xf32, #tpu.memory_space<hbm>>, %arg3: memref<32x20x128xi32, #tpu.memory_space<hbm>>, %arg4: memref<2x10000x128xf32, #tpu.memory_space<hbm>>, %arg5: memref<2x10000x128xf32, #tpu.memory_space<hbm>>, %arg6: memref<20x128xi32, #tpu.memory_space<vmem>>, %arg7: memref<128x128xf32, #tpu.memory_space<vmem>>, %arg8: memref<128x128xf32, #tpu.memory_space<vmem>>, %arg9: memref<10000x128xf32, #tpu.memory_space<vmem_shared>>, %arg10: memref<!tpu.dma_semaphore, #tpu.memory_space<semaphore_mem>>, %arg11: memref<!tpu.dma_semaphore, #tpu.memory_space<semaphore_mem>>) attributes {dimension_semantics = [#tpu.dimension_semantics<core_parallel>, #tpu.dimension_semantics<subcore_parallel>], iteration_bounds = array<i64: 2, 16>, scalar_prefetch = 0 : i64, scratch_operands = 6 : i64, tpu.core_type = #tpu.core_type<sc_vector_subcore>, window_params = [{transform_indices = #map}, {transform_indices = #map1}, {transform_indices = #map1}, {transform_indices = #map1}]} {
    %mul3A = arith.constant 2 : i32
    %mul3A_0 = arith.muli %arg1, %mul3A : i32
    %add3A = arith.addi %mul3A_0, %arg0 : i32
    %mul3A_1 = arith.constant 2560 : i32
    %mul3A_2 = arith.muli %add3A, %mul3A_1 : i32
    %lt3A = arith.constant 10 : i32
    %lt3A_3 = arith.cmpi slt, %arg1, %lt3A : i32
    %convert_element_type3A = arith.extui %lt3A_3 : i1 to i32
    %cond3A = arith.constant 0 : i32
    %cond3A_4 = arith.cmpi ne, %convert_element_type3A, %cond3A : i32
    scf.if %cond3A_4 {
      %mul3A_20 = arith.constant 1000 : i32
      %mul3A_21 = arith.muli %arg1, %mul3A_20 : i32
      %mul3A_22 = arith.constant 1000 : i32
      %mul3A_23 = arith.muli %arg1, %mul3A_22 : i32
      "tpu.region"() ({
        %run_scoped3A = tpu.sem_alloc : memref<!tpu.dma_semaphore, #tpu.memory_space<semaphore_mem>>
        %dma_start3A_24 = arith.constant 0 : i32
        %dma_start3A_25 = tpu.memref_slice %arg9[%mul3A_23, %dma_start3A_24] : memref<10000x128xf32, #tpu.memory_space<vmem_shared>> -> memref<1000x128xf32, #tpu.memory_space<vmem_shared>>
        %dma_start3A_26 = arith.constant 0 : i32
        %dma_start3A_27 = tpu.memref_slice %arg4[%arg0, %mul3A_21, %dma_start3A_26] : memref<2x10000x128xf32, #tpu.memory_space<hbm>> -> memref<1x1000x128xf32, #tpu.memory_space<hbm>>
        %dma_start3A_28 = tpu.memref_squeeze %dma_start3A_27 : memref<1x1000x128xf32, #tpu.memory_space<hbm>> -> memref<1000x128xf32, #tpu.memory_space<hbm>>
        tpu.enqueue_dma source(%dma_start3A_28 : memref<1000x128xf32, #tpu.memory_space<hbm>>) target(%dma_start3A_25 : memref<1000x128xf32, #tpu.memory_space<vmem_shared>>) target_semaphore(%run_scoped3A : memref<!tpu.dma_semaphore, #tpu.memory_space<semaphore_mem>>)
        %dma_wait3A = arith.constant 0 : i32
        %dma_wait3A_29 = tpu.memref_slice %arg9[%mul3A_23, %dma_wait3A] : memref<10000x128xf32, #tpu.memory_space<vmem_shared>> -> memref<1000x128xf32, #tpu.memory_space<vmem_shared>>
        %dma_wait3A_30 = arith.constant 0 : i32
        %dma_wait3A_31 = tpu.memref_slice %arg4[%arg0, %mul3A_21, %dma_wait3A_30] : memref<2x10000x128xf32, #tpu.memory_space<hbm>> -> memref<1x1000x128xf32, #tpu.memory_space<hbm>>
        %dma_wait3A_32 = tpu.memref_squeeze %dma_wait3A_31 : memref<1x1000x128xf32, #tpu.memory_space<hbm>> -> memref<1000x128xf32, #tpu.memory_space<hbm>>
        tpu.wait_dma2 semaphore(%run_scoped3A : memref<!tpu.dma_semaphore, #tpu.memory_space<semaphore_mem>>) src(%dma_wait3A_32 : memref<1000x128xf32, #tpu.memory_space<hbm>>) dst(%dma_wait3A_29 : memref<1000x128xf32, #tpu.memory_space<vmem_shared>>)
        tpu.yield
      }) : () -> ()
    } else {
    }
    "tpu.region"() ({
      %run_scoped3A = tpu.sem_alloc : memref<!tpu.dma_semaphore, #tpu.memory_space<semaphore_mem>>
      %dma_start3A_20 = arith.constant 0 : i32
      %dma_start3A_21 = arith.constant 0 : i32
      %dma_start3A_22 = tpu.memref_slice %arg3[%add3A, %dma_start3A_20, %dma_start3A_21] : memref<32x20x128xi32, #tpu.memory_space<hbm>> -> memref<1x20x128xi32, #tpu.memory_space<hbm>>
      %dma_start3A_23 = tpu.memref_squeeze %dma_start3A_22 : memref<1x20x128xi32, #tpu.memory_space<hbm>> -> memref<20x128xi32, #tpu.memory_space<hbm>>
      %dma_start3A_24 = arith.constant 0 : i32
      %dma_start3A_25 = arith.constant 0 : i32
      %dma_start3A_26 = tpu.memref_slice %arg3[%add3A, %dma_start3A_24, %dma_start3A_25] : memref<32x20x128xi32, #tpu.memory_space<hbm>> -> memref<1x20x128xi32, #tpu.memory_space<hbm>>
      %dma_start3A_27 = tpu.memref_squeeze %dma_start3A_26 : memref<1x20x128xi32, #tpu.memory_space<hbm>> -> memref<20x128xi32, #tpu.memory_space<hbm>>
      tpu.enqueue_dma source(%dma_start3A_27 : memref<20x128xi32, #tpu.memory_space<hbm>>) target(%arg6 : memref<20x128xi32, #tpu.memory_space<vmem>>) target_semaphore(%run_scoped3A : memref<!tpu.dma_semaphore, #tpu.memory_space<semaphore_mem>>)
      %dma_wait3A = arith.constant 0 : i32
      %dma_wait3A_28 = arith.constant 0 : i32
      %dma_wait3A_29 = tpu.memref_slice %arg3[%add3A, %dma_wait3A, %dma_wait3A_28] : memref<32x20x128xi32, #tpu.memory_space<hbm>> -> memref<1x20x128xi32, #tpu.memory_space<hbm>>
      %dma_wait3A_30 = tpu.memref_squeeze %dma_wait3A_29 : memref<1x20x128xi32, #tpu.memory_space<hbm>> -> memref<20x128xi32, #tpu.memory_space<hbm>>
      %dma_wait3A_31 = arith.constant 0 : i32
      %dma_wait3A_32 = arith.constant 0 : i32
      %dma_wait3A_33 = tpu.memref_slice %arg3[%add3A, %dma_wait3A_31, %dma_wait3A_32] : memref<32x20x128xi32, #tpu.memory_space<hbm>> -> memref<1x20x128xi32, #tpu.memory_space<hbm>>
      %dma_wait3A_34 = tpu.memref_squeeze %dma_wait3A_33 : memref<1x20x128xi32, #tpu.memory_space<hbm>> -> memref<20x128xi32, #tpu.memory_space<hbm>>
      tpu.wait_dma2 semaphore(%run_scoped3A : memref<!tpu.dma_semaphore, #tpu.memory_space<semaphore_mem>>) src(%dma_wait3A_34 : memref<20x128xi32, #tpu.memory_space<hbm>>) dst(%arg6 : memref<20x128xi32, #tpu.memory_space<vmem>>)
      tpu.yield
    }) : () -> ()
    %barrier3A = arith.constant 0 : index
    tpu.barrier barrier_id(%barrier3A)
    %add3A_5 = arith.constant 0 : i32
    %add3A_6 = arith.addi %mul3A_2, %add3A_5 : i32
    %multiple_of3A = tpu.assume_multiple %add3A_6, 8 : i32
    %dma_start3A = arith.constant 0 : i32
    %dma_start3A_7 = tpu.memref_slice %arg2[%multiple_of3A, %dma_start3A] : memref<81920x128xf32, #tpu.memory_space<hbm>> -> memref<128x128xf32, #tpu.memory_space<hbm>>
    %dma_start3A_8 = arith.constant 0 : i32
    %dma_start3A_9 = tpu.memref_slice %arg2[%multiple_of3A, %dma_start3A_8] : memref<81920x128xf32, #tpu.memory_space<hbm>> -> memref<128x128xf32, #tpu.memory_space<hbm>>
    tpu.enqueue_dma source(%dma_start3A_9 : memref<128x128xf32, #tpu.memory_space<hbm>>) target(%arg7 : memref<128x128xf32, #tpu.memory_space<vmem>>) target_semaphore(%arg10 : memref<!tpu.dma_semaphore, #tpu.memory_space<semaphore_mem>>)
    %scan3A = arith.constant 0 : i32
    %scan3A_10 = arith.constant 10 : i32
    %scan3A_11 = arith.addi %scan3A, %scan3A_10 : i32
    %scan3A_12 = arith.constant 1 : i32
    scf.for %scan3A_20 = %scan3A to %scan3A_11 step %scan3A_12  : i32 {
      %mul3A_21 = arith.constant 2 : i32
      %mul3A_22 = arith.muli %mul3A_21, %scan3A_20 : i32
      %add3A_23 = arith.constant 1 : i32
      %add3A_24 = arith.addi %mul3A_22, %add3A_23 : i32
      %mul3A_25 = arith.constant 128 : i32
      %mul3A_26 = arith.muli %add3A_24, %mul3A_25 : i32
      %add3A_27 = arith.addi %mul3A_2, %mul3A_26 : i32
      %multiple_of3A_28 = tpu.assume_multiple %add3A_27, 8 : i32
      %dma_start3A_29 = arith.constant 0 : i32
      %dma_start3A_30 = tpu.memref_slice %arg2[%multiple_of3A_28, %dma_start3A_29] : memref<81920x128xf32, #tpu.memory_space<hbm>> -> memref<128x128xf32, #tpu.memory_space<hbm>>
      %dma_start3A_31 = arith.constant 0 : i32
      %dma_start3A_32 = tpu.memref_slice %arg2[%multiple_of3A_28, %dma_start3A_31] : memref<81920x128xf32, #tpu.memory_space<hbm>> -> memref<128x128xf32, #tpu.memory_space<hbm>>
      tpu.enqueue_dma source(%dma_start3A_32 : memref<128x128xf32, #tpu.memory_space<hbm>>) target(%arg8 : memref<128x128xf32, #tpu.memory_space<vmem>>) target_semaphore(%arg11 : memref<!tpu.dma_semaphore, #tpu.memory_space<semaphore_mem>>)
      %dma_wait3A = arith.constant 0 : i32
      %dma_wait3A_33 = tpu.memref_slice %arg2[%mul3A_2, %dma_wait3A] : memref<81920x128xf32, #tpu.memory_space<hbm>> -> memref<128x128xf32, #tpu.memory_space<hbm>>
      %dma_wait3A_34 = arith.constant 0 : i32
      %dma_wait3A_35 = tpu.memref_slice %arg2[%mul3A_2, %dma_wait3A_34] : memref<81920x128xf32, #tpu.memory_space<hbm>> -> memref<128x128xf32, #tpu.memory_space<hbm>>
      tpu.wait_dma2 semaphore(%arg10 : memref<!tpu.dma_semaphore, #tpu.memory_space<semaphore_mem>>) src(%dma_wait3A_35 : memref<128x128xf32, #tpu.memory_space<hbm>>) dst(%arg7 : memref<128x128xf32, #tpu.memory_space<vmem>>)
      "tpu.region"() ({
        %run_scoped3A = tpu.sem_alloc : memref<!tpu.dma_semaphore, #tpu.memory_space<semaphore_mem>>
        %dma_start3A_49 = arith.constant 0 : i32
        %dma_start3A_50 = tpu.memref_slice %arg6[%mul3A_22, %dma_start3A_49] : memref<20x128xi32, #tpu.memory_space<vmem>> -> memref<1x128xi32, #tpu.memory_space<vmem>>
        %dma_start3A_51 = tpu.memref_squeeze %dma_start3A_50 : memref<1x128xi32, #tpu.memory_space<vmem>> -> memref<128xi32, #tpu.memory_space<vmem>>
        %dma_start3A_52 = arith.constant 0 : i32
        %dma_start3A_53 = arith.constant 0 : i32
        %dma_start3A_54 = tpu.memref_slice %arg9[%dma_start3A_52, %dma_start3A_53] : memref<10000x128xf32, #tpu.memory_space<vmem_shared>> -> memref<10000x128xf32, #tpu.memory_space<vmem_shared>>
        tpu.enqueue_indirect_dma source(%arg7 : memref<128x128xf32, #tpu.memory_space<vmem>>) target(%dma_start3A_54 : memref<10000x128xf32, #tpu.memory_space<vmem_shared>>) offsets(%dma_start3A_51 : memref<128xi32, #tpu.memory_space<vmem>>) semaphore(%run_scoped3A : memref<!tpu.dma_semaphore, #tpu.memory_space<semaphore_mem>>) {add = true}
        %dma_wait3A_55 = arith.constant 0 : i32
        %dma_wait3A_56 = tpu.memref_slice %arg6[%mul3A_22, %dma_wait3A_55] : memref<20x128xi32, #tpu.memory_space<vmem>> -> memref<1x128xi32, #tpu.memory_space<vmem>>
        %dma_wait3A_57 = tpu.memref_squeeze %dma_wait3A_56 : memref<1x128xi32, #tpu.memory_space<vmem>> -> memref<128xi32, #tpu.memory_space<vmem>>
        %dma_wait3A_58 = arith.constant 0 : i32
        %dma_wait3A_59 = arith.constant 0 : i32
        %dma_wait3A_60 = tpu.memref_slice %arg9[%dma_wait3A_58, %dma_wait3A_59] : memref<10000x128xf32, #tpu.memory_space<vmem_shared>> -> memref<10000x128xf32, #tpu.memory_space<vmem_shared>>
        tpu.wait_indirect_dma semaphore(%run_scoped3A : memref<!tpu.dma_semaphore, #tpu.memory_space<semaphore_mem>>) src(%arg7 : memref<128x128xf32, #tpu.memory_space<vmem>>) dst(%dma_wait3A_60 : memref<10000x128xf32, #tpu.memory_space<vmem_shared>>)
        tpu.yield
      }) : () -> ()
      %add3A_36 = arith.constant 2 : i32
      %add3A_37 = arith.addi %mul3A_22, %add3A_36 : i32
      %lt3A_38 = arith.constant 20 : i32
      %lt3A_39 = arith.cmpi slt, %add3A_37, %lt3A_38 : i32
      %convert_element_type3A_40 = arith.extui %lt3A_39 : i1 to i32
      %cond3A_41 = arith.constant 0 : i32
      %cond3A_42 = arith.cmpi ne, %convert_element_type3A_40, %cond3A_41 : i32
      scf.if %cond3A_42 {
        %add3A_49 = arith.constant 2 : i32
        %add3A_50 = arith.addi %mul3A_22, %add3A_49 : i32
        %mul3A_51 = arith.constant 128 : i32
        %mul3A_52 = arith.muli %add3A_50, %mul3A_51 : i32
        %add3A_53 = arith.addi %mul3A_2, %mul3A_52 : i32
        %multiple_of3A_54 = tpu.assume_multiple %add3A_53, 8 : i32
        %dma_start3A_55 = arith.constant 0 : i32
        %dma_start3A_56 = tpu.memref_slice %arg2[%multiple_of3A_54, %dma_start3A_55] : memref<81920x128xf32, #tpu.memory_space<hbm>> -> memref<128x128xf32, #tpu.memory_space<hbm>>
        %dma_start3A_57 = arith.constant 0 : i32
        %dma_start3A_58 = tpu.memref_slice %arg2[%multiple_of3A_54, %dma_start3A_57] : memref<81920x128xf32, #tpu.memory_space<hbm>> -> memref<128x128xf32, #tpu.memory_space<hbm>>
        tpu.enqueue_dma source(%dma_start3A_58 : memref<128x128xf32, #tpu.memory_space<hbm>>) target(%arg7 : memref<128x128xf32, #tpu.memory_space<vmem>>) target_semaphore(%arg10 : memref<!tpu.dma_semaphore, #tpu.memory_space<semaphore_mem>>)
      } else {
      }
      %dma_wait3A_43 = arith.constant 0 : i32
      %dma_wait3A_44 = tpu.memref_slice %arg2[%mul3A_2, %dma_wait3A_43] : memref<81920x128xf32, #tpu.memory_space<hbm>> -> memref<128x128xf32, #tpu.memory_space<hbm>>
      %dma_wait3A_45 = arith.constant 0 : i32
      %dma_wait3A_46 = tpu.memref_slice %arg2[%mul3A_2, %dma_wait3A_45] : memref<81920x128xf32, #tpu.memory_space<hbm>> -> memref<128x128xf32, #tpu.memory_space<hbm>>
      tpu.wait_dma2 semaphore(%arg11 : memref<!tpu.dma_semaphore, #tpu.memory_space<semaphore_mem>>) src(%dma_wait3A_46 : memref<128x128xf32, #tpu.memory_space<hbm>>) dst(%arg8 : memref<128x128xf32, #tpu.memory_space<vmem>>)
      %add3A_47 = arith.constant 1 : i32
      %add3A_48 = arith.addi %mul3A_22, %add3A_47 : i32
      "tpu.region"() ({
        %run_scoped3A = tpu.sem_alloc : memref<!tpu.dma_semaphore, #tpu.memory_space<semaphore_mem>>
        %dma_start3A_49 = arith.constant 0 : i32
        %dma_start3A_50 = tpu.memref_slice %arg6[%add3A_48, %dma_start3A_49] : memref<20x128xi32, #tpu.memory_space<vmem>> -> memref<1x128xi32, #tpu.memory_space<vmem>>
        %dma_start3A_51 = tpu.memref_squeeze %dma_start3A_50 : memref<1x128xi32, #tpu.memory_space<vmem>> -> memref<128xi32, #tpu.memory_space<vmem>>
        %dma_start3A_52 = arith.constant 0 : i32
        %dma_start3A_53 = arith.constant 0 : i32
        %dma_start3A_54 = tpu.memref_slice %arg9[%dma_start3A_52, %dma_start3A_53] : memref<10000x128xf32, #tpu.memory_space<vmem_shared>> -> memref<10000x128xf32, #tpu.memory_space<vmem_shared>>
        tpu.enqueue_indirect_dma source(%arg8 : memref<128x128xf32, #tpu.memory_space<vmem>>) target(%dma_start3A_54 : memref<10000x128xf32, #tpu.memory_space<vmem_shared>>) offsets(%dma_start3A_51 : memref<128xi32, #tpu.memory_space<vmem>>) semaphore(%run_scoped3A : memref<!tpu.dma_semaphore, #tpu.memory_space<semaphore_mem>>) {add = true}
        %dma_wait3A_55 = arith.constant 0 : i32
        %dma_wait3A_56 = tpu.memref_slice %arg6[%add3A_48, %dma_wait3A_55] : memref<20x128xi32, #tpu.memory_space<vmem>> -> memref<1x128xi32, #tpu.memory_space<vmem>>
        %dma_wait3A_57 = tpu.memref_squeeze %dma_wait3A_56 : memref<1x128xi32, #tpu.memory_space<vmem>> -> memref<128xi32, #tpu.memory_space<vmem>>
        %dma_wait3A_58 = arith.constant 0 : i32
        %dma_wait3A_59 = arith.constant 0 : i32
        %dma_wait3A_60 = tpu.memref_slice %arg9[%dma_wait3A_58, %dma_wait3A_59] : memref<10000x128xf32, #tpu.memory_space<vmem_shared>> -> memref<10000x128xf32, #tpu.memory_space<vmem_shared>>
        tpu.wait_indirect_dma semaphore(%run_scoped3A : memref<!tpu.dma_semaphore, #tpu.memory_space<semaphore_mem>>) src(%arg8 : memref<128x128xf32, #tpu.memory_space<vmem>>) dst(%dma_wait3A_60 : memref<10000x128xf32, #tpu.memory_space<vmem_shared>>)
        tpu.yield
      }) : () -> ()
    }
    %scan3A_13 = arith.constant 10 : i32
    %barrier3A_14 = arith.constant 0 : index
    tpu.barrier barrier_id(%barrier3A_14)
    %lt3A_15 = arith.constant 10 : i32
    %lt3A_16 = arith.cmpi slt, %arg1, %lt3A_15 : i32
    %convert_element_type3A_17 = arith.extui %lt3A_16 : i1 to i32
    %cond3A_18 = arith.constant 0 : i32
    %cond3A_19 = arith.cmpi ne, %convert_element_type3A_17, %cond3A_18 : i32
    scf.if %cond3A_19 {
      %mul3A_20 = arith.constant 1000 : i32
      %mul3A_21 = arith.muli %arg1, %mul3A_20 : i32
      %mul3A_22 = arith.constant 1000 : i32
      %mul3A_23 = arith.muli %arg1, %mul3A_22 : i32
      "tpu.region"() ({
        %run_scoped3A = tpu.sem_alloc : memref<!tpu.dma_semaphore, #tpu.memory_space<semaphore_mem>>
        %dma_start3A_24 = arith.constant 0 : i32
        %dma_start3A_25 = tpu.memref_slice %arg5[%arg0, %mul3A_23, %dma_start3A_24] : memref<2x10000x128xf32, #tpu.memory_space<hbm>> -> memref<1x1000x128xf32, #tpu.memory_space<hbm>>
        %dma_start3A_26 = tpu.memref_squeeze %dma_start3A_25 : memref<1x1000x128xf32, #tpu.memory_space<hbm>> -> memref<1000x128xf32, #tpu.memory_space<hbm>>
        %dma_start3A_27 = arith.constant 0 : i32
        %dma_start3A_28 = tpu.memref_slice %arg9[%mul3A_21, %dma_start3A_27] : memref<10000x128xf32, #tpu.memory_space<vmem_shared>> -> memref<1000x128xf32, #tpu.memory_space<vmem_shared>>
        tpu.enqueue_dma source(%dma_start3A_28 : memref<1000x128xf32, #tpu.memory_space<vmem_shared>>) target(%dma_start3A_26 : memref<1000x128xf32, #tpu.memory_space<hbm>>) target_semaphore(%run_scoped3A : memref<!tpu.dma_semaphore, #tpu.memory_space<semaphore_mem>>)
        %dma_wait3A = arith.constant 0 : i32
        %dma_wait3A_29 = tpu.memref_slice %arg5[%arg0, %mul3A_23, %dma_wait3A] : memref<2x10000x128xf32, #tpu.memory_space<hbm>> -> memref<1x1000x128xf32, #tpu.memory_space<hbm>>
        %dma_wait3A_30 = tpu.memref_squeeze %dma_wait3A_29 : memref<1x1000x128xf32, #tpu.memory_space<hbm>> -> memref<1000x128xf32, #tpu.memory_space<hbm>>
        %dma_wait3A_31 = arith.constant 0 : i32
        %dma_wait3A_32 = tpu.memref_slice %arg9[%mul3A_21, %dma_wait3A_31] : memref<10000x128xf32, #tpu.memory_space<vmem_shared>> -> memref<1000x128xf32, #tpu.memory_space<vmem_shared>>
        tpu.wait_dma2 semaphore(%run_scoped3A : memref<!tpu.dma_semaphore, #tpu.memory_space<semaphore_mem>>) src(%dma_wait3A_32 : memref<1000x128xf32, #tpu.memory_space<vmem_shared>>) dst(%dma_wait3A_30 : memref<1000x128xf32, #tpu.memory_space<hbm>>)
        tpu.yield
      }) : () -> ()
    } else {
    }
    return
  }
}

#map = affine_map<(d0, d1) -> (0, 0)>
#map1 = affine_map<(d0, d1) -> (0, 0, 0)>
module attributes {stable_mosaic.version = 14 : i64} {
  func.func @k(%arg0: i32, %arg1: i32, %arg2: memref<81920x128xf32, #tpu.memory_space<hbm>>, %arg3: memref<32x20x128xi32, #tpu.memory_space<hbm>>, %arg4: memref<2x10000x128xf32, #tpu.memory_space<hbm>>, %arg5: memref<2x10000x128xf32, #tpu.memory_space<hbm>>, %arg6: memref<20x128xi32, #tpu.memory_space<vmem>>, %arg7: memref<128x128xf32, #tpu.memory_space<vmem>>, %arg8: memref<128x128xf32, #tpu.memory_space<vmem>>, %arg9: memref<10000x128xf32, #tpu.memory_space<vmem_shared>>, %arg10: memref<!tpu.dma_semaphore, #tpu.memory_space<semaphore_mem>>, %arg11: memref<!tpu.dma_semaphore, #tpu.memory_space<semaphore_mem>>) attributes {dimension_semantics = [#tpu.dimension_semantics<core_parallel>, #tpu.dimension_semantics<subcore_parallel>], iteration_bounds = array<i64: 2, 16>, scalar_prefetch = 0 : i64, scratch_operands = 6 : i64, tpu.core_type = #tpu.core_type<sc_vector_subcore>, window_params = [{transform_indices = #map}, {transform_indices = #map1}, {transform_indices = #map1}, {transform_indices = #map1}]} {
    %mul3A = arith.constant 2 : i32
    %mul3A_0 = arith.muli %arg1, %mul3A : i32
    %add3A = arith.addi %mul3A_0, %arg0 : i32
    %mul3A_1 = arith.constant 2560 : i32
    %mul3A_2 = arith.muli %add3A, %mul3A_1 : i32
    %lt3A = arith.constant 10 : i32
    %lt3A_3 = arith.cmpi slt, %arg1, %lt3A : i32
    %convert_element_type3A = arith.extui %lt3A_3 : i1 to i32
    %cond3A = arith.constant 0 : i32
    %cond3A_4 = arith.cmpi ne, %convert_element_type3A, %cond3A : i32
    scf.if %cond3A_4 {
      %mul3A_20 = arith.constant 1000 : i32
      %mul3A_21 = arith.muli %arg1, %mul3A_20 : i32
      %mul3A_22 = arith.constant 1000 : i32
      %mul3A_23 = arith.muli %arg1, %mul3A_22 : i32
      "tpu.region"() ({
        %run_scoped3A = tpu.sem_alloc : memref<!tpu.dma_semaphore, #tpu.memory_space<semaphore_mem>>
        %dma_start3A_24 = arith.constant 0 : i32
        %dma_start3A_25 = tpu.memref_slice %arg9[%mul3A_23, %dma_start3A_24] : memref<10000x128xf32, #tpu.memory_space<vmem_shared>> -> memref<1000x128xf32, #tpu.memory_space<vmem_shared>>
        %dma_start3A_26 = arith.constant 0 : i32
        %dma_start3A_27 = tpu.memref_slice %arg4[%arg0, %mul3A_21, %dma_start3A_26] : memref<2x10000x128xf32, #tpu.memory_space<hbm>> -> memref<1x1000x128xf32, #tpu.memory_space<hbm>>
        %dma_start3A_28 = tpu.memref_squeeze %dma_start3A_27 : memref<1x1000x128xf32, #tpu.memory_space<hbm>> -> memref<1000x128xf32, #tpu.memory_space<hbm>>
        tpu.enqueue_dma source(%dma_start3A_28 : memref<1000x128xf32, #tpu.memory_space<hbm>>) target(%dma_start3A_25 : memref<1000x128xf32, #tpu.memory_space<vmem_shared>>) target_semaphore(%run_scoped3A : memref<!tpu.dma_semaphore, #tpu.memory_space<semaphore_mem>>)
        %dma_wait3A = arith.constant 0 : i32
        %dma_wait3A_29 = tpu.memref_slice %arg9[%mul3A_23, %dma_wait3A] : memref<10000x128xf32, #tpu.memory_space<vmem_shared>> -> memref<1000x128xf32, #tpu.memory_space<vmem_shared>>
        %dma_wait3A_30 = arith.constant 0 : i32
        %dma_wait3A_31 = tpu.memref_slice %arg4[%arg0, %mul3A_21, %dma_wait3A_30] : memref<2x10000x128xf32, #tpu.memory_space<hbm>> -> memref<1x1000x128xf32, #tpu.memory_space<hbm>>
        %dma_wait3A_32 = tpu.memref_squeeze %dma_wait3A_31 : memref<1x1000x128xf32, #tpu.memory_space<hbm>> -> memref<1000x128xf32, #tpu.memory_space<hbm>>
        tpu.wait_dma2 semaphore(%run_scoped3A : memref<!tpu.dma_semaphore, #tpu.memory_space<semaphore_mem>>) src(%dma_wait3A_32 : memref<1000x128xf32, #tpu.memory_space<hbm>>) dst(%dma_wait3A_29 : memref<1000x128xf32, #tpu.memory_space<vmem_shared>>)
        tpu.yield
      }) : () -> ()
    } else {
    }
    "tpu.region"() ({
      %run_scoped3A = tpu.sem_alloc : memref<!tpu.dma_semaphore, #tpu.memory_space<semaphore_mem>>
      %dma_start3A_20 = arith.constant 0 : i32
      %dma_start3A_21 = arith.constant 0 : i32
      %dma_start3A_22 = tpu.memref_slice %arg3[%add3A, %dma_start3A_20, %dma_start3A_21] : memref<32x20x128xi32, #tpu.memory_space<hbm>> -> memref<1x20x128xi32, #tpu.memory_space<hbm>>
      %dma_start3A_23 = tpu.memref_squeeze %dma_start3A_22 : memref<1x20x128xi32, #tpu.memory_space<hbm>> -> memref<20x128xi32, #tpu.memory_space<hbm>>
      %dma_start3A_24 = arith.constant 0 : i32
      %dma_start3A_25 = arith.constant 0 : i32
      %dma_start3A_26 = tpu.memref_slice %arg3[%add3A, %dma_start3A_24, %dma_start3A_25] : memref<32x20x128xi32, #tpu.memory_space<hbm>> -> memref<1x20x128xi32, #tpu.memory_space<hbm>>
      %dma_start3A_27 = tpu.memref_squeeze %dma_start3A_26 : memref<1x20x128xi32, #tpu.memory_space<hbm>> -> memref<20x128xi32, #tpu.memory_space<hbm>>
      tpu.enqueue_dma source(%dma_start3A_27 : memref<20x128xi32, #tpu.memory_space<hbm>>) target(%arg6 : memref<20x128xi32, #tpu.memory_space<vmem>>) target_semaphore(%run_scoped3A : memref<!tpu.dma_semaphore, #tpu.memory_space<semaphore_mem>>)
      %dma_wait3A = arith.constant 0 : i32
      %dma_wait3A_28 = arith.constant 0 : i32
      %dma_wait3A_29 = tpu.memref_slice %arg3[%add3A, %dma_wait3A, %dma_wait3A_28] : memref<32x20x128xi32, #tpu.memory_space<hbm>> -> memref<1x20x128xi32, #tpu.memory_space<hbm>>
      %dma_wait3A_30 = tpu.memref_squeeze %dma_wait3A_29 : memref<1x20x128xi32, #tpu.memory_space<hbm>> -> memref<20x128xi32, #tpu.memory_space<hbm>>
      %dma_wait3A_31 = arith.constant 0 : i32
      %dma_wait3A_32 = arith.constant 0 : i32
      %dma_wait3A_33 = tpu.memref_slice %arg3[%add3A, %dma_wait3A_31, %dma_wait3A_32] : memref<32x20x128xi32, #tpu.memory_space<hbm>> -> memref<1x20x128xi32, #tpu.memory_space<hbm>>
      %dma_wait3A_34 = tpu.memref_squeeze %dma_wait3A_33 : memref<1x20x128xi32, #tpu.memory_space<hbm>> -> memref<20x128xi32, #tpu.memory_space<hbm>>
      tpu.wait_dma2 semaphore(%run_scoped3A : memref<!tpu.dma_semaphore, #tpu.memory_space<semaphore_mem>>) src(%dma_wait3A_34 : memref<20x128xi32, #tpu.memory_space<hbm>>) dst(%arg6 : memref<20x128xi32, #tpu.memory_space<vmem>>)
      tpu.yield
    }) : () -> ()
    %barrier3A = arith.constant 0 : index
    tpu.barrier barrier_id(%barrier3A)
    %add3A_5 = arith.constant 0 : i32
    %add3A_6 = arith.addi %mul3A_2, %add3A_5 : i32
    %multiple_of3A = tpu.assume_multiple %add3A_6, 8 : i32
    %dma_start3A = arith.constant 0 : i32
    %dma_start3A_7 = tpu.memref_slice %arg2[%multiple_of3A, %dma_start3A] : memref<81920x128xf32, #tpu.memory_space<hbm>> -> memref<128x128xf32, #tpu.memory_space<hbm>>
    %dma_start3A_8 = arith.constant 0 : i32
    %dma_start3A_9 = tpu.memref_slice %arg2[%multiple_of3A, %dma_start3A_8] : memref<81920x128xf32, #tpu.memory_space<hbm>> -> memref<128x128xf32, #tpu.memory_space<hbm>>
    tpu.enqueue_dma source(%dma_start3A_9 : memref<128x128xf32, #tpu.memory_space<hbm>>) target(%arg7 : memref<128x128xf32, #tpu.memory_space<vmem>>) target_semaphore(%arg10 : memref<!tpu.dma_semaphore, #tpu.memory_space<semaphore_mem>>)
    %scan3A = arith.constant 0 : i32
    %scan3A_10 = arith.constant 10 : i32
    %scan3A_11 = arith.addi %scan3A, %scan3A_10 : i32
    %scan3A_12 = arith.constant 1 : i32
    scf.for %scan3A_20 = %scan3A to %scan3A_11 step %scan3A_12  : i32 {
      %mul3A_21 = arith.constant 2 : i32
      %mul3A_22 = arith.muli %mul3A_21, %scan3A_20 : i32
      %add3A_23 = arith.constant 1 : i32
      %add3A_24 = arith.addi %mul3A_22, %add3A_23 : i32
      %mul3A_25 = arith.constant 128 : i32
      %mul3A_26 = arith.muli %add3A_24, %mul3A_25 : i32
      %add3A_27 = arith.addi %mul3A_2, %mul3A_26 : i32
      %multiple_of3A_28 = tpu.assume_multiple %add3A_27, 8 : i32
      %dma_start3A_29 = arith.constant 0 : i32
      %dma_start3A_30 = tpu.memref_slice %arg2[%multiple_of3A_28, %dma_start3A_29] : memref<81920x128xf32, #tpu.memory_space<hbm>> -> memref<128x128xf32, #tpu.memory_space<hbm>>
      %dma_start3A_31 = arith.constant 0 : i32
      %dma_start3A_32 = tpu.memref_slice %arg2[%multiple_of3A_28, %dma_start3A_31] : memref<81920x128xf32, #tpu.memory_space<hbm>> -> memref<128x128xf32, #tpu.memory_space<hbm>>
      tpu.enqueue_dma source(%dma_start3A_32 : memref<128x128xf32, #tpu.memory_space<hbm>>) target(%arg8 : memref<128x128xf32, #tpu.memory_space<vmem>>) target_semaphore(%arg11 : memref<!tpu.dma_semaphore, #tpu.memory_space<semaphore_mem>>)
      %dma_wait3A = arith.constant 0 : i32
      %dma_wait3A_33 = tpu.memref_slice %arg2[%mul3A_2, %dma_wait3A] : memref<81920x128xf32, #tpu.memory_space<hbm>> -> memref<128x128xf32, #tpu.memory_space<hbm>>
      %dma_wait3A_34 = arith.constant 0 : i32
      %dma_wait3A_35 = tpu.memref_slice %arg2[%mul3A_2, %dma_wait3A_34] : memref<81920x128xf32, #tpu.memory_space<hbm>> -> memref<128x128xf32, #tpu.memory_space<hbm>>
      tpu.wait_dma2 semaphore(%arg10 : memref<!tpu.dma_semaphore, #tpu.memory_space<semaphore_mem>>) src(%dma_wait3A_35 : memref<128x128xf32, #tpu.memory_space<hbm>>) dst(%arg7 : memref<128x128xf32, #tpu.memory_space<vmem>>)
      "tpu.region"() ({
        %run_scoped3A = tpu.sem_alloc : memref<!tpu.dma_semaphore, #tpu.memory_space<semaphore_mem>>
        %dma_start3A_49 = arith.constant 0 : i32
        %dma_start3A_50 = tpu.memref_slice %arg6[%mul3A_22, %dma_start3A_49] : memref<20x128xi32, #tpu.memory_space<vmem>> -> memref<1x128xi32, #tpu.memory_space<vmem>>
        %dma_start3A_51 = tpu.memref_squeeze %dma_start3A_50 : memref<1x128xi32, #tpu.memory_space<vmem>> -> memref<128xi32, #tpu.memory_space<vmem>>
        %dma_start3A_52 = arith.constant 0 : i32
        %dma_start3A_53 = arith.constant 0 : i32
        %dma_start3A_54 = tpu.memref_slice %arg9[%dma_start3A_52, %dma_start3A_53] : memref<10000x128xf32, #tpu.memory_space<vmem_shared>> -> memref<10000x128xf32, #tpu.memory_space<vmem_shared>>
        tpu.enqueue_indirect_dma source(%arg7 : memref<128x128xf32, #tpu.memory_space<vmem>>) target(%dma_start3A_54 : memref<10000x128xf32, #tpu.memory_space<vmem_shared>>) offsets(%dma_start3A_51 : memref<128xi32, #tpu.memory_space<vmem>>) semaphore(%run_scoped3A : memref<!tpu.dma_semaphore, #tpu.memory_space<semaphore_mem>>) {add = true}
        %dma_wait3A_55 = arith.constant 0 : i32
        %dma_wait3A_56 = tpu.memref_slice %arg6[%mul3A_22, %dma_wait3A_55] : memref<20x128xi32, #tpu.memory_space<vmem>> -> memref<1x128xi32, #tpu.memory_space<vmem>>
        %dma_wait3A_57 = tpu.memref_squeeze %dma_wait3A_56 : memref<1x128xi32, #tpu.memory_space<vmem>> -> memref<128xi32, #tpu.memory_space<vmem>>
        %dma_wait3A_58 = arith.constant 0 : i32
        %dma_wait3A_59 = arith.constant 0 : i32
        %dma_wait3A_60 = tpu.memref_slice %arg9[%dma_wait3A_58, %dma_wait3A_59] : memref<10000x128xf32, #tpu.memory_space<vmem_shared>> -> memref<10000x128xf32, #tpu.memory_space<vmem_shared>>
        tpu.wait_indirect_dma semaphore(%run_scoped3A : memref<!tpu.dma_semaphore, #tpu.memory_space<semaphore_mem>>) src(%arg7 : memref<128x128xf32, #tpu.memory_space<vmem>>) dst(%dma_wait3A_60 : memref<10000x128xf32, #tpu.memory_space<vmem_shared>>)
        tpu.yield
      }) : () -> ()
      %add3A_36 = arith.constant 2 : i32
      %add3A_37 = arith.addi %mul3A_22, %add3A_36 : i32
      %lt3A_38 = arith.constant 20 : i32
      %lt3A_39 = arith.cmpi slt, %add3A_37, %lt3A_38 : i32
      %convert_element_type3A_40 = arith.extui %lt3A_39 : i1 to i32
      %cond3A_41 = arith.constant 0 : i32
      %cond3A_42 = arith.cmpi ne, %convert_element_type3A_40, %cond3A_41 : i32
      scf.if %cond3A_42 {
        %add3A_49 = arith.constant 2 : i32
        %add3A_50 = arith.addi %mul3A_22, %add3A_49 : i32
        %mul3A_51 = arith.constant 128 : i32
        %mul3A_52 = arith.muli %add3A_50, %mul3A_51 : i32
        %add3A_53 = arith.addi %mul3A_2, %mul3A_52 : i32
        %multiple_of3A_54 = tpu.assume_multiple %add3A_53, 8 : i32
        %dma_start3A_55 = arith.constant 0 : i32
        %dma_start3A_56 = tpu.memref_slice %arg2[%multiple_of3A_54, %dma_start3A_55] : memref<81920x128xf32, #tpu.memory_space<hbm>> -> memref<128x128xf32, #tpu.memory_space<hbm>>
        %dma_start3A_57 = arith.constant 0 : i32
        %dma_start3A_58 = tpu.memref_slice %arg2[%multiple_of3A_54, %dma_start3A_57] : memref<81920x128xf32, #tpu.memory_space<hbm>> -> memref<128x128xf32, #tpu.memory_space<hbm>>
        tpu.enqueue_dma source(%dma_start3A_58 : memref<128x128xf32, #tpu.memory_space<hbm>>) target(%arg7 : memref<128x128xf32, #tpu.memory_space<vmem>>) target_semaphore(%arg10 : memref<!tpu.dma_semaphore, #tpu.memory_space<semaphore_mem>>)
      } else {
      }
      %dma_wait3A_43 = arith.constant 0 : i32
      %dma_wait3A_44 = tpu.memref_slice %arg2[%mul3A_2, %dma_wait3A_43] : memref<81920x128xf32, #tpu.memory_space<hbm>> -> memref<128x128xf32, #tpu.memory_space<hbm>>
      %dma_wait3A_45 = arith.constant 0 : i32
      %dma_wait3A_46 = tpu.memref_slice %arg2[%mul3A_2, %dma_wait3A_45] : memref<81920x128xf32, #tpu.memory_space<hbm>> -> memref<128x128xf32, #tpu.memory_space<hbm>>
      tpu.wait_dma2 semaphore(%arg11 : memref<!tpu.dma_semaphore, #tpu.memory_space<semaphore_mem>>) src(%dma_wait3A_46 : memref<128x128xf32, #tpu.memory_space<hbm>>) dst(%arg8 : memref<128x128xf32, #tpu.memory_space<vmem>>)
      %add3A_47 = arith.constant 1 : i32
      %add3A_48 = arith.addi %mul3A_22, %add3A_47 : i32
      "tpu.region"() ({
        %run_scoped3A = tpu.sem_alloc : memref<!tpu.dma_semaphore, #tpu.memory_space<semaphore_mem>>
        %dma_start3A_49 = arith.constant 0 : i32
        %dma_start3A_50 = tpu.memref_slice %arg6[%add3A_48, %dma_start3A_49] : memref<20x128xi32, #tpu.memory_space<vmem>> -> memref<1x128xi32, #tpu.memory_space<vmem>>
        %dma_start3A_51 = tpu.memref_squeeze %dma_start3A_50 : memref<1x128xi32, #tpu.memory_space<vmem>> -> memref<128xi32, #tpu.memory_space<vmem>>
        %dma_start3A_52 = arith.constant 0 : i32
        %dma_start3A_53 = arith.constant 0 : i32
        %dma_start3A_54 = tpu.memref_slice %arg9[%dma_start3A_52, %dma_start3A_53] : memref<10000x128xf32, #tpu.memory_space<vmem_shared>> -> memref<10000x128xf32, #tpu.memory_space<vmem_shared>>
        tpu.enqueue_indirect_dma source(%arg8 : memref<128x128xf32, #tpu.memory_space<vmem>>) target(%dma_start3A_54 : memref<10000x128xf32, #tpu.memory_space<vmem_shared>>) offsets(%dma_start3A_51 : memref<128xi32, #tpu.memory_space<vmem>>) semaphore(%run_scoped3A : memref<!tpu.dma_semaphore, #tpu.memory_space<semaphore_mem>>) {add = true}
        %dma_wait3A_55 = arith.constant 0 : i32
        %dma_wait3A_56 = tpu.memref_slice %arg6[%add3A_48, %dma_wait3A_55] : memref<20x128xi32, #tpu.memory_space<vmem>> -> memref<1x128xi32, #tpu.memory_space<vmem>>
        %dma_wait3A_57 = tpu.memref_squeeze %dma_wait3A_56 : memref<1x128xi32, #tpu.memory_space<vmem>> -> memref<128xi32, #tpu.memory_space<vmem>>
        %dma_wait3A_58 = arith.constant 0 : i32
        %dma_wait3A_59 = arith.constant 0 : i32
        %dma_wait3A_60 = tpu.memref_slice %arg9[%dma_wait3A_58, %dma_wait3A_59] : memref<10000x128xf32, #tpu.memory_space<vmem_shared>> -> memref<10000x128xf32, #tpu.memory_space<vmem_shared>>
        tpu.wait_indirect_dma semaphore(%run_scoped3A : memref<!tpu.dma_semaphore, #tpu.memory_space<semaphore_mem>>) src(%arg8 : memref<128x128xf32, #tpu.memory_space<vmem>>) dst(%dma_wait3A_60 : memref<10000x128xf32, #tpu.memory_space<vmem_shared>>)
        tpu.yield
      }) : () -> ()
    }
    %scan3A_13 = arith.constant 10 : i32
    %barrier3A_14 = arith.constant 0 : index
    tpu.barrier barrier_id(%barrier3A_14)
    %lt3A_15 = arith.constant 10 : i32
    %lt3A_16 = arith.cmpi slt, %arg1, %lt3A_15 : i32
    %convert_element_type3A_17 = arith.extui %lt3A_16 : i1 to i32
    %cond3A_18 = arith.constant 0 : i32
    %cond3A_19 = arith.cmpi ne, %convert_element_type3A_17, %cond3A_18 : i32
    scf.if %cond3A_19 {
      %mul3A_20 = arith.constant 1000 : i32
      %mul3A_21 = arith.muli %arg1, %mul3A_20 : i32
      %mul3A_22 = arith.constant 1000 : i32
      %mul3A_23 = arith.muli %arg1, %mul3A_22 : i32
      "tpu.region"() ({
        %run_scoped3A = tpu.sem_alloc : memref<!tpu.dma_semaphore, #tpu.memory_space<semaphore_mem>>
        %dma_start3A_24 = arith.constant 0 : i32
        %dma_start3A_25 = tpu.memref_slice %arg5[%arg0, %mul3A_23, %dma_start3A_24] : memref<2x10000x128xf32, #tpu.memory_space<hbm>> -> memref<1x1000x128xf32, #tpu.memory_space<hbm>>
        %dma_start3A_26 = tpu.memref_squeeze %dma_start3A_25 : memref<1x1000x128xf32, #tpu.memory_space<hbm>> -> memref<1000x128xf32, #tpu.memory_space<hbm>>
        %dma_start3A_27 = arith.constant 0 : i32
        %dma_start3A_28 = tpu.memref_slice %arg9[%mul3A_21, %dma_start3A_27] : memref<10000x128xf32, #tpu.memory_space<vmem_shared>> -> memref<1000x128xf32, #tpu.memory_space<vmem_shared>>
        tpu.enqueue_dma source(%dma_start3A_28 : memref<1000x128xf32, #tpu.memory_space<vmem_shared>>) target(%dma_start3A_26 : memref<1000x128xf32, #tpu.memory_space<hbm>>) target_semaphore(%run_scoped3A : memref<!tpu.dma_semaphore, #tpu.memory_space<semaphore_mem>>)
        %dma_wait3A = arith.constant 0 : i32
        %dma_wait3A_29 = tpu.memref_slice %arg5[%arg0, %mul3A_23, %dma_wait3A] : memref<2x10000x128xf32, #tpu.memory_space<hbm>> -> memref<1x1000x128xf32, #tpu.memory_space<hbm>>
        %dma_wait3A_30 = tpu.memref_squeeze %dma_wait3A_29 : memref<1x1000x128xf32, #tpu.memory_space<hbm>> -> memref<1000x128xf32, #tpu.memory_space<hbm>>
        %dma_wait3A_31 = arith.constant 0 : i32
        %dma_wait3A_32 = tpu.memref_slice %arg9[%mul3A_21, %dma_wait3A_31] : memref<10000x128xf32, #tpu.memory_space<vmem_shared>> -> memref<1000x128xf32, #tpu.memory_space<vmem_shared>>
        tpu.wait_dma2 semaphore(%run_scoped3A : memref<!tpu.dma_semaphore, #tpu.memory_space<semaphore_mem>>) src(%dma_wait3A_32 : memref<1000x128xf32, #tpu.memory_space<vmem_shared>>) dst(%dma_wait3A_30 : memref<1000x128xf32, #tpu.memory_space<hbm>>)
        tpu.yield
      }) : () -> ()
    } else {
    }
    return
  }
}

#map = affine_map<(d0, d1) -> (0, 0)>
#map1 = affine_map<(d0, d1) -> (0, 0, 0)>
module attributes {stable_mosaic.version = 14 : i64} {
  func.func @k(%arg0: i32, %arg1: i32, %arg2: memref<81920x128xf32, #tpu.memory_space<hbm>>, %arg3: memref<32x20x128xi32, #tpu.memory_space<hbm>>, %arg4: memref<2x10000x128xf32, #tpu.memory_space<hbm>>, %arg5: memref<2x10000x128xf32, #tpu.memory_space<hbm>>, %arg6: memref<20x128xi32, #tpu.memory_space<vmem>>, %arg7: memref<128x128xf32, #tpu.memory_space<vmem>>, %arg8: memref<128x128xf32, #tpu.memory_space<vmem>>, %arg9: memref<10000x128xf32, #tpu.memory_space<vmem_shared>>, %arg10: memref<!tpu.dma_semaphore, #tpu.memory_space<semaphore_mem>>, %arg11: memref<!tpu.dma_semaphore, #tpu.memory_space<semaphore_mem>>) attributes {dimension_semantics = [#tpu.dimension_semantics<core_parallel>, #tpu.dimension_semantics<subcore_parallel>], iteration_bounds = array<i64: 2, 16>, scalar_prefetch = 0 : i64, scratch_operands = 6 : i64, tpu.core_type = #tpu.core_type<sc_vector_subcore>, window_params = [{transform_indices = #map}, {transform_indices = #map1}, {transform_indices = #map1}, {transform_indices = #map1}]} {
    %mul3A = arith.constant 2 : i32
    %mul3A_0 = arith.muli %arg1, %mul3A : i32
    %add3A = arith.addi %mul3A_0, %arg0 : i32
    %mul3A_1 = arith.constant 2560 : i32
    %mul3A_2 = arith.muli %add3A, %mul3A_1 : i32
    %lt3A = arith.constant 10 : i32
    %lt3A_3 = arith.cmpi slt, %arg1, %lt3A : i32
    %convert_element_type3A = arith.extui %lt3A_3 : i1 to i32
    %cond3A = arith.constant 0 : i32
    %cond3A_4 = arith.cmpi ne, %convert_element_type3A, %cond3A : i32
    scf.if %cond3A_4 {
      %mul3A_20 = arith.constant 1000 : i32
      %mul3A_21 = arith.muli %arg1, %mul3A_20 : i32
      %mul3A_22 = arith.constant 1000 : i32
      %mul3A_23 = arith.muli %arg1, %mul3A_22 : i32
      "tpu.region"() ({
        %run_scoped3A = tpu.sem_alloc : memref<!tpu.dma_semaphore, #tpu.memory_space<semaphore_mem>>
        %dma_start3A_24 = arith.constant 0 : i32
        %dma_start3A_25 = tpu.memref_slice %arg9[%mul3A_23, %dma_start3A_24] : memref<10000x128xf32, #tpu.memory_space<vmem_shared>> -> memref<1000x128xf32, #tpu.memory_space<vmem_shared>>
        %dma_start3A_26 = arith.constant 0 : i32
        %dma_start3A_27 = tpu.memref_slice %arg4[%arg0, %mul3A_21, %dma_start3A_26] : memref<2x10000x128xf32, #tpu.memory_space<hbm>> -> memref<1x1000x128xf32, #tpu.memory_space<hbm>>
        %dma_start3A_28 = tpu.memref_squeeze %dma_start3A_27 : memref<1x1000x128xf32, #tpu.memory_space<hbm>> -> memref<1000x128xf32, #tpu.memory_space<hbm>>
        tpu.enqueue_dma source(%dma_start3A_28 : memref<1000x128xf32, #tpu.memory_space<hbm>>) target(%dma_start3A_25 : memref<1000x128xf32, #tpu.memory_space<vmem_shared>>) target_semaphore(%run_scoped3A : memref<!tpu.dma_semaphore, #tpu.memory_space<semaphore_mem>>)
        %dma_wait3A = arith.constant 0 : i32
        %dma_wait3A_29 = tpu.memref_slice %arg9[%mul3A_23, %dma_wait3A] : memref<10000x128xf32, #tpu.memory_space<vmem_shared>> -> memref<1000x128xf32, #tpu.memory_space<vmem_shared>>
        %dma_wait3A_30 = arith.constant 0 : i32
        %dma_wait3A_31 = tpu.memref_slice %arg4[%arg0, %mul3A_21, %dma_wait3A_30] : memref<2x10000x128xf32, #tpu.memory_space<hbm>> -> memref<1x1000x128xf32, #tpu.memory_space<hbm>>
        %dma_wait3A_32 = tpu.memref_squeeze %dma_wait3A_31 : memref<1x1000x128xf32, #tpu.memory_space<hbm>> -> memref<1000x128xf32, #tpu.memory_space<hbm>>
        tpu.wait_dma2 semaphore(%run_scoped3A : memref<!tpu.dma_semaphore, #tpu.memory_space<semaphore_mem>>) src(%dma_wait3A_32 : memref<1000x128xf32, #tpu.memory_space<hbm>>) dst(%dma_wait3A_29 : memref<1000x128xf32, #tpu.memory_space<vmem_shared>>)
        tpu.yield
      }) : () -> ()
    } else {
    }
    "tpu.region"() ({
      %run_scoped3A = tpu.sem_alloc : memref<!tpu.dma_semaphore, #tpu.memory_space<semaphore_mem>>
      %dma_start3A_20 = arith.constant 0 : i32
      %dma_start3A_21 = arith.constant 0 : i32
      %dma_start3A_22 = tpu.memref_slice %arg3[%add3A, %dma_start3A_20, %dma_start3A_21] : memref<32x20x128xi32, #tpu.memory_space<hbm>> -> memref<1x20x128xi32, #tpu.memory_space<hbm>>
      %dma_start3A_23 = tpu.memref_squeeze %dma_start3A_22 : memref<1x20x128xi32, #tpu.memory_space<hbm>> -> memref<20x128xi32, #tpu.memory_space<hbm>>
      %dma_start3A_24 = arith.constant 0 : i32
      %dma_start3A_25 = arith.constant 0 : i32
      %dma_start3A_26 = tpu.memref_slice %arg3[%add3A, %dma_start3A_24, %dma_start3A_25] : memref<32x20x128xi32, #tpu.memory_space<hbm>> -> memref<1x20x128xi32, #tpu.memory_space<hbm>>
      %dma_start3A_27 = tpu.memref_squeeze %dma_start3A_26 : memref<1x20x128xi32, #tpu.memory_space<hbm>> -> memref<20x128xi32, #tpu.memory_space<hbm>>
      tpu.enqueue_dma source(%dma_start3A_27 : memref<20x128xi32, #tpu.memory_space<hbm>>) target(%arg6 : memref<20x128xi32, #tpu.memory_space<vmem>>) target_semaphore(%run_scoped3A : memref<!tpu.dma_semaphore, #tpu.memory_space<semaphore_mem>>)
      %dma_wait3A = arith.constant 0 : i32
      %dma_wait3A_28 = arith.constant 0 : i32
      %dma_wait3A_29 = tpu.memref_slice %arg3[%add3A, %dma_wait3A, %dma_wait3A_28] : memref<32x20x128xi32, #tpu.memory_space<hbm>> -> memref<1x20x128xi32, #tpu.memory_space<hbm>>
      %dma_wait3A_30 = tpu.memref_squeeze %dma_wait3A_29 : memref<1x20x128xi32, #tpu.memory_space<hbm>> -> memref<20x128xi32, #tpu.memory_space<hbm>>
      %dma_wait3A_31 = arith.constant 0 : i32
      %dma_wait3A_32 = arith.constant 0 : i32
      %dma_wait3A_33 = tpu.memref_slice %arg3[%add3A, %dma_wait3A_31, %dma_wait3A_32] : memref<32x20x128xi32, #tpu.memory_space<hbm>> -> memref<1x20x128xi32, #tpu.memory_space<hbm>>
      %dma_wait3A_34 = tpu.memref_squeeze %dma_wait3A_33 : memref<1x20x128xi32, #tpu.memory_space<hbm>> -> memref<20x128xi32, #tpu.memory_space<hbm>>
      tpu.wait_dma2 semaphore(%run_scoped3A : memref<!tpu.dma_semaphore, #tpu.memory_space<semaphore_mem>>) src(%dma_wait3A_34 : memref<20x128xi32, #tpu.memory_space<hbm>>) dst(%arg6 : memref<20x128xi32, #tpu.memory_space<vmem>>)
      tpu.yield
    }) : () -> ()
    %barrier3A = arith.constant 0 : index
    tpu.barrier barrier_id(%barrier3A)
    %add3A_5 = arith.constant 0 : i32
    %add3A_6 = arith.addi %mul3A_2, %add3A_5 : i32
    %multiple_of3A = tpu.assume_multiple %add3A_6, 8 : i32
    %dma_start3A = arith.constant 0 : i32
    %dma_start3A_7 = tpu.memref_slice %arg2[%multiple_of3A, %dma_start3A] : memref<81920x128xf32, #tpu.memory_space<hbm>> -> memref<128x128xf32, #tpu.memory_space<hbm>>
    %dma_start3A_8 = arith.constant 0 : i32
    %dma_start3A_9 = tpu.memref_slice %arg2[%multiple_of3A, %dma_start3A_8] : memref<81920x128xf32, #tpu.memory_space<hbm>> -> memref<128x128xf32, #tpu.memory_space<hbm>>
    tpu.enqueue_dma source(%dma_start3A_9 : memref<128x128xf32, #tpu.memory_space<hbm>>) target(%arg7 : memref<128x128xf32, #tpu.memory_space<vmem>>) target_semaphore(%arg10 : memref<!tpu.dma_semaphore, #tpu.memory_space<semaphore_mem>>)
    %scan3A = arith.constant 0 : i32
    %scan3A_10 = arith.constant 10 : i32
    %scan3A_11 = arith.addi %scan3A, %scan3A_10 : i32
    %scan3A_12 = arith.constant 1 : i32
    scf.for %scan3A_20 = %scan3A to %scan3A_11 step %scan3A_12  : i32 {
      %mul3A_21 = arith.constant 2 : i32
      %mul3A_22 = arith.muli %mul3A_21, %scan3A_20 : i32
      %add3A_23 = arith.constant 1 : i32
      %add3A_24 = arith.addi %mul3A_22, %add3A_23 : i32
      %mul3A_25 = arith.constant 128 : i32
      %mul3A_26 = arith.muli %add3A_24, %mul3A_25 : i32
      %add3A_27 = arith.addi %mul3A_2, %mul3A_26 : i32
      %multiple_of3A_28 = tpu.assume_multiple %add3A_27, 8 : i32
      %dma_start3A_29 = arith.constant 0 : i32
      %dma_start3A_30 = tpu.memref_slice %arg2[%multiple_of3A_28, %dma_start3A_29] : memref<81920x128xf32, #tpu.memory_space<hbm>> -> memref<128x128xf32, #tpu.memory_space<hbm>>
      %dma_start3A_31 = arith.constant 0 : i32
      %dma_start3A_32 = tpu.memref_slice %arg2[%multiple_of3A_28, %dma_start3A_31] : memref<81920x128xf32, #tpu.memory_space<hbm>> -> memref<128x128xf32, #tpu.memory_space<hbm>>
      tpu.enqueue_dma source(%dma_start3A_32 : memref<128x128xf32, #tpu.memory_space<hbm>>) target(%arg8 : memref<128x128xf32, #tpu.memory_space<vmem>>) target_semaphore(%arg11 : memref<!tpu.dma_semaphore, #tpu.memory_space<semaphore_mem>>)
      %dma_wait3A = arith.constant 0 : i32
      %dma_wait3A_33 = tpu.memref_slice %arg2[%mul3A_2, %dma_wait3A] : memref<81920x128xf32, #tpu.memory_space<hbm>> -> memref<128x128xf32, #tpu.memory_space<hbm>>
      %dma_wait3A_34 = arith.constant 0 : i32
      %dma_wait3A_35 = tpu.memref_slice %arg2[%mul3A_2, %dma_wait3A_34] : memref<81920x128xf32, #tpu.memory_space<hbm>> -> memref<128x128xf32, #tpu.memory_space<hbm>>
      tpu.wait_dma2 semaphore(%arg10 : memref<!tpu.dma_semaphore, #tpu.memory_space<semaphore_mem>>) src(%dma_wait3A_35 : memref<128x128xf32, #tpu.memory_space<hbm>>) dst(%arg7 : memref<128x128xf32, #tpu.memory_space<vmem>>)
      "tpu.region"() ({
        %run_scoped3A = tpu.sem_alloc : memref<!tpu.dma_semaphore, #tpu.memory_space<semaphore_mem>>
        %dma_start3A_49 = arith.constant 0 : i32
        %dma_start3A_50 = tpu.memref_slice %arg6[%mul3A_22, %dma_start3A_49] : memref<20x128xi32, #tpu.memory_space<vmem>> -> memref<1x128xi32, #tpu.memory_space<vmem>>
        %dma_start3A_51 = tpu.memref_squeeze %dma_start3A_50 : memref<1x128xi32, #tpu.memory_space<vmem>> -> memref<128xi32, #tpu.memory_space<vmem>>
        %dma_start3A_52 = arith.constant 0 : i32
        %dma_start3A_53 = arith.constant 0 : i32
        %dma_start3A_54 = tpu.memref_slice %arg9[%dma_start3A_52, %dma_start3A_53] : memref<10000x128xf32, #tpu.memory_space<vmem_shared>> -> memref<10000x128xf32, #tpu.memory_space<vmem_shared>>
        tpu.enqueue_indirect_dma source(%arg7 : memref<128x128xf32, #tpu.memory_space<vmem>>) target(%dma_start3A_54 : memref<10000x128xf32, #tpu.memory_space<vmem_shared>>) offsets(%dma_start3A_51 : memref<128xi32, #tpu.memory_space<vmem>>) semaphore(%run_scoped3A : memref<!tpu.dma_semaphore, #tpu.memory_space<semaphore_mem>>) {add = true}
        %dma_wait3A_55 = arith.constant 0 : i32
        %dma_wait3A_56 = tpu.memref_slice %arg6[%mul3A_22, %dma_wait3A_55] : memref<20x128xi32, #tpu.memory_space<vmem>> -> memref<1x128xi32, #tpu.memory_space<vmem>>
        %dma_wait3A_57 = tpu.memref_squeeze %dma_wait3A_56 : memref<1x128xi32, #tpu.memory_space<vmem>> -> memref<128xi32, #tpu.memory_space<vmem>>
        %dma_wait3A_58 = arith.constant 0 : i32
        %dma_wait3A_59 = arith.constant 0 : i32
        %dma_wait3A_60 = tpu.memref_slice %arg9[%dma_wait3A_58, %dma_wait3A_59] : memref<10000x128xf32, #tpu.memory_space<vmem_shared>> -> memref<10000x128xf32, #tpu.memory_space<vmem_shared>>
        tpu.wait_indirect_dma semaphore(%run_scoped3A : memref<!tpu.dma_semaphore, #tpu.memory_space<semaphore_mem>>) src(%arg7 : memref<128x128xf32, #tpu.memory_space<vmem>>) dst(%dma_wait3A_60 : memref<10000x128xf32, #tpu.memory_space<vmem_shared>>)
        tpu.yield
      }) : () -> ()
      %add3A_36 = arith.constant 2 : i32
      %add3A_37 = arith.addi %mul3A_22, %add3A_36 : i32
      %lt3A_38 = arith.constant 20 : i32
      %lt3A_39 = arith.cmpi slt, %add3A_37, %lt3A_38 : i32
      %convert_element_type3A_40 = arith.extui %lt3A_39 : i1 to i32
      %cond3A_41 = arith.constant 0 : i32
      %cond3A_42 = arith.cmpi ne, %convert_element_type3A_40, %cond3A_41 : i32
      scf.if %cond3A_42 {
        %add3A_49 = arith.constant 2 : i32
        %add3A_50 = arith.addi %mul3A_22, %add3A_49 : i32
        %mul3A_51 = arith.constant 128 : i32
        %mul3A_52 = arith.muli %add3A_50, %mul3A_51 : i32
        %add3A_53 = arith.addi %mul3A_2, %mul3A_52 : i32
        %multiple_of3A_54 = tpu.assume_multiple %add3A_53, 8 : i32
        %dma_start3A_55 = arith.constant 0 : i32
        %dma_start3A_56 = tpu.memref_slice %arg2[%multiple_of3A_54, %dma_start3A_55] : memref<81920x128xf32, #tpu.memory_space<hbm>> -> memref<128x128xf32, #tpu.memory_space<hbm>>
        %dma_start3A_57 = arith.constant 0 : i32
        %dma_start3A_58 = tpu.memref_slice %arg2[%multiple_of3A_54, %dma_start3A_57] : memref<81920x128xf32, #tpu.memory_space<hbm>> -> memref<128x128xf32, #tpu.memory_space<hbm>>
        tpu.enqueue_dma source(%dma_start3A_58 : memref<128x128xf32, #tpu.memory_space<hbm>>) target(%arg7 : memref<128x128xf32, #tpu.memory_space<vmem>>) target_semaphore(%arg10 : memref<!tpu.dma_semaphore, #tpu.memory_space<semaphore_mem>>)
      } else {
      }
      %dma_wait3A_43 = arith.constant 0 : i32
      %dma_wait3A_44 = tpu.memref_slice %arg2[%mul3A_2, %dma_wait3A_43] : memref<81920x128xf32, #tpu.memory_space<hbm>> -> memref<128x128xf32, #tpu.memory_space<hbm>>
      %dma_wait3A_45 = arith.constant 0 : i32
      %dma_wait3A_46 = tpu.memref_slice %arg2[%mul3A_2, %dma_wait3A_45] : memref<81920x128xf32, #tpu.memory_space<hbm>> -> memref<128x128xf32, #tpu.memory_space<hbm>>
      tpu.wait_dma2 semaphore(%arg11 : memref<!tpu.dma_semaphore, #tpu.memory_space<semaphore_mem>>) src(%dma_wait3A_46 : memref<128x128xf32, #tpu.memory_space<hbm>>) dst(%arg8 : memref<128x128xf32, #tpu.memory_space<vmem>>)
      %add3A_47 = arith.constant 1 : i32
      %add3A_48 = arith.addi %mul3A_22, %add3A_47 : i32
      "tpu.region"() ({
        %run_scoped3A = tpu.sem_alloc : memref<!tpu.dma_semaphore, #tpu.memory_space<semaphore_mem>>
        %dma_start3A_49 = arith.constant 0 : i32
        %dma_start3A_50 = tpu.memref_slice %arg6[%add3A_48, %dma_start3A_49] : memref<20x128xi32, #tpu.memory_space<vmem>> -> memref<1x128xi32, #tpu.memory_space<vmem>>
        %dma_start3A_51 = tpu.memref_squeeze %dma_start3A_50 : memref<1x128xi32, #tpu.memory_space<vmem>> -> memref<128xi32, #tpu.memory_space<vmem>>
        %dma_start3A_52 = arith.constant 0 : i32
        %dma_start3A_53 = arith.constant 0 : i32
        %dma_start3A_54 = tpu.memref_slice %arg9[%dma_start3A_52, %dma_start3A_53] : memref<10000x128xf32, #tpu.memory_space<vmem_shared>> -> memref<10000x128xf32, #tpu.memory_space<vmem_shared>>
        tpu.enqueue_indirect_dma source(%arg8 : memref<128x128xf32, #tpu.memory_space<vmem>>) target(%dma_start3A_54 : memref<10000x128xf32, #tpu.memory_space<vmem_shared>>) offsets(%dma_start3A_51 : memref<128xi32, #tpu.memory_space<vmem>>) semaphore(%run_scoped3A : memref<!tpu.dma_semaphore, #tpu.memory_space<semaphore_mem>>) {add = true}
        %dma_wait3A_55 = arith.constant 0 : i32
        %dma_wait3A_56 = tpu.memref_slice %arg6[%add3A_48, %dma_wait3A_55] : memref<20x128xi32, #tpu.memory_space<vmem>> -> memref<1x128xi32, #tpu.memory_space<vmem>>
        %dma_wait3A_57 = tpu.memref_squeeze %dma_wait3A_56 : memref<1x128xi32, #tpu.memory_space<vmem>> -> memref<128xi32, #tpu.memory_space<vmem>>
        %dma_wait3A_58 = arith.constant 0 : i32
        %dma_wait3A_59 = arith.constant 0 : i32
        %dma_wait3A_60 = tpu.memref_slice %arg9[%dma_wait3A_58, %dma_wait3A_59] : memref<10000x128xf32, #tpu.memory_space<vmem_shared>> -> memref<10000x128xf32, #tpu.memory_space<vmem_shared>>
        tpu.wait_indirect_dma semaphore(%run_scoped3A : memref<!tpu.dma_semaphore, #tpu.memory_space<semaphore_mem>>) src(%arg8 : memref<128x128xf32, #tpu.memory_space<vmem>>) dst(%dma_wait3A_60 : memref<10000x128xf32, #tpu.memory_space<vmem_shared>>)
        tpu.yield
      }) : () -> ()
    }
    %scan3A_13 = arith.constant 10 : i32
    %barrier3A_14 = arith.constant 0 : index
    tpu.barrier barrier_id(%barrier3A_14)
    %lt3A_15 = arith.constant 10 : i32
    %lt3A_16 = arith.cmpi slt, %arg1, %lt3A_15 : i32
    %convert_element_type3A_17 = arith.extui %lt3A_16 : i1 to i32
    %cond3A_18 = arith.constant 0 : i32
    %cond3A_19 = arith.cmpi ne, %convert_element_type3A_17, %cond3A_18 : i32
    scf.if %cond3A_19 {
      %mul3A_20 = arith.constant 1000 : i32
      %mul3A_21 = arith.muli %arg1, %mul3A_20 : i32
      %mul3A_22 = arith.constant 1000 : i32
      %mul3A_23 = arith.muli %arg1, %mul3A_22 : i32
      "tpu.region"() ({
        %run_scoped3A = tpu.sem_alloc : memref<!tpu.dma_semaphore, #tpu.memory_space<semaphore_mem>>
        %dma_start3A_24 = arith.constant 0 : i32
        %dma_start3A_25 = tpu.memref_slice %arg5[%arg0, %mul3A_23, %dma_start3A_24] : memref<2x10000x128xf32, #tpu.memory_space<hbm>> -> memref<1x1000x128xf32, #tpu.memory_space<hbm>>
        %dma_start3A_26 = tpu.memref_squeeze %dma_start3A_25 : memref<1x1000x128xf32, #tpu.memory_space<hbm>> -> memref<1000x128xf32, #tpu.memory_space<hbm>>
        %dma_start3A_27 = arith.constant 0 : i32
        %dma_start3A_28 = tpu.memref_slice %arg9[%mul3A_21, %dma_start3A_27] : memref<10000x128xf32, #tpu.memory_space<vmem_shared>> -> memref<1000x128xf32, #tpu.memory_space<vmem_shared>>
        tpu.enqueue_dma source(%dma_start3A_28 : memref<1000x128xf32, #tpu.memory_space<vmem_shared>>) target(%dma_start3A_26 : memref<1000x128xf32, #tpu.memory_space<hbm>>) target_semaphore(%run_scoped3A : memref<!tpu.dma_semaphore, #tpu.memory_space<semaphore_mem>>)
        %dma_wait3A = arith.constant 0 : i32
        %dma_wait3A_29 = tpu.memref_slice %arg5[%arg0, %mul3A_23, %dma_wait3A] : memref<2x10000x128xf32, #tpu.memory_space<hbm>> -> memref<1x1000x128xf32, #tpu.memory_space<hbm>>
        %dma_wait3A_30 = tpu.memref_squeeze %dma_wait3A_29 : memref<1x1000x128xf32, #tpu.memory_space<hbm>> -> memref<1000x128xf32, #tpu.memory_space<hbm>>
        %dma_wait3A_31 = arith.constant 0 : i32
        %dma_wait3A_32 = tpu.memref_slice %arg9[%mul3A_21, %dma_wait3A_31] : memref<10000x128xf32, #tpu.memory_space<vmem_shared>> -> memref<1000x128xf32, #tpu.memory_space<vmem_shared>>
        tpu.wait_dma2 semaphore(%run_scoped3A : memref<!tpu.dma_semaphore, #tpu.memory_space<semaphore_mem>>) src(%dma_wait3A_32 : memref<1000x128xf32, #tpu.memory_space<vmem_shared>>) dst(%dma_wait3A_30 : memref<1000x128xf32, #tpu.memory_space<hbm>>)
        tpu.yield
      }) : () -> ()
    } else {
    }
    return
  }
}

#map = affine_map<(d0, d1) -> (0, 0)>
#map1 = affine_map<(d0, d1) -> (0, 0, 0)>
module attributes {stable_mosaic.version = 14 : i64} {
  func.func @k(%arg0: i32, %arg1: i32, %arg2: memref<33280x128xf32, #tpu.memory_space<hbm>>, %arg3: memref<32x13x80xi32, #tpu.memory_space<hbm>>, %arg4: memref<2x10000x128xf32, #tpu.memory_space<hbm>>, %arg5: memref<2x10000x128xf32, #tpu.memory_space<hbm>>, %arg6: memref<13x80xi32, #tpu.memory_space<vmem>>, %arg7: memref<80x128xf32, #tpu.memory_space<vmem>>, %arg8: memref<80x128xf32, #tpu.memory_space<vmem>>, %arg9: memref<10000x128xf32, #tpu.memory_space<vmem_shared>>, %arg10: memref<!tpu.dma_semaphore, #tpu.memory_space<semaphore_mem>>, %arg11: memref<!tpu.dma_semaphore, #tpu.memory_space<semaphore_mem>>) attributes {dimension_semantics = [#tpu.dimension_semantics<core_parallel>, #tpu.dimension_semantics<subcore_parallel>], iteration_bounds = array<i64: 2, 16>, scalar_prefetch = 0 : i64, scratch_operands = 6 : i64, tpu.core_type = #tpu.core_type<sc_vector_subcore>, window_params = [{transform_indices = #map}, {transform_indices = #map1}, {transform_indices = #map1}, {transform_indices = #map1}]} {
    %mul3A = arith.constant 2 : i32
    %mul3A_0 = arith.muli %arg1, %mul3A : i32
    %add3A = arith.addi %mul3A_0, %arg0 : i32
    %mul3A_1 = arith.constant 1040 : i32
    %mul3A_2 = arith.muli %add3A, %mul3A_1 : i32
    %lt3A = arith.constant 10 : i32
    %lt3A_3 = arith.cmpi slt, %arg1, %lt3A : i32
    %convert_element_type3A = arith.extui %lt3A_3 : i1 to i32
    %cond3A = arith.constant 0 : i32
    %cond3A_4 = arith.cmpi ne, %convert_element_type3A, %cond3A : i32
    scf.if %cond3A_4 {
      %mul3A_23 = arith.constant 1000 : i32
      %mul3A_24 = arith.muli %arg1, %mul3A_23 : i32
      %mul3A_25 = arith.constant 1000 : i32
      %mul3A_26 = arith.muli %arg1, %mul3A_25 : i32
      "tpu.region"() ({
        %run_scoped3A_27 = tpu.sem_alloc : memref<!tpu.dma_semaphore, #tpu.memory_space<semaphore_mem>>
        %dma_start3A_28 = arith.constant 0 : i32
        %dma_start3A_29 = tpu.memref_slice %arg9[%mul3A_26, %dma_start3A_28] : memref<10000x128xf32, #tpu.memory_space<vmem_shared>> -> memref<1000x128xf32, #tpu.memory_space<vmem_shared>>
        %dma_start3A_30 = arith.constant 0 : i32
        %dma_start3A_31 = tpu.memref_slice %arg4[%arg0, %mul3A_24, %dma_start3A_30] : memref<2x10000x128xf32, #tpu.memory_space<hbm>> -> memref<1x1000x128xf32, #tpu.memory_space<hbm>>
        %dma_start3A_32 = tpu.memref_squeeze %dma_start3A_31 : memref<1x1000x128xf32, #tpu.memory_space<hbm>> -> memref<1000x128xf32, #tpu.memory_space<hbm>>
        tpu.enqueue_dma source(%dma_start3A_32 : memref<1000x128xf32, #tpu.memory_space<hbm>>) target(%dma_start3A_29 : memref<1000x128xf32, #tpu.memory_space<vmem_shared>>) target_semaphore(%run_scoped3A_27 : memref<!tpu.dma_semaphore, #tpu.memory_space<semaphore_mem>>)
        %dma_wait3A_33 = arith.constant 0 : i32
        %dma_wait3A_34 = tpu.memref_slice %arg9[%mul3A_26, %dma_wait3A_33] : memref<10000x128xf32, #tpu.memory_space<vmem_shared>> -> memref<1000x128xf32, #tpu.memory_space<vmem_shared>>
        %dma_wait3A_35 = arith.constant 0 : i32
        %dma_wait3A_36 = tpu.memref_slice %arg4[%arg0, %mul3A_24, %dma_wait3A_35] : memref<2x10000x128xf32, #tpu.memory_space<hbm>> -> memref<1x1000x128xf32, #tpu.memory_space<hbm>>
        %dma_wait3A_37 = tpu.memref_squeeze %dma_wait3A_36 : memref<1x1000x128xf32, #tpu.memory_space<hbm>> -> memref<1000x128xf32, #tpu.memory_space<hbm>>
        tpu.wait_dma2 semaphore(%run_scoped3A_27 : memref<!tpu.dma_semaphore, #tpu.memory_space<semaphore_mem>>) src(%dma_wait3A_37 : memref<1000x128xf32, #tpu.memory_space<hbm>>) dst(%dma_wait3A_34 : memref<1000x128xf32, #tpu.memory_space<vmem_shared>>)
        tpu.yield
      }) : () -> ()
    } else {
    }
    "tpu.region"() ({
      %run_scoped3A_23 = tpu.sem_alloc : memref<!tpu.dma_semaphore, #tpu.memory_space<semaphore_mem>>
      %dma_start3A_24 = arith.constant 0 : i32
      %dma_start3A_25 = arith.constant 0 : i32
      %dma_start3A_26 = tpu.memref_slice %arg3[%add3A, %dma_start3A_24, %dma_start3A_25] : memref<32x13x80xi32, #tpu.memory_space<hbm>> -> memref<1x13x80xi32, #tpu.memory_space<hbm>>
      %dma_start3A_27 = tpu.memref_squeeze %dma_start3A_26 : memref<1x13x80xi32, #tpu.memory_space<hbm>> -> memref<13x80xi32, #tpu.memory_space<hbm>>
      %dma_start3A_28 = arith.constant 0 : i32
      %dma_start3A_29 = arith.constant 0 : i32
      %dma_start3A_30 = tpu.memref_slice %arg3[%add3A, %dma_start3A_28, %dma_start3A_29] : memref<32x13x80xi32, #tpu.memory_space<hbm>> -> memref<1x13x80xi32, #tpu.memory_space<hbm>>
      %dma_start3A_31 = tpu.memref_squeeze %dma_start3A_30 : memref<1x13x80xi32, #tpu.memory_space<hbm>> -> memref<13x80xi32, #tpu.memory_space<hbm>>
      tpu.enqueue_dma source(%dma_start3A_31 : memref<13x80xi32, #tpu.memory_space<hbm>>) target(%arg6 : memref<13x80xi32, #tpu.memory_space<vmem>>) target_semaphore(%run_scoped3A_23 : memref<!tpu.dma_semaphore, #tpu.memory_space<semaphore_mem>>)
      %dma_wait3A_32 = arith.constant 0 : i32
      %dma_wait3A_33 = arith.constant 0 : i32
      %dma_wait3A_34 = tpu.memref_slice %arg3[%add3A, %dma_wait3A_32, %dma_wait3A_33] : memref<32x13x80xi32, #tpu.memory_space<hbm>> -> memref<1x13x80xi32, #tpu.memory_space<hbm>>
      %dma_wait3A_35 = tpu.memref_squeeze %dma_wait3A_34 : memref<1x13x80xi32, #tpu.memory_space<hbm>> -> memref<13x80xi32, #tpu.memory_space<hbm>>
      %dma_wait3A_36 = arith.constant 0 : i32
      %dma_wait3A_37 = arith.constant 0 : i32
      %dma_wait3A_38 = tpu.memref_slice %arg3[%add3A, %dma_wait3A_36, %dma_wait3A_37] : memref<32x13x80xi32, #tpu.memory_space<hbm>> -> memref<1x13x80xi32, #tpu.memory_space<hbm>>
      %dma_wait3A_39 = tpu.memref_squeeze %dma_wait3A_38 : memref<1x13x80xi32, #tpu.memory_space<hbm>> -> memref<13x80xi32, #tpu.memory_space<hbm>>
      tpu.wait_dma2 semaphore(%run_scoped3A_23 : memref<!tpu.dma_semaphore, #tpu.memory_space<semaphore_mem>>) src(%dma_wait3A_39 : memref<13x80xi32, #tpu.memory_space<hbm>>) dst(%arg6 : memref<13x80xi32, #tpu.memory_space<vmem>>)
      tpu.yield
    }) : () -> ()
    %barrier3A = arith.constant 0 : index
    tpu.barrier barrier_id(%barrier3A)
    %add3A_5 = arith.constant 0 : i32
    %add3A_6 = arith.addi %mul3A_2, %add3A_5 : i32
    %multiple_of3A = tpu.assume_multiple %add3A_6, 8 : i32
    %dma_start3A = arith.constant 0 : i32
    %dma_start3A_7 = tpu.memref_slice %arg2[%multiple_of3A, %dma_start3A] : memref<33280x128xf32, #tpu.memory_space<hbm>> -> memref<80x128xf32, #tpu.memory_space<hbm>>
    %dma_start3A_8 = arith.constant 0 : i32
    %dma_start3A_9 = tpu.memref_slice %arg2[%multiple_of3A, %dma_start3A_8] : memref<33280x128xf32, #tpu.memory_space<hbm>> -> memref<80x128xf32, #tpu.memory_space<hbm>>
    tpu.enqueue_dma source(%dma_start3A_9 : memref<80x128xf32, #tpu.memory_space<hbm>>) target(%arg7 : memref<80x128xf32, #tpu.memory_space<vmem>>) target_semaphore(%arg10 : memref<!tpu.dma_semaphore, #tpu.memory_space<semaphore_mem>>)
    %scan3A = arith.constant 0 : i32
    %scan3A_10 = arith.constant 6 : i32
    %scan3A_11 = arith.addi %scan3A, %scan3A_10 : i32
    %scan3A_12 = arith.constant 1 : i32
    scf.for %scan3A_23 = %scan3A to %scan3A_11 step %scan3A_12  : i32 {
      %mul3A_24 = arith.constant 2 : i32
      %mul3A_25 = arith.muli %mul3A_24, %scan3A_23 : i32
      %add3A_26 = arith.constant 1 : i32
      %add3A_27 = arith.addi %mul3A_25, %add3A_26 : i32
      %mul3A_28 = arith.constant 80 : i32
      %mul3A_29 = arith.muli %add3A_27, %mul3A_28 : i32
      %add3A_30 = arith.addi %mul3A_2, %mul3A_29 : i32
      %multiple_of3A_31 = tpu.assume_multiple %add3A_30, 8 : i32
      %dma_start3A_32 = arith.constant 0 : i32
      %dma_start3A_33 = tpu.memref_slice %arg2[%multiple_of3A_31, %dma_start3A_32] : memref<33280x128xf32, #tpu.memory_space<hbm>> -> memref<80x128xf32, #tpu.memory_space<hbm>>
      %dma_start3A_34 = arith.constant 0 : i32
      %dma_start3A_35 = tpu.memref_slice %arg2[%multiple_of3A_31, %dma_start3A_34] : memref<33280x128xf32, #tpu.memory_space<hbm>> -> memref<80x128xf32, #tpu.memory_space<hbm>>
      tpu.enqueue_dma source(%dma_start3A_35 : memref<80x128xf32, #tpu.memory_space<hbm>>) target(%arg8 : memref<80x128xf32, #tpu.memory_space<vmem>>) target_semaphore(%arg11 : memref<!tpu.dma_semaphore, #tpu.memory_space<semaphore_mem>>)
      %dma_wait3A_36 = arith.constant 0 : i32
      %dma_wait3A_37 = tpu.memref_slice %arg2[%mul3A_2, %dma_wait3A_36] : memref<33280x128xf32, #tpu.memory_space<hbm>> -> memref<80x128xf32, #tpu.memory_space<hbm>>
      %dma_wait3A_38 = arith.constant 0 : i32
      %dma_wait3A_39 = tpu.memref_slice %arg2[%mul3A_2, %dma_wait3A_38] : memref<33280x128xf32, #tpu.memory_space<hbm>> -> memref<80x128xf32, #tpu.memory_space<hbm>>
      tpu.wait_dma2 semaphore(%arg10 : memref<!tpu.dma_semaphore, #tpu.memory_space<semaphore_mem>>) src(%dma_wait3A_39 : memref<80x128xf32, #tpu.memory_space<hbm>>) dst(%arg7 : memref<80x128xf32, #tpu.memory_space<vmem>>)
      "tpu.region"() ({
        %run_scoped3A_53 = tpu.sem_alloc : memref<!tpu.dma_semaphore, #tpu.memory_space<semaphore_mem>>
        %dma_start3A_54 = arith.constant 0 : i32
        %dma_start3A_55 = tpu.memref_slice %arg6[%mul3A_25, %dma_start3A_54] : memref<13x80xi32, #tpu.memory_space<vmem>> -> memref<1x80xi32, #tpu.memory_space<vmem>>
        %dma_start3A_56 = tpu.memref_squeeze %dma_start3A_55 : memref<1x80xi32, #tpu.memory_space<vmem>> -> memref<80xi32, #tpu.memory_space<vmem>>
        %dma_start3A_57 = arith.constant 0 : i32
        %dma_start3A_58 = arith.constant 0 : i32
        %dma_start3A_59 = tpu.memref_slice %arg9[%dma_start3A_57, %dma_start3A_58] : memref<10000x128xf32, #tpu.memory_space<vmem_shared>> -> memref<10000x128xf32, #tpu.memory_space<vmem_shared>>
        tpu.enqueue_indirect_dma source(%arg7 : memref<80x128xf32, #tpu.memory_space<vmem>>) target(%dma_start3A_59 : memref<10000x128xf32, #tpu.memory_space<vmem_shared>>) offsets(%dma_start3A_56 : memref<80xi32, #tpu.memory_space<vmem>>) semaphore(%run_scoped3A_53 : memref<!tpu.dma_semaphore, #tpu.memory_space<semaphore_mem>>) {add = true}
        %dma_wait3A_60 = arith.constant 0 : i32
        %dma_wait3A_61 = tpu.memref_slice %arg6[%mul3A_25, %dma_wait3A_60] : memref<13x80xi32, #tpu.memory_space<vmem>> -> memref<1x80xi32, #tpu.memory_space<vmem>>
        %dma_wait3A_62 = tpu.memref_squeeze %dma_wait3A_61 : memref<1x80xi32, #tpu.memory_space<vmem>> -> memref<80xi32, #tpu.memory_space<vmem>>
        %dma_wait3A_63 = arith.constant 0 : i32
        %dma_wait3A_64 = arith.constant 0 : i32
        %dma_wait3A_65 = tpu.memref_slice %arg9[%dma_wait3A_63, %dma_wait3A_64] : memref<10000x128xf32, #tpu.memory_space<vmem_shared>> -> memref<10000x128xf32, #tpu.memory_space<vmem_shared>>
        tpu.wait_indirect_dma semaphore(%run_scoped3A_53 : memref<!tpu.dma_semaphore, #tpu.memory_space<semaphore_mem>>) src(%arg7 : memref<80x128xf32, #tpu.memory_space<vmem>>) dst(%dma_wait3A_65 : memref<10000x128xf32, #tpu.memory_space<vmem_shared>>)
        tpu.yield
      }) : () -> ()
      %add3A_40 = arith.constant 2 : i32
      %add3A_41 = arith.addi %mul3A_25, %add3A_40 : i32
      %lt3A_42 = arith.constant 13 : i32
      %lt3A_43 = arith.cmpi slt, %add3A_41, %lt3A_42 : i32
      %convert_element_type3A_44 = arith.extui %lt3A_43 : i1 to i32
      %cond3A_45 = arith.constant 0 : i32
      %cond3A_46 = arith.cmpi ne, %convert_element_type3A_44, %cond3A_45 : i32
      scf.if %cond3A_46 {
        %add3A_53 = arith.constant 2 : i32
        %add3A_54 = arith.addi %mul3A_25, %add3A_53 : i32
        %mul3A_55 = arith.constant 80 : i32
        %mul3A_56 = arith.muli %add3A_54, %mul3A_55 : i32
        %add3A_57 = arith.addi %mul3A_2, %mul3A_56 : i32
        %multiple_of3A_58 = tpu.assume_multiple %add3A_57, 8 : i32
        %dma_start3A_59 = arith.constant 0 : i32
        %dma_start3A_60 = tpu.memref_slice %arg2[%multiple_of3A_58, %dma_start3A_59] : memref<33280x128xf32, #tpu.memory_space<hbm>> -> memref<80x128xf32, #tpu.memory_space<hbm>>
        %dma_start3A_61 = arith.constant 0 : i32
        %dma_start3A_62 = tpu.memref_slice %arg2[%multiple_of3A_58, %dma_start3A_61] : memref<33280x128xf32, #tpu.memory_space<hbm>> -> memref<80x128xf32, #tpu.memory_space<hbm>>
        tpu.enqueue_dma source(%dma_start3A_62 : memref<80x128xf32, #tpu.memory_space<hbm>>) target(%arg7 : memref<80x128xf32, #tpu.memory_space<vmem>>) target_semaphore(%arg10 : memref<!tpu.dma_semaphore, #tpu.memory_space<semaphore_mem>>)
      } else {
      }
      %dma_wait3A_47 = arith.constant 0 : i32
      %dma_wait3A_48 = tpu.memref_slice %arg2[%mul3A_2, %dma_wait3A_47] : memref<33280x128xf32, #tpu.memory_space<hbm>> -> memref<80x128xf32, #tpu.memory_space<hbm>>
      %dma_wait3A_49 = arith.constant 0 : i32
      %dma_wait3A_50 = tpu.memref_slice %arg2[%mul3A_2, %dma_wait3A_49] : memref<33280x128xf32, #tpu.memory_space<hbm>> -> memref<80x128xf32, #tpu.memory_space<hbm>>
      tpu.wait_dma2 semaphore(%arg11 : memref<!tpu.dma_semaphore, #tpu.memory_space<semaphore_mem>>) src(%dma_wait3A_50 : memref<80x128xf32, #tpu.memory_space<hbm>>) dst(%arg8 : memref<80x128xf32, #tpu.memory_space<vmem>>)
      %add3A_51 = arith.constant 1 : i32
      %add3A_52 = arith.addi %mul3A_25, %add3A_51 : i32
      "tpu.region"() ({
        %run_scoped3A_53 = tpu.sem_alloc : memref<!tpu.dma_semaphore, #tpu.memory_space<semaphore_mem>>
        %dma_start3A_54 = arith.constant 0 : i32
        %dma_start3A_55 = tpu.memref_slice %arg6[%add3A_52, %dma_start3A_54] : memref<13x80xi32, #tpu.memory_space<vmem>> -> memref<1x80xi32, #tpu.memory_space<vmem>>
        %dma_start3A_56 = tpu.memref_squeeze %dma_start3A_55 : memref<1x80xi32, #tpu.memory_space<vmem>> -> memref<80xi32, #tpu.memory_space<vmem>>
        %dma_start3A_57 = arith.constant 0 : i32
        %dma_start3A_58 = arith.constant 0 : i32
        %dma_start3A_59 = tpu.memref_slice %arg9[%dma_start3A_57, %dma_start3A_58] : memref<10000x128xf32, #tpu.memory_space<vmem_shared>> -> memref<10000x128xf32, #tpu.memory_space<vmem_shared>>
        tpu.enqueue_indirect_dma source(%arg8 : memref<80x128xf32, #tpu.memory_space<vmem>>) target(%dma_start3A_59 : memref<10000x128xf32, #tpu.memory_space<vmem_shared>>) offsets(%dma_start3A_56 : memref<80xi32, #tpu.memory_space<vmem>>) semaphore(%run_scoped3A_53 : memref<!tpu.dma_semaphore, #tpu.memory_space<semaphore_mem>>) {add = true}
        %dma_wait3A_60 = arith.constant 0 : i32
        %dma_wait3A_61 = tpu.memref_slice %arg6[%add3A_52, %dma_wait3A_60] : memref<13x80xi32, #tpu.memory_space<vmem>> -> memref<1x80xi32, #tpu.memory_space<vmem>>
        %dma_wait3A_62 = tpu.memref_squeeze %dma_wait3A_61 : memref<1x80xi32, #tpu.memory_space<vmem>> -> memref<80xi32, #tpu.memory_space<vmem>>
        %dma_wait3A_63 = arith.constant 0 : i32
        %dma_wait3A_64 = arith.constant 0 : i32
        %dma_wait3A_65 = tpu.memref_slice %arg9[%dma_wait3A_63, %dma_wait3A_64] : memref<10000x128xf32, #tpu.memory_space<vmem_shared>> -> memref<10000x128xf32, #tpu.memory_space<vmem_shared>>
        tpu.wait_indirect_dma semaphore(%run_scoped3A_53 : memref<!tpu.dma_semaphore, #tpu.memory_space<semaphore_mem>>) src(%arg8 : memref<80x128xf32, #tpu.memory_space<vmem>>) dst(%dma_wait3A_65 : memref<10000x128xf32, #tpu.memory_space<vmem_shared>>)
        tpu.yield
      }) : () -> ()
    }
    %scan3A_13 = arith.constant 6 : i32
    %dma_wait3A = arith.constant 0 : i32
    %dma_wait3A_14 = tpu.memref_slice %arg2[%mul3A_2, %dma_wait3A] : memref<33280x128xf32, #tpu.memory_space<hbm>> -> memref<80x128xf32, #tpu.memory_space<hbm>>
    %dma_wait3A_15 = arith.constant 0 : i32
    %dma_wait3A_16 = tpu.memref_slice %arg2[%mul3A_2, %dma_wait3A_15] : memref<33280x128xf32, #tpu.memory_space<hbm>> -> memref<80x128xf32, #tpu.memory_space<hbm>>
    tpu.wait_dma2 semaphore(%arg10 : memref<!tpu.dma_semaphore, #tpu.memory_space<semaphore_mem>>) src(%dma_wait3A_16 : memref<80x128xf32, #tpu.memory_space<hbm>>) dst(%arg7 : memref<80x128xf32, #tpu.memory_space<vmem>>)
    %run_scoped3A = arith.constant 12 : i32
    "tpu.region"() ({
      %run_scoped3A_23 = tpu.sem_alloc : memref<!tpu.dma_semaphore, #tpu.memory_space<semaphore_mem>>
      %dma_start3A_24 = arith.constant 0 : i32
      %dma_start3A_25 = tpu.memref_slice %arg6[%run_scoped3A, %dma_start3A_24] : memref<13x80xi32, #tpu.memory_space<vmem>> -> memref<1x80xi32, #tpu.memory_space<vmem>>
      %dma_start3A_26 = tpu.memref_squeeze %dma_start3A_25 : memref<1x80xi32, #tpu.memory_space<vmem>> -> memref<80xi32, #tpu.memory_space<vmem>>
      %dma_start3A_27 = arith.constant 0 : i32
      %dma_start3A_28 = arith.constant 0 : i32
      %dma_start3A_29 = tpu.memref_slice %arg9[%dma_start3A_27, %dma_start3A_28] : memref<10000x128xf32, #tpu.memory_space<vmem_shared>> -> memref<10000x128xf32, #tpu.memory_space<vmem_shared>>
      tpu.enqueue_indirect_dma source(%arg7 : memref<80x128xf32, #tpu.memory_space<vmem>>) target(%dma_start3A_29 : memref<10000x128xf32, #tpu.memory_space<vmem_shared>>) offsets(%dma_start3A_26 : memref<80xi32, #tpu.memory_space<vmem>>) semaphore(%run_scoped3A_23 : memref<!tpu.dma_semaphore, #tpu.memory_space<semaphore_mem>>) {add = true}
      %dma_wait3A_30 = arith.constant 0 : i32
      %dma_wait3A_31 = tpu.memref_slice %arg6[%run_scoped3A, %dma_wait3A_30] : memref<13x80xi32, #tpu.memory_space<vmem>> -> memref<1x80xi32, #tpu.memory_space<vmem>>
      %dma_wait3A_32 = tpu.memref_squeeze %dma_wait3A_31 : memref<1x80xi32, #tpu.memory_space<vmem>> -> memref<80xi32, #tpu.memory_space<vmem>>
      %dma_wait3A_33 = arith.constant 0 : i32
      %dma_wait3A_34 = arith.constant 0 : i32
      %dma_wait3A_35 = tpu.memref_slice %arg9[%dma_wait3A_33, %dma_wait3A_34] : memref<10000x128xf32, #tpu.memory_space<vmem_shared>> -> memref<10000x128xf32, #tpu.memory_space<vmem_shared>>
      tpu.wait_indirect_dma semaphore(%run_scoped3A_23 : memref<!tpu.dma_semaphore, #tpu.memory_space<semaphore_mem>>) src(%arg7 : memref<80x128xf32, #tpu.memory_space<vmem>>) dst(%dma_wait3A_35 : memref<10000x128xf32, #tpu.memory_space<vmem_shared>>)
      tpu.yield
    }) : () -> ()
    %barrier3A_17 = arith.constant 0 : index
    tpu.barrier barrier_id(%barrier3A_17)
    %lt3A_18 = arith.constant 10 : i32
    %lt3A_19 = arith.cmpi slt, %arg1, %lt3A_18 : i32
    %convert_element_type3A_20 = arith.extui %lt3A_19 : i1 to i32
    %cond3A_21 = arith.constant 0 : i32
    %cond3A_22 = arith.cmpi ne, %convert_element_type3A_20, %cond3A_21 : i32
    scf.if %cond3A_22 {
      %mul3A_23 = arith.constant 1000 : i32
      %mul3A_24 = arith.muli %arg1, %mul3A_23 : i32
      %mul3A_25 = arith.constant 1000 : i32
      %mul3A_26 = arith.muli %arg1, %mul3A_25 : i32
      "tpu.region"() ({
        %run_scoped3A_27 = tpu.sem_alloc : memref<!tpu.dma_semaphore, #tpu.memory_space<semaphore_mem>>
        %dma_start3A_28 = arith.constant 0 : i32
        %dma_start3A_29 = tpu.memref_slice %arg5[%arg0, %mul3A_26, %dma_start3A_28] : memref<2x10000x128xf32, #tpu.memory_space<hbm>> -> memref<1x1000x128xf32, #tpu.memory_space<hbm>>
        %dma_start3A_30 = tpu.memref_squeeze %dma_start3A_29 : memref<1x1000x128xf32, #tpu.memory_space<hbm>> -> memref<1000x128xf32, #tpu.memory_space<hbm>>
        %dma_start3A_31 = arith.constant 0 : i32
        %dma_start3A_32 = tpu.memref_slice %arg9[%mul3A_24, %dma_start3A_31] : memref<10000x128xf32, #tpu.memory_space<vmem_shared>> -> memref<1000x128xf32, #tpu.memory_space<vmem_shared>>
        tpu.enqueue_dma source(%dma_start3A_32 : memref<1000x128xf32, #tpu.memory_space<vmem_shared>>) target(%dma_start3A_30 : memref<1000x128xf32, #tpu.memory_space<hbm>>) target_semaphore(%run_scoped3A_27 : memref<!tpu.dma_semaphore, #tpu.memory_space<semaphore_mem>>)
        %dma_wait3A_33 = arith.constant 0 : i32
        %dma_wait3A_34 = tpu.memref_slice %arg5[%arg0, %mul3A_26, %dma_wait3A_33] : memref<2x10000x128xf32, #tpu.memory_space<hbm>> -> memref<1x1000x128xf32, #tpu.memory_space<hbm>>
        %dma_wait3A_35 = tpu.memref_squeeze %dma_wait3A_34 : memref<1x1000x128xf32, #tpu.memory_space<hbm>> -> memref<1000x128xf32, #tpu.memory_space<hbm>>
        %dma_wait3A_36 = arith.constant 0 : i32
        %dma_wait3A_37 = tpu.memref_slice %arg9[%mul3A_24, %dma_wait3A_36] : memref<10000x128xf32, #tpu.memory_space<vmem_shared>> -> memref<1000x128xf32, #tpu.memory_space<vmem_shared>>
        tpu.wait_dma2 semaphore(%run_scoped3A_27 : memref<!tpu.dma_semaphore, #tpu.memory_space<semaphore_mem>>) src(%dma_wait3A_37 : memref<1000x128xf32, #tpu.memory_space<vmem_shared>>) dst(%dma_wait3A_35 : memref<1000x128xf32, #tpu.memory_space<hbm>>)
        tpu.yield
      }) : () -> ()
    } else {
    }
    return
  }
}

module attributes {stable_mosaic.version = 14 : i64} {
  func.func @k(%arg0: memref<128x128xf32, #tpu.memory_space<vmem>>, %arg1: memref<128x128xf32, #tpu.memory_space<vmem>>, %arg2: memref<1x128xf32, #tpu.memory_space<vmem>>, %arg3: memref<128x128xf32, #tpu.memory_space<vmem>>, %arg4: memref<1x128xf32, #tpu.memory_space<vmem>>, %arg5: memref<128x128xf32, #tpu.memory_space<vmem>>, %arg6: memref<1x128xf32, #tpu.memory_space<vmem>>, %arg7: memref<128x128xf32, #tpu.memory_space<vmem>>, %arg8: memref<1x128xf32, #tpu.memory_space<vmem>>, %arg9: memref<128x128xf32, #tpu.memory_space<vmem>>, %arg10: memref<128x128xf32, #tpu.memory_space<vmem>>, %arg11: memref<128x128xf32, #tpu.memory_space<vmem>>, %arg12: memref<128x128xf32, #tpu.memory_space<vmem>>, %arg13: memref<1x128xf32, #tpu.memory_space<vmem>>, %arg14: memref<1x128xf32, #tpu.memory_space<vmem>>, %arg15: memref<128x128xf32, #tpu.memory_space<vmem>>, %arg16: memref<128x128xf32, #tpu.memory_space<vmem>>, %arg17: memref<128x128xf32, #tpu.memory_space<vmem>>, %arg18: memref<1x128xf32, #tpu.memory_space<vmem>>) attributes {dimension_semantics = [], scalar_prefetch = 0 : i64, scratch_operands = 0 : i64, tpu.core_type = #tpu.core_type<tc>} {
    %get3A = arith.constant 0 : index
    %get3A_0 = arith.constant 0 : index
    %get3A_1 = vector.load %arg0[%get3A, %get3A_0] : memref<128x128xf32, #tpu.memory_space<vmem>>, vector<128x128xf32>
    %get3A_2 = arith.constant 0 : index
    %get3A_3 = arith.constant 0 : index
    %get3A_4 = vector.load %arg1[%get3A_2, %get3A_3] : memref<128x128xf32, #tpu.memory_space<vmem>>, vector<128x128xf32>
    %dot_general3A = arith.constant dense<0.000000e+00> : vector<128x128xf32>
    %dot_general3A_5 = tpu.matmul %get3A_1, %get3A_4, %dot_general3A {dimension_numbers = #tpu.dot_dimension_numbers<[1], [0], [0], [1], [0, 0, 1, 1], [], []>, transpose_lhs_hint = false} : vector<128x128xf32>, vector<128x128xf32>, vector<128x128xf32> -> vector<128x128xf32>
    %get3A_6 = arith.constant 0 : index
    %get3A_7 = arith.constant 0 : index
    %get3A_8 = vector.load %arg2[%get3A_6, %get3A_7] : memref<1x128xf32, #tpu.memory_space<vmem>>, vector<1x128xf32>
    %add3A = vector.broadcast %get3A_8 : vector<1x128xf32> to vector<128x128xf32>
    %add3A_9 = arith.addf %dot_general3A_5, %add3A : vector<128x128xf32>
    %logistic3A = arith.negf %add3A_9 : vector<128x128xf32>
    %logistic3A_10 = math.exp %logistic3A : vector<128x128xf32>
    %logistic3A_11 = arith.constant 1.000000e+00 : f32
    %logistic3A_12 = vector.broadcast %logistic3A_11 : f32 to vector<128x128xf32>
    %logistic3A_13 = arith.addf %logistic3A_12, %logistic3A_10 : vector<128x128xf32>
    %logistic3A_14 = arith.divf %logistic3A_12, %logistic3A_13 : vector<128x128xf32>
    %mul3A = arith.mulf %add3A_9, %logistic3A_14 : vector<128x128xf32>
    %get3A_15 = arith.constant 0 : index
    %get3A_16 = arith.constant 0 : index
    %get3A_17 = vector.load %arg3[%get3A_15, %get3A_16] : memref<128x128xf32, #tpu.memory_space<vmem>>, vector<128x128xf32>
    %dot_general3A_18 = arith.constant dense<0.000000e+00> : vector<128x128xf32>
    %dot_general3A_19 = tpu.matmul %mul3A, %get3A_17, %dot_general3A_18 {dimension_numbers = #tpu.dot_dimension_numbers<[1], [0], [0], [1], [0, 0, 1, 1], [], []>, transpose_lhs_hint = false} : vector<128x128xf32>, vector<128x128xf32>, vector<128x128xf32> -> vector<128x128xf32>
    %get3A_20 = arith.constant 0 : index
    %get3A_21 = arith.constant 0 : index
    %get3A_22 = vector.load %arg4[%get3A_20, %get3A_21] : memref<1x128xf32, #tpu.memory_space<vmem>>, vector<1x128xf32>
    %add3A_23 = vector.broadcast %get3A_22 : vector<1x128xf32> to vector<128x128xf32>
    %add3A_24 = arith.addf %dot_general3A_19, %add3A_23 : vector<128x128xf32>
    %get3A_25 = arith.constant 0 : index
    %get3A_26 = arith.constant 0 : index
    %get3A_27 = vector.load %arg10[%get3A_25, %get3A_26] : memref<128x128xf32, #tpu.memory_space<vmem>>, vector<128x128xf32>
    %dot_general3A_28 = arith.constant dense<0.000000e+00> : vector<128x128xf32>
    %dot_general3A_29 = tpu.matmul %add3A_24, %get3A_27, %dot_general3A_28 {dimension_numbers = #tpu.dot_dimension_numbers<[1], [0], [0], [1], [0, 0, 1, 1], [], []>, transpose_lhs_hint = false} : vector<128x128xf32>, vector<128x128xf32>, vector<128x128xf32> -> vector<128x128xf32>
    %swap3A = arith.constant 0 : index
    %swap3A_30 = arith.constant 0 : index
    %swap3A_31 = vector.load %arg15[%swap3A, %swap3A_30] : memref<128x128xf32, #tpu.memory_space<vmem>>, vector<128x128xf32>
    tpu.vector_store %arg15[%swap3A, %swap3A_30], %dot_general3A_29 {strides = array<i32>} : memref<128x128xf32, #tpu.memory_space<vmem>>, vector<128x128xf32>,
    %get3A_32 = arith.constant 0 : index
    %get3A_33 = arith.constant 0 : index
    %get3A_34 = vector.load %arg5[%get3A_32, %get3A_33] : memref<128x128xf32, #tpu.memory_space<vmem>>, vector<128x128xf32>
    %dot_general3A_35 = arith.constant dense<0.000000e+00> : vector<128x128xf32>
    %dot_general3A_36 = tpu.matmul %get3A_1, %get3A_34, %dot_general3A_35 {dimension_numbers = #tpu.dot_dimension_numbers<[1], [0], [0], [1], [0, 0, 1, 1], [], []>, transpose_lhs_hint = false} : vector<128x128xf32>, vector<128x128xf32>, vector<128x128xf32> -> vector<128x128xf32>
    %get3A_37 = arith.constant 0 : index
    %get3A_38 = arith.constant 0 : index
    %get3A_39 = vector.load %arg6[%get3A_37, %get3A_38] : memref<1x128xf32, #tpu.memory_space<vmem>>, vector<1x128xf32>
    %add3A_40 = vector.broadcast %get3A_39 : vector<1x128xf32> to vector<128x128xf32>
    %add3A_41 = arith.addf %dot_general3A_36, %add3A_40 : vector<128x128xf32>
    %logistic3A_42 = arith.negf %add3A_41 : vector<128x128xf32>
    %logistic3A_43 = math.exp %logistic3A_42 : vector<128x128xf32>
    %logistic3A_44 = arith.constant 1.000000e+00 : f32
    %logistic3A_45 = vector.broadcast %logistic3A_44 : f32 to vector<128x128xf32>
    %logistic3A_46 = arith.addf %logistic3A_45, %logistic3A_43 : vector<128x128xf32>
    %logistic3A_47 = arith.divf %logistic3A_45, %logistic3A_46 : vector<128x128xf32>
    %mul3A_48 = arith.mulf %add3A_41, %logistic3A_47 : vector<128x128xf32>
    %get3A_49 = arith.constant 0 : index
    %get3A_50 = arith.constant 0 : index
    %get3A_51 = vector.load %arg7[%get3A_49, %get3A_50] : memref<128x128xf32, #tpu.memory_space<vmem>>, vector<128x128xf32>
    %dot_general3A_52 = arith.constant dense<0.000000e+00> : vector<128x128xf32>
    %dot_general3A_53 = tpu.matmul %mul3A_48, %get3A_51, %dot_general3A_52 {dimension_numbers = #tpu.dot_dimension_numbers<[1], [0], [0], [1], [0, 0, 1, 1], [], []>, transpose_lhs_hint = false} : vector<128x128xf32>, vector<128x128xf32>, vector<128x128xf32> -> vector<128x128xf32>
    %get3A_54 = arith.constant 0 : index
    %get3A_55 = arith.constant 0 : index
    %get3A_56 = vector.load %arg8[%get3A_54, %get3A_55] : memref<1x128xf32, #tpu.memory_space<vmem>>, vector<1x128xf32>
    %add3A_57 = vector.broadcast %get3A_56 : vector<1x128xf32> to vector<128x128xf32>
    %add3A_58 = arith.addf %dot_general3A_53, %add3A_57 : vector<128x128xf32>
    %get3A_59 = arith.constant 0 : index
    %get3A_60 = arith.constant 0 : index
    %get3A_61 = vector.load %arg11[%get3A_59, %get3A_60] : memref<128x128xf32, #tpu.memory_space<vmem>>, vector<128x128xf32>
    %dot_general3A_62 = arith.constant dense<0.000000e+00> : vector<128x128xf32>
    %dot_general3A_63 = tpu.matmul %add3A_58, %get3A_61, %dot_general3A_62 {dimension_numbers = #tpu.dot_dimension_numbers<[1], [0], [0], [1], [0, 0, 1, 1], [], []>, transpose_lhs_hint = false} : vector<128x128xf32>, vector<128x128xf32>, vector<128x128xf32> -> vector<128x128xf32>
    %swap3A_64 = arith.constant 0 : index
    %swap3A_65 = arith.constant 0 : index
    %swap3A_66 = vector.load %arg16[%swap3A_64, %swap3A_65] : memref<128x128xf32, #tpu.memory_space<vmem>>, vector<128x128xf32>
    tpu.vector_store %arg16[%swap3A_64, %swap3A_65], %dot_general3A_63 {strides = array<i32>} : memref<128x128xf32, #tpu.memory_space<vmem>>, vector<128x128xf32>,
    %get3A_67 = arith.constant 0 : index
    %get3A_68 = arith.constant 0 : index
    %get3A_69 = vector.load %arg12[%get3A_67, %get3A_68] : memref<128x128xf32, #tpu.memory_space<vmem>>, vector<128x128xf32>
    %get3A_70 = arith.constant 0 : index
    %get3A_71 = arith.constant 0 : index
    %get3A_72 = vector.load %arg9[%get3A_70, %get3A_71] : memref<128x128xf32, #tpu.memory_space<vmem>>, vector<128x128xf32>
    %dot_general3A_73 = arith.constant dense<0.000000e+00> : vector<128x128xf32>
    %dot_general3A_74 = tpu.matmul %get3A_69, %get3A_72, %dot_general3A_73 {dimension_numbers = #tpu.dot_dimension_numbers<[1], [0], [0], [1], [0, 0, 1, 1], [], []>, transpose_lhs_hint = false} : vector<128x128xf32>, vector<128x128xf32>, vector<128x128xf32> -> vector<128x128xf32>
    %swap3A_75 = arith.constant 0 : index
    %swap3A_76 = arith.constant 0 : index
    %swap3A_77 = vector.load %arg17[%swap3A_75, %swap3A_76] : memref<128x128xf32, #tpu.memory_space<vmem>>, vector<128x128xf32>
    tpu.vector_store %arg17[%swap3A_75, %swap3A_76], %dot_general3A_74 {strides = array<i32>} : memref<128x128xf32, #tpu.memory_space<vmem>>, vector<128x128xf32>,
    %get3A_78 = arith.constant 0 : index
    %get3A_79 = arith.constant 0 : index
    %get3A_80 = vector.load %arg14[%get3A_78, %get3A_79] : memref<1x128xf32, #tpu.memory_space<vmem>>, vector<1x128xf32>
    %get3A_81 = arith.constant 0 : index
    %get3A_82 = arith.constant 0 : index
    %get3A_83 = vector.load %arg13[%get3A_81, %get3A_82] : memref<1x128xf32, #tpu.memory_space<vmem>>, vector<1x128xf32>
    %get3A_84 = arith.constant 0 : index
    %get3A_85 = arith.constant 0 : index
    %get3A_86 = vector.load %arg9[%get3A_84, %get3A_85] : memref<128x128xf32, #tpu.memory_space<vmem>>, vector<128x128xf32>
    %dot_general3A_87 = arith.constant dense<0.000000e+00> : vector<1x128xf32>
    %dot_general3A_88 = tpu.matmul %get3A_83, %get3A_86, %dot_general3A_87 {dimension_numbers = #tpu.dot_dimension_numbers<[1], [0], [0], [1], [0, 0, 1, 1], [], []>, transpose_lhs_hint = false} : vector<1x128xf32>, vector<128x128xf32>, vector<1x128xf32> -> vector<1x128xf32>
    %add3A_89 = arith.addf %get3A_80, %dot_general3A_88 : vector<1x128xf32>
    %swap3A_90 = arith.constant 0 : index
    %swap3A_91 = arith.constant 0 : index
    %swap3A_92 = vector.load %arg18[%swap3A_90, %swap3A_91] : memref<1x128xf32, #tpu.memory_space<vmem>>, vector<1x128xf32>
    tpu.vector_store %arg18[%swap3A_90, %swap3A_91], %add3A_89 {strides = array<i32>} : memref<1x128xf32, #tpu.memory_space<vmem>>, vector<1x128xf32>,
    return
  }
}

module attributes {stable_mosaic.version = 14 : i64} {
  func.func @k(%arg0: i32, %arg1: memref<1x1x2560xf32, #tpu.memory_space<vmem>>, %arg2: memref<1x1x2560xi32, #tpu.memory_space<vmem>>, %arg3: memref<1x1x2560xi32, #tpu.memory_space<vmem>>, %arg4: memref<24x128xf32, #tpu.memory_space<vmem>>, %arg5: memref<1x128xf32, #tpu.memory_space<vmem>>, %arg6: memref<128x128xf32, #tpu.memory_space<vmem>>, %arg7: memref<128x128xf32, #tpu.memory_space<vmem>>, %arg8: memref<128x128xf32, #tpu.memory_space<vmem>>, %arg9: memref<1x128xf32, #tpu.memory_space<vmem>>, %arg10: memref<128x128xf32, #tpu.memory_space<vmem>>, %arg11: memref<1x128xf32, #tpu.memory_space<vmem>>, %arg12: memref<2560x128xf32, #tpu.memory_space<vmem>>) attributes {dimension_semantics = [#tpu.dimension_semantics<arbitrary>], iteration_bounds = array<i64: 16>, scalar_prefetch = 0 : i64, scratch_operands = 0 : i64, tpu.core_type = #tpu.core_type<tc>, window_params = [{transform_indices = @transform_0, window_bounds = array<i64: 1, 1, 2560>}, {transform_indices = @transform_1, window_bounds = array<i64: 1, 1, 2560>}, {transform_indices = @transform_2, window_bounds = array<i64: 1, 1, 2560>}, {pipeline_mode = #tpu.pipeline_mode<synchronous>, transform_indices = @transform_3, window_bounds = array<i64: 24, 128>}, {pipeline_mode = #tpu.pipeline_mode<synchronous>, transform_indices = @transform_4, window_bounds = array<i64: 1, 128>}, {pipeline_mode = #tpu.pipeline_mode<synchronous>, transform_indices = @transform_5, window_bounds = array<i64: 128, 128>}, {pipeline_mode = #tpu.pipeline_mode<synchronous>, transform_indices = @transform_6, window_bounds = array<i64: 128, 128>}, {pipeline_mode = #tpu.pipeline_mode<synchronous>, transform_indices = @transform_7, window_bounds = array<i64: 128, 128>}, {pipeline_mode = #tpu.pipeline_mode<synchronous>, transform_indices = @transform_8, window_bounds = array<i64: 1, 128>}, {pipeline_mode = #tpu.pipeline_mode<synchronous>, transform_indices = @transform_9, window_bounds = array<i64: 128, 128>}, {pipeline_mode = #tpu.pipeline_mode<synchronous>, transform_indices = @transform_10, window_bounds = array<i64: 1, 128>}, {transform_indices = @transform_11, window_bounds = array<i64: 2560, 128>}]} {
    %get3A = arith.constant 0 : index
    %get3A_0 = arith.constant 0 : index
    %get3A_1 = arith.constant 0 : index
    %get3A_2 = vector.load %arg1[%get3A, %get3A_0, %get3A_1] : memref<1x1x2560xf32, #tpu.memory_space<vmem>>, vector<1x1x2560xf32>
    %get3A_3 = vector.shape_cast %get3A_2 : vector<1x1x2560xf32> to vector<1x2560xf32>
    %iota3A = tpu.iota {dimensions = array<i32: 0>} : vector<24x2560xi32>
    %convert_element_type3A = arith.sitofp %iota3A : vector<24x2560xi32> to vector<24x2560xf32>
    %add3A = arith.constant 1.000000e+00 : f32
    %add3A_4 = vector.broadcast %add3A : f32 to vector<24x2560xf32>
    %add3A_5 = arith.addf %convert_element_type3A, %add3A_4 : vector<24x2560xf32>
    %mul3A = arith.constant 0.628318548 : f32
    %mul3A_6 = vector.broadcast %mul3A : f32 to vector<1x2560xf32>
    %mul3A_7 = arith.mulf %mul3A_6, %get3A_3 : vector<1x2560xf32>
    %mul3A_8 = vector.broadcast %mul3A_7 : vector<1x2560xf32> to vector<24x2560xf32>
    %mul3A_9 = arith.mulf %add3A_5, %mul3A_8 : vector<24x2560xf32>
    %mul3A_10 = arith.constant 0.159154937 : f32
    %mul3A_11 = vector.broadcast %mul3A_10 : f32 to vector<24x2560xf32>
    %mul3A_12 = arith.mulf %mul3A_9, %mul3A_11 : vector<24x2560xf32>
    %round3A = math.roundeven %mul3A_12 : vector<24x2560xf32>
    %mul3A_13 = arith.constant 6.28318548 : f32
    %mul3A_14 = vector.broadcast %mul3A_13 : f32 to vector<24x2560xf32>
    %mul3A_15 = arith.mulf %round3A, %mul3A_14 : vector<24x2560xf32>
    %sub3A = arith.subf %mul3A_9, %mul3A_15 : vector<24x2560xf32>
    %mul3A_16 = arith.constant -1.74845553E-7 : f32
    %mul3A_17 = vector.broadcast %mul3A_16 : f32 to vector<24x2560xf32>
    %mul3A_18 = arith.mulf %round3A, %mul3A_17 : vector<24x2560xf32>
    %sub3A_19 = arith.subf %sub3A, %mul3A_18 : vector<24x2560xf32>
    %mul3A_20 = arith.mulf %sub3A_19, %sub3A_19 : vector<24x2560xf32>
    %mul3A_21 = arith.constant -2.0697799E-8 : f32
    %mul3A_22 = vector.broadcast %mul3A_21 : f32 to vector<24x2560xf32>
    %mul3A_23 = arith.mulf %mul3A_22, %mul3A_20 : vector<24x2560xf32>
    %add3A_24 = arith.constant 2.70882288E-6 : f32
    %add3A_25 = vector.broadcast %add3A_24 : f32 to vector<24x2560xf32>
    %add3A_26 = arith.addf %mul3A_23, %add3A_25 : vector<24x2560xf32>
    %mul3A_27 = arith.mulf %add3A_26, %mul3A_20 : vector<24x2560xf32>
    %add3A_28 = arith.constant -1.98176233E-4 : f32
    %add3A_29 = vector.broadcast %add3A_28 : f32 to vector<24x2560xf32>
    %add3A_30 = arith.addf %mul3A_27, %add3A_29 : vector<24x2560xf32>
    %mul3A_31 = arith.mulf %add3A_30, %mul3A_20 : vector<24x2560xf32>
    %add3A_32 = arith.constant 0.0083327908 : f32
    %add3A_33 = vector.broadcast %add3A_32 : f32 to vector<24x2560xf32>
    %add3A_34 = arith.addf %mul3A_31, %add3A_33 : vector<24x2560xf32>
    %mul3A_35 = arith.mulf %add3A_34, %mul3A_20 : vector<24x2560xf32>
    %add3A_36 = arith.constant -0.16666621 : f32
    %add3A_37 = vector.broadcast %add3A_36 : f32 to vector<24x2560xf32>
    %add3A_38 = arith.addf %mul3A_35, %add3A_37 : vector<24x2560xf32>
    %mul3A_39 = arith.mulf %add3A_38, %mul3A_20 : vector<24x2560xf32>
    %add3A_40 = arith.constant 0.99999994 : f32
    %add3A_41 = vector.broadcast %add3A_40 : f32 to vector<24x2560xf32>
    %add3A_42 = arith.addf %mul3A_39, %add3A_41 : vector<24x2560xf32>
    %mul3A_43 = arith.mulf %sub3A_19, %add3A_42 : vector<24x2560xf32>
    %sqrt3A = arith.constant 4.000000e-01 : f32
    %sqrt3A_44 = math.sqrt %sqrt3A : f32
    %div3A = vector.broadcast %sqrt3A_44 : f32 to vector<1x2560xf32>
    %div3A_45 = arith.divf %div3A, %get3A_3 : vector<1x2560xf32>
    %mul3A_46 = vector.broadcast %div3A_45 : vector<1x2560xf32> to vector<24x2560xf32>
    %mul3A_47 = arith.mulf %mul3A_46, %mul3A_43 : vector<24x2560xf32>
    %get3A_48 = arith.constant 0 : index
    %get3A_49 = arith.constant 0 : index
    %get3A_50 = vector.load %arg4[%get3A_48, %get3A_49] : memref<24x128xf32, #tpu.memory_space<vmem>>, vector<24x128xf32>
    %dot_general3A = arith.constant dense<0.000000e+00> : vector<2560x128xf32>
    %dot_general3A_51 = tpu.matmul %mul3A_47, %get3A_50, %dot_general3A {dimension_numbers = #tpu.dot_dimension_numbers<[0], [0], [1], [1], [0, 1, 1, 1], [], []>, transpose_lhs_hint = false} : vector<24x2560xf32>, vector<24x128xf32>, vector<2560x128xf32> -> vector<2560x128xf32>
    %get3A_52 = arith.constant 0 : index
    %get3A_53 = arith.constant 0 : index
    %get3A_54 = vector.load %arg5[%get3A_52, %get3A_53] : memref<1x128xf32, #tpu.memory_space<vmem>>, vector<1x128xf32>
    %add3A_55 = vector.broadcast %get3A_54 : vector<1x128xf32> to vector<2560x128xf32>
    %add3A_56 = arith.addf %dot_general3A_51, %add3A_55 : vector<2560x128xf32>
    %logistic3A = arith.negf %add3A_56 : vector<2560x128xf32>
    %logistic3A_57 = math.exp %logistic3A : vector<2560x128xf32>
    %logistic3A_58 = arith.constant 1.000000e+00 : f32
    %logistic3A_59 = vector.broadcast %logistic3A_58 : f32 to vector<2560x128xf32>
    %logistic3A_60 = arith.addf %logistic3A_59, %logistic3A_57 : vector<2560x128xf32>
    %logistic3A_61 = arith.divf %logistic3A_59, %logistic3A_60 : vector<2560x128xf32>
    %mul3A_62 = arith.mulf %add3A_56, %logistic3A_61 : vector<2560x128xf32>
    %get3A_63 = arith.constant 0 : index
    %get3A_64 = arith.constant 0 : index
    %get3A_65 = vector.load %arg8[%get3A_63, %get3A_64] : memref<128x128xf32, #tpu.memory_space<vmem>>, vector<128x128xf32>
    %dot_general3A_66 = arith.constant dense<0.000000e+00> : vector<2560x128xf32>
    %dot_general3A_67 = tpu.matmul %mul3A_62, %get3A_65, %dot_general3A_66 {dimension_numbers = #tpu.dot_dimension_numbers<[1], [0], [0], [1], [0, 0, 1, 1], [], []>, transpose_lhs_hint = false} : vector<2560x128xf32>, vector<128x128xf32>, vector<2560x128xf32> -> vector<2560x128xf32>
    %iota3A_68 = tpu.iota {dimensions = array<i32: 1>} : vector<2560x128xi32>
    %get3A_69 = arith.constant 0 : index
    %get3A_70 = arith.constant 0 : index
    %get3A_71 = arith.constant 0 : index
    %get3A_72 = vector.load %arg2[%get3A_69, %get3A_70, %get3A_71] : memref<1x1x2560xi32, #tpu.memory_space<vmem>>, vector<1x1x2560xi32>
    %get3A_73 = vector.shape_cast %get3A_72 : vector<1x1x2560xi32> to vector<2560xi32>
    %reshape3A = vector.shape_cast %get3A_73 : vector<2560xi32> to vector<2560x1xi32>
    %eq3A = vector.broadcast %reshape3A : vector<2560x1xi32> to vector<2560x128xi32>
    %eq3A_74 = arith.cmpi eq, %iota3A_68, %eq3A : vector<2560x128xi32>
    %convert_element_type3A_75 = arith.extui %eq3A_74 : vector<2560x128xi1> to vector<2560x128xi32>
    %convert_element_type3A_76 = arith.sitofp %convert_element_type3A_75 : vector<2560x128xi32> to vector<2560x128xf32>
    %get3A_77 = arith.constant 0 : index
    %get3A_78 = arith.constant 0 : index
    %get3A_79 = arith.constant 0 : index
    %get3A_80 = vector.load %arg3[%get3A_77, %get3A_78, %get3A_79] : memref<1x1x2560xi32, #tpu.memory_space<vmem>>, vector<1x1x2560xi32>
    %get3A_81 = vector.shape_cast %get3A_80 : vector<1x1x2560xi32> to vector<2560xi32>
    %reshape3A_82 = vector.shape_cast %get3A_81 : vector<2560xi32> to vector<2560x1xi32>
    %eq3A_83 = vector.broadcast %reshape3A_82 : vector<2560x1xi32> to vector<2560x128xi32>
    %eq3A_84 = arith.cmpi eq, %iota3A_68, %eq3A_83 : vector<2560x128xi32>
    %convert_element_type3A_85 = arith.extui %eq3A_84 : vector<2560x128xi1> to vector<2560x128xi32>
    %convert_element_type3A_86 = arith.sitofp %convert_element_type3A_85 : vector<2560x128xi32> to vector<2560x128xf32>
    %get3A_87 = arith.constant 0 : index
    %get3A_88 = arith.constant 0 : index
    %get3A_89 = vector.load %arg6[%get3A_87, %get3A_88] : memref<128x128xf32, #tpu.memory_space<vmem>>, vector<128x128xf32>
    %dot_general3A_90 = arith.constant dense<0.000000e+00> : vector<2560x128xf32>
    %dot_general3A_91 = tpu.matmul %convert_element_type3A_76, %get3A_89, %dot_general3A_90 {dimension_numbers = #tpu.dot_dimension_numbers<[1], [0], [0], [1], [0, 0, 1, 1], [], []>, transpose_lhs_hint = false} : vector<2560x128xf32>, vector<128x128xf32>, vector<2560x128xf32> -> vector<2560x128xf32>
    %add3A_92 = arith.addf %dot_general3A_67, %dot_general3A_91 : vector<2560x128xf32>
    %get3A_93 = arith.constant 0 : index
    %get3A_94 = arith.constant 0 : index
    %get3A_95 = vector.load %arg7[%get3A_93, %get3A_94] : memref<128x128xf32, #tpu.memory_space<vmem>>, vector<128x128xf32>
    %dot_general3A_96 = arith.constant dense<0.000000e+00> : vector<2560x128xf32>
    %dot_general3A_97 = tpu.matmul %convert_element_type3A_86, %get3A_95, %dot_general3A_96 {dimension_numbers = #tpu.dot_dimension_numbers<[1], [0], [0], [1], [0, 0, 1, 1], [], []>, transpose_lhs_hint = false} : vector<2560x128xf32>, vector<128x128xf32>, vector<2560x128xf32> -> vector<2560x128xf32>
    %add3A_98 = arith.addf %add3A_92, %dot_general3A_97 : vector<2560x128xf32>
    %get3A_99 = arith.constant 0 : index
    %get3A_100 = arith.constant 0 : index
    %get3A_101 = vector.load %arg9[%get3A_99, %get3A_100] : memref<1x128xf32, #tpu.memory_space<vmem>>, vector<1x128xf32>
    %add3A_102 = vector.broadcast %get3A_101 : vector<1x128xf32> to vector<2560x128xf32>
    %add3A_103 = arith.addf %add3A_98, %add3A_102 : vector<2560x128xf32>
    %logistic3A_104 = arith.negf %add3A_103 : vector<2560x128xf32>
    %logistic3A_105 = math.exp %logistic3A_104 : vector<2560x128xf32>
    %logistic3A_106 = arith.constant 1.000000e+00 : f32
    %logistic3A_107 = vector.broadcast %logistic3A_106 : f32 to vector<2560x128xf32>
    %logistic3A_108 = arith.addf %logistic3A_107, %logistic3A_105 : vector<2560x128xf32>
    %logistic3A_109 = arith.divf %logistic3A_107, %logistic3A_108 : vector<2560x128xf32>
    %mul3A_110 = arith.mulf %add3A_103, %logistic3A_109 : vector<2560x128xf32>
    %get3A_111 = arith.constant 0 : index
    %get3A_112 = arith.constant 0 : index
    %get3A_113 = vector.load %arg10[%get3A_111, %get3A_112] : memref<128x128xf32, #tpu.memory_space<vmem>>, vector<128x128xf32>
    %dot_general3A_114 = arith.constant dense<0.000000e+00> : vector<2560x128xf32>
    %dot_general3A_115 = tpu.matmul %mul3A_110, %get3A_113, %dot_general3A_114 {dimension_numbers = #tpu.dot_dimension_numbers<[1], [0], [0], [1], [0, 0, 1, 1], [], []>, transpose_lhs_hint = false} : vector<2560x128xf32>, vector<128x128xf32>, vector<2560x128xf32> -> vector<2560x128xf32>
    %get3A_116 = arith.constant 0 : index
    %get3A_117 = arith.constant 0 : index
    %get3A_118 = vector.load %arg11[%get3A_116, %get3A_117] : memref<1x128xf32, #tpu.memory_space<vmem>>, vector<1x128xf32>
    %add3A_119 = vector.broadcast %get3A_118 : vector<1x128xf32> to vector<2560x128xf32>
    %add3A_120 = arith.addf %dot_general3A_115, %add3A_119 : vector<2560x128xf32>
    %swap3A = arith.constant 0 : index
    %swap3A_121 = arith.constant 0 : index
    %swap3A_122 = vector.load %arg12[%swap3A, %swap3A_121] : memref<2560x128xf32, #tpu.memory_space<vmem>>, vector<2560x128xf32>
    tpu.vector_store %arg12[%swap3A, %swap3A_121], %add3A_120 {strides = array<i32>} : memref<2560x128xf32, #tpu.memory_space<vmem>>, vector<2560x128xf32>,
    return
  }
  func.func @transform_0(%arg0: i32) -> (i32, i32, i32) {
    %c0_i32 = arith.constant 0 : i32
    %c0_i32_0 = arith.constant 0 : i32
    %c0_i32_1 = arith.constant 0 : i32
    return %arg0, %c0_i32, %c0_i32_0 : i32, i32, i32
  }
  func.func @transform_1(%arg0: i32) -> (i32, i32, i32) {
    %c0_i32 = arith.constant 0 : i32
    %c0_i32_0 = arith.constant 0 : i32
    %c0_i32_1 = arith.constant 0 : i32
    return %arg0, %c0_i32, %c0_i32_0 : i32, i32, i32
  }
  func.func @transform_2(%arg0: i32) -> (i32, i32, i32) {
    %c0_i32 = arith.constant 0 : i32
    %c0_i32_0 = arith.constant 0 : i32
    %c0_i32_1 = arith.constant 0 : i32
    return %arg0, %c0_i32, %c0_i32_0 : i32, i32, i32
  }
  func.func @transform_3(%arg0: i32) -> (i32, i32) {
    %c0_i32 = arith.constant 0 : i32
    %c0_i32_0 = arith.constant 0 : i32
    %c0_i32_1 = arith.constant 0 : i32
    return %c0_i32, %c0_i32_0 : i32, i32
  }
  func.func @transform_4(%arg0: i32) -> (i32, i32) {
    %c0_i32 = arith.constant 0 : i32
    %c0_i32_0 = arith.constant 0 : i32
    %c0_i32_1 = arith.constant 0 : i32
    return %c0_i32, %c0_i32_0 : i32, i32
  }
  func.func @transform_5(%arg0: i32) -> (i32, i32) {
    %c0_i32 = arith.constant 0 : i32
    %c0_i32_0 = arith.constant 0 : i32
    %c0_i32_1 = arith.constant 0 : i32
    return %c0_i32, %c0_i32_0 : i32, i32
  }
  func.func @transform_6(%arg0: i32) -> (i32, i32) {
    %c0_i32 = arith.constant 0 : i32
    %c0_i32_0 = arith.constant 0 : i32
    %c0_i32_1 = arith.constant 0 : i32
    return %c0_i32, %c0_i32_0 : i32, i32
  }
  func.func @transform_7(%arg0: i32) -> (i32, i32) {
    %c0_i32 = arith.constant 0 : i32
    %c0_i32_0 = arith.constant 0 : i32
    %c0_i32_1 = arith.constant 0 : i32
    return %c0_i32, %c0_i32_0 : i32, i32
  }
  func.func @transform_8(%arg0: i32) -> (i32, i32) {
    %c0_i32 = arith.constant 0 : i32
    %c0_i32_0 = arith.constant 0 : i32
    %c0_i32_1 = arith.constant 0 : i32
    return %c0_i32, %c0_i32_0 : i32, i32
  }
  func.func @transform_9(%arg0: i32) -> (i32, i32) {
    %c0_i32 = arith.constant 0 : i32
    %c0_i32_0 = arith.constant 0 : i32
    %c0_i32_1 = arith.constant 0 : i32
    return %c0_i32, %c0_i32_0 : i32, i32
  }
  func.func @transform_10(%arg0: i32) -> (i32, i32) {
    %c0_i32 = arith.constant 0 : i32
    %c0_i32_0 = arith.constant 0 : i32
    %c0_i32_1 = arith.constant 0 : i32
    return %c0_i32, %c0_i32_0 : i32, i32
  }
  func.func @transform_11(%arg0: i32) -> (i32, i32) {
    %c0_i32 = arith.constant 0 : i32
    %c0_i32_0 = arith.constant 0 : i32
    return %arg0, %c0_i32 : i32, i32
  }
}

module attributes {stable_mosaic.version = 14 : i64} {
  func.func @k(%arg0: i32, %arg1: memref<1x1x2560xf32, #tpu.memory_space<vmem>>, %arg2: memref<1x1x2560xi32, #tpu.memory_space<vmem>>, %arg3: memref<1x1x2560xi32, #tpu.memory_space<vmem>>, %arg4: memref<24x128xf32, #tpu.memory_space<vmem>>, %arg5: memref<1x128xf32, #tpu.memory_space<vmem>>, %arg6: memref<128x128xf32, #tpu.memory_space<vmem>>, %arg7: memref<128x128xf32, #tpu.memory_space<vmem>>, %arg8: memref<128x128xf32, #tpu.memory_space<vmem>>, %arg9: memref<1x128xf32, #tpu.memory_space<vmem>>, %arg10: memref<128x128xf32, #tpu.memory_space<vmem>>, %arg11: memref<1x128xf32, #tpu.memory_space<vmem>>, %arg12: memref<2560x128xf32, #tpu.memory_space<vmem>>) attributes {dimension_semantics = [#tpu.dimension_semantics<arbitrary>], iteration_bounds = array<i64: 32>, scalar_prefetch = 0 : i64, scratch_operands = 0 : i64, tpu.core_type = #tpu.core_type<tc>, window_params = [{transform_indices = @transform_0, window_bounds = array<i64: 1, 1, 2560>}, {transform_indices = @transform_1, window_bounds = array<i64: 1, 1, 2560>}, {transform_indices = @transform_2, window_bounds = array<i64: 1, 1, 2560>}, {pipeline_mode = #tpu.pipeline_mode<synchronous>, transform_indices = @transform_3, window_bounds = array<i64: 24, 128>}, {pipeline_mode = #tpu.pipeline_mode<synchronous>, transform_indices = @transform_4, window_bounds = array<i64: 1, 128>}, {pipeline_mode = #tpu.pipeline_mode<synchronous>, transform_indices = @transform_5, window_bounds = array<i64: 128, 128>}, {pipeline_mode = #tpu.pipeline_mode<synchronous>, transform_indices = @transform_6, window_bounds = array<i64: 128, 128>}, {pipeline_mode = #tpu.pipeline_mode<synchronous>, transform_indices = @transform_7, window_bounds = array<i64: 128, 128>}, {pipeline_mode = #tpu.pipeline_mode<synchronous>, transform_indices = @transform_8, window_bounds = array<i64: 1, 128>}, {pipeline_mode = #tpu.pipeline_mode<synchronous>, transform_indices = @transform_9, window_bounds = array<i64: 128, 128>}, {pipeline_mode = #tpu.pipeline_mode<synchronous>, transform_indices = @transform_10, window_bounds = array<i64: 1, 128>}, {transform_indices = @transform_11, window_bounds = array<i64: 2560, 128>}]} {
    %get3A = arith.constant 0 : index
    %get3A_0 = arith.constant 0 : index
    %get3A_1 = arith.constant 0 : index
    %get3A_2 = vector.load %arg1[%get3A, %get3A_0, %get3A_1] : memref<1x1x2560xf32, #tpu.memory_space<vmem>>, vector<1x1x2560xf32>
    %get3A_3 = vector.shape_cast %get3A_2 : vector<1x1x2560xf32> to vector<1x2560xf32>
    %iota3A = tpu.iota {dimensions = array<i32: 0>} : vector<24x2560xi32>
    %convert_element_type3A = arith.sitofp %iota3A : vector<24x2560xi32> to vector<24x2560xf32>
    %add3A = arith.constant 1.000000e+00 : f32
    %add3A_4 = vector.broadcast %add3A : f32 to vector<24x2560xf32>
    %add3A_5 = arith.addf %convert_element_type3A, %add3A_4 : vector<24x2560xf32>
    %mul3A = arith.constant 0.628318548 : f32
    %mul3A_6 = vector.broadcast %mul3A : f32 to vector<1x2560xf32>
    %mul3A_7 = arith.mulf %mul3A_6, %get3A_3 : vector<1x2560xf32>
    %mul3A_8 = vector.broadcast %mul3A_7 : vector<1x2560xf32> to vector<24x2560xf32>
    %mul3A_9 = arith.mulf %add3A_5, %mul3A_8 : vector<24x2560xf32>
    %mul3A_10 = arith.constant 0.159154937 : f32
    %mul3A_11 = vector.broadcast %mul3A_10 : f32 to vector<24x2560xf32>
    %mul3A_12 = arith.mulf %mul3A_9, %mul3A_11 : vector<24x2560xf32>
    %round3A = math.roundeven %mul3A_12 : vector<24x2560xf32>
    %mul3A_13 = arith.constant 6.28318548 : f32
    %mul3A_14 = vector.broadcast %mul3A_13 : f32 to vector<24x2560xf32>
    %mul3A_15 = arith.mulf %round3A, %mul3A_14 : vector<24x2560xf32>
    %sub3A = arith.subf %mul3A_9, %mul3A_15 : vector<24x2560xf32>
    %mul3A_16 = arith.constant -1.74845553E-7 : f32
    %mul3A_17 = vector.broadcast %mul3A_16 : f32 to vector<24x2560xf32>
    %mul3A_18 = arith.mulf %round3A, %mul3A_17 : vector<24x2560xf32>
    %sub3A_19 = arith.subf %sub3A, %mul3A_18 : vector<24x2560xf32>
    %mul3A_20 = arith.mulf %sub3A_19, %sub3A_19 : vector<24x2560xf32>
    %mul3A_21 = arith.constant -2.0697799E-8 : f32
    %mul3A_22 = vector.broadcast %mul3A_21 : f32 to vector<24x2560xf32>
    %mul3A_23 = arith.mulf %mul3A_22, %mul3A_20 : vector<24x2560xf32>
    %add3A_24 = arith.constant 2.70882288E-6 : f32
    %add3A_25 = vector.broadcast %add3A_24 : f32 to vector<24x2560xf32>
    %add3A_26 = arith.addf %mul3A_23, %add3A_25 : vector<24x2560xf32>
    %mul3A_27 = arith.mulf %add3A_26, %mul3A_20 : vector<24x2560xf32>
    %add3A_28 = arith.constant -1.98176233E-4 : f32
    %add3A_29 = vector.broadcast %add3A_28 : f32 to vector<24x2560xf32>
    %add3A_30 = arith.addf %mul3A_27, %add3A_29 : vector<24x2560xf32>
    %mul3A_31 = arith.mulf %add3A_30, %mul3A_20 : vector<24x2560xf32>
    %add3A_32 = arith.constant 0.0083327908 : f32
    %add3A_33 = vector.broadcast %add3A_32 : f32 to vector<24x2560xf32>
    %add3A_34 = arith.addf %mul3A_31, %add3A_33 : vector<24x2560xf32>
    %mul3A_35 = arith.mulf %add3A_34, %mul3A_20 : vector<24x2560xf32>
    %add3A_36 = arith.constant -0.16666621 : f32
    %add3A_37 = vector.broadcast %add3A_36 : f32 to vector<24x2560xf32>
    %add3A_38 = arith.addf %mul3A_35, %add3A_37 : vector<24x2560xf32>
    %mul3A_39 = arith.mulf %add3A_38, %mul3A_20 : vector<24x2560xf32>
    %add3A_40 = arith.constant 0.99999994 : f32
    %add3A_41 = vector.broadcast %add3A_40 : f32 to vector<24x2560xf32>
    %add3A_42 = arith.addf %mul3A_39, %add3A_41 : vector<24x2560xf32>
    %mul3A_43 = arith.mulf %sub3A_19, %add3A_42 : vector<24x2560xf32>
    %sqrt3A = arith.constant 4.000000e-01 : f32
    %sqrt3A_44 = math.sqrt %sqrt3A : f32
    %div3A = vector.broadcast %sqrt3A_44 : f32 to vector<1x2560xf32>
    %div3A_45 = arith.divf %div3A, %get3A_3 : vector<1x2560xf32>
    %mul3A_46 = vector.broadcast %div3A_45 : vector<1x2560xf32> to vector<24x2560xf32>
    %mul3A_47 = arith.mulf %mul3A_46, %mul3A_43 : vector<24x2560xf32>
    %get3A_48 = arith.constant 0 : index
    %get3A_49 = arith.constant 0 : index
    %get3A_50 = vector.load %arg4[%get3A_48, %get3A_49] : memref<24x128xf32, #tpu.memory_space<vmem>>, vector<24x128xf32>
    %dot_general3A = arith.constant dense<0.000000e+00> : vector<2560x128xf32>
    %dot_general3A_51 = tpu.matmul %mul3A_47, %get3A_50, %dot_general3A {dimension_numbers = #tpu.dot_dimension_numbers<[0], [0], [1], [1], [0, 1, 1, 1], [], []>, transpose_lhs_hint = false} : vector<24x2560xf32>, vector<24x128xf32>, vector<2560x128xf32> -> vector<2560x128xf32>
    %get3A_52 = arith.constant 0 : index
    %get3A_53 = arith.constant 0 : index
    %get3A_54 = vector.load %arg5[%get3A_52, %get3A_53] : memref<1x128xf32, #tpu.memory_space<vmem>>, vector<1x128xf32>
    %add3A_55 = vector.broadcast %get3A_54 : vector<1x128xf32> to vector<2560x128xf32>
    %add3A_56 = arith.addf %dot_general3A_51, %add3A_55 : vector<2560x128xf32>
    %logistic3A = arith.negf %add3A_56 : vector<2560x128xf32>
    %logistic3A_57 = math.exp %logistic3A : vector<2560x128xf32>
    %logistic3A_58 = arith.constant 1.000000e+00 : f32
    %logistic3A_59 = vector.broadcast %logistic3A_58 : f32 to vector<2560x128xf32>
    %logistic3A_60 = arith.addf %logistic3A_59, %logistic3A_57 : vector<2560x128xf32>
    %logistic3A_61 = arith.divf %logistic3A_59, %logistic3A_60 : vector<2560x128xf32>
    %mul3A_62 = arith.mulf %add3A_56, %logistic3A_61 : vector<2560x128xf32>
    %get3A_63 = arith.constant 0 : index
    %get3A_64 = arith.constant 0 : index
    %get3A_65 = vector.load %arg8[%get3A_63, %get3A_64] : memref<128x128xf32, #tpu.memory_space<vmem>>, vector<128x128xf32>
    %dot_general3A_66 = arith.constant dense<0.000000e+00> : vector<2560x128xf32>
    %dot_general3A_67 = tpu.matmul %mul3A_62, %get3A_65, %dot_general3A_66 {dimension_numbers = #tpu.dot_dimension_numbers<[1], [0], [0], [1], [0, 0, 1, 1], [], []>, transpose_lhs_hint = false} : vector<2560x128xf32>, vector<128x128xf32>, vector<2560x128xf32> -> vector<2560x128xf32>
    %iota3A_68 = tpu.iota {dimensions = array<i32: 1>} : vector<2560x128xi32>
    %get3A_69 = arith.constant 0 : index
    %get3A_70 = arith.constant 0 : index
    %get3A_71 = arith.constant 0 : index
    %get3A_72 = vector.load %arg2[%get3A_69, %get3A_70, %get3A_71] : memref<1x1x2560xi32, #tpu.memory_space<vmem>>, vector<1x1x2560xi32>
    %get3A_73 = vector.shape_cast %get3A_72 : vector<1x1x2560xi32> to vector<2560xi32>
    %reshape3A = vector.shape_cast %get3A_73 : vector<2560xi32> to vector<2560x1xi32>
    %eq3A = vector.broadcast %reshape3A : vector<2560x1xi32> to vector<2560x128xi32>
    %eq3A_74 = arith.cmpi eq, %iota3A_68, %eq3A : vector<2560x128xi32>
    %convert_element_type3A_75 = arith.extui %eq3A_74 : vector<2560x128xi1> to vector<2560x128xi32>
    %convert_element_type3A_76 = arith.sitofp %convert_element_type3A_75 : vector<2560x128xi32> to vector<2560x128xf32>
    %get3A_77 = arith.constant 0 : index
    %get3A_78 = arith.constant 0 : index
    %get3A_79 = arith.constant 0 : index
    %get3A_80 = vector.load %arg3[%get3A_77, %get3A_78, %get3A_79] : memref<1x1x2560xi32, #tpu.memory_space<vmem>>, vector<1x1x2560xi32>
    %get3A_81 = vector.shape_cast %get3A_80 : vector<1x1x2560xi32> to vector<2560xi32>
    %reshape3A_82 = vector.shape_cast %get3A_81 : vector<2560xi32> to vector<2560x1xi32>
    %eq3A_83 = vector.broadcast %reshape3A_82 : vector<2560x1xi32> to vector<2560x128xi32>
    %eq3A_84 = arith.cmpi eq, %iota3A_68, %eq3A_83 : vector<2560x128xi32>
    %convert_element_type3A_85 = arith.extui %eq3A_84 : vector<2560x128xi1> to vector<2560x128xi32>
    %convert_element_type3A_86 = arith.sitofp %convert_element_type3A_85 : vector<2560x128xi32> to vector<2560x128xf32>
    %get3A_87 = arith.constant 0 : index
    %get3A_88 = arith.constant 0 : index
    %get3A_89 = vector.load %arg6[%get3A_87, %get3A_88] : memref<128x128xf32, #tpu.memory_space<vmem>>, vector<128x128xf32>
    %dot_general3A_90 = arith.constant dense<0.000000e+00> : vector<2560x128xf32>
    %dot_general3A_91 = tpu.matmul %convert_element_type3A_76, %get3A_89, %dot_general3A_90 {dimension_numbers = #tpu.dot_dimension_numbers<[1], [0], [0], [1], [0, 0, 1, 1], [], []>, transpose_lhs_hint = false} : vector<2560x128xf32>, vector<128x128xf32>, vector<2560x128xf32> -> vector<2560x128xf32>
    %add3A_92 = arith.addf %dot_general3A_67, %dot_general3A_91 : vector<2560x128xf32>
    %get3A_93 = arith.constant 0 : index
    %get3A_94 = arith.constant 0 : index
    %get3A_95 = vector.load %arg7[%get3A_93, %get3A_94] : memref<128x128xf32, #tpu.memory_space<vmem>>, vector<128x128xf32>
    %dot_general3A_96 = arith.constant dense<0.000000e+00> : vector<2560x128xf32>
    %dot_general3A_97 = tpu.matmul %convert_element_type3A_86, %get3A_95, %dot_general3A_96 {dimension_numbers = #tpu.dot_dimension_numbers<[1], [0], [0], [1], [0, 0, 1, 1], [], []>, transpose_lhs_hint = false} : vector<2560x128xf32>, vector<128x128xf32>, vector<2560x128xf32> -> vector<2560x128xf32>
    %add3A_98 = arith.addf %add3A_92, %dot_general3A_97 : vector<2560x128xf32>
    %get3A_99 = arith.constant 0 : index
    %get3A_100 = arith.constant 0 : index
    %get3A_101 = vector.load %arg9[%get3A_99, %get3A_100] : memref<1x128xf32, #tpu.memory_space<vmem>>, vector<1x128xf32>
    %add3A_102 = vector.broadcast %get3A_101 : vector<1x128xf32> to vector<2560x128xf32>
    %add3A_103 = arith.addf %add3A_98, %add3A_102 : vector<2560x128xf32>
    %logistic3A_104 = arith.negf %add3A_103 : vector<2560x128xf32>
    %logistic3A_105 = math.exp %logistic3A_104 : vector<2560x128xf32>
    %logistic3A_106 = arith.constant 1.000000e+00 : f32
    %logistic3A_107 = vector.broadcast %logistic3A_106 : f32 to vector<2560x128xf32>
    %logistic3A_108 = arith.addf %logistic3A_107, %logistic3A_105 : vector<2560x128xf32>
    %logistic3A_109 = arith.divf %logistic3A_107, %logistic3A_108 : vector<2560x128xf32>
    %mul3A_110 = arith.mulf %add3A_103, %logistic3A_109 : vector<2560x128xf32>
    %get3A_111 = arith.constant 0 : index
    %get3A_112 = arith.constant 0 : index
    %get3A_113 = vector.load %arg10[%get3A_111, %get3A_112] : memref<128x128xf32, #tpu.memory_space<vmem>>, vector<128x128xf32>
    %dot_general3A_114 = arith.constant dense<0.000000e+00> : vector<2560x128xf32>
    %dot_general3A_115 = tpu.matmul %mul3A_110, %get3A_113, %dot_general3A_114 {dimension_numbers = #tpu.dot_dimension_numbers<[1], [0], [0], [1], [0, 0, 1, 1], [], []>, transpose_lhs_hint = false} : vector<2560x128xf32>, vector<128x128xf32>, vector<2560x128xf32> -> vector<2560x128xf32>
    %get3A_116 = arith.constant 0 : index
    %get3A_117 = arith.constant 0 : index
    %get3A_118 = vector.load %arg11[%get3A_116, %get3A_117] : memref<1x128xf32, #tpu.memory_space<vmem>>, vector<1x128xf32>
    %add3A_119 = vector.broadcast %get3A_118 : vector<1x128xf32> to vector<2560x128xf32>
    %add3A_120 = arith.addf %dot_general3A_115, %add3A_119 : vector<2560x128xf32>
    %swap3A = arith.constant 0 : index
    %swap3A_121 = arith.constant 0 : index
    %swap3A_122 = vector.load %arg12[%swap3A, %swap3A_121] : memref<2560x128xf32, #tpu.memory_space<vmem>>, vector<2560x128xf32>
    tpu.vector_store %arg12[%swap3A, %swap3A_121], %add3A_120 {strides = array<i32>} : memref<2560x128xf32, #tpu.memory_space<vmem>>, vector<2560x128xf32>,
    return
  }
  func.func @transform_0(%arg0: i32) -> (i32, i32, i32) {
    %c0_i32 = arith.constant 0 : i32
    %c0_i32_0 = arith.constant 0 : i32
    %c0_i32_1 = arith.constant 0 : i32
    return %arg0, %c0_i32, %c0_i32_0 : i32, i32, i32
  }
  func.func @transform_1(%arg0: i32) -> (i32, i32, i32) {
    %c0_i32 = arith.constant 0 : i32
    %c0_i32_0 = arith.constant 0 : i32
    %c0_i32_1 = arith.constant 0 : i32
    return %arg0, %c0_i32, %c0_i32_0 : i32, i32, i32
  }
  func.func @transform_2(%arg0: i32) -> (i32, i32, i32) {
    %c0_i32 = arith.constant 0 : i32
    %c0_i32_0 = arith.constant 0 : i32
    %c0_i32_1 = arith.constant 0 : i32
    return %arg0, %c0_i32, %c0_i32_0 : i32, i32, i32
  }
  func.func @transform_3(%arg0: i32) -> (i32, i32) {
    %c0_i32 = arith.constant 0 : i32
    %c0_i32_0 = arith.constant 0 : i32
    %c0_i32_1 = arith.constant 0 : i32
    return %c0_i32, %c0_i32_0 : i32, i32
  }
  func.func @transform_4(%arg0: i32) -> (i32, i32) {
    %c0_i32 = arith.constant 0 : i32
    %c0_i32_0 = arith.constant 0 : i32
    %c0_i32_1 = arith.constant 0 : i32
    return %c0_i32, %c0_i32_0 : i32, i32
  }
  func.func @transform_5(%arg0: i32) -> (i32, i32) {
    %c0_i32 = arith.constant 0 : i32
    %c0_i32_0 = arith.constant 0 : i32
    %c0_i32_1 = arith.constant 0 : i32
    return %c0_i32, %c0_i32_0 : i32, i32
  }
  func.func @transform_6(%arg0: i32) -> (i32, i32) {
    %c0_i32 = arith.constant 0 : i32
    %c0_i32_0 = arith.constant 0 : i32
    %c0_i32_1 = arith.constant 0 : i32
    return %c0_i32, %c0_i32_0 : i32, i32
  }
  func.func @transform_7(%arg0: i32) -> (i32, i32) {
    %c0_i32 = arith.constant 0 : i32
    %c0_i32_0 = arith.constant 0 : i32
    %c0_i32_1 = arith.constant 0 : i32
    return %c0_i32, %c0_i32_0 : i32, i32
  }
  func.func @transform_8(%arg0: i32) -> (i32, i32) {
    %c0_i32 = arith.constant 0 : i32
    %c0_i32_0 = arith.constant 0 : i32
    %c0_i32_1 = arith.constant 0 : i32
    return %c0_i32, %c0_i32_0 : i32, i32
  }
  func.func @transform_9(%arg0: i32) -> (i32, i32) {
    %c0_i32 = arith.constant 0 : i32
    %c0_i32_0 = arith.constant 0 : i32
    %c0_i32_1 = arith.constant 0 : i32
    return %c0_i32, %c0_i32_0 : i32, i32
  }
  func.func @transform_10(%arg0: i32) -> (i32, i32) {
    %c0_i32 = arith.constant 0 : i32
    %c0_i32_0 = arith.constant 0 : i32
    %c0_i32_1 = arith.constant 0 : i32
    return %c0_i32, %c0_i32_0 : i32, i32
  }
  func.func @transform_11(%arg0: i32) -> (i32, i32) {
    %c0_i32 = arith.constant 0 : i32
    %c0_i32_0 = arith.constant 0 : i32
    return %arg0, %c0_i32 : i32, i32
  }
}

module attributes {stable_mosaic.version = 14 : i64} {
  func.func @k(%arg0: i32, %arg1: memref<1x1x2560xf32, #tpu.memory_space<vmem>>, %arg2: memref<1x1x2560xi32, #tpu.memory_space<vmem>>, %arg3: memref<1x1x2560xi32, #tpu.memory_space<vmem>>, %arg4: memref<24x128xf32, #tpu.memory_space<vmem>>, %arg5: memref<1x128xf32, #tpu.memory_space<vmem>>, %arg6: memref<128x128xf32, #tpu.memory_space<vmem>>, %arg7: memref<128x128xf32, #tpu.memory_space<vmem>>, %arg8: memref<128x128xf32, #tpu.memory_space<vmem>>, %arg9: memref<1x128xf32, #tpu.memory_space<vmem>>, %arg10: memref<128x128xf32, #tpu.memory_space<vmem>>, %arg11: memref<1x128xf32, #tpu.memory_space<vmem>>, %arg12: memref<2560x128xf32, #tpu.memory_space<vmem>>) attributes {dimension_semantics = [#tpu.dimension_semantics<arbitrary>], iteration_bounds = array<i64: 13>, scalar_prefetch = 0 : i64, scratch_operands = 0 : i64, tpu.core_type = #tpu.core_type<tc>, window_params = [{transform_indices = @transform_0, window_bounds = array<i64: 1, 1, 2560>}, {transform_indices = @transform_1, window_bounds = array<i64: 1, 1, 2560>}, {transform_indices = @transform_2, window_bounds = array<i64: 1, 1, 2560>}, {pipeline_mode = #tpu.pipeline_mode<synchronous>, transform_indices = @transform_3, window_bounds = array<i64: 24, 128>}, {pipeline_mode = #tpu.pipeline_mode<synchronous>, transform_indices = @transform_4, window_bounds = array<i64: 1, 128>}, {pipeline_mode = #tpu.pipeline_mode<synchronous>, transform_indices = @transform_5, window_bounds = array<i64: 128, 128>}, {pipeline_mode = #tpu.pipeline_mode<synchronous>, transform_indices = @transform_6, window_bounds = array<i64: 128, 128>}, {pipeline_mode = #tpu.pipeline_mode<synchronous>, transform_indices = @transform_7, window_bounds = array<i64: 128, 128>}, {pipeline_mode = #tpu.pipeline_mode<synchronous>, transform_indices = @transform_8, window_bounds = array<i64: 1, 128>}, {pipeline_mode = #tpu.pipeline_mode<synchronous>, transform_indices = @transform_9, window_bounds = array<i64: 128, 128>}, {pipeline_mode = #tpu.pipeline_mode<synchronous>, transform_indices = @transform_10, window_bounds = array<i64: 1, 128>}, {transform_indices = @transform_11, window_bounds = array<i64: 2560, 128>}]} {
    %get3A = arith.constant 0 : index
    %get3A_0 = arith.constant 0 : index
    %get3A_1 = arith.constant 0 : index
    %get3A_2 = vector.load %arg1[%get3A, %get3A_0, %get3A_1] : memref<1x1x2560xf32, #tpu.memory_space<vmem>>, vector<1x1x2560xf32>
    %get3A_3 = vector.shape_cast %get3A_2 : vector<1x1x2560xf32> to vector<1x2560xf32>
    %iota3A = tpu.iota {dimensions = array<i32: 0>} : vector<24x2560xi32>
    %convert_element_type3A = arith.sitofp %iota3A : vector<24x2560xi32> to vector<24x2560xf32>
    %add3A = arith.constant 1.000000e+00 : f32
    %add3A_4 = vector.broadcast %add3A : f32 to vector<24x2560xf32>
    %add3A_5 = arith.addf %convert_element_type3A, %add3A_4 : vector<24x2560xf32>
    %mul3A = arith.constant 0.628318548 : f32
    %mul3A_6 = vector.broadcast %mul3A : f32 to vector<1x2560xf32>
    %mul3A_7 = arith.mulf %mul3A_6, %get3A_3 : vector<1x2560xf32>
    %mul3A_8 = vector.broadcast %mul3A_7 : vector<1x2560xf32> to vector<24x2560xf32>
    %mul3A_9 = arith.mulf %add3A_5, %mul3A_8 : vector<24x2560xf32>
    %mul3A_10 = arith.constant 0.159154937 : f32
    %mul3A_11 = vector.broadcast %mul3A_10 : f32 to vector<24x2560xf32>
    %mul3A_12 = arith.mulf %mul3A_9, %mul3A_11 : vector<24x2560xf32>
    %round3A = math.roundeven %mul3A_12 : vector<24x2560xf32>
    %mul3A_13 = arith.constant 6.28318548 : f32
    %mul3A_14 = vector.broadcast %mul3A_13 : f32 to vector<24x2560xf32>
    %mul3A_15 = arith.mulf %round3A, %mul3A_14 : vector<24x2560xf32>
    %sub3A = arith.subf %mul3A_9, %mul3A_15 : vector<24x2560xf32>
    %mul3A_16 = arith.constant -1.74845553E-7 : f32
    %mul3A_17 = vector.broadcast %mul3A_16 : f32 to vector<24x2560xf32>
    %mul3A_18 = arith.mulf %round3A, %mul3A_17 : vector<24x2560xf32>
    %sub3A_19 = arith.subf %sub3A, %mul3A_18 : vector<24x2560xf32>
    %mul3A_20 = arith.mulf %sub3A_19, %sub3A_19 : vector<24x2560xf32>
    %mul3A_21 = arith.constant -2.0697799E-8 : f32
    %mul3A_22 = vector.broadcast %mul3A_21 : f32 to vector<24x2560xf32>
    %mul3A_23 = arith.mulf %mul3A_22, %mul3A_20 : vector<24x2560xf32>
    %add3A_24 = arith.constant 2.70882288E-6 : f32
    %add3A_25 = vector.broadcast %add3A_24 : f32 to vector<24x2560xf32>
    %add3A_26 = arith.addf %mul3A_23, %add3A_25 : vector<24x2560xf32>
    %mul3A_27 = arith.mulf %add3A_26, %mul3A_20 : vector<24x2560xf32>
    %add3A_28 = arith.constant -1.98176233E-4 : f32
    %add3A_29 = vector.broadcast %add3A_28 : f32 to vector<24x2560xf32>
    %add3A_30 = arith.addf %mul3A_27, %add3A_29 : vector<24x2560xf32>
    %mul3A_31 = arith.mulf %add3A_30, %mul3A_20 : vector<24x2560xf32>
    %add3A_32 = arith.constant 0.0083327908 : f32
    %add3A_33 = vector.broadcast %add3A_32 : f32 to vector<24x2560xf32>
    %add3A_34 = arith.addf %mul3A_31, %add3A_33 : vector<24x2560xf32>
    %mul3A_35 = arith.mulf %add3A_34, %mul3A_20 : vector<24x2560xf32>
    %add3A_36 = arith.constant -0.16666621 : f32
    %add3A_37 = vector.broadcast %add3A_36 : f32 to vector<24x2560xf32>
    %add3A_38 = arith.addf %mul3A_35, %add3A_37 : vector<24x2560xf32>
    %mul3A_39 = arith.mulf %add3A_38, %mul3A_20 : vector<24x2560xf32>
    %add3A_40 = arith.constant 0.99999994 : f32
    %add3A_41 = vector.broadcast %add3A_40 : f32 to vector<24x2560xf32>
    %add3A_42 = arith.addf %mul3A_39, %add3A_41 : vector<24x2560xf32>
    %mul3A_43 = arith.mulf %sub3A_19, %add3A_42 : vector<24x2560xf32>
    %sqrt3A = arith.constant 4.000000e-01 : f32
    %sqrt3A_44 = math.sqrt %sqrt3A : f32
    %div3A = vector.broadcast %sqrt3A_44 : f32 to vector<1x2560xf32>
    %div3A_45 = arith.divf %div3A, %get3A_3 : vector<1x2560xf32>
    %mul3A_46 = vector.broadcast %div3A_45 : vector<1x2560xf32> to vector<24x2560xf32>
    %mul3A_47 = arith.mulf %mul3A_46, %mul3A_43 : vector<24x2560xf32>
    %get3A_48 = arith.constant 0 : index
    %get3A_49 = arith.constant 0 : index
    %get3A_50 = vector.load %arg4[%get3A_48, %get3A_49] : memref<24x128xf32, #tpu.memory_space<vmem>>, vector<24x128xf32>
    %dot_general3A = arith.constant dense<0.000000e+00> : vector<2560x128xf32>
    %dot_general3A_51 = tpu.matmul %mul3A_47, %get3A_50, %dot_general3A {dimension_numbers = #tpu.dot_dimension_numbers<[0], [0], [1], [1], [0, 1, 1, 1], [], []>, transpose_lhs_hint = false} : vector<24x2560xf32>, vector<24x128xf32>, vector<2560x128xf32> -> vector<2560x128xf32>
    %get3A_52 = arith.constant 0 : index
    %get3A_53 = arith.constant 0 : index
    %get3A_54 = vector.load %arg5[%get3A_52, %get3A_53] : memref<1x128xf32, #tpu.memory_space<vmem>>, vector<1x128xf32>
    %add3A_55 = vector.broadcast %get3A_54 : vector<1x128xf32> to vector<2560x128xf32>
    %add3A_56 = arith.addf %dot_general3A_51, %add3A_55 : vector<2560x128xf32>
    %logistic3A = arith.negf %add3A_56 : vector<2560x128xf32>
    %logistic3A_57 = math.exp %logistic3A : vector<2560x128xf32>
    %logistic3A_58 = arith.constant 1.000000e+00 : f32
    %logistic3A_59 = vector.broadcast %logistic3A_58 : f32 to vector<2560x128xf32>
    %logistic3A_60 = arith.addf %logistic3A_59, %logistic3A_57 : vector<2560x128xf32>
    %logistic3A_61 = arith.divf %logistic3A_59, %logistic3A_60 : vector<2560x128xf32>
    %mul3A_62 = arith.mulf %add3A_56, %logistic3A_61 : vector<2560x128xf32>
    %get3A_63 = arith.constant 0 : index
    %get3A_64 = arith.constant 0 : index
    %get3A_65 = vector.load %arg8[%get3A_63, %get3A_64] : memref<128x128xf32, #tpu.memory_space<vmem>>, vector<128x128xf32>
    %dot_general3A_66 = arith.constant dense<0.000000e+00> : vector<2560x128xf32>
    %dot_general3A_67 = tpu.matmul %mul3A_62, %get3A_65, %dot_general3A_66 {dimension_numbers = #tpu.dot_dimension_numbers<[1], [0], [0], [1], [0, 0, 1, 1], [], []>, transpose_lhs_hint = false} : vector<2560x128xf32>, vector<128x128xf32>, vector<2560x128xf32> -> vector<2560x128xf32>
    %iota3A_68 = tpu.iota {dimensions = array<i32: 1>} : vector<2560x128xi32>
    %get3A_69 = arith.constant 0 : index
    %get3A_70 = arith.constant 0 : index
    %get3A_71 = arith.constant 0 : index
    %get3A_72 = vector.load %arg2[%get3A_69, %get3A_70, %get3A_71] : memref<1x1x2560xi32, #tpu.memory_space<vmem>>, vector<1x1x2560xi32>
    %get3A_73 = vector.shape_cast %get3A_72 : vector<1x1x2560xi32> to vector<2560xi32>
    %reshape3A = vector.shape_cast %get3A_73 : vector<2560xi32> to vector<2560x1xi32>
    %eq3A = vector.broadcast %reshape3A : vector<2560x1xi32> to vector<2560x128xi32>
    %eq3A_74 = arith.cmpi eq, %iota3A_68, %eq3A : vector<2560x128xi32>
    %convert_element_type3A_75 = arith.extui %eq3A_74 : vector<2560x128xi1> to vector<2560x128xi32>
    %convert_element_type3A_76 = arith.sitofp %convert_element_type3A_75 : vector<2560x128xi32> to vector<2560x128xf32>
    %get3A_77 = arith.constant 0 : index
    %get3A_78 = arith.constant 0 : index
    %get3A_79 = arith.constant 0 : index
    %get3A_80 = vector.load %arg3[%get3A_77, %get3A_78, %get3A_79] : memref<1x1x2560xi32, #tpu.memory_space<vmem>>, vector<1x1x2560xi32>
    %get3A_81 = vector.shape_cast %get3A_80 : vector<1x1x2560xi32> to vector<2560xi32>
    %reshape3A_82 = vector.shape_cast %get3A_81 : vector<2560xi32> to vector<2560x1xi32>
    %eq3A_83 = vector.broadcast %reshape3A_82 : vector<2560x1xi32> to vector<2560x128xi32>
    %eq3A_84 = arith.cmpi eq, %iota3A_68, %eq3A_83 : vector<2560x128xi32>
    %convert_element_type3A_85 = arith.extui %eq3A_84 : vector<2560x128xi1> to vector<2560x128xi32>
    %convert_element_type3A_86 = arith.sitofp %convert_element_type3A_85 : vector<2560x128xi32> to vector<2560x128xf32>
    %get3A_87 = arith.constant 0 : index
    %get3A_88 = arith.constant 0 : index
    %get3A_89 = vector.load %arg6[%get3A_87, %get3A_88] : memref<128x128xf32, #tpu.memory_space<vmem>>, vector<128x128xf32>
    %dot_general3A_90 = arith.constant dense<0.000000e+00> : vector<2560x128xf32>
    %dot_general3A_91 = tpu.matmul %convert_element_type3A_76, %get3A_89, %dot_general3A_90 {dimension_numbers = #tpu.dot_dimension_numbers<[1], [0], [0], [1], [0, 0, 1, 1], [], []>, transpose_lhs_hint = false} : vector<2560x128xf32>, vector<128x128xf32>, vector<2560x128xf32> -> vector<2560x128xf32>
    %add3A_92 = arith.addf %dot_general3A_67, %dot_general3A_91 : vector<2560x128xf32>
    %get3A_93 = arith.constant 0 : index
    %get3A_94 = arith.constant 0 : index
    %get3A_95 = vector.load %arg7[%get3A_93, %get3A_94] : memref<128x128xf32, #tpu.memory_space<vmem>>, vector<128x128xf32>
    %dot_general3A_96 = arith.constant dense<0.000000e+00> : vector<2560x128xf32>
    %dot_general3A_97 = tpu.matmul %convert_element_type3A_86, %get3A_95, %dot_general3A_96 {dimension_numbers = #tpu.dot_dimension_numbers<[1], [0], [0], [1], [0, 0, 1, 1], [], []>, transpose_lhs_hint = false} : vector<2560x128xf32>, vector<128x128xf32>, vector<2560x128xf32> -> vector<2560x128xf32>
    %add3A_98 = arith.addf %add3A_92, %dot_general3A_97 : vector<2560x128xf32>
    %get3A_99 = arith.constant 0 : index
    %get3A_100 = arith.constant 0 : index
    %get3A_101 = vector.load %arg9[%get3A_99, %get3A_100] : memref<1x128xf32, #tpu.memory_space<vmem>>, vector<1x128xf32>
    %add3A_102 = vector.broadcast %get3A_101 : vector<1x128xf32> to vector<2560x128xf32>
    %add3A_103 = arith.addf %add3A_98, %add3A_102 : vector<2560x128xf32>
    %logistic3A_104 = arith.negf %add3A_103 : vector<2560x128xf32>
    %logistic3A_105 = math.exp %logistic3A_104 : vector<2560x128xf32>
    %logistic3A_106 = arith.constant 1.000000e+00 : f32
    %logistic3A_107 = vector.broadcast %logistic3A_106 : f32 to vector<2560x128xf32>
    %logistic3A_108 = arith.addf %logistic3A_107, %logistic3A_105 : vector<2560x128xf32>
    %logistic3A_109 = arith.divf %logistic3A_107, %logistic3A_108 : vector<2560x128xf32>
    %mul3A_110 = arith.mulf %add3A_103, %logistic3A_109 : vector<2560x128xf32>
    %get3A_111 = arith.constant 0 : index
    %get3A_112 = arith.constant 0 : index
    %get3A_113 = vector.load %arg10[%get3A_111, %get3A_112] : memref<128x128xf32, #tpu.memory_space<vmem>>, vector<128x128xf32>
    %dot_general3A_114 = arith.constant dense<0.000000e+00> : vector<2560x128xf32>
    %dot_general3A_115 = tpu.matmul %mul3A_110, %get3A_113, %dot_general3A_114 {dimension_numbers = #tpu.dot_dimension_numbers<[1], [0], [0], [1], [0, 0, 1, 1], [], []>, transpose_lhs_hint = false} : vector<2560x128xf32>, vector<128x128xf32>, vector<2560x128xf32> -> vector<2560x128xf32>
    %get3A_116 = arith.constant 0 : index
    %get3A_117 = arith.constant 0 : index
    %get3A_118 = vector.load %arg11[%get3A_116, %get3A_117] : memref<1x128xf32, #tpu.memory_space<vmem>>, vector<1x128xf32>
    %add3A_119 = vector.broadcast %get3A_118 : vector<1x128xf32> to vector<2560x128xf32>
    %add3A_120 = arith.addf %dot_general3A_115, %add3A_119 : vector<2560x128xf32>
    %swap3A = arith.constant 0 : index
    %swap3A_121 = arith.constant 0 : index
    %swap3A_122 = vector.load %arg12[%swap3A, %swap3A_121] : memref<2560x128xf32, #tpu.memory_space<vmem>>, vector<2560x128xf32>
    tpu.vector_store %arg12[%swap3A, %swap3A_121], %add3A_120 {strides = array<i32>} : memref<2560x128xf32, #tpu.memory_space<vmem>>, vector<2560x128xf32>,
    return
  }
  func.func @transform_0(%arg0: i32) -> (i32, i32, i32) {
    %c0_i32 = arith.constant 0 : i32
    %c0_i32_0 = arith.constant 0 : i32
    %c0_i32_1 = arith.constant 0 : i32
    return %arg0, %c0_i32, %c0_i32_0 : i32, i32, i32
  }
  func.func @transform_1(%arg0: i32) -> (i32, i32, i32) {
    %c0_i32 = arith.constant 0 : i32
    %c0_i32_0 = arith.constant 0 : i32
    %c0_i32_1 = arith.constant 0 : i32
    return %arg0, %c0_i32, %c0_i32_0 : i32, i32, i32
  }
  func.func @transform_2(%arg0: i32) -> (i32, i32, i32) {
    %c0_i32 = arith.constant 0 : i32
    %c0_i32_0 = arith.constant 0 : i32
    %c0_i32_1 = arith.constant 0 : i32
    return %arg0, %c0_i32, %c0_i32_0 : i32, i32, i32
  }
  func.func @transform_3(%arg0: i32) -> (i32, i32) {
    %c0_i32 = arith.constant 0 : i32
    %c0_i32_0 = arith.constant 0 : i32
    %c0_i32_1 = arith.constant 0 : i32
    return %c0_i32, %c0_i32_0 : i32, i32
  }
  func.func @transform_4(%arg0: i32) -> (i32, i32) {
    %c0_i32 = arith.constant 0 : i32
    %c0_i32_0 = arith.constant 0 : i32
    %c0_i32_1 = arith.constant 0 : i32
    return %c0_i32, %c0_i32_0 : i32, i32
  }
  func.func @transform_5(%arg0: i32) -> (i32, i32) {
    %c0_i32 = arith.constant 0 : i32
    %c0_i32_0 = arith.constant 0 : i32
    %c0_i32_1 = arith.constant 0 : i32
    return %c0_i32, %c0_i32_0 : i32, i32
  }
  func.func @transform_6(%arg0: i32) -> (i32, i32) {
    %c0_i32 = arith.constant 0 : i32
    %c0_i32_0 = arith.constant 0 : i32
    %c0_i32_1 = arith.constant 0 : i32
    return %c0_i32, %c0_i32_0 : i32, i32
  }
  func.func @transform_7(%arg0: i32) -> (i32, i32) {
    %c0_i32 = arith.constant 0 : i32
    %c0_i32_0 = arith.constant 0 : i32
    %c0_i32_1 = arith.constant 0 : i32
    return %c0_i32, %c0_i32_0 : i32, i32
  }
  func.func @transform_8(%arg0: i32) -> (i32, i32) {
    %c0_i32 = arith.constant 0 : i32
    %c0_i32_0 = arith.constant 0 : i32
    %c0_i32_1 = arith.constant 0 : i32
    return %c0_i32, %c0_i32_0 : i32, i32
  }
  func.func @transform_9(%arg0: i32) -> (i32, i32) {
    %c0_i32 = arith.constant 0 : i32
    %c0_i32_0 = arith.constant 0 : i32
    %c0_i32_1 = arith.constant 0 : i32
    return %c0_i32, %c0_i32_0 : i32, i32
  }
  func.func @transform_10(%arg0: i32) -> (i32, i32) {
    %c0_i32 = arith.constant 0 : i32
    %c0_i32_0 = arith.constant 0 : i32
    %c0_i32_1 = arith.constant 0 : i32
    return %c0_i32, %c0_i32_0 : i32, i32
  }
  func.func @transform_11(%arg0: i32) -> (i32, i32) {
    %c0_i32 = arith.constant 0 : i32
    %c0_i32_0 = arith.constant 0 : i32
    return %arg0, %c0_i32 : i32, i32
  }
}

module attributes {stable_mosaic.version = 14 : i64} {
  func.func @k(%arg0: i32, %arg1: memref<1000x128xf32, #tpu.memory_space<vmem>>, %arg2: memref<1000x128xf32, #tpu.memory_space<vmem>>, %arg3: memref<1000x128xf32, #tpu.memory_space<vmem>>) attributes {dimension_semantics = [#tpu.dimension_semantics<arbitrary>], iteration_bounds = array<i64: 10>, scalar_prefetch = 0 : i64, scratch_operands = 0 : i64, tpu.core_type = #tpu.core_type<tc>, window_params = [{transform_indices = @transform_0, window_bounds = array<i64: 1000, 128>}, {transform_indices = @transform_1, window_bounds = array<i64: 1000, 128>}, {transform_indices = @transform_2, window_bounds = array<i64: 1000, 128>}]} {
    %get3A = arith.constant 0 : index
    %get3A_0 = arith.constant 0 : index
    %get3A_1 = vector.load %arg1[%get3A, %get3A_0] : memref<1000x128xf32, #tpu.memory_space<vmem>>, vector<1000x128xf32>
    %get3A_2 = arith.constant 0 : index
    %get3A_3 = arith.constant 0 : index
    %get3A_4 = vector.load %arg2[%get3A_2, %get3A_3] : memref<1000x128xf32, #tpu.memory_space<vmem>>, vector<1000x128xf32>
    %add3A = arith.addf %get3A_1, %get3A_4 : vector<1000x128xf32>
    %swap3A = arith.constant 0 : index
    %swap3A_5 = arith.constant 0 : index
    %swap3A_6 = vector.load %arg3[%swap3A, %swap3A_5] : memref<1000x128xf32, #tpu.memory_space<vmem>>, vector<1000x128xf32>
    tpu.vector_store %arg3[%swap3A, %swap3A_5], %add3A {strides = array<i32>} : memref<1000x128xf32, #tpu.memory_space<vmem>>, vector<1000x128xf32>,
    return
  }
  func.func @transform_0(%arg0: i32) -> (i32, i32) {
    %c0_i32 = arith.constant 0 : i32
    %c0_i32_0 = arith.constant 0 : i32
    return %arg0, %c0_i32 : i32, i32
  }
  func.func @transform_1(%arg0: i32) -> (i32, i32) {
    %c0_i32 = arith.constant 0 : i32
    %c0_i32_0 = arith.constant 0 : i32
    return %arg0, %c0_i32 : i32, i32
  }
  func.func @transform_2(%arg0: i32) -> (i32, i32) {
    %c0_i32 = arith.constant 0 : i32
    %c0_i32_0 = arith.constant 0 : i32
    return %arg0, %c0_i32 : i32, i32
  }
}

</mosaic_0001>

<sc_bundles>
// kernel: kernel.16.cloned.1.call-start
scs
__scs_entry_jumppad:
0x0: {  	(pc) =	sbr.rel $0x88, $3  }
0x1: {  	(tag) =	ssettag $0x0;
	lr =	simm.s32 $0x1  }
0x2: {  	[smem:$0x3F8D] =	sst lr;
	_ =	strace $0xD0000000  }
0x3: {  	_ = 	snop  }
0x4: {  	_ = 	snop  }
0x5: {  	_ = 	snop  }
0x6: {  	_ = 	snop  }
0x7: {  	_ = 	snop  }
__scs_overlays_trampoline_lowered:
0x8: {  	[smem:$0x3F9C] =	sst s0  }
0x9: {  	[smem:$0x3F9D] =	sst s1  }
0xa: {  	[smem:$0x3F9E] =	sst s2  }
0xb: {  	[smem:$0x3F9F] =	sst s3  }
0xc: {  	[smem:$0x3FA0] =	sst s4  }
0xd: {  	[smem:$0x3FA1] =	sst s5  }
0xe: {  	[smem:$0x3FA2] =	sst s6  }
0xf: {  	[smem:$0x3FA3] =	sst s7  }
0x10: {  	[smem:$0x3FA4] =	sst s8  }
0x11: {  	[smem:$0x3FA5] =	sst s9;
	s0 =	simm.s32 @!p0 $0x0  }
0x12: {  	s1 =	sld [smem:$0x3F8B];
	s0 =	simm.s32 @p0 $0x1  }
0x13: {  	[smem:$0x3FA6] =	sst s0;
	s0 =	simm.s32 @!p1 $0x0  }
0x14: {  	s2 =	sld [smem:$0x3F8A];
	s0 =	simm.s32 @p1 $0x1  }
0x15: {  	[smem:$0x3FA7] =	sst s0;
	s0 =	simm.s32 @!p2 $0x0  }
0x16: {  	s3 =	sld [smem:$0x3FDB];
	s0 =	simm.s32 @p2 $0x1  }
0x17: {  	s4 =	simm.s32 $0x1BF5;
	[smem:$0x3FA9] =	sst s0  }
0x18: {  	s0 =	sld [smem:$0x3F8C];
	_ =	swait.ge [sflag:s4], $0x0  }
0x19: {  	s7 =	sld [smem:$0x3F8D]  }
0x1a: {  	s8 =	sadd.s32 $0xFFFFE003, lr  }
0x1b: {  	s9 =	sadd.s32 $0xFFFFFEF7, lr;
	s5 =	simm.s32 $0xFFFFFFFF;
	p2 =	slt.u32 s8, $0xFFFFF086  }
0x1c: {  	p1 =	slt.u32 s9, $0xF7A;
	s5 =	simm.s32 @!p2 $0x0  }
0x1d: {  	s5 =	simm.s32 @p1 $0x1;
	p0 =	seq.s32 s7, s2  }
0x1e: {  	s7 =	smul.u32 @!p0 $0xF7A, s2;
	p2 =	seq.s32 @!p0 s5, $0x0  }
0x1f: {  	s9 =	smul.u32 $0xF7A, s1;
	s8 =	simm.s32 @!p0 $0x1BF5;
	p2 =	por !p2, p0  }
0x20: {  	[sflag:s8] =	ssyncset.s32 @!p0 $0xFFFFF086;
	s6 =	sadd.s32 @!p0 s3, s7;
	s7 =	simm.s32 @!p0 $0x108  }
0x21: {  	s3 =	sadd.s32 s3, s9;
	s6 =	sadd.s32 @!p0 $0x88, s6;
	s7 =	simm.s32 @p2 $0x1082  }
0x22: {  	[simem:s7], [sflag:s8] =	dma.local @!p0 [hbm:s6], $0xF7A  }
0x23: {  	s9 =	sor.u32 $0xD0000000, s2;
	s6 =	simm.s32 $0x108;
	_ =	swait.ge @!p0 [sflag:s8], $0x0  }
0x24: {  	s3 =	sadd.s32 $0x88, s3;
	s6 =	simm.s32 @!p1 $0x1082;
	[sflag:s4] =	ssyncset.s32 $0xFFFFF086  }
0x25: {  	[simem:s6], [sflag:s4] =	dma.local [hbm:s3], $0xF7A  }
0x26: {  	[smem:$0x3F8D] =	sst s1;
	(tag) =	ssettag s2;
	_ =	strace s9  }
0x27: {  	s1 =	sld [smem:$0x3F9D]  }
0x28: {  	s2 =	sld [smem:$0x3F9E]  }
0x29: {  	s4 =	sld [smem:$0x3FA0]  }
0x2a: {  	p0 =	seq.s32 s5, $0x0;
	s5 =	sld [smem:$0x3FA1]  }
0x2b: {  	s6 =	sld [smem:$0x3FA2]  }
0x2c: {  	s7 =	sld [smem:$0x3FA3]  }
0x2d: {  	s3 =	simm.s32 $0x108;
	s8 =	sld [smem:$0x3FA4]  }
0x2e: {  	s3 =	simm.s32 @!p0 $0x1082;
	s9 =	sld [smem:$0x3FA5]  }
0x2f: {  	lr =	sadd.s32 s0, s3;
	s0 =	sld [smem:$0x3F9C]  }
0x30: {  	s3 =	sld [smem:$0x3F9F]  }
0x31: {  	[smem:$0x3FA8] =	sst s10  }
0x32: {  	s10 =	sld [smem:$0x3FA6];
	_ =	sdelay $0x3  }
0x33: {  	p0 =	seq.s32 s10, $0x1;
	s10 =	sld [smem:$0x3FA8];
	_ =	sdelay $0x3  }
0x34: {  	[smem:$0x3FA8] =	sst s10  }
0x35: {  	s10 =	sld [smem:$0x3FA7];
	_ =	sdelay $0x3  }
0x36: {  	p1 =	seq.s32 s10, $0x1;
	s10 =	sld [smem:$0x3FA8];
	_ =	sdelay $0x3  }
0x37: {  	[smem:$0x3FA8] =	sst s10  }
0x38: {  	s10 =	sld [smem:$0x3FA9]  }
0x39: {  	_ = 	snop;
	(pc) =	sbr.ind lr, $3  }
0x3a: {  	_ = 	snop  }
0x3b: {  	_ = 	snop  }
0x3c: {  	p2 =	seq.s32 s10, $0x1;
	s10 =	sld [smem:$0x3FA8]  }
0x3d: {  	_ =	shalt  }
0x3e: {  	_ =	shalt  }
0x3f: {  	_ =	shalt  }
0x40: {  	_ =	shalt  }
0x41: {  	_ =	shalt  }
0x42: {  	_ =	shalt  }
0x43: {  	_ =	shalt  }
0x44: {  	_ =	shalt  }
0x45: {  	_ =	shalt  }
0x46: {  	_ =	shalt  }
0x47: {  	_ =	shalt  }
0x48: {  	_ =	shalt  }
0x49: {  	_ =	shalt  }
0x4a: {  	_ =	shalt  }
0x4b: {  	_ =	shalt  }
0x4c: {  	_ =	shalt  }
0x4d: {  	_ =	shalt  }
0x4e: {  	_ =	shalt  }
0x4f: {  	_ =	shalt  }
0x50: {  	_ =	shalt  }
0x51: {  	_ =	shalt  }
0x52: {  	_ =	shalt  }
0x53: {  	_ =	shalt  }
0x54: {  	_ =	shalt  }
0x55: {  	_ =	shalt  }
0x56: {  	_ =	shalt  }
0x57: {  	_ =	shalt  }
0x58: {  	_ =	shalt  }
0x59: {  	_ =	shalt  }
0x5a: {  	_ =	shalt  }
0x5b: {  	_ =	shalt  }
0x5c: {  	_ =	shalt  }
0x5d: {  	_ =	shalt  }
0x5e: {  	_ =	shalt  }
0x5f: {  	_ =	shalt  }
0x60: {  	_ =	shalt  }
0x61: {  	_ =	shalt  }
0x62: {  	_ =	shalt  }
0x63: {  	_ =	shalt  }
0x64: {  	_ =	shalt  }
0x65: {  	_ =	shalt  }
0x66: {  	_ =	shalt  }
0x67: {  	_ =	shalt  }
0x68: {  	_ =	shalt  }
0x69: {  	_ =	shalt  }
0x6a: {  	_ =	shalt  }
0x6b: {  	_ =	shalt  }
0x6c: {  	_ =	shalt  }
0x6d: {  	_ =	shalt  }
0x6e: {  	_ =	shalt  }
0x6f: {  	_ =	shalt  }
0x70: {  	_ =	shalt  }
0x71: {  	_ =	shalt  }
0x72: {  	_ =	shalt  }
0x73: {  	_ =	shalt  }
0x74: {  	_ =	shalt  }
0x75: {  	_ =	shalt  }
0x76: {  	_ =	shalt  }
0x77: {  	_ =	shalt  }
0x78: {  	_ =	shalt  }
0x79: {  	_ =	shalt  }
0x7a: {  	_ =	shalt  }
0x7b: {  	_ =	shalt  }
0x7c: {  	_ =	shalt  }
0x7d: {  	_ =	shalt  }
0x7e: {  	_ =	shalt  }
0x7f: {  	_ =	shalt  }
0x80: {  	_ =	shalt  }
0x81: {  	_ =	shalt  }
0x82: {  	_ =	shalt  }
0x83: {  	_ =	shalt  }
0x84: {  	_ =	shalt  }
0x85: {  	_ =	shalt  }
0x86: {  	_ =	shalt  }
0x87: {  	_ =	shalt  }
.Lfunc_end0:
.L_simem_size_0:
called_computation_lowered:
.L_overlay_start_0:
0x88: {  	s2 =	sld [smem:$0x3FD9]  }
0x89: {  	s3 =	sld [smem:$0x3FFE];
	_ =	sdelay $0x1  }
0x8a: {  	s1 =	srdreg.scid  }
0x8b: {  	s0 =	sand.u32 $0x1, s1  }
0x8c: {  	s17 =	sshll.u32 s0, $0xA;
	s2 =	sadd.s32 s3, s2  }
0x8d: {  	s2 =	sadd.s32 s2, s17  }
0x8e: {  	[smem:$0x3FB4] =	sst s2  }
0x8f: {  	_ = 	snop  }
0x90: {  	s2 =	sld [smem:$0x3FC9];
	(tm) =	ssettm $0x1  }
0x91: {  	s18 =	sld [smem:$0x3FFB];
	_ =	sdelay $0x3  }
0x92: {  	_ =	strace s18  }
0x93: {  	s3 =	sld [smem:$0x3FFC];
	_ =	sdelay $0x3  }
0x94: {  	_ =	strace s3  }
0x95: {  	s3 =	sld [smem:$0x3FFD];
	_ =	sdelay $0x3  }
0x96: {  	_ =	strace s3  }
0x97: {  	_ =	strace $0x8FFFFFFF  }
0x98: {  	s19 =	sld [smem:$0x3FDB];
	_ =	sdelay $0x1  }
0x99: {  	s4 =	simm.s32 $_scs_section_size  }
0x9a: {  	s5 =	simm.s32 $_size__tile_overlayer_lowered;
	s6 =	simm.s32 $_tile_overlayer_lowered  }
0x9b: {  	s22 =	simm.s32 $0x1BFF;
	s21 =	sshll.u32 s6, $0x1;
	s3 =	sadd.s32 s4, s19  }
0x9c: {  	s7 =	simm.s32 $0x0;
	s20 =	sshll.u32 s5, $0x1;
	s5 =	sadd.s32 s21, s3  }
0x9d: {  	[timem:s7], [sflag:s22] =	dma.local [hbm:s5], s20  }
0x9e: {  	_ =	swait.ge [sflag:s22], s20  }
0x9f: {  	s4 =	ssub.s32 $0x0, s20;
	[sflag:s22] =	ssyncset.done $0x0  }
0xa0: {  	[sflag:s22] =	ssyncadd.s32 s4;
	_ =	sdelay $0x1  }
0xa1: {  	s23 =	simm.s32 $0x1B8B  }
0xa2: {  	_ =	swait.ge [sflag:s23], $0x1  }
0xa3: {  	[sflag:s23] =	ssyncset.done $0x0  }
0xa4: {  	s25 =	simm.s32 $0x1B8E;
	s24 =	sld [smem:$0x3FFE];
	[sflag:s23] =	ssyncadd.s32 $0xFFFFFFFF  }
0xa5: {  	s26 =	simm.s32 $execute0_lowered;
	[smem:$0x3FD2] =	sst s25  }
0xa6: {  	s5 =	sshll.u32 s26, $0x1;
	_ =	strace $0x80000046;
	[dreg:$0x1] =	wrdreg $0xFFFFFFFF  }
0xa7: {  	s28 =	simm.s32 $_size_execute0_lowered;
	s3 =	sadd.s32 s3, s5;
	[dreg:$0x0] =	wrdreg $0x0  }
0xa8: {  	s5 =	sshll.u32 s28, $0x1;
	[dreg:$0x2] =	wrdreg s3  }
0xa9: {  	[dreg:$0x3] =	wrdreg s5  }
0xaa: {  	[dreg:$0x4] =	wrdreg $0xC0  }
0xab: {  	_ =	task [dreg:s7], $0x5FFFF  }
0xac: {  	[dreg:$0x1] =	wrdreg $0xFFFFFFFF  }
0xad: {  	[dreg:$0x0] =	wrdreg $0x60  }
0xae: {  	[dreg:$0x2] =	wrdreg s2  }
0xaf: {  	[dreg:$0x3] =	wrdreg s24  }
0xb0: {  	[dreg:$0x4] =	wrdreg $0xA  }
0xb1: {  	_ =	task.clear_ibuf [dreg:s7], $0x5FFFF;
	_ =	strace $0x90000046  }
0xb2: {  	s29 =	simm.s32 $0xA;
	_ =	strace $0x80000048  }
0xb3: {  	_ =	swait.ge [sflag:s29], $0x1  }
0xb4: {  	[sflag:s29] =	ssyncadd.s32 $0xFFFFFFFF  }
0xb5: {  	_ =	strace $0x90000048  }
0xb6: {  	_ =	sfence  }
0xb7: {  	s30 =	sld [smem:$0x0];
	_ =	sdelay $0x2  }
0xb8: {  	s31 =	sshll.u32 s1, $0xD;
	s1 =	sshrl.u32 s1, $0x2  }
0xb9: {  	s3 =	sand.u32 $0x4000, s31;
	s1 =	sadd.s32 s1, s30  }
0xba: {  	s0 =	sor.u32 s3, s0;
	s1 =	sshll.u32 s1, $0x11  }
0xbb: {  	s0 =	sor.u32 s1, s0  }
0xbc: {  	s0 =	sadd.s32 $0x8F2B, s0  }
0xbd: {  	[sflag:s0] =	ssyncadd.remote.s32 $0x1  }
0xbe: {  	_ =	sfence.sel $0xFFFF  }
0xbf: {  	[dreg:$0x0] =	wrdreg $0xFFFFFFFF;
	(pc) =	sbr.abs _section_cstart, $3  }
0xc0: {  	[dreg:$0x1] =	wrdreg $0xFFFFFFFF  }
0xc1: {  	_ =	task.clear_ibuf [dreg:s7], $0x2FFFF;
	_ =	strace $0x9FFFFFFF  }
0xc2: {  	(tm) =	ssettm $0x7FFFFFFF  }
0xc3: {  	_ =	shalt  }
tec
execute0_lowered:
.L_overlay_start_1:
0x0: {  	(tag) =	ssettag $0x1  }
0x1: {  	s2 =	rddreg [dreg:$0x0];
	s1 =	srdreg.scid  }
0x2: {  	s0 =	stileid.u32;
	s4 =	rddreg [dreg:$0x1]  }
0x3: {  	s10 =	simm.s32 $0x2780;
	s5 =	sand.u32 $0x1, s1;
	s3 =	sshll.u32 s0, $0x1  }
0x4: {  	s11 =	simm.s32 $0x2C80;
	s1 =	rddreg [dreg:$0x2];
	s6 =	sor.u32 s5, s3  }
0x5: {  	s3 =	simm.s32 $0x0;
	s5 =	ssub.s32 $0x2, s5;
	s6 =	smul.u32 $0xA0, s6  }
0x6: {  	s12 =	simm.s32 $0x0;
	[smem:$0x7FF] =	sst s3;
	s7 =	sshrl.u32 s5, $0x1  }
0x7: {  	_ =	strace $0x80000047;
	s9 =	ssub.s32 s5, s7;
	s8 =	sadd.s32 s6, s4  }
0x8: {  	s4 =	sadd.s32 $0x6C00, s8;
	s5 =	sadd.s32 $0x8000, s8;
	s6 =	sadd.s32 $0x5800, s8  }
0x9: {  	s7 =	sadd.s32 $0x9400, s8;
	s8 =	smax.u32 s9, $0x1;
	s9 =	simm.s32 $0x1  }
.LBB2_1:
0xa: {  	[tilespmem:s3], [sflag:$0x1] =	stream.linear.gather [hbm4b:s2+s3], $0x2780, $0x38;
	[tilespmem:$0x3180] =	vst v63  }
0xb: {  	_ =	swait.ge [sflag:s9], $0x2780  }
0xc: {  	[sflag:s9] =	ssyncset.done $0x0  }
0xd: {  	[sflag:s9] =	ssyncadd.s32 $0xFFFFD880  }
0xe: {  	[tilespmem:s10], [sflag:$0x1] =	stream.linear.gather [hbm4b:s4+s3], $0x500, $0x38;
	[tilespmem:$0x3180] =	vst v63  }
0xf: {  	_ =	swait.ge [sflag:s9], $0x500  }
0x10: {  	s13 =	simm.s32 $0xFFFFFFFC;
	[sflag:s9] =	ssyncset.done $0x0  }
0x11: {  	s14 =	simm.s32 $0x2CA0;
	s15 =	simm.s32 $0x27A0;
	[sflag:s9] =	ssyncadd.s32 $0xFFFFFB00  }
.LBB2_2:
0x12: {  	v0 =	vld [tilespmem:s15+$0xFFFFFFE0];
	_ =	sdelay $0x7  }
0x13: {  	v0 =	vld.idx.msk [tilespmem:v0+s3+$0x0], $0xffff;
	_ =	sdelay $0x4  }
0x14: {  	[tilespmem:s14+$0xFFFFFFE0] =	vst v0  }
0x15: {  	v0 =	vld [tilespmem:s15+$0xFFFFFFF0];
	_ =	sdelay $0x7  }
0x16: {  	v0 =	vld.idx.msk [tilespmem:v0+s3+$0x0], $0xffff;
	_ =	sdelay $0x4  }
0x17: {  	[tilespmem:s14+$0xFFFFFFF0] =	vst v0  }
0x18: {  	v0 =	vld [tilespmem:s15+$0x0];
	_ =	sdelay $0x7  }
0x19: {  	v0 =	vld.idx.msk [tilespmem:v0+s3+$0x0], $0xffff;
	_ =	sdelay $0x4  }
0x1a: {  	[tilespmem:s14+$0x0] =	vst v0  }
0x1b: {  	v0 =	vld [tilespmem:s15+$0x10];
	_ =	sdelay $0x6  }
0x1c: {  	s13 =	sadd.s32 $0x4, s13  }
0x1d: {  	p0 =	slt.u32 s13, $0x4C;
	v0 =	vld.idx.msk [tilespmem:v0+s3+$0x0], $0xffff  }
.Ltmp0:
0x1e: {  	_ = 	snop;
	(pc) =	sbr.rel @p0 .LBB2_2-.Ltmp0, $2  }
0x1f: {  	_ =	sdelay $0x2  }
0x20: {  	s15 =	sadd.s32 $0x40, s15;
	[tilespmem:s14+$0x10] =	vst v0;
	s14 =	sadd.s32 $0x40, s14  }
0x21: {  	[hbm4b:s5+s3] =	stream.linear.scatter [tilespmem:s11], [sflag:$0x1], $0x500, $0x38;
	[tilespmem:$0x3180] =	vst v63  }
0x22: {  	_ =	swait.ge [sflag:s9], $0x500  }
0x23: {  	[sflag:s9] =	ssyncset.done $0x0  }
0x24: {  	[sflag:s9] =	ssyncadd.s32 $0xFFFFFB00  }
0x25: {  	[tilespmem:s10], [sflag:$0x1] =	stream.linear.gather [hbm4b:s6+s3], $0x500, $0x38;
	[tilespmem:$0x3180] =	vst v63  }
0x26: {  	_ =	swait.ge [sflag:s9], $0x500  }
0x27: {  	s13 =	simm.s32 $0xFFFFFFFC;
	[sflag:s9] =	ssyncset.done $0x0  }
0x28: {  	s14 =	simm.s32 $0x2CA0;
	s15 =	simm.s32 $0x27A0;
	[sflag:s9] =	ssyncadd.s32 $0xFFFFFB00  }
.LBB2_4:
0x29: {  	v0 =	vld [tilespmem:s15+$0xFFFFFFE0];
	_ =	sdelay $0x7  }
0x2a: {  	v0 =	vld.idx.msk [tilespmem:v0+s3+$0x0], $0xffff;
	_ =	sdelay $0x4  }
0x2b: {  	[tilespmem:s14+$0xFFFFFFE0] =	vst v0  }
0x2c: {  	v0 =	vld [tilespmem:s15+$0xFFFFFFF0];
	_ =	sdelay $0x7  }
0x2d: {  	v0 =	vld.idx.msk [tilespmem:v0+s3+$0x0], $0xffff;
	_ =	sdelay $0x4  }
0x2e: {  	[tilespmem:s14+$0xFFFFFFF0] =	vst v0  }
0x2f: {  	v0 =	vld [tilespmem:s15+$0x0];
	_ =	sdelay $0x7  }
0x30: {  	v0 =	vld.idx.msk [tilespmem:v0+s3+$0x0], $0xffff;
	_ =	sdelay $0x4  }
0x31: {  	[tilespmem:s14+$0x0] =	vst v0  }
0x32: {  	v0 =	vld [tilespmem:s15+$0x10];
	_ =	sdelay $0x6  }
0x33: {  	s13 =	sadd.s32 $0x4, s13  }
0x34: {  	p0 =	slt.u32 s13, $0x4C;
	v0 =	vld.idx.msk [tilespmem:v0+s3+$0x0], $0xffff  }
.Ltmp1:
0x35: {  	_ = 	snop;
	(pc) =	sbr.rel @p0 .LBB2_4-.Ltmp1, $2  }
0x36: {  	_ =	sdelay $0x2  }
0x37: {  	s15 =	sadd.s32 $0x40, s15;
	[tilespmem:s14+$0x10] =	vst v0;
	s14 =	sadd.s32 $0x40, s14  }
0x38: {  	s12 =	sadd.s32 $0x1, s12  }
0x39: {  	p0 =	sne.s32 s12, s8  }
.Ltmp2:
0x3a: {  	_ = 	snop;
	(pc) =	sbr.rel @p0 .LBB2_1-.Ltmp2, $4  }
0x3b: {  	[hbm4b:s7+s3] =	stream.linear.scatter [tilespmem:s11], [sflag:$0x1], $0x500, $0x38;
	[tilespmem:$0x3180] =	vst v63  }
0x3c: {  	_ =	swait.ge [sflag:s9], $0x500  }
0x3d: {  	[sflag:s9] =	ssyncset.done $0x0  }
0x3e: {  	[sflag:s9] =	ssyncadd.s32 $0xFFFFFB00  }
0x3f: {  	_ =	sfence.sel $0x180000  }
0x40: {  	[bflag:$0x0] =	sbarrier.arrive $0xFFFF  }
0x41: {  	p0 =	sne.s32 s0, $0x0;
	_ =	strace $0x90000047  }
0x42: {  	s0 =	sadd.s32 @!p0 $0x100000, s1;
	[bflag:$0x2] =	sbarrier.arrive $0xFFFF  }
0x43: {  	[sflag:s0] =	ssyncadd.tile.s32 @!p0 $0x1;
	_ =	shalt  }
.Lfunc_end2:
_tile_overlayer_lowered:
.L_overlay_start_2:
0x44: {  	(tag) =	ssettag $0x2  }
0x45: {  	s0 =	rddreg [dreg:$0x0];
	s2 =	stileid.u32  }
0x46: {  	s1 =	rddreg [dreg:$0x1];
	p0 =	sne.s32 s2, $0x0  }
0x47: {  	s3 =	rddreg [dreg:$0x2];
	[bflag:$0x3] =	sbarrier.arrive $0xFFFF;
	s2 =	simm.s32 @!p0 $0x1C01  }
0x48: {  	[timem:s3], [sflag:s2] =	dma.local @!p0 [hbm:s0], s1  }
0x49: {  	s0 =	simm.s32 @!p0 $0x1  }
0x4a: {  	_ =	swait.ge @!p0 [sflag:s0], s1  }
0x4b: {  	s1 =	ssub.s32 @!p0 $0x0, s1;
	[sflag:s0] =	ssyncset.done @!p0 $0x0  }
0x4c: {  	[sflag:s0] =	ssyncadd.s32 @!p0 s1  }
0x4d: {  	[bflag:$0x3] =	sbarrier.arrive $0xFFFF  }
0x4e: {  	_ =	shalt  }

// kernel: kernel.19.cloned.1.call-start
scs
__scs_entry_jumppad:
0x0: {  	(pc) =	sbr.rel $0x88, $3  }
0x1: {  	(tag) =	ssettag $0x0;
	lr =	simm.s32 $0x1  }
0x2: {  	[smem:$0x3F8D] =	sst lr;
	_ =	strace $0xD0000000  }
0x3: {  	_ = 	snop  }
0x4: {  	_ = 	snop  }
0x5: {  	_ = 	snop  }
0x6: {  	_ = 	snop  }
0x7: {  	_ = 	snop  }
__scs_overlays_trampoline_lowered:
0x8: {  	[smem:$0x3F9C] =	sst s0  }
0x9: {  	[smem:$0x3F9D] =	sst s1  }
0xa: {  	[smem:$0x3F9E] =	sst s2  }
0xb: {  	[smem:$0x3F9F] =	sst s3  }
0xc: {  	[smem:$0x3FA0] =	sst s4  }
0xd: {  	[smem:$0x3FA1] =	sst s5  }
0xe: {  	[smem:$0x3FA2] =	sst s6  }
0xf: {  	[smem:$0x3FA3] =	sst s7  }
0x10: {  	[smem:$0x3FA4] =	sst s8  }
0x11: {  	[smem:$0x3FA5] =	sst s9;
	s0 =	simm.s32 @!p0 $0x0  }
0x12: {  	s1 =	sld [smem:$0x3F8B];
	s0 =	simm.s32 @p0 $0x1  }
0x13: {  	[smem:$0x3FA6] =	sst s0;
	s0 =	simm.s32 @!p1 $0x0  }
0x14: {  	s2 =	sld [smem:$0x3F8A];
	s0 =	simm.s32 @p1 $0x1  }
0x15: {  	[smem:$0x3FA7] =	sst s0;
	s0 =	simm.s32 @!p2 $0x0  }
0x16: {  	s3 =	sld [smem:$0x3FDB];
	s0 =	simm.s32 @p2 $0x1  }
0x17: {  	s4 =	simm.s32 $0x1BF5;
	[smem:$0x3FA9] =	sst s0  }
0x18: {  	s0 =	sld [smem:$0x3F8C];
	_ =	swait.ge [sflag:s4], $0x0  }
0x19: {  	s7 =	sld [smem:$0x3F8D]  }
0x1a: {  	s8 =	sadd.s32 $0xFFFFE003, lr  }
0x1b: {  	s9 =	sadd.s32 $0xFFFFFEF7, lr;
	s5 =	simm.s32 $0xFFFFFFFF;
	p2 =	slt.u32 s8, $0xFFFFF086  }
0x1c: {  	p1 =	slt.u32 s9, $0xF7A;
	s5 =	simm.s32 @!p2 $0x0  }
0x1d: {  	s5 =	simm.s32 @p1 $0x1;
	p0 =	seq.s32 s7, s2  }
0x1e: {  	s7 =	smul.u32 @!p0 $0xF7A, s2;
	p2 =	seq.s32 @!p0 s5, $0x0  }
0x1f: {  	s9 =	smul.u32 $0xF7A, s1;
	s8 =	simm.s32 @!p0 $0x1BF5;
	p2 =	por !p2, p0  }
0x20: {  	[sflag:s8] =	ssyncset.s32 @!p0 $0xFFFFF086;
	s6 =	sadd.s32 @!p0 s3, s7;
	s7 =	simm.s32 @!p0 $0x108  }
0x21: {  	s3 =	sadd.s32 s3, s9;
	s6 =	sadd.s32 @!p0 $0x88, s6;
	s7 =	simm.s32 @p2 $0x1082  }
0x22: {  	[simem:s7], [sflag:s8] =	dma.local @!p0 [hbm:s6], $0xF7A  }
0x23: {  	s9 =	sor.u32 $0xD0000000, s2;
	s6 =	simm.s32 $0x108;
	_ =	swait.ge @!p0 [sflag:s8], $0x0  }
0x24: {  	s3 =	sadd.s32 $0x88, s3;
	s6 =	simm.s32 @!p1 $0x1082;
	[sflag:s4] =	ssyncset.s32 $0xFFFFF086  }
0x25: {  	[simem:s6], [sflag:s4] =	dma.local [hbm:s3], $0xF7A  }
0x26: {  	[smem:$0x3F8D] =	sst s1;
	(tag) =	ssettag s2;
	_ =	strace s9  }
0x27: {  	s1 =	sld [smem:$0x3F9D]  }
0x28: {  	s2 =	sld [smem:$0x3F9E]  }
0x29: {  	s4 =	sld [smem:$0x3FA0]  }
0x2a: {  	p0 =	seq.s32 s5, $0x0;
	s5 =	sld [smem:$0x3FA1]  }
0x2b: {  	s6 =	sld [smem:$0x3FA2]  }
0x2c: {  	s7 =	sld [smem:$0x3FA3]  }
0x2d: {  	s3 =	simm.s32 $0x108;
	s8 =	sld [smem:$0x3FA4]  }
0x2e: {  	s3 =	simm.s32 @!p0 $0x1082;
	s9 =	sld [smem:$0x3FA5]  }
0x2f: {  	lr =	sadd.s32 s0, s3;
	s0 =	sld [smem:$0x3F9C]  }
0x30: {  	s3 =	sld [smem:$0x3F9F]  }
0x31: {  	[smem:$0x3FA8] =	sst s10  }
0x32: {  	s10 =	sld [smem:$0x3FA6];
	_ =	sdelay $0x3  }
0x33: {  	p0 =	seq.s32 s10, $0x1;
	s10 =	sld [smem:$0x3FA8];
	_ =	sdelay $0x3  }
0x34: {  	[smem:$0x3FA8] =	sst s10  }
0x35: {  	s10 =	sld [smem:$0x3FA7];
	_ =	sdelay $0x3  }
0x36: {  	p1 =	seq.s32 s10, $0x1;
	s10 =	sld [smem:$0x3FA8];
	_ =	sdelay $0x3  }
0x37: {  	[smem:$0x3FA8] =	sst s10  }
0x38: {  	s10 =	sld [smem:$0x3FA9]  }
0x39: {  	_ = 	snop;
	(pc) =	sbr.ind lr, $3  }
0x3a: {  	_ = 	snop  }
0x3b: {  	_ = 	snop  }
0x3c: {  	p2 =	seq.s32 s10, $0x1;
	s10 =	sld [smem:$0x3FA8]  }
0x3d: {  	_ =	shalt  }
0x3e: {  	_ =	shalt  }
0x3f: {  	_ =	shalt  }
0x40: {  	_ =	shalt  }
0x41: {  	_ =	shalt  }
0x42: {  	_ =	shalt  }
0x43: {  	_ =	shalt  }
0x44: {  	_ =	shalt  }
0x45: {  	_ =	shalt  }
0x46: {  	_ =	shalt  }
0x47: {  	_ =	shalt  }
0x48: {  	_ =	shalt  }
0x49: {  	_ =	shalt  }
0x4a: {  	_ =	shalt  }
0x4b: {  	_ =	shalt  }
0x4c: {  	_ =	shalt  }
0x4d: {  	_ =	shalt  }
0x4e: {  	_ =	shalt  }
0x4f: {  	_ =	shalt  }
0x50: {  	_ =	shalt  }
0x51: {  	_ =	shalt  }
0x52: {  	_ =	shalt  }
0x53: {  	_ =	shalt  }
0x54: {  	_ =	shalt  }
0x55: {  	_ =	shalt  }
0x56: {  	_ =	shalt  }
0x57: {  	_ =	shalt  }
0x58: {  	_ =	shalt  }
0x59: {  	_ =	shalt  }
0x5a: {  	_ =	shalt  }
0x5b: {  	_ =	shalt  }
0x5c: {  	_ =	shalt  }
0x5d: {  	_ =	shalt  }
0x5e: {  	_ =	shalt  }
0x5f: {  	_ =	shalt  }
0x60: {  	_ =	shalt  }
0x61: {  	_ =	shalt  }
0x62: {  	_ =	shalt  }
0x63: {  	_ =	shalt  }
0x64: {  	_ =	shalt  }
0x65: {  	_ =	shalt  }
0x66: {  	_ =	shalt  }
0x67: {  	_ =	shalt  }
0x68: {  	_ =	shalt  }
0x69: {  	_ =	shalt  }
0x6a: {  	_ =	shalt  }
0x6b: {  	_ =	shalt  }
0x6c: {  	_ =	shalt  }
0x6d: {  	_ =	shalt  }
0x6e: {  	_ =	shalt  }
0x6f: {  	_ =	shalt  }
0x70: {  	_ =	shalt  }
0x71: {  	_ =	shalt  }
0x72: {  	_ =	shalt  }
0x73: {  	_ =	shalt  }
0x74: {  	_ =	shalt  }
0x75: {  	_ =	shalt  }
0x76: {  	_ =	shalt  }
0x77: {  	_ =	shalt  }
0x78: {  	_ =	shalt  }
0x79: {  	_ =	shalt  }
0x7a: {  	_ =	shalt  }
0x7b: {  	_ =	shalt  }
0x7c: {  	_ =	shalt  }
0x7d: {  	_ =	shalt  }
0x7e: {  	_ =	shalt  }
0x7f: {  	_ =	shalt  }
0x80: {  	_ =	shalt  }
0x81: {  	_ =	shalt  }
0x82: {  	_ =	shalt  }
0x83: {  	_ =	shalt  }
0x84: {  	_ =	shalt  }
0x85: {  	_ =	shalt  }
0x86: {  	_ =	shalt  }
0x87: {  	_ =	shalt  }
.Lfunc_end0:
.L_simem_size_0:
called_computation.1_lowered:
.L_overlay_start_0:
0x88: {  	s2 =	sld [smem:$0x3FD9]  }
0x89: {  	s3 =	sld [smem:$0x3FFE];
	_ =	sdelay $0x1  }
0x8a: {  	s1 =	srdreg.scid  }
0x8b: {  	s0 =	sand.u32 $0x1, s1  }
0x8c: {  	s17 =	sshll.u32 s0, $0xA;
	s2 =	sadd.s32 s3, s2  }
0x8d: {  	s2 =	sadd.s32 s2, s17  }
0x8e: {  	[smem:$0x3FB4] =	sst s2  }
0x8f: {  	_ = 	snop  }
0x90: {  	s18 =	sld [smem:$0x3FC9];
	(tm) =	ssettm $0x1  }
0x91: {  	s19 =	sld [smem:$0x3FFB];
	_ =	sdelay $0x3  }
0x92: {  	_ =	strace s19  }
0x93: {  	s2 =	sld [smem:$0x3FFC];
	_ =	sdelay $0x3  }
0x94: {  	_ =	strace s2  }
0x95: {  	s2 =	sld [smem:$0x3FFD];
	_ =	sdelay $0x3  }
0x96: {  	_ =	strace s2  }
0x97: {  	_ =	strace $0x8FFFFFFF  }
0x98: {  	s20 =	sld [smem:$0x3FDB];
	_ =	sdelay $0x1  }
0x99: {  	s4 =	simm.s32 $_scs_section_size  }
0x9a: {  	s5 =	simm.s32 $_size__tile_overlayer_lowered;
	s6 =	simm.s32 $_tile_overlayer_lowered  }
0x9b: {  	s7 =	simm.s32 $0x1BFF;
	s21 =	sshll.u32 s6, $0x1;
	s4 =	sadd.s32 s4, s20  }
0x9c: {  	s22 =	simm.s32 $0x0;
	s5 =	sshll.u32 s5, $0x1;
	s6 =	sadd.s32 s21, s4  }
0x9d: {  	[timem:s22], [sflag:s7] =	dma.local [hbm:s6], s5  }
0x9e: {  	_ =	swait.ge [sflag:s7], s5  }
0x9f: {  	s5 =	ssub.s32 $0x0, s5;
	[sflag:s7] =	ssyncset.done $0x0  }
0xa0: {  	[sflag:s7] =	ssyncadd.s32 s5;
	_ =	sdelay $0x1  }
0xa1: {  	s23 =	simm.s32 $0x1B8B  }
0xa2: {  	_ =	swait.ge [sflag:s23], $0x1  }
0xa3: {  	[sflag:s23] =	ssyncset.done $0x0  }
0xa4: {  	[sflag:s23] =	ssyncadd.s32 $0xFFFFFFFF  }
0xa5: {  	s5 =	sld [smem:$0x0]  }
0xa6: {  	s6 =	sand.u32 $0xFFFFFFFE, s1  }
0xa7: {  	p0 =	sne.s32 s1, s6  }
0xa8: {  	s6 =	sshll.u32 @p0 s6, $0xE  }
0xa9: {  	s6 =	sadd.s32 @p0 $0x11B8D, s6;
	s7 =	sshll.u32 @p0 s5, $0x11  }
0xaa: {  	s6 =	sor.u32 @p0 s7, s6  }
0xab: {  	[sflag:s6] =	ssyncadd.remote.s32 @p0 $0x1;
	_ =	sdelay $0x1  }
0xac: {  	s6 =	simm.s32 @p0 $0x1B8D  }
0xad: {  	_ =	swait.eq @p0 [sflag:s6], $0x1  }
0xae: {  	[sflag:s6] =	ssyncadd.s32 @p0 $0xFFFFFFFF  }
0xaf: {  	s7 =	sshll.u32 @!p0 s1, $0xE  }
0xb0: {  	s7 =	sor.u32 @!p0 $0x4000, s7;
	s6 =	simm.s32 @!p0 $0x1B8D  }
0xb1: {  	s5 =	sshll.u32 @!p0 s5, $0x11;
	s7 =	sadd.s32 @!p0 $0x11B8D, s7;
	_ =	swait.eq @!p0 [sflag:s6], $0x1  }
0xb2: {  	s5 =	sor.u32 @!p0 s5, s7;
	[sflag:s6] =	ssyncadd.s32 @!p0 $0xFFFFFFFF  }
0xb3: {  	s25 =	simm.s32 $0x1B8E;
	s24 =	sld [smem:$0x3FFE];
	[sflag:s5] =	ssyncadd.remote.s32 @!p0 $0x1  }
0xb4: {  	s26 =	simm.s32 $execute0_lowered;
	[smem:$0x3FD2] =	sst s25  }
0xb5: {  	s6 =	sshll.u32 s26, $0x1;
	_ =	strace $0x80000049;
	[dreg:$0x1] =	wrdreg $0xFFFFFFFF  }
0xb6: {  	s28 =	simm.s32 $_size_execute0_lowered;
	s4 =	sadd.s32 s4, s6;
	[dreg:$0x0] =	wrdreg $0x0  }
0xb7: {  	s6 =	sshll.u32 s28, $0x1;
	[dreg:$0x2] =	wrdreg s4  }
0xb8: {  	[dreg:$0x3] =	wrdreg s6  }
0xb9: {  	[dreg:$0x4] =	wrdreg $0xC0  }
0xba: {  	_ =	task [dreg:s22], $0x5FFFF  }
0xbb: {  	[dreg:$0x1] =	wrdreg $0xFFFFFFFF  }
0xbc: {  	[dreg:$0x0] =	wrdreg $0x60  }
0xbd: {  	[dreg:$0x2] =	wrdreg s18  }
0xbe: {  	[dreg:$0x3] =	wrdreg s24  }
0xbf: {  	[dreg:$0x4] =	wrdreg $0x9  }
0xc0: {  	_ =	task.clear_ibuf [dreg:s22], $0x5FFFF;
	_ =	strace $0x90000049  }
0xc1: {  	s29 =	simm.s32 $0x9;
	_ =	strace $0x8000004B  }
0xc2: {  	_ =	swait.ge [sflag:s29], $0x1  }
0xc3: {  	[sflag:s29] =	ssyncadd.s32 $0xFFFFFFFF  }
0xc4: {  	_ =	strace $0x9000004B  }
0xc5: {  	_ =	sfence  }
0xc6: {  	s30 =	sld [smem:$0x0];
	_ =	sdelay $0x2  }
0xc7: {  	s31 =	sshll.u32 s1, $0xD;
	s1 =	sshrl.u32 s1, $0x2  }
0xc8: {  	s4 =	sand.u32 $0x4000, s31;
	s1 =	sadd.s32 s1, s30  }
0xc9: {  	s0 =	sor.u32 s4, s0;
	s1 =	sshll.u32 s1, $0x11  }
0xca: {  	s0 =	sor.u32 s1, s0  }
0xcb: {  	s0 =	sadd.s32 $0x8F2B, s0  }
0xcc: {  	[sflag:s0] =	ssyncadd.remote.s32 $0x1  }
0xcd: {  	_ =	sfence.sel $0xFFFF  }
0xce: {  	[dreg:$0x0] =	wrdreg $0xFFFFFFFF;
	(pc) =	sbr.abs _section_cstart, $3  }
0xcf: {  	[dreg:$0x1] =	wrdreg $0xFFFFFFFF  }
0xd0: {  	_ =	task.clear_ibuf [dreg:s22], $0x2FFFF;
	_ =	strace $0x9FFFFFFF  }
0xd1: {  	(tm) =	ssettm $0x7FFFFFFF  }
tec
execute0_lowered:
.L_overlay_start_1:
0x0: {  	(tag) =	ssettag $0x1  }
0x1: {  	s2 =	rddreg [dreg:$0x0];
	s1 =	srdreg.scid  }
0x2: {  	s0 =	stileid.u32;
	s4 =	rddreg [dreg:$0x1]  }
0x3: {  	s10 =	simm.s32 $0x2780;
	s5 =	sand.u32 $0x1, s1;
	s3 =	sshll.u32 s0, $0x1  }
0x4: {  	s11 =	simm.s32 $0x4A00;
	s1 =	rddreg [dreg:$0x2];
	s6 =	sor.u32 s5, s3  }
0x5: {  	s3 =	simm.s32 $0x0;
	s5 =	ssub.s32 $0x2, s5;
	s6 =	smul.u32 $0x442, s6  }
0x6: {  	s12 =	simm.s32 $0x0;
	[smem:$0x7FF] =	sst s3;
	s7 =	sshrl.u32 s5, $0x1  }
0x7: {  	_ =	strace $0x8000004A;
	s9 =	ssub.s32 s5, s7;
	s8 =	sadd.s32 s6, s4  }
0x8: {  	s4 =	sadd.s32 $0xA800, s8;
	s5 =	sadd.s32 $0x1BC00, s8;
	s6 =	sadd.s32 $0x13200, s8  }
0x9: {  	s7 =	sadd.s32 $0x24600, s8;
	s8 =	smax.u32 s9, $0x1;
	s9 =	simm.s32 $0x1  }
.LBB2_1:
0xa: {  	[tilespmem:s3], [sflag:$0x1] =	stream.linear.gather [hbm4b:s2+s3], $0x2780, $0x38;
	[tilespmem:$0x6C80] =	vst v63  }
0xb: {  	_ =	swait.ge [sflag:s9], $0x2780  }
0xc: {  	[sflag:s9] =	ssyncset.done $0x0  }
0xd: {  	[sflag:s9] =	ssyncadd.s32 $0xFFFFD880  }
0xe: {  	[tilespmem:s10], [sflag:$0x1] =	stream.linear.gather [hbm4b:s4+s3], $0x2210, $0x38;
	[tilespmem:$0x6C80] =	vst v63  }
0xf: {  	_ =	swait.ge [sflag:s9], $0x2210  }
0x10: {  	s13 =	simm.s32 $0xFFFFFFFC;
	[sflag:s9] =	ssyncset.done $0x0  }
0x11: {  	s14 =	simm.s32 $0x4A20;
	s15 =	simm.s32 $0x27A0;
	[sflag:s9] =	ssyncadd.s32 $0xFFFFDDF0  }
.LBB2_2:
0x12: {  	v0 =	vld [tilespmem:s15+$0xFFFFFFE0];
	_ =	sdelay $0x7  }
0x13: {  	v0 =	vld.idx.msk [tilespmem:v0+s3+$0x0], $0xffff;
	_ =	sdelay $0x4  }
0x14: {  	[tilespmem:s14+$0xFFFFFFE0] =	vst v0  }
0x15: {  	v0 =	vld [tilespmem:s15+$0xFFFFFFF0];
	_ =	sdelay $0x7  }
0x16: {  	v0 =	vld.idx.msk [tilespmem:v0+s3+$0x0], $0xffff;
	_ =	sdelay $0x4  }
0x17: {  	[tilespmem:s14+$0xFFFFFFF0] =	vst v0  }
0x18: {  	v0 =	vld [tilespmem:s15+$0x0];
	_ =	sdelay $0x7  }
0x19: {  	v0 =	vld.idx.msk [tilespmem:v0+s3+$0x0], $0xffff;
	_ =	sdelay $0x4  }
0x1a: {  	[tilespmem:s14+$0x0] =	vst v0  }
0x1b: {  	v0 =	vld [tilespmem:s15+$0x10];
	_ =	sdelay $0x6  }
0x1c: {  	s13 =	sadd.s32 $0x4, s13  }
0x1d: {  	p0 =	slt.u32 s13, $0x21C;
	v0 =	vld.idx.msk [tilespmem:v0+s3+$0x0], $0xffff  }
.Ltmp0:
0x1e: {  	_ = 	snop;
	(pc) =	sbr.rel @p0 .LBB2_2-.Ltmp0, $2  }
0x1f: {  	_ =	sdelay $0x2  }
0x20: {  	s15 =	sadd.s32 $0x40, s15;
	[tilespmem:s14+$0x10] =	vst v0;
	s14 =	sadd.s32 $0x40, s14  }
0x21: {  	v0 =	vld [tilespmem:$0x4980];
	_ =	sdelay $0x7  }
0x22: {  	v0 =	vld.idx.msk [tilespmem:v0+s3+$0x0], $0xffff;
	_ =	sdelay $0x4  }
0x23: {  	[tilespmem:$0x6C00] =	vst v0  }
0x24: {  	[hbm4b:s5+s3] =	stream.linear.scatter [tilespmem:s11], [sflag:$0x1], $0x2210, $0x38;
	[tilespmem:$0x6C80] =	vst v63  }
0x25: {  	_ =	swait.ge [sflag:s9], $0x2210  }
0x26: {  	[sflag:s9] =	ssyncset.done $0x0  }
0x27: {  	[sflag:s9] =	ssyncadd.s32 $0xFFFFDDF0  }
0x28: {  	[tilespmem:s10], [sflag:$0x1] =	stream.linear.gather [hbm4b:s6+s3], $0x2210, $0x38;
	[tilespmem:$0x6C80] =	vst v63  }
0x29: {  	_ =	swait.ge [sflag:s9], $0x2210  }
0x2a: {  	s13 =	simm.s32 $0xFFFFFFFC;
	[sflag:s9] =	ssyncset.done $0x0  }
0x2b: {  	s14 =	simm.s32 $0x4A20;
	s15 =	simm.s32 $0x27A0;
	[sflag:s9] =	ssyncadd.s32 $0xFFFFDDF0  }
.LBB2_4:
0x2c: {  	v0 =	vld [tilespmem:s15+$0xFFFFFFE0];
	_ =	sdelay $0x7  }
0x2d: {  	v0 =	vld.idx.msk [tilespmem:v0+s3+$0x0], $0xffff;
	_ =	sdelay $0x4  }
0x2e: {  	[tilespmem:s14+$0xFFFFFFE0] =	vst v0  }
0x2f: {  	v0 =	vld [tilespmem:s15+$0xFFFFFFF0];
	_ =	sdelay $0x7  }
0x30: {  	v0 =	vld.idx.msk [tilespmem:v0+s3+$0x0], $0xffff;
	_ =	sdelay $0x4  }
0x31: {  	[tilespmem:s14+$0xFFFFFFF0] =	vst v0  }
0x32: {  	v0 =	vld [tilespmem:s15+$0x0];
	_ =	sdelay $0x7  }
0x33: {  	v0 =	vld.idx.msk [tilespmem:v0+s3+$0x0], $0xffff;
	_ =	sdelay $0x4  }
0x34: {  	[tilespmem:s14+$0x0] =	vst v0  }
0x35: {  	v0 =	vld [tilespmem:s15+$0x10];
	_ =	sdelay $0x6  }
0x36: {  	s13 =	sadd.s32 $0x4, s13  }
0x37: {  	p0 =	slt.u32 s13, $0x21C;
	v0 =	vld.idx.msk [tilespmem:v0+s3+$0x0], $0xffff  }
.Ltmp1:
0x38: {  	_ = 	snop;
	(pc) =	sbr.rel @p0 .LBB2_4-.Ltmp1, $2  }
0x39: {  	_ =	sdelay $0x2  }
0x3a: {  	s15 =	sadd.s32 $0x40, s15;
	[tilespmem:s14+$0x10] =	vst v0;
	s14 =	sadd.s32 $0x40, s14  }
0x3b: {  	v0 =	vld [tilespmem:$0x4980];
	_ =	sdelay $0x7  }
0x3c: {  	v0 =	vld.idx.msk [tilespmem:v0+s3+$0x0], $0xffff;
	_ =	sdelay $0x2  }
0x3d: {  	s12 =	sadd.s32 $0x1, s12  }
0x3e: {  	p0 =	sne.s32 s12, s8  }
.Ltmp2:
0x3f: {  	[tilespmem:$0x6C00] =	vst v0;
	(pc) =	sbr.rel @p0 .LBB2_1-.Ltmp2, $4  }
0x40: {  	[hbm4b:s7+s3] =	stream.linear.scatter [tilespmem:s11], [sflag:$0x1], $0x2210, $0x38;
	[tilespmem:$0x6C80] =	vst v63  }
0x41: {  	_ =	swait.ge [sflag:s9], $0x2210  }
0x42: {  	[sflag:s9] =	ssyncset.done $0x0  }
0x43: {  	[sflag:s9] =	ssyncadd.s32 $0xFFFFDDF0  }
0x44: {  	_ =	sfence.sel $0x180000  }
0x45: {  	[bflag:$0x0] =	sbarrier.arrive $0xFFFF  }
0x46: {  	p0 =	sne.s32 s0, $0x0;
	_ =	strace $0x9000004A  }
0x47: {  	s0 =	sadd.s32 @!p0 $0x100000, s1;
	[bflag:$0x2] =	sbarrier.arrive $0xFFFF  }
0x48: {  	[sflag:s0] =	ssyncadd.tile.s32 @!p0 $0x1;
	_ =	shalt  }
.Lfunc_end2:
_tile_overlayer_lowered:
.L_overlay_start_2:
0x49: {  	(tag) =	ssettag $0x2  }
0x4a: {  	s0 =	rddreg [dreg:$0x0];
	s2 =	stileid.u32  }
0x4b: {  	s1 =	rddreg [dreg:$0x1];
	p0 =	sne.s32 s2, $0x0  }
0x4c: {  	s3 =	rddreg [dreg:$0x2];
	[bflag:$0x3] =	sbarrier.arrive $0xFFFF;
	s2 =	simm.s32 @!p0 $0x1C01  }
0x4d: {  	[timem:s3], [sflag:s2] =	dma.local @!p0 [hbm:s0], s1  }
0x4e: {  	s0 =	simm.s32 @!p0 $0x1  }
0x4f: {  	_ =	swait.ge @!p0 [sflag:s0], s1  }
0x50: {  	s1 =	ssub.s32 @!p0 $0x0, s1;
	[sflag:s0] =	ssyncset.done @!p0 $0x0  }
0x51: {  	[sflag:s0] =	ssyncadd.s32 @!p0 s1  }
0x52: {  	[bflag:$0x3] =	sbarrier.arrive $0xFFFF  }
0x53: {  	_ =	shalt  }

// kernel: kernel.22.cloned.1.call-start
scs
__scs_entry_jumppad:
0x0: {  	(pc) =	sbr.rel $0x88, $3  }
0x1: {  	(tag) =	ssettag $0x0;
	lr =	simm.s32 $0x1  }
0x2: {  	[smem:$0x3F8D] =	sst lr;
	_ =	strace $0xD0000000  }
0x3: {  	_ = 	snop  }
0x4: {  	_ = 	snop  }
0x5: {  	_ = 	snop  }
0x6: {  	_ = 	snop  }
0x7: {  	_ = 	snop  }
__scs_overlays_trampoline_lowered:
0x8: {  	[smem:$0x3F9C] =	sst s0  }
0x9: {  	[smem:$0x3F9D] =	sst s1  }
0xa: {  	[smem:$0x3F9E] =	sst s2  }
0xb: {  	[smem:$0x3F9F] =	sst s3  }
0xc: {  	[smem:$0x3FA0] =	sst s4  }
0xd: {  	[smem:$0x3FA1] =	sst s5  }
0xe: {  	[smem:$0x3FA2] =	sst s6  }
0xf: {  	[smem:$0x3FA3] =	sst s7  }
0x10: {  	[smem:$0x3FA4] =	sst s8  }
0x11: {  	[smem:$0x3FA5] =	sst s9;
	s0 =	simm.s32 @!p0 $0x0  }
0x12: {  	s1 =	sld [smem:$0x3F8B];
	s0 =	simm.s32 @p0 $0x1  }
0x13: {  	[smem:$0x3FA6] =	sst s0;
	s0 =	simm.s32 @!p1 $0x0  }
0x14: {  	s2 =	sld [smem:$0x3F8A];
	s0 =	simm.s32 @p1 $0x1  }
0x15: {  	[smem:$0x3FA7] =	sst s0;
	s0 =	simm.s32 @!p2 $0x0  }
0x16: {  	s3 =	sld [smem:$0x3FDB];
	s0 =	simm.s32 @p2 $0x1  }
0x17: {  	s4 =	simm.s32 $0x1BF5;
	[smem:$0x3FA9] =	sst s0  }
0x18: {  	s0 =	sld [smem:$0x3F8C];
	_ =	swait.ge [sflag:s4], $0x0  }
0x19: {  	s7 =	sld [smem:$0x3F8D]  }
0x1a: {  	s8 =	sadd.s32 $0xFFFFE003, lr  }
0x1b: {  	s9 =	sadd.s32 $0xFFFFFEF7, lr;
	s5 =	simm.s32 $0xFFFFFFFF;
	p2 =	slt.u32 s8, $0xFFFFF086  }
0x1c: {  	p1 =	slt.u32 s9, $0xF7A;
	s5 =	simm.s32 @!p2 $0x0  }
0x1d: {  	s5 =	simm.s32 @p1 $0x1;
	p0 =	seq.s32 s7, s2  }
0x1e: {  	s7 =	smul.u32 @!p0 $0xF7A, s2;
	p2 =	seq.s32 @!p0 s5, $0x0  }
0x1f: {  	s9 =	smul.u32 $0xF7A, s1;
	s8 =	simm.s32 @!p0 $0x1BF5;
	p2 =	por !p2, p0  }
0x20: {  	[sflag:s8] =	ssyncset.s32 @!p0 $0xFFFFF086;
	s6 =	sadd.s32 @!p0 s3, s7;
	s7 =	simm.s32 @!p0 $0x108  }
0x21: {  	s3 =	sadd.s32 s3, s9;
	s6 =	sadd.s32 @!p0 $0x88, s6;
	s7 =	simm.s32 @p2 $0x1082  }
0x22: {  	[simem:s7], [sflag:s8] =	dma.local @!p0 [hbm:s6], $0xF7A  }
0x23: {  	s9 =	sor.u32 $0xD0000000, s2;
	s6 =	simm.s32 $0x108;
	_ =	swait.ge @!p0 [sflag:s8], $0x0  }
0x24: {  	s3 =	sadd.s32 $0x88, s3;
	s6 =	simm.s32 @!p1 $0x1082;
	[sflag:s4] =	ssyncset.s32 $0xFFFFF086  }
0x25: {  	[simem:s6], [sflag:s4] =	dma.local [hbm:s3], $0xF7A  }
0x26: {  	[smem:$0x3F8D] =	sst s1;
	(tag) =	ssettag s2;
	_ =	strace s9  }
0x27: {  	s1 =	sld [smem:$0x3F9D]  }
0x28: {  	s2 =	sld [smem:$0x3F9E]  }
0x29: {  	s4 =	sld [smem:$0x3FA0]  }
0x2a: {  	p0 =	seq.s32 s5, $0x0;
	s5 =	sld [smem:$0x3FA1]  }
0x2b: {  	s6 =	sld [smem:$0x3FA2]  }
0x2c: {  	s7 =	sld [smem:$0x3FA3]  }
0x2d: {  	s3 =	simm.s32 $0x108;
	s8 =	sld [smem:$0x3FA4]  }
0x2e: {  	s3 =	simm.s32 @!p0 $0x1082;
	s9 =	sld [smem:$0x3FA5]  }
0x2f: {  	lr =	sadd.s32 s0, s3;
	s0 =	sld [smem:$0x3F9C]  }
0x30: {  	s3 =	sld [smem:$0x3F9F]  }
0x31: {  	[smem:$0x3FA8] =	sst s10  }
0x32: {  	s10 =	sld [smem:$0x3FA6];
	_ =	sdelay $0x3  }
0x33: {  	p0 =	seq.s32 s10, $0x1;
	s10 =	sld [smem:$0x3FA8];
	_ =	sdelay $0x3  }
0x34: {  	[smem:$0x3FA8] =	sst s10  }
0x35: {  	s10 =	sld [smem:$0x3FA7];
	_ =	sdelay $0x3  }
0x36: {  	p1 =	seq.s32 s10, $0x1;
	s10 =	sld [smem:$0x3FA8];
	_ =	sdelay $0x3  }
0x37: {  	[smem:$0x3FA8] =	sst s10  }
0x38: {  	s10 =	sld [smem:$0x3FA9]  }
0x39: {  	_ = 	snop;
	(pc) =	sbr.ind lr, $3  }
0x3a: {  	_ = 	snop  }
0x3b: {  	_ = 	snop  }
0x3c: {  	p2 =	seq.s32 s10, $0x1;
	s10 =	sld [smem:$0x3FA8]  }
0x3d: {  	_ =	shalt  }
0x3e: {  	_ =	shalt  }
0x3f: {  	_ =	shalt  }
0x40: {  	_ =	shalt  }
0x41: {  	_ =	shalt  }
0x42: {  	_ =	shalt  }
0x43: {  	_ =	shalt  }
0x44: {  	_ =	shalt  }
0x45: {  	_ =	shalt  }
0x46: {  	_ =	shalt  }
0x47: {  	_ =	shalt  }
0x48: {  	_ =	shalt  }
0x49: {  	_ =	shalt  }
0x4a: {  	_ =	shalt  }
0x4b: {  	_ =	shalt  }
0x4c: {  	_ =	shalt  }
0x4d: {  	_ =	shalt  }
0x4e: {  	_ =	shalt  }
0x4f: {  	_ =	shalt  }
0x50: {  	_ =	shalt  }
0x51: {  	_ =	shalt  }
0x52: {  	_ =	shalt  }
0x53: {  	_ =	shalt  }
0x54: {  	_ =	shalt  }
0x55: {  	_ =	shalt  }
0x56: {  	_ =	shalt  }
0x57: {  	_ =	shalt  }
0x58: {  	_ =	shalt  }
0x59: {  	_ =	shalt  }
0x5a: {  	_ =	shalt  }
0x5b: {  	_ =	shalt  }
0x5c: {  	_ =	shalt  }
0x5d: {  	_ =	shalt  }
0x5e: {  	_ =	shalt  }
0x5f: {  	_ =	shalt  }
0x60: {  	_ =	shalt  }
0x61: {  	_ =	shalt  }
0x62: {  	_ =	shalt  }
0x63: {  	_ =	shalt  }
0x64: {  	_ =	shalt  }
0x65: {  	_ =	shalt  }
0x66: {  	_ =	shalt  }
0x67: {  	_ =	shalt  }
0x68: {  	_ =	shalt  }
0x69: {  	_ =	shalt  }
0x6a: {  	_ =	shalt  }
0x6b: {  	_ =	shalt  }
0x6c: {  	_ =	shalt  }
0x6d: {  	_ =	shalt  }
0x6e: {  	_ =	shalt  }
0x6f: {  	_ =	shalt  }
0x70: {  	_ =	shalt  }
0x71: {  	_ =	shalt  }
0x72: {  	_ =	shalt  }
0x73: {  	_ =	shalt  }
0x74: {  	_ =	shalt  }
0x75: {  	_ =	shalt  }
0x76: {  	_ =	shalt  }
0x77: {  	_ =	shalt  }
0x78: {  	_ =	shalt  }
0x79: {  	_ =	shalt  }
0x7a: {  	_ =	shalt  }
0x7b: {  	_ =	shalt  }
0x7c: {  	_ =	shalt  }
0x7d: {  	_ =	shalt  }
0x7e: {  	_ =	shalt  }
0x7f: {  	_ =	shalt  }
0x80: {  	_ =	shalt  }
0x81: {  	_ =	shalt  }
0x82: {  	_ =	shalt  }
0x83: {  	_ =	shalt  }
0x84: {  	_ =	shalt  }
0x85: {  	_ =	shalt  }
0x86: {  	_ =	shalt  }
0x87: {  	_ =	shalt  }
.Lfunc_end0:
.L_simem_size_0:
called_computation.2_lowered:
.L_overlay_start_0:
0x88: {  	s2 =	sld [smem:$0x3FD9]  }
0x89: {  	s3 =	sld [smem:$0x3FFE];
	_ =	sdelay $0x1  }
0x8a: {  	s1 =	srdreg.scid  }
0x8b: {  	s0 =	sand.u32 $0x1, s1  }
0x8c: {  	s17 =	sshll.u32 s0, $0xA;
	s2 =	sadd.s32 s3, s2  }
0x8d: {  	s2 =	sadd.s32 s2, s17  }
0x8e: {  	[smem:$0x3FB4] =	sst s2  }
0x8f: {  	_ = 	snop  }
0x90: {  	(tm) =	ssettm $0x1  }
0x91: {  	s18 =	sld [smem:$0x3FFB];
	_ =	sdelay $0x3  }
0x92: {  	_ =	strace s18  }
0x93: {  	s2 =	sld [smem:$0x3FFC];
	_ =	sdelay $0x3  }
0x94: {  	_ =	strace s2  }
0x95: {  	s2 =	sld [smem:$0x3FFD];
	_ =	sdelay $0x3  }
0x96: {  	_ =	strace s2  }
0x97: {  	_ =	strace $0x8FFFFFFF  }
0x98: {  	s19 =	sld [smem:$0x3FDB];
	_ =	sdelay $0x1  }
0x99: {  	s20 =	simm.s32 $_scs_section_size  }
0x9a: {  	s4 =	simm.s32 $_size__tile_overlayer_lowered;
	s5 =	simm.s32 $_tile_overlayer_lowered  }
0x9b: {  	s6 =	simm.s32 $0x1BFF;
	s21 =	sshll.u32 s5, $0x1;
	s3 =	sadd.s32 s20, s19  }
0x9c: {  	s22 =	simm.s32 $0x0;
	s4 =	sshll.u32 s4, $0x1;
	s5 =	sadd.s32 s21, s3  }
0x9d: {  	[timem:s22], [sflag:s6] =	dma.local [hbm:s5], s4  }
0x9e: {  	_ =	swait.ge [sflag:s6], s4  }
0x9f: {  	s4 =	ssub.s32 $0x0, s4;
	[sflag:s6] =	ssyncset.done $0x0  }
0xa0: {  	[sflag:s6] =	ssyncadd.s32 s4;
	_ =	sdelay $0x1  }
0xa1: {  	s23 =	simm.s32 $0x1B8B  }
0xa2: {  	_ =	swait.ge [sflag:s23], $0x1  }
0xa3: {  	[sflag:s23] =	ssyncset.done $0x0  }
0xa4: {  	[sflag:s23] =	ssyncadd.s32 $0xFFFFFFFF  }
0xa5: {  	s4 =	sld [smem:$0x0]  }
0xa6: {  	s5 =	sand.u32 $0xFFFFFFFE, s1  }
0xa7: {  	p0 =	sne.s32 s1, s5  }
0xa8: {  	s5 =	sshll.u32 @p0 s5, $0xE  }
0xa9: {  	s5 =	sadd.s32 @p0 $0x11B8D, s5;
	s6 =	sshll.u32 @p0 s4, $0x11  }
0xaa: {  	s5 =	sor.u32 @p0 s6, s5  }
0xab: {  	[sflag:s5] =	ssyncadd.remote.s32 @p0 $0x1;
	_ =	sdelay $0x1  }
0xac: {  	s5 =	simm.s32 @p0 $0x1B8D  }
0xad: {  	_ =	swait.eq @p0 [sflag:s5], $0x1  }
0xae: {  	[sflag:s5] =	ssyncadd.s32 @p0 $0xFFFFFFFF  }
0xaf: {  	s6 =	sshll.u32 @!p0 s1, $0xE  }
0xb0: {  	s6 =	sor.u32 @!p0 $0x4000, s6;
	s5 =	simm.s32 @!p0 $0x1B8D  }
0xb1: {  	s4 =	sshll.u32 @!p0 s4, $0x11;
	s6 =	sadd.s32 @!p0 $0x11B8D, s6;
	_ =	swait.eq @!p0 [sflag:s5], $0x1  }
0xb2: {  	s4 =	sor.u32 @!p0 s4, s6;
	[sflag:s5] =	ssyncadd.s32 @!p0 $0xFFFFFFFF  }
0xb3: {  	s25 =	simm.s32 $0x1B8E;
	s24 =	sld [smem:$0x3FFE];
	[sflag:s4] =	ssyncadd.remote.s32 @!p0 $0x1  }
0xb4: {  	s26 =	simm.s32 $execute0_lowered;
	[smem:$0x3FD2] =	sst s25  }
0xb5: {  	s5 =	sshll.u32 s26, $0x1;
	_ =	strace $0x8000004C;
	[dreg:$0x1] =	wrdreg $0xFFFFFFFF  }
0xb6: {  	s28 =	simm.s32 $_size_execute0_lowered;
	s3 =	sadd.s32 s3, s5;
	[dreg:$0x0] =	wrdreg $0x0  }
0xb7: {  	s5 =	sshll.u32 s28, $0x1;
	[dreg:$0x2] =	wrdreg s3  }
0xb8: {  	[dreg:$0x3] =	wrdreg s5  }
0xb9: {  	[dreg:$0x4] =	wrdreg $0xC0  }
0xba: {  	_ =	task [dreg:s22], $0x5FFFF  }
0xbb: {  	[dreg:$0x1] =	wrdreg $0xFFFFFFFF  }
0xbc: {  	[dreg:$0x0] =	wrdreg $0x60  }
0xbd: {  	[dreg:$0x2] =	wrdreg s24  }
0xbe: {  	[dreg:$0x3] =	wrdreg $0x88000  }
0xbf: {  	[dreg:$0x4] =	wrdreg $0xA  }
0xc0: {  	_ =	task.clear_ibuf [dreg:s22], $0x5FFFF;
	_ =	strace $0x9000004C  }
0xc1: {  	s29 =	simm.s32 $0xA;
	_ =	strace $0x8000004E  }
0xc2: {  	_ =	swait.ge [sflag:s29], $0x1  }
0xc3: {  	[sflag:s29] =	ssyncadd.s32 $0xFFFFFFFF  }
0xc4: {  	_ =	strace $0x9000004E  }
0xc5: {  	_ =	sfence  }
0xc6: {  	s30 =	sld [smem:$0x0];
	_ =	sdelay $0x2  }
0xc7: {  	s31 =	sshll.u32 s1, $0xD;
	s1 =	sshrl.u32 s1, $0x2  }
0xc8: {  	s4 =	sand.u32 $0x4000, s31;
	s1 =	sadd.s32 s1, s30  }
0xc9: {  	s0 =	sor.u32 s4, s0;
	s1 =	sshll.u32 s1, $0x11  }
0xca: {  	s0 =	sor.u32 s1, s0  }
0xcb: {  	s0 =	sadd.s32 $0x8F2B, s0  }
0xcc: {  	[sflag:s0] =	ssyncadd.remote.s32 $0x1  }
0xcd: {  	_ =	sfence.sel $0xFFFF  }
0xce: {  	[dreg:$0x0] =	wrdreg $0xFFFFFFFF;
	(pc) =	sbr.abs _section_cstart, $3  }
0xcf: {  	[dreg:$0x1] =	wrdreg $0xFFFFFFFF  }
0xd0: {  	_ =	task.clear_ibuf [dreg:s22], $0x2FFFF;
	_ =	strace $0x9FFFFFFF  }
0xd1: {  	(tm) =	ssettm $0x7FFFFFFF  }
tec
execute0_lowered:
.L_overlay_start_1:
0x0: {  	(tag) =	ssettag $0x1  }
0x1: {  	s0 =	srdreg.scid;
	s8 =	rddreg [dreg:$0x0]  }
0x2: {  	s2 =	rddreg [dreg:$0x1];
	s1 =	sand.u32 $0x1, s0  }
0x3: {  	s0 =	stileid.u32;
	s4 =	smul.u32 $0x138800, s1  }
0x4: {  	s3 =	simm.s32 $0x0;
	s5 =	smul.u32 $0x1F400, s0;
	s6 =	sshll.u32 s0, $0x1  }
0x5: {  	[smem:$0x7FF] =	sst s3;
	s13 =	sor.u32 s1, s6  }
0x6: {  	_ =	strace $0x8000004D;
	s4 =	sadd.s32 s5, s4;
	s24 =	sshll.u32 s13, $0x8  }
0x7: {  	s25 =	smul.u32 $0x7D000, s0;
	s4 =	sshrl.u32 s4, $0x3;
	s5 =	sadd.s32 s24, s8  }
0x8: {  	p0 =	sgt.u32 s0, $0x9;
	s4 =	sadd.s32 s4, s8;
	s5 =	sadd.s32 $0x2D000, s5  }
0x9: {  	s6 =	sshrl.u32 s25, $0x2;
	s7 =	sadd.s32 $0xCF000, s4;
	[dreg:$0x4] =	wrdreg s5  }
0xa: {  	s6 =	sadd.s32 s6, s2;
	s4 =	sadd.s32 $0x11D200, s4;
	[dreg:$0x3] =	wrdreg s7  }
0xb: {  	s6 =	sshrl.u32 @!p0 s6, $0x3;
	[dreg:$0x5] =	wrdreg s4;
	s4 =	sshll.u32 @!p0 s0, $0x6  }
0xc: {  	s7 =	rddreg [dreg:$0x3];
	s5 =	sor.u32 @!p0 $0x1C03, s4;
	s4 =	simm.s32 @!p0 $0x3  }
0xd: {  	[spmem:s6], [sflag:s5] =	dma.local @!p0 [hbm:s7], $0x3E80  }
0xe: {  	_ =	swait.ge @!p0 [sflag:s4], $0x3E80  }
0xf: {  	[sflag:s4] =	ssyncset.done @!p0 $0x0  }
0x10: {  	s7 =	simm.s32 $0x3;
	s9 =	rddreg [dreg:$0x4];
	[sflag:s4] =	ssyncadd.s32 @!p0 $0xFFFFC180  }
0x11: {  	[tilespmem:s3], [sflag:$0x3] =	stream.linear.gather [hbm4b:s9+s3], $0x500, $0x38;
	[tilespmem:$0x1C080] =	vst v63  }
0x12: {  	_ =	swait.ge [sflag:s7], $0x500  }
0x13: {  	s26 =	smul.u32 $0x5000, s13;
	[sflag:s7] =	ssyncset.done $0x0  }
0x14: {  	s14 =	sadd.s32 $0x2F000, s8;
	[sflag:s7] =	ssyncadd.s32 $0xFFFFFB00  }
0x15: {  	s8 =	sadd.s32 s14, s26;
	s9 =	simm.s32 $0x800;
	[bflag:$0x0] =	sbarrier.arrive $0xFFFF  }
0x16: {  	[tilespmem:s9], [sflag:$0x1] =	stream.linear.gather [hbm4b:s8+s3], $0x4000, $0x38;
	[tilespmem:$0x1C080] =	vst v63  }
0x17: {  	s11 =	simm.s32 $0x4800;
	s12 =	simm.s32 $0x1;
	s10 =	sadd.s32 $0x800, s8  }
0x18: {  	[tilespmem:s11], [sflag:$0x2] =	stream.linear.gather [hbm4b:s10+s3], $0x4000, $0x38;
	[tilespmem:$0x1C080] =	vst v63  }
0x19: {  	_ =	swait.ge [sflag:s12], $0x4000  }
0x1a: {  	[sflag:s12] =	ssyncset.done $0x0  }
0x1b: {  	s15 =	smul.u32 $0x28000, s13;
	s13 =	simm.s32 $0x80;
	[sflag:s12] =	ssyncadd.s32 $0xFFFFC000  }
0x1c: {  	[spmem:s2] =	stream.indirect.scatter.add.f32 [tilespmem:s9], [sflag:$0x3], $0x80, s3, s13, $0xb8;
	[tilespmem:$0x1C080] =	vst v63  }
0x1d: {  	s15 =	sshrl.u32 s15, $0x3;
	_ =	swait.ge [sflag:s7], $0x4000  }
0x1e: {  	s26 =	sadd.s32 s14, s15;
	[sflag:s7] =	ssyncset.done $0x0  }
0x1f: {  	s15 =	simm.s32 $0x2;
	s14 =	sadd.s32 $0x1000, s26;
	[sflag:s7] =	ssyncadd.s32 $0xFFFFC000  }
0x20: {  	[tilespmem:s9], [sflag:$0x1] =	stream.linear.gather [hbm4b:s14+s3], $0x4000, $0x38;
	[tilespmem:$0x1C080] =	vst v63  }
0x21: {  	_ =	swait.ge [sflag:s15], $0x4000  }
0x22: {  	[sflag:s15] =	ssyncset.done $0x0  }
0x23: {  	[sflag:s15] =	ssyncadd.s32 $0xFFFFC000  }
0x24: {  	[spmem:s2] =	stream.indirect.scatter.add.f32 [tilespmem:s11], [sflag:$0x3], $0x80, s13, s13, $0xb8;
	[tilespmem:$0x1C080] =	vst v63  }
0x25: {  	_ =	swait.ge [sflag:s7], $0x4000  }
0x26: {  	[sflag:s7] =	ssyncset.done $0x0  }
0x27: {  	s16 =	sadd.s32 $0x1800, s8;
	[sflag:s7] =	ssyncadd.s32 $0xFFFFC000  }
0x28: {  	[tilespmem:s11], [sflag:$0x2] =	stream.linear.gather [hbm4b:s16+s3], $0x4000, $0x38;
	[tilespmem:$0x1C080] =	vst v63  }
0x29: {  	_ =	swait.ge [sflag:s12], $0x4000  }
0x2a: {  	[sflag:s12] =	ssyncset.done $0x0  }
0x2b: {  	s17 =	simm.s32 $0x100;
	[sflag:s12] =	ssyncadd.s32 $0xFFFFC000  }
0x2c: {  	[spmem:s2] =	stream.indirect.scatter.add.f32 [tilespmem:s9], [sflag:$0x3], $0x80, s17, s13, $0xb8;
	[tilespmem:$0x1C080] =	vst v63  }
0x2d: {  	_ =	swait.ge [sflag:s7], $0x4000  }
0x2e: {  	[sflag:s7] =	ssyncset.done $0x0  }
0x2f: {  	s18 =	sadd.s32 $0x2000, s26;
	[sflag:s7] =	ssyncadd.s32 $0xFFFFC000  }
0x30: {  	[tilespmem:s9], [sflag:$0x1] =	stream.linear.gather [hbm4b:s18+s3], $0x4000, $0x38;
	[tilespmem:$0x1C080] =	vst v63  }
0x31: {  	_ =	swait.ge [sflag:s15], $0x4000  }
0x32: {  	[sflag:s15] =	ssyncset.done $0x0  }
0x33: {  	s19 =	simm.s32 $0x180;
	[sflag:s15] =	ssyncadd.s32 $0xFFFFC000  }
0x34: {  	[spmem:s2] =	stream.indirect.scatter.add.f32 [tilespmem:s11], [sflag:$0x3], $0x80, s19, s13, $0xb8;
	[tilespmem:$0x1C080] =	vst v63  }
0x35: {  	_ =	swait.ge [sflag:s7], $0x4000  }
0x36: {  	[sflag:s7] =	ssyncset.done $0x0  }
0x37: {  	s20 =	sadd.s32 $0x2800, s8;
	[sflag:s7] =	ssyncadd.s32 $0xFFFFC000  }
0x38: {  	[tilespmem:s11], [sflag:$0x2] =	stream.linear.gather [hbm4b:s20+s3], $0x4000, $0x38;
	[tilespmem:$0x1C080] =	vst v63  }
0x39: {  	_ =	swait.ge [sflag:s12], $0x4000  }
0x3a: {  	[sflag:s12] =	ssyncset.done $0x0  }
0x3b: {  	s21 =	simm.s32 $0x200;
	[sflag:s12] =	ssyncadd.s32 $0xFFFFC000  }
0x3c: {  	[spmem:s2] =	stream.indirect.scatter.add.f32 [tilespmem:s9], [sflag:$0x3], $0x80, s21, s13, $0xb8;
	[tilespmem:$0x1C080] =	vst v63  }
0x3d: {  	_ =	swait.ge [sflag:s7], $0x4000  }
0x3e: {  	[sflag:s7] =	ssyncset.done $0x0  }
0x3f: {  	s22 =	sadd.s32 $0x3000, s26;
	[sflag:s7] =	ssyncadd.s32 $0xFFFFC000  }
0x40: {  	[tilespmem:s9], [sflag:$0x1] =	stream.linear.gather [hbm4b:s22+s3], $0x4000, $0x38;
	[tilespmem:$0x1C080] =	vst v63  }
0x41: {  	_ =	swait.ge [sflag:s15], $0x4000  }
0x42: {  	[sflag:s15] =	ssyncset.done $0x0  }
0x43: {  	s23 =	simm.s32 $0x280;
	[sflag:s15] =	ssyncadd.s32 $0xFFFFC000  }
0x44: {  	[spmem:s2] =	stream.indirect.scatter.add.f32 [tilespmem:s11], [sflag:$0x3], $0x80, s23, s13, $0xb8;
	[tilespmem:$0x1C080] =	vst v63  }
0x45: {  	_ =	swait.ge [sflag:s7], $0x4000  }
0x46: {  	[sflag:s7] =	ssyncset.done $0x0  }
0x47: {  	s24 =	sadd.s32 $0x3800, s8;
	[sflag:s7] =	ssyncadd.s32 $0xFFFFC000  }
0x48: {  	[tilespmem:s11], [sflag:$0x2] =	stream.linear.gather [hbm4b:s24+s3], $0x4000, $0x38;
	[tilespmem:$0x1C080] =	vst v63  }
0x49: {  	_ =	swait.ge [sflag:s12], $0x4000  }
0x4a: {  	[sflag:s12] =	ssyncset.done $0x0  }
0x4b: {  	s25 =	simm.s32 $0x300;
	[sflag:s12] =	ssyncadd.s32 $0xFFFFC000  }
0x4c: {  	[spmem:s2] =	stream.indirect.scatter.add.f32 [tilespmem:s9], [sflag:$0x3], $0x80, s25, s13, $0xb8;
	[tilespmem:$0x1C080] =	vst v63  }
0x4d: {  	_ =	swait.ge [sflag:s7], $0x4000  }
0x4e: {  	[sflag:s7] =	ssyncset.done $0x0  }
0x4f: {  	s26 =	sadd.s32 $0x4000, s26;
	[sflag:s7] =	ssyncadd.s32 $0xFFFFC000  }
0x50: {  	[tilespmem:s9], [sflag:$0x1] =	stream.linear.gather [hbm4b:s26+s3], $0x4000, $0x38;
	[tilespmem:$0x1C080] =	vst v63  }
0x51: {  	_ =	swait.ge [sflag:s15], $0x4000  }
0x52: {  	[sflag:s15] =	ssyncset.done $0x0  }
0x53: {  	s28 =	simm.s32 $0x380;
	[sflag:s15] =	ssyncadd.s32 $0xFFFFC000  }
0x54: {  	[spmem:s2] =	stream.indirect.scatter.add.f32 [tilespmem:s11], [sflag:$0x3], $0x80, s28, s13, $0xb8;
	[tilespmem:$0x1C080] =	vst v63  }
0x55: {  	_ =	swait.ge [sflag:s7], $0x4000  }
0x56: {  	[sflag:s7] =	ssyncset.done $0x0  }
0x57: {  	s29 =	sadd.s32 $0x4800, s8;
	[sflag:s7] =	ssyncadd.s32 $0xFFFFC000  }
0x58: {  	[tilespmem:s11], [sflag:$0x2] =	stream.linear.gather [hbm4b:s29+s3], $0x4000, $0x38;
	[tilespmem:$0x1C080] =	vst v63  }
0x59: {  	_ =	swait.ge [sflag:s12], $0x4000  }
0x5a: {  	[sflag:s12] =	ssyncset.done $0x0  }
0x5b: {  	s30 =	simm.s32 $0x400;
	[sflag:s12] =	ssyncadd.s32 $0xFFFFC000  }
0x5c: {  	[spmem:s2] =	stream.indirect.scatter.add.f32 [tilespmem:s9], [sflag:$0x3], $0x80, s30, s13, $0xb8;
	[tilespmem:$0x1C080] =	vst v63  }
0x5d: {  	_ =	swait.ge [sflag:s7], $0x4000  }
0x5e: {  	[sflag:s7] =	ssyncset.done $0x0  }
0x5f: {  	[sflag:s7] =	ssyncadd.s32 $0xFFFFC000  }
0x60: {  	_ =	swait.ge [sflag:s15], $0x4000  }
0x61: {  	[sflag:s15] =	ssyncset.done $0x0  }
0x62: {  	s31 =	simm.s32 $0x480;
	[sflag:s15] =	ssyncadd.s32 $0xFFFFC000  }
0x63: {  	[spmem:s2] =	stream.indirect.scatter.add.f32 [tilespmem:s11], [sflag:$0x3], $0x80, s31, s13, $0xb8;
	[tilespmem:$0x1C080] =	vst v63  }
0x64: {  	_ =	swait.ge [sflag:s7], $0x4000  }
0x65: {  	[sflag:s7] =	ssyncset.done $0x0  }
0x66: {  	[sflag:s7] =	ssyncadd.s32 $0xFFFFC000  }
0x67: {  	[bflag:$0x0] =	sbarrier.arrive $0xFFFF  }
0x68: {  	s1 =	ssub.s32 $0x2, s1;
	s0 =	rddreg [dreg:$0x5]  }
0x69: {  	[dreg:$0x6] =	wrdreg s0;
	s0 =	sshrl.u32 s1, $0x1  }
0x6a: {  	s0 =	ssub.s32 s1, s0;
	s1 =	rddreg [dreg:$0x6]  }
0x6b: {  	[hbm:s1], [sflag:s5] =	dma.local @!p0 [spmem:s6], $0x3E80  }
0x6c: {  	s0 =	smax.u32 s0, $0x1  }
0x6d: {  	s1 =	sadd.s32 $0xFFFFFFFF, s0  }
0x6e: {  	p1 =	sne.s32 s1, $0x0  }
.Ltmp0:
0x6f: {  	_ = 	snop;
	(pc) =	sbr.rel @!p1 .LBB2_2-.Ltmp0, $2  }
0x70: {  	_ =	sdelay $0x2  }
0x71: {  	_ =	swait.ge @!p0 [sflag:s4], $0x3E80  }
.LBB2_1:
0x72: {  	[sflag:s4] =	ssyncset.done @!p0 $0x0  }
0x73: {  	s0 =	rddreg [dreg:$0x3];
	[sflag:s4] =	ssyncadd.s32 @!p0 $0xFFFFC180  }
0x74: {  	[spmem:s6], [sflag:s5] =	dma.local @!p0 [hbm:s0], $0x3E80  }
0x75: {  	_ =	swait.ge @!p0 [sflag:s4], $0x3E80  }
0x76: {  	[sflag:s4] =	ssyncset.done @!p0 $0x0  }
0x77: {  	s0 =	rddreg [dreg:$0x4];
	[sflag:s4] =	ssyncadd.s32 @!p0 $0xFFFFC180  }
0x78: {  	[tilespmem:s3], [sflag:$0x3] =	stream.linear.gather [hbm4b:s0+s3], $0x500, $0x38;
	[tilespmem:$0x1C080] =	vst v63  }
0x79: {  	_ =	swait.ge [sflag:s7], $0x500  }
0x7a: {  	[sflag:s7] =	ssyncset.done $0x0  }
0x7b: {  	[sflag:s7] =	ssyncadd.s32 $0xFFFFFB00  }
0x7c: {  	[bflag:$0x0] =	sbarrier.arrive $0xFFFF  }
0x7d: {  	[tilespmem:s9], [sflag:$0x1] =	stream.linear.gather [hbm4b:s8+s3], $0x4000, $0x38;
	[tilespmem:$0x1C080] =	vst v63  }
0x7e: {  	_ = 	snop  }
0x7f: {  	[tilespmem:s11], [sflag:$0x2] =	stream.linear.gather [hbm4b:s10+s3], $0x4000, $0x38;
	[tilespmem:$0x1C080] =	vst v63  }
0x80: {  	_ =	swait.ge [sflag:s12], $0x4000  }
0x81: {  	[sflag:s12] =	ssyncset.done $0x0  }
0x82: {  	[sflag:s12] =	ssyncadd.s32 $0xFFFFC000  }
0x83: {  	[spmem:s2] =	stream.indirect.scatter.add.f32 [tilespmem:s9], [sflag:$0x3], $0x80, s3, s13, $0xb8;
	[tilespmem:$0x1C080] =	vst v63  }
0x84: {  	_ =	swait.ge [sflag:s7], $0x4000  }
0x85: {  	[sflag:s7] =	ssyncset.done $0x0  }
0x86: {  	[sflag:s7] =	ssyncadd.s32 $0xFFFFC000  }
0x87: {  	[tilespmem:s9], [sflag:$0x1] =	stream.linear.gather [hbm4b:s14+s3], $0x4000, $0x38;
	[tilespmem:$0x1C080] =	vst v63  }
0x88: {  	_ =	swait.ge [sflag:s15], $0x4000  }
0x89: {  	[sflag:s15] =	ssyncset.done $0x0  }
0x8a: {  	[sflag:s15] =	ssyncadd.s32 $0xFFFFC000  }
0x8b: {  	[spmem:s2] =	stream.indirect.scatter.add.f32 [tilespmem:s11], [sflag:$0x3], $0x80, s13, s13, $0xb8;
	[tilespmem:$0x1C080] =	vst v63  }
0x8c: {  	_ =	swait.ge [sflag:s7], $0x4000  }
0x8d: {  	[sflag:s7] =	ssyncset.done $0x0  }
0x8e: {  	[sflag:s7] =	ssyncadd.s32 $0xFFFFC000  }
0x8f: {  	[tilespmem:s11], [sflag:$0x2] =	stream.linear.gather [hbm4b:s16+s3], $0x4000, $0x38;
	[tilespmem:$0x1C080] =	vst v63  }
0x90: {  	_ =	swait.ge [sflag:s12], $0x4000  }
0x91: {  	[sflag:s12] =	ssyncset.done $0x0  }
0x92: {  	[sflag:s12] =	ssyncadd.s32 $0xFFFFC000  }
0x93: {  	[spmem:s2] =	stream.indirect.scatter.add.f32 [tilespmem:s9], [sflag:$0x3], $0x80, s17, s13, $0xb8;
	[tilespmem:$0x1C080] =	vst v63  }
0x94: {  	_ =	swait.ge [sflag:s7], $0x4000  }
0x95: {  	[sflag:s7] =	ssyncset.done $0x0  }
0x96: {  	[sflag:s7] =	ssyncadd.s32 $0xFFFFC000  }
0x97: {  	[tilespmem:s9], [sflag:$0x1] =	stream.linear.gather [hbm4b:s18+s3], $0x4000, $0x38;
	[tilespmem:$0x1C080] =	vst v63  }
0x98: {  	_ =	swait.ge [sflag:s15], $0x4000  }
0x99: {  	[sflag:s15] =	ssyncset.done $0x0  }
0x9a: {  	[sflag:s15] =	ssyncadd.s32 $0xFFFFC000  }
0x9b: {  	[spmem:s2] =	stream.indirect.scatter.add.f32 [tilespmem:s11], [sflag:$0x3], $0x80, s19, s13, $0xb8;
	[tilespmem:$0x1C080] =	vst v63  }
0x9c: {  	_ =	swait.ge [sflag:s7], $0x4000  }
0x9d: {  	[sflag:s7] =	ssyncset.done $0x0  }
0x9e: {  	[sflag:s7] =	ssyncadd.s32 $0xFFFFC000  }
0x9f: {  	[tilespmem:s11], [sflag:$0x2] =	stream.linear.gather [hbm4b:s20+s3], $0x4000, $0x38;
	[tilespmem:$0x1C080] =	vst v63  }
0xa0: {  	_ =	swait.ge [sflag:s12], $0x4000  }
0xa1: {  	[sflag:s12] =	ssyncset.done $0x0  }
0xa2: {  	[sflag:s12] =	ssyncadd.s32 $0xFFFFC000  }
0xa3: {  	[spmem:s2] =	stream.indirect.scatter.add.f32 [tilespmem:s9], [sflag:$0x3], $0x80, s21, s13, $0xb8;
	[tilespmem:$0x1C080] =	vst v63  }
0xa4: {  	_ =	swait.ge [sflag:s7], $0x4000  }
0xa5: {  	[sflag:s7] =	ssyncset.done $0x0  }
0xa6: {  	[sflag:s7] =	ssyncadd.s32 $0xFFFFC000  }
0xa7: {  	[tilespmem:s9], [sflag:$0x1] =	stream.linear.gather [hbm4b:s22+s3], $0x4000, $0x38;
	[tilespmem:$0x1C080] =	vst v63  }
0xa8: {  	_ =	swait.ge [sflag:s15], $0x4000  }
0xa9: {  	[sflag:s15] =	ssyncset.done $0x0  }
0xaa: {  	[sflag:s15] =	ssyncadd.s32 $0xFFFFC000  }
0xab: {  	[spmem:s2] =	stream.indirect.scatter.add.f32 [tilespmem:s11], [sflag:$0x3], $0x80, s23, s13, $0xb8;
	[tilespmem:$0x1C080] =	vst v63  }
0xac: {  	_ =	swait.ge [sflag:s7], $0x4000  }
0xad: {  	[sflag:s7] =	ssyncset.done $0x0  }
0xae: {  	[sflag:s7] =	ssyncadd.s32 $0xFFFFC000  }
0xaf: {  	[tilespmem:s11], [sflag:$0x2] =	stream.linear.gather [hbm4b:s24+s3], $0x4000, $0x38;
	[tilespmem:$0x1C080] =	vst v63  }
0xb0: {  	_ =	swait.ge [sflag:s12], $0x4000  }
0xb1: {  	[sflag:s12] =	ssyncset.done $0x0  }
0xb2: {  	[sflag:s12] =	ssyncadd.s32 $0xFFFFC000  }
0xb3: {  	[spmem:s2] =	stream.indirect.scatter.add.f32 [tilespmem:s9], [sflag:$0x3], $0x80, s25, s13, $0xb8;
	[tilespmem:$0x1C080] =	vst v63  }
0xb4: {  	_ =	swait.ge [sflag:s7], $0x4000  }
0xb5: {  	[sflag:s7] =	ssyncset.done $0x0  }
0xb6: {  	[sflag:s7] =	ssyncadd.s32 $0xFFFFC000  }
0xb7: {  	[tilespmem:s9], [sflag:$0x1] =	stream.linear.gather [hbm4b:s26+s3], $0x4000, $0x38;
	[tilespmem:$0x1C080] =	vst v63  }
0xb8: {  	_ =	swait.ge [sflag:s15], $0x4000  }
0xb9: {  	[sflag:s15] =	ssyncset.done $0x0  }
0xba: {  	[sflag:s15] =	ssyncadd.s32 $0xFFFFC000  }
0xbb: {  	[spmem:s2] =	stream.indirect.scatter.add.f32 [tilespmem:s11], [sflag:$0x3], $0x80, s28, s13, $0xb8;
	[tilespmem:$0x1C080] =	vst v63  }
0xbc: {  	_ =	swait.ge [sflag:s7], $0x4000  }
0xbd: {  	[sflag:s7] =	ssyncset.done $0x0  }
0xbe: {  	[sflag:s7] =	ssyncadd.s32 $0xFFFFC000  }
0xbf: {  	[tilespmem:s11], [sflag:$0x2] =	stream.linear.gather [hbm4b:s29+s3], $0x4000, $0x38;
	[tilespmem:$0x1C080] =	vst v63  }
0xc0: {  	_ =	swait.ge [sflag:s12], $0x4000  }
0xc1: {  	[sflag:s12] =	ssyncset.done $0x0  }
0xc2: {  	[sflag:s12] =	ssyncadd.s32 $0xFFFFC000  }
0xc3: {  	[spmem:s2] =	stream.indirect.scatter.add.f32 [tilespmem:s9], [sflag:$0x3], $0x80, s30, s13, $0xb8;
	[tilespmem:$0x1C080] =	vst v63  }
0xc4: {  	_ =	swait.ge [sflag:s7], $0x4000  }
0xc5: {  	[sflag:s7] =	ssyncset.done $0x0  }
0xc6: {  	[sflag:s7] =	ssyncadd.s32 $0xFFFFC000  }
0xc7: {  	_ =	swait.ge [sflag:s15], $0x4000  }
0xc8: {  	[sflag:s15] =	ssyncset.done $0x0  }
0xc9: {  	[sflag:s15] =	ssyncadd.s32 $0xFFFFC000  }
0xca: {  	[spmem:s2] =	stream.indirect.scatter.add.f32 [tilespmem:s11], [sflag:$0x3], $0x80, s31, s13, $0xb8;
	[tilespmem:$0x1C080] =	vst v63  }
0xcb: {  	s1 =	sadd.s32 $0xFFFFFFFF, s1;
	_ =	swait.ge [sflag:s7], $0x4000  }
0xcc: {  	p1 =	sne.s32 s1, $0x0;
	[sflag:s7] =	ssyncset.done $0x0  }
.Ltmp1:
0xcd: {  	[sflag:s7] =	ssyncadd.s32 $0xFFFFC000;
	(pc) =	sbr.rel @p1 .LBB2_1-.Ltmp1, $4  }
0xce: {  	[bflag:$0x0] =	sbarrier.arrive $0xFFFF  }
0xcf: {  	s0 =	rddreg [dreg:$0x5]  }
0xd0: {  	[hbm:s0], [sflag:s5] =	dma.local @!p0 [spmem:s6], $0x3E80  }
0xd1: {  	_ =	swait.ge @!p0 [sflag:s4], $0x3E80  }
.LBB2_2:
0xd2: {  	[sflag:s4] =	ssyncset.done @!p0 $0x0  }
0xd3: {  	[sflag:s4] =	ssyncadd.s32 @!p0 $0xFFFFC180  }
0xd4: {  	_ =	sfence.sel $0x180000  }
0xd5: {  	[bflag:$0x0] =	sbarrier.arrive $0xFFFF  }
0xd6: {  	_ =	strace $0x9000004D  }
0xd7: {  	s0 =	stileid.u32;
	[bflag:$0x2] =	sbarrier.arrive $0xFFFF  }
0xd8: {  	p0 =	sne.s32 s0, $0x0;
	s0 =	rddreg [dreg:$0x2]  }
0xd9: {  	s0 =	sadd.s32 @!p0 $0x100000, s0  }
0xda: {  	[sflag:s0] =	ssyncadd.tile.s32 @!p0 $0x1;
	_ =	shalt  }
.Lfunc_end2:
_tile_overlayer_lowered:
.L_overlay_start_2:
0xdb: {  	(tag) =	ssettag $0x2  }
0xdc: {  	s0 =	rddreg [dreg:$0x0];
	s2 =	stileid.u32  }
0xdd: {  	s1 =	rddreg [dreg:$0x1];
	p0 =	sne.s32 s2, $0x0  }
0xde: {  	s3 =	rddreg [dreg:$0x2];
	[bflag:$0x3] =	sbarrier.arrive $0xFFFF;
	s2 =	simm.s32 @!p0 $0x1C03  }
0xdf: {  	[timem:s3], [sflag:s2] =	dma.local @!p0 [hbm:s0], s1  }
0xe0: {  	s0 =	simm.s32 @!p0 $0x3  }
0xe1: {  	_ =	swait.ge @!p0 [sflag:s0], s1  }
0xe2: {  	s1 =	ssub.s32 @!p0 $0x0, s1;
	[sflag:s0] =	ssyncset.done @!p0 $0x0  }
0xe3: {  	[sflag:s0] =	ssyncadd.s32 @!p0 s1  }
0xe4: {  	[bflag:$0x3] =	sbarrier.arrive $0xFFFF  }
0xe5: {  	_ =	shalt  }

// kernel: kernel.25.cloned.1.call-start
scs
__scs_entry_jumppad:
0x0: {  	(pc) =	sbr.rel $0x88, $3  }
0x1: {  	(tag) =	ssettag $0x0;
	lr =	simm.s32 $0x1  }
0x2: {  	[smem:$0x3F8D] =	sst lr;
	_ =	strace $0xD0000000  }
0x3: {  	_ = 	snop  }
0x4: {  	_ = 	snop  }
0x5: {  	_ = 	snop  }
0x6: {  	_ = 	snop  }
0x7: {  	_ = 	snop  }
__scs_overlays_trampoline_lowered:
0x8: {  	[smem:$0x3F9C] =	sst s0  }
0x9: {  	[smem:$0x3F9D] =	sst s1  }
0xa: {  	[smem:$0x3F9E] =	sst s2  }
0xb: {  	[smem:$0x3F9F] =	sst s3  }
0xc: {  	[smem:$0x3FA0] =	sst s4  }
0xd: {  	[smem:$0x3FA1] =	sst s5  }
0xe: {  	[smem:$0x3FA2] =	sst s6  }
0xf: {  	[smem:$0x3FA3] =	sst s7  }
0x10: {  	[smem:$0x3FA4] =	sst s8  }
0x11: {  	[smem:$0x3FA5] =	sst s9;
	s0 =	simm.s32 @!p0 $0x0  }
0x12: {  	s1 =	sld [smem:$0x3F8B];
	s0 =	simm.s32 @p0 $0x1  }
0x13: {  	[smem:$0x3FA6] =	sst s0;
	s0 =	simm.s32 @!p1 $0x0  }
0x14: {  	s2 =	sld [smem:$0x3F8A];
	s0 =	simm.s32 @p1 $0x1  }
0x15: {  	[smem:$0x3FA7] =	sst s0;
	s0 =	simm.s32 @!p2 $0x0  }
0x16: {  	s3 =	sld [smem:$0x3FDB];
	s0 =	simm.s32 @p2 $0x1  }
0x17: {  	s4 =	simm.s32 $0x1BF5;
	[smem:$0x3FA9] =	sst s0  }
0x18: {  	s0 =	sld [smem:$0x3F8C];
	_ =	swait.ge [sflag:s4], $0x0  }
0x19: {  	s7 =	sld [smem:$0x3F8D]  }
0x1a: {  	s8 =	sadd.s32 $0xFFFFE003, lr  }
0x1b: {  	s9 =	sadd.s32 $0xFFFFFEF7, lr;
	s5 =	simm.s32 $0xFFFFFFFF;
	p2 =	slt.u32 s8, $0xFFFFF086  }
0x1c: {  	p1 =	slt.u32 s9, $0xF7A;
	s5 =	simm.s32 @!p2 $0x0  }
0x1d: {  	s5 =	simm.s32 @p1 $0x1;
	p0 =	seq.s32 s7, s2  }
0x1e: {  	s7 =	smul.u32 @!p0 $0xF7A, s2;
	p2 =	seq.s32 @!p0 s5, $0x0  }
0x1f: {  	s9 =	smul.u32 $0xF7A, s1;
	s8 =	simm.s32 @!p0 $0x1BF5;
	p2 =	por !p2, p0  }
0x20: {  	[sflag:s8] =	ssyncset.s32 @!p0 $0xFFFFF086;
	s6 =	sadd.s32 @!p0 s3, s7;
	s7 =	simm.s32 @!p0 $0x108  }
0x21: {  	s3 =	sadd.s32 s3, s9;
	s6 =	sadd.s32 @!p0 $0x88, s6;
	s7 =	simm.s32 @p2 $0x1082  }
0x22: {  	[simem:s7], [sflag:s8] =	dma.local @!p0 [hbm:s6], $0xF7A  }
0x23: {  	s9 =	sor.u32 $0xD0000000, s2;
	s6 =	simm.s32 $0x108;
	_ =	swait.ge @!p0 [sflag:s8], $0x0  }
0x24: {  	s3 =	sadd.s32 $0x88, s3;
	s6 =	simm.s32 @!p1 $0x1082;
	[sflag:s4] =	ssyncset.s32 $0xFFFFF086  }
0x25: {  	[simem:s6], [sflag:s4] =	dma.local [hbm:s3], $0xF7A  }
0x26: {  	[smem:$0x3F8D] =	sst s1;
	(tag) =	ssettag s2;
	_ =	strace s9  }
0x27: {  	s1 =	sld [smem:$0x3F9D]  }
0x28: {  	s2 =	sld [smem:$0x3F9E]  }
0x29: {  	s4 =	sld [smem:$0x3FA0]  }
0x2a: {  	p0 =	seq.s32 s5, $0x0;
	s5 =	sld [smem:$0x3FA1]  }
0x2b: {  	s6 =	sld [smem:$0x3FA2]  }
0x2c: {  	s7 =	sld [smem:$0x3FA3]  }
0x2d: {  	s3 =	simm.s32 $0x108;
	s8 =	sld [smem:$0x3FA4]  }
0x2e: {  	s3 =	simm.s32 @!p0 $0x1082;
	s9 =	sld [smem:$0x3FA5]  }
0x2f: {  	lr =	sadd.s32 s0, s3;
	s0 =	sld [smem:$0x3F9C]  }
0x30: {  	s3 =	sld [smem:$0x3F9F]  }
0x31: {  	[smem:$0x3FA8] =	sst s10  }
0x32: {  	s10 =	sld [smem:$0x3FA6];
	_ =	sdelay $0x3  }
0x33: {  	p0 =	seq.s32 s10, $0x1;
	s10 =	sld [smem:$0x3FA8];
	_ =	sdelay $0x3  }
0x34: {  	[smem:$0x3FA8] =	sst s10  }
0x35: {  	s10 =	sld [smem:$0x3FA7];
	_ =	sdelay $0x3  }
0x36: {  	p1 =	seq.s32 s10, $0x1;
	s10 =	sld [smem:$0x3FA8];
	_ =	sdelay $0x3  }
0x37: {  	[smem:$0x3FA8] =	sst s10  }
0x38: {  	s10 =	sld [smem:$0x3FA9]  }
0x39: {  	_ = 	snop;
	(pc) =	sbr.ind lr, $3  }
0x3a: {  	_ = 	snop  }
0x3b: {  	_ = 	snop  }
0x3c: {  	p2 =	seq.s32 s10, $0x1;
	s10 =	sld [smem:$0x3FA8]  }
0x3d: {  	_ =	shalt  }
0x3e: {  	_ =	shalt  }
0x3f: {  	_ =	shalt  }
0x40: {  	_ =	shalt  }
0x41: {  	_ =	shalt  }
0x42: {  	_ =	shalt  }
0x43: {  	_ =	shalt  }
0x44: {  	_ =	shalt  }
0x45: {  	_ =	shalt  }
0x46: {  	_ =	shalt  }
0x47: {  	_ =	shalt  }
0x48: {  	_ =	shalt  }
0x49: {  	_ =	shalt  }
0x4a: {  	_ =	shalt  }
0x4b: {  	_ =	shalt  }
0x4c: {  	_ =	shalt  }
0x4d: {  	_ =	shalt  }
0x4e: {  	_ =	shalt  }
0x4f: {  	_ =	shalt  }
0x50: {  	_ =	shalt  }
0x51: {  	_ =	shalt  }
0x52: {  	_ =	shalt  }
0x53: {  	_ =	shalt  }
0x54: {  	_ =	shalt  }
0x55: {  	_ =	shalt  }
0x56: {  	_ =	shalt  }
0x57: {  	_ =	shalt  }
0x58: {  	_ =	shalt  }
0x59: {  	_ =	shalt  }
0x5a: {  	_ =	shalt  }
0x5b: {  	_ =	shalt  }
0x5c: {  	_ =	shalt  }
0x5d: {  	_ =	shalt  }
0x5e: {  	_ =	shalt  }
0x5f: {  	_ =	shalt  }
0x60: {  	_ =	shalt  }
0x61: {  	_ =	shalt  }
0x62: {  	_ =	shalt  }
0x63: {  	_ =	shalt  }
0x64: {  	_ =	shalt  }
0x65: {  	_ =	shalt  }
0x66: {  	_ =	shalt  }
0x67: {  	_ =	shalt  }
0x68: {  	_ =	shalt  }
0x69: {  	_ =	shalt  }
0x6a: {  	_ =	shalt  }
0x6b: {  	_ =	shalt  }
0x6c: {  	_ =	shalt  }
0x6d: {  	_ =	shalt  }
0x6e: {  	_ =	shalt  }
0x6f: {  	_ =	shalt  }
0x70: {  	_ =	shalt  }
0x71: {  	_ =	shalt  }
0x72: {  	_ =	shalt  }
0x73: {  	_ =	shalt  }
0x74: {  	_ =	shalt  }
0x75: {  	_ =	shalt  }
0x76: {  	_ =	shalt  }
0x77: {  	_ =	shalt  }
0x78: {  	_ =	shalt  }
0x79: {  	_ =	shalt  }
0x7a: {  	_ =	shalt  }
0x7b: {  	_ =	shalt  }
0x7c: {  	_ =	shalt  }
0x7d: {  	_ =	shalt  }
0x7e: {  	_ =	shalt  }
0x7f: {  	_ =	shalt  }
0x80: {  	_ =	shalt  }
0x81: {  	_ =	shalt  }
0x82: {  	_ =	shalt  }
0x83: {  	_ =	shalt  }
0x84: {  	_ =	shalt  }
0x85: {  	_ =	shalt  }
0x86: {  	_ =	shalt  }
0x87: {  	_ =	shalt  }
.Lfunc_end0:
.L_simem_size_0:
called_computation.3_lowered:
.L_overlay_start_0:
0x88: {  	s2 =	sld [smem:$0x3FD9]  }
0x89: {  	s3 =	sld [smem:$0x3FFE];
	_ =	sdelay $0x1  }
0x8a: {  	s1 =	srdreg.scid  }
0x8b: {  	s0 =	sand.u32 $0x1, s1  }
0x8c: {  	s16 =	sshll.u32 s0, $0xA;
	s2 =	sadd.s32 s3, s2  }
0x8d: {  	s2 =	sadd.s32 s2, s16  }
0x8e: {  	[smem:$0x3FB4] =	sst s2  }
0x8f: {  	_ = 	snop  }
0x90: {  	(tm) =	ssettm $0x1  }
0x91: {  	s17 =	sld [smem:$0x3FFB];
	_ =	sdelay $0x3  }
0x92: {  	_ =	strace s17  }
0x93: {  	s2 =	sld [smem:$0x3FFC];
	_ =	sdelay $0x3  }
0x94: {  	_ =	strace s2  }
0x95: {  	s2 =	sld [smem:$0x3FFD];
	_ =	sdelay $0x3  }
0x96: {  	_ =	strace s2  }
0x97: {  	_ =	strace $0x8FFFFFFF  }
0x98: {  	s18 =	sld [smem:$0x3FDB];
	_ =	sdelay $0x1  }
0x99: {  	s19 =	simm.s32 $_scs_section_size  }
0x9a: {  	s4 =	simm.s32 $_size__tile_overlayer_lowered;
	s5 =	simm.s32 $_tile_overlayer_lowered  }
0x9b: {  	s22 =	simm.s32 $0x1BFF;
	s21 =	sshll.u32 s5, $0x1;
	s2 =	sadd.s32 s19, s18  }
0x9c: {  	s6 =	simm.s32 $0x0;
	s20 =	sshll.u32 s4, $0x1;
	s4 =	sadd.s32 s21, s2  }
0x9d: {  	[timem:s6], [sflag:s22] =	dma.local [hbm:s4], s20  }
0x9e: {  	_ =	swait.ge [sflag:s22], s20  }
0x9f: {  	s3 =	ssub.s32 $0x0, s20;
	[sflag:s22] =	ssyncset.done $0x0  }
0xa0: {  	[sflag:s22] =	ssyncadd.s32 s3;
	_ =	sdelay $0x1  }
0xa1: {  	s23 =	simm.s32 $0x1B8B  }
0xa2: {  	_ =	swait.ge [sflag:s23], $0x1  }
0xa3: {  	[sflag:s23] =	ssyncset.done $0x0  }
0xa4: {  	s25 =	simm.s32 $0x1B8E;
	s24 =	sld [smem:$0x3FFE];
	[sflag:s23] =	ssyncadd.s32 $0xFFFFFFFF  }
0xa5: {  	s26 =	simm.s32 $execute0_lowered;
	[smem:$0x3FD2] =	sst s25  }
0xa6: {  	s4 =	sshll.u32 s26, $0x1;
	_ =	strace $0x8000004F;
	[dreg:$0x1] =	wrdreg $0xFFFFFFFF  }
0xa7: {  	s28 =	simm.s32 $_size_execute0_lowered;
	s2 =	sadd.s32 s2, s4;
	[dreg:$0x0] =	wrdreg $0x0  }
0xa8: {  	s4 =	sshll.u32 s28, $0x1;
	[dreg:$0x2] =	wrdreg s2  }
0xa9: {  	[dreg:$0x3] =	wrdreg s4  }
0xaa: {  	[dreg:$0x4] =	wrdreg $0xC0  }
0xab: {  	_ =	task [dreg:s6], $0x5FFFF  }
0xac: {  	[dreg:$0x1] =	wrdreg $0xFFFFFFFF  }
0xad: {  	[dreg:$0x0] =	wrdreg $0x60  }
0xae: {  	[dreg:$0x2] =	wrdreg s24  }
0xaf: {  	[dreg:$0x3] =	wrdreg $0x8C000  }
0xb0: {  	[dreg:$0x4] =	wrdreg $0x9  }
0xb1: {  	_ =	task.clear_ibuf [dreg:s6], $0x5FFFF;
	_ =	strace $0x9000004F  }
0xb2: {  	s29 =	simm.s32 $0x9;
	_ =	strace $0x80000051  }
0xb3: {  	_ =	swait.ge [sflag:s29], $0x1  }
0xb4: {  	[sflag:s29] =	ssyncadd.s32 $0xFFFFFFFF  }
0xb5: {  	_ =	strace $0x90000051  }
0xb6: {  	_ =	sfence  }
0xb7: {  	s30 =	sld [smem:$0x0];
	_ =	sdelay $0x2  }
0xb8: {  	s31 =	sshll.u32 s1, $0xD;
	s1 =	sshrl.u32 s1, $0x2  }
0xb9: {  	s3 =	sand.u32 $0x4000, s31;
	s1 =	sadd.s32 s1, s30  }
0xba: {  	s0 =	sor.u32 s3, s0;
	s1 =	sshll.u32 s1, $0x11  }
0xbb: {  	s0 =	sor.u32 s1, s0  }
0xbc: {  	s0 =	sadd.s32 $0x8F2B, s0  }
0xbd: {  	[sflag:s0] =	ssyncadd.remote.s32 $0x1  }
0xbe: {  	_ =	sfence.sel $0xFFFF  }
0xbf: {  	[dreg:$0x0] =	wrdreg $0xFFFFFFFF;
	(pc) =	sbr.abs _section_cstart, $3  }
0xc0: {  	[dreg:$0x1] =	wrdreg $0xFFFFFFFF  }
0xc1: {  	_ =	task.clear_ibuf [dreg:s6], $0x2FFFF;
	_ =	strace $0x9FFFFFFF  }
0xc2: {  	(tm) =	ssettm $0x7FFFFFFF  }
0xc3: {  	_ =	shalt  }
tec
execute0_lowered:
.L_overlay_start_1:
0x0: {  	(tag) =	ssettag $0x1  }
0x1: {  	s1 =	srdreg.scid;
	s4 =	rddreg [dreg:$0x0]  }
0x2: {  	s0 =	stileid.u32;
	s2 =	rddreg [dreg:$0x1];
	s3 =	simm.s32 $0x0  }
0x3: {  	s16 =	simm.s32 $0x4C00;
	s17 =	simm.s32 $0x1;
	s8 =	smul.u32 $0x1F400, s0  }
0x4: {  	s18 =	simm.s32 $0x80;
	s19 =	simm.s32 $0x2;
	s9 =	smul.u32 $0x7D000, s0  }
0x5: {  	s20 =	simm.s32 $0x900;
	s10 =	sand.u32 $0x1, s1;
	s25 =	smul.u32 $0xA0000, s0  }
0x6: {  	s21 =	sshll.u32 s0, $0x1;
	[smem:$0x7FF] =	sst s3;
	s28 =	smul.u32 $0x14000, s0  }
0x7: {  	s1 =	rddreg [dreg:$0x2];
	s11 =	sadd.s32 $0x17B200, s4;
	s7 =	smul.u32 $0x138800, s10  }
0x8: {  	p0 =	sgt.u32 s0, $0x9;
	s5 =	sor.u32 s10, s21;
	s14 =	smul.u32 $0x50000, s10  }
0x9: {  	_ =	strace $0x80000050;
	s22 =	ssub.s32 $0x2, s10;
	s15 =	smul.u32 $0xA000, s10  }
0xa: {  	s21 =	simm.s32 $0x980;
	s6 =	smul.u32 $0x180, s5;
	s23 =	sshrl.u32 s22, $0x1  }
0xb: {  	s12 =	smul.u32 $0xA000, s5;
	s24 =	sshrl.u32 s9, $0x2;
	s30 =	sadd.s32 s28, s11  }
0xc: {  	s7 =	sadd.s32 s8, s7;
	s8 =	ssub.s32 s22, s23;
	s13 =	sadd.s32 s24, s2  }
0xd: {  	s26 =	sadd.s32 s14, s25;
	s31 =	sadd.s32 s15, s30;
	s14 =	simm.s32 $0x3  }
0xe: {  	s15 =	simm.s32 $0xC00;
	s22 =	simm.s32 $0x0;
	s6 =	sadd.s32 s6, s4  }
0xf: {  	s7 =	sshrl.u32 s7, $0x3;
	s8 =	smax.u32 s8, $0x1;
	s13 =	sshrl.u32 @!p0 s13, $0x3  }
0x10: {  	s7 =	sadd.s32 s7, s4;
	s5 =	sadd.s32 $0x5800, s6;
	s6 =	sadd.s32 s11, s12  }
0x11: {  	s12 =	sor.u32 $0x8000, s26;
	s4 =	sadd.s32 $0x11D200, s7;
	s7 =	sadd.s32 $0x2D000, s7  }
0x12: {  	s9 =	sadd.s32 $0x9800, s6;
	s29 =	sshrl.u32 s12, $0x3;
	s12 =	sshll.u32 @!p0 s0, $0x6  }
0x13: {  	s10 =	sadd.s32 s29, s11;
	s11 =	sadd.s32 $0x800, s31;
	s12 =	sor.u32 @!p0 $0x1C03, s12  }
.LBB2_1:
0x14: {  	[spmem:s13], [sflag:s12] =	dma.local @!p0 [hbm:s4], $0x3E80  }
0x15: {  	s23 =	simm.s32 @!p0 $0x3  }
0x16: {  	_ =	swait.ge @!p0 [sflag:s23], $0x3E80  }
0x17: {  	[sflag:s23] =	ssyncset.done @!p0 $0x0  }
0x18: {  	[sflag:s23] =	ssyncadd.s32 @!p0 $0xFFFFC180  }
0x19: {  	[tilespmem:s3], [sflag:$0x3] =	stream.linear.gather [hbm4b:s5+s3], $0xA00, $0x38;
	[tilespmem:$0x1C480] =	vst v63  }
0x1a: {  	_ =	swait.ge [sflag:s14], $0xA00  }
0x1b: {  	[sflag:s14] =	ssyncset.done $0x0  }
0x1c: {  	[sflag:s14] =	ssyncadd.s32 $0xFFFFF600  }
0x1d: {  	[bflag:$0x0] =	sbarrier.arrive $0xFFFF  }
0x1e: {  	[tilespmem:s15], [sflag:$0x1] =	stream.linear.gather [hbm4b:s6+s3], $0x4000, $0x38;
	[tilespmem:$0x1C480] =	vst v63  }
0x1f: {  	s29 =	sadd.s32 $0x0, s11  }
0x20: {  	[tilespmem:s16], [sflag:$0x2] =	stream.linear.gather [hbm4b:s29+s3], $0x4000, $0x38;
	[tilespmem:$0x1C480] =	vst v63  }
0x21: {  	_ =	swait.ge [sflag:s17], $0x4000  }
0x22: {  	[sflag:s17] =	ssyncset.done $0x0  }
0x23: {  	[sflag:s17] =	ssyncadd.s32 $0xFFFFC000  }
0x24: {  	[spmem:s2] =	stream.indirect.scatter.add.f32 [tilespmem:s15], [sflag:$0x3], $0x80, s3, s18, $0xb8;
	[tilespmem:$0x1C480] =	vst v63  }
0x25: {  	_ =	swait.ge [sflag:s14], $0x4000  }
0x26: {  	[sflag:s14] =	ssyncset.done $0x0  }
0x27: {  	s30 =	sadd.s32 $0x0, s10;
	[sflag:s14] =	ssyncadd.s32 $0xFFFFC000  }
0x28: {  	[tilespmem:s15], [sflag:$0x1] =	stream.linear.gather [hbm4b:s30+s3], $0x4000, $0x38;
	[tilespmem:$0x1C480] =	vst v63  }
0x29: {  	_ =	swait.ge [sflag:s19], $0x4000  }
0x2a: {  	[sflag:s19] =	ssyncset.done $0x0  }
0x2b: {  	s31 =	simm.s32 $0x80;
	[sflag:s19] =	ssyncadd.s32 $0xFFFFC000  }
0x2c: {  	[spmem:s2] =	stream.indirect.scatter.add.f32 [tilespmem:s16], [sflag:$0x3], $0x80, s31, s18, $0xb8;
	[tilespmem:$0x1C480] =	vst v63  }
0x2d: {  	s24 =	simm.s32 $0x1000;
	_ =	swait.ge [sflag:s14], $0x4000  }
0x2e: {  	s25 =	simm.s32 $0x2000;
	s23 =	simm.s32 $0x100;
	[sflag:s14] =	ssyncset.done $0x0  }
.LBB2_2:
0x2f: {  	s26 =	sadd.s32 s24, s11  }
0x30: {  	[sflag:s14] =	ssyncadd.s32 $0xFFFFC000;
	s28 =	smov.u32 s25;
	s29 =	sadd.s32 $0x1000, s25  }
0x31: {  	[tilespmem:s16], [sflag:$0x2] =	stream.linear.gather [hbm4b:s26+s3], $0x4000, $0x38;
	[tilespmem:$0x1C480] =	vst v63  }
0x32: {  	p1 =	sne.s32 s25, $0x8000;
	_ =	swait.ge [sflag:s17], $0x4000  }
0x33: {  	[sflag:s17] =	ssyncset.done $0x0  }
0x34: {  	[sflag:s17] =	ssyncadd.s32 $0xFFFFC000  }
0x35: {  	[spmem:s2] =	stream.indirect.scatter.add.f32 [tilespmem:s15], [sflag:$0x3], $0x80, s23, s18, $0xb8;
	[tilespmem:$0x1C480] =	vst v63  }
0x36: {  	_ =	swait.ge [sflag:s14], $0x4000  }
0x37: {  	[sflag:s14] =	ssyncset.done $0x0  }
0x38: {  	s25 =	sadd.s32 s24, s10;
	s24 =	smov.u32 s28;
	[sflag:s14] =	ssyncadd.s32 $0xFFFFC000  }
0x39: {  	[tilespmem:s15], [sflag:$0x1] =	stream.linear.gather [hbm4b:s25+s3], $0x4000, $0x38;
	[tilespmem:$0x1C480] =	vst v63  }
0x3a: {  	_ =	swait.ge [sflag:s19], $0x4000  }
.Ltmp0:
0x3b: {  	[sflag:s19] =	ssyncset.done $0x0;
	(pc) =	sbr.rel @p1 .LBB2_2-.Ltmp0, $4  }
0x3c: {  	s25 =	sadd.s32 $0x80, s23;
	[sflag:s19] =	ssyncadd.s32 $0xFFFFC000  }
0x3d: {  	[spmem:s2] =	stream.indirect.scatter.add.f32 [tilespmem:s16], [sflag:$0x3], $0x80, s25, s18, $0xb8;
	[tilespmem:$0x1C480] =	vst v63  }
0x3e: {  	_ =	swait.ge [sflag:s14], $0x4000  }
0x3f: {  	s23 =	sadd.s32 $0x100, s23;
	s25 =	smov.u32 s29;
	[sflag:s14] =	ssyncset.done $0x0  }
0x40: {  	s25 =	sadd.s32 s24, s11;
	[sflag:s14] =	ssyncadd.s32 $0xFFFFC000  }
0x41: {  	[tilespmem:s16], [sflag:$0x2] =	stream.linear.gather [hbm4b:s25+s3], $0x4000, $0x38;
	[tilespmem:$0x1C480] =	vst v63  }
0x42: {  	_ =	swait.ge [sflag:s17], $0x4000  }
0x43: {  	[sflag:s17] =	ssyncset.done $0x0  }
0x44: {  	[sflag:s17] =	ssyncadd.s32 $0xFFFFC000  }
0x45: {  	[spmem:s2] =	stream.indirect.scatter.add.f32 [tilespmem:s15], [sflag:$0x3], $0x80, s23, s18, $0xb8;
	[tilespmem:$0x1C480] =	vst v63  }
0x46: {  	_ =	swait.ge [sflag:s14], $0x4000  }
0x47: {  	[sflag:s14] =	ssyncset.done $0x0  }
0x48: {  	s30 =	sadd.s32 s24, s10;
	[sflag:s14] =	ssyncadd.s32 $0xFFFFC000  }
0x49: {  	[tilespmem:s15], [sflag:$0x1] =	stream.linear.gather [hbm4b:s30+s3], $0x4000, $0x38;
	[tilespmem:$0x1C480] =	vst v63  }
0x4a: {  	_ =	swait.ge [sflag:s19], $0x4000  }
0x4b: {  	[sflag:s19] =	ssyncset.done $0x0  }
0x4c: {  	s31 =	sadd.s32 $0x80, s23;
	[sflag:s19] =	ssyncadd.s32 $0xFFFFC000  }
0x4d: {  	[spmem:s2] =	stream.indirect.scatter.add.f32 [tilespmem:s16], [sflag:$0x3], $0x80, s31, s18, $0xb8;
	[tilespmem:$0x1C480] =	vst v63  }
0x4e: {  	_ =	swait.ge [sflag:s14], $0x4000  }
0x4f: {  	[sflag:s14] =	ssyncset.done $0x0  }
0x50: {  	[sflag:s14] =	ssyncadd.s32 $0xFFFFC000  }
0x51: {  	[tilespmem:s16], [sflag:$0x2] =	stream.linear.gather [hbm4b:s9+s3], $0x4000, $0x38;
	[tilespmem:$0x1C480] =	vst v63  }
0x52: {  	_ =	swait.ge [sflag:s17], $0x4000  }
0x53: {  	[sflag:s17] =	ssyncset.done $0x0  }
0x54: {  	[sflag:s17] =	ssyncadd.s32 $0xFFFFC000  }
0x55: {  	[spmem:s2] =	stream.indirect.scatter.add.f32 [tilespmem:s15], [sflag:$0x3], $0x80, s20, s18, $0xb8;
	[tilespmem:$0x1C480] =	vst v63  }
0x56: {  	_ =	swait.ge [sflag:s14], $0x4000  }
0x57: {  	[sflag:s14] =	ssyncset.done $0x0  }
0x58: {  	[sflag:s14] =	ssyncadd.s32 $0xFFFFC000  }
0x59: {  	_ =	swait.ge [sflag:s19], $0x4000  }
0x5a: {  	[sflag:s19] =	ssyncset.done $0x0  }
0x5b: {  	[sflag:s19] =	ssyncadd.s32 $0xFFFFC000  }
0x5c: {  	[spmem:s2] =	stream.indirect.scatter.add.f32 [tilespmem:s16], [sflag:$0x3], $0x80, s21, s18, $0xb8;
	[tilespmem:$0x1C480] =	vst v63  }
0x5d: {  	_ =	swait.ge [sflag:s14], $0x4000  }
0x5e: {  	s22 =	sadd.s32 $0x1, s22;
	[sflag:s14] =	ssyncset.done $0x0  }
0x5f: {  	p1 =	sne.s32 s22, s8;
	[sflag:s14] =	ssyncadd.s32 $0xFFFFC000  }
.Ltmp1:
0x60: {  	s23 =	simm.s32 @!p0 $0x3;
	[bflag:$0x0] =	sbarrier.arrive $0xFFFF;
	(pc) =	sbr.rel @p1 .LBB2_1-.Ltmp1, $4  }
0x61: {  	[hbm:s7], [sflag:s12] =	dma.local @!p0 [spmem:s13], $0x3E80  }
0x62: {  	_ =	swait.ge @!p0 [sflag:s23], $0x3E80  }
0x63: {  	[sflag:s23] =	ssyncset.done @!p0 $0x0  }
0x64: {  	[sflag:s23] =	ssyncadd.s32 @!p0 $0xFFFFC180  }
0x65: {  	_ =	sfence.sel $0x180000  }
0x66: {  	[bflag:$0x0] =	sbarrier.arrive $0xFFFF  }
0x67: {  	p0 =	sne.s32 s0, $0x0;
	_ =	strace $0x90000050  }
0x68: {  	s0 =	sadd.s32 @!p0 $0x100000, s1;
	[bflag:$0x2] =	sbarrier.arrive $0xFFFF  }
0x69: {  	[sflag:s0] =	ssyncadd.tile.s32 @!p0 $0x1;
	_ =	shalt  }
.Lfunc_end2:
_tile_overlayer_lowered:
.L_overlay_start_2:
0x6a: {  	(tag) =	ssettag $0x2  }
0x6b: {  	s0 =	rddreg [dreg:$0x0];
	s2 =	stileid.u32  }
0x6c: {  	s1 =	rddreg [dreg:$0x1];
	p0 =	sne.s32 s2, $0x0  }
0x6d: {  	s3 =	rddreg [dreg:$0x2];
	[bflag:$0x3] =	sbarrier.arrive $0xFFFF;
	s2 =	simm.s32 @!p0 $0x1C03  }
0x6e: {  	[timem:s3], [sflag:s2] =	dma.local @!p0 [hbm:s0], s1  }
0x6f: {  	s0 =	simm.s32 @!p0 $0x3  }
0x70: {  	_ =	swait.ge @!p0 [sflag:s0], s1  }
0x71: {  	s1 =	ssub.s32 @!p0 $0x0, s1;
	[sflag:s0] =	ssyncset.done @!p0 $0x0  }
0x72: {  	[sflag:s0] =	ssyncadd.s32 @!p0 s1  }
0x73: {  	[bflag:$0x3] =	sbarrier.arrive $0xFFFF  }
0x74: {  	_ =	shalt  }

// kernel: kernel.28.cloned.1.call-start
scs
__scs_entry_jumppad:
0x0: {  	(pc) =	sbr.rel $0x88, $3  }
0x1: {  	(tag) =	ssettag $0x0;
	lr =	simm.s32 $0x1  }
0x2: {  	[smem:$0x3F8D] =	sst lr;
	_ =	strace $0xD0000000  }
0x3: {  	_ = 	snop  }
0x4: {  	_ = 	snop  }
0x5: {  	_ = 	snop  }
0x6: {  	_ = 	snop  }
0x7: {  	_ = 	snop  }
__scs_overlays_trampoline_lowered:
0x8: {  	[smem:$0x3F9C] =	sst s0  }
0x9: {  	[smem:$0x3F9D] =	sst s1  }
0xa: {  	[smem:$0x3F9E] =	sst s2  }
0xb: {  	[smem:$0x3F9F] =	sst s3  }
0xc: {  	[smem:$0x3FA0] =	sst s4  }
0xd: {  	[smem:$0x3FA1] =	sst s5  }
0xe: {  	[smem:$0x3FA2] =	sst s6  }
0xf: {  	[smem:$0x3FA3] =	sst s7  }
0x10: {  	[smem:$0x3FA4] =	sst s8  }
0x11: {  	[smem:$0x3FA5] =	sst s9;
	s0 =	simm.s32 @!p0 $0x0  }
0x12: {  	s1 =	sld [smem:$0x3F8B];
	s0 =	simm.s32 @p0 $0x1  }
0x13: {  	[smem:$0x3FA6] =	sst s0;
	s0 =	simm.s32 @!p1 $0x0  }
0x14: {  	s2 =	sld [smem:$0x3F8A];
	s0 =	simm.s32 @p1 $0x1  }
0x15: {  	[smem:$0x3FA7] =	sst s0;
	s0 =	simm.s32 @!p2 $0x0  }
0x16: {  	s3 =	sld [smem:$0x3FDB];
	s0 =	simm.s32 @p2 $0x1  }
0x17: {  	s4 =	simm.s32 $0x1BF5;
	[smem:$0x3FA9] =	sst s0  }
0x18: {  	s0 =	sld [smem:$0x3F8C];
	_ =	swait.ge [sflag:s4], $0x0  }
0x19: {  	s7 =	sld [smem:$0x3F8D]  }
0x1a: {  	s8 =	sadd.s32 $0xFFFFE003, lr  }
0x1b: {  	s9 =	sadd.s32 $0xFFFFFEF7, lr;
	s5 =	simm.s32 $0xFFFFFFFF;
	p2 =	slt.u32 s8, $0xFFFFF086  }
0x1c: {  	p1 =	slt.u32 s9, $0xF7A;
	s5 =	simm.s32 @!p2 $0x0  }
0x1d: {  	s5 =	simm.s32 @p1 $0x1;
	p0 =	seq.s32 s7, s2  }
0x1e: {  	s7 =	smul.u32 @!p0 $0xF7A, s2;
	p2 =	seq.s32 @!p0 s5, $0x0  }
0x1f: {  	s9 =	smul.u32 $0xF7A, s1;
	s8 =	simm.s32 @!p0 $0x1BF5;
	p2 =	por !p2, p0  }
0x20: {  	[sflag:s8] =	ssyncset.s32 @!p0 $0xFFFFF086;
	s6 =	sadd.s32 @!p0 s3, s7;
	s7 =	simm.s32 @!p0 $0x108  }
0x21: {  	s3 =	sadd.s32 s3, s9;
	s6 =	sadd.s32 @!p0 $0x88, s6;
	s7 =	simm.s32 @p2 $0x1082  }
0x22: {  	[simem:s7], [sflag:s8] =	dma.local @!p0 [hbm:s6], $0xF7A  }
0x23: {  	s9 =	sor.u32 $0xD0000000, s2;
	s6 =	simm.s32 $0x108;
	_ =	swait.ge @!p0 [sflag:s8], $0x0  }
0x24: {  	s3 =	sadd.s32 $0x88, s3;
	s6 =	simm.s32 @!p1 $0x1082;
	[sflag:s4] =	ssyncset.s32 $0xFFFFF086  }
0x25: {  	[simem:s6], [sflag:s4] =	dma.local [hbm:s3], $0xF7A  }
0x26: {  	[smem:$0x3F8D] =	sst s1;
	(tag) =	ssettag s2;
	_ =	strace s9  }
0x27: {  	s1 =	sld [smem:$0x3F9D]  }
0x28: {  	s2 =	sld [smem:$0x3F9E]  }
0x29: {  	s4 =	sld [smem:$0x3FA0]  }
0x2a: {  	p0 =	seq.s32 s5, $0x0;
	s5 =	sld [smem:$0x3FA1]  }
0x2b: {  	s6 =	sld [smem:$0x3FA2]  }
0x2c: {  	s7 =	sld [smem:$0x3FA3]  }
0x2d: {  	s3 =	simm.s32 $0x108;
	s8 =	sld [smem:$0x3FA4]  }
0x2e: {  	s3 =	simm.s32 @!p0 $0x1082;
	s9 =	sld [smem:$0x3FA5]  }
0x2f: {  	lr =	sadd.s32 s0, s3;
	s0 =	sld [smem:$0x3F9C]  }
0x30: {  	s3 =	sld [smem:$0x3F9F]  }
0x31: {  	[smem:$0x3FA8] =	sst s10  }
0x32: {  	s10 =	sld [smem:$0x3FA6];
	_ =	sdelay $0x3  }
0x33: {  	p0 =	seq.s32 s10, $0x1;
	s10 =	sld [smem:$0x3FA8];
	_ =	sdelay $0x3  }
0x34: {  	[smem:$0x3FA8] =	sst s10  }
0x35: {  	s10 =	sld [smem:$0x3FA7];
	_ =	sdelay $0x3  }
0x36: {  	p1 =	seq.s32 s10, $0x1;
	s10 =	sld [smem:$0x3FA8];
	_ =	sdelay $0x3  }
0x37: {  	[smem:$0x3FA8] =	sst s10  }
0x38: {  	s10 =	sld [smem:$0x3FA9]  }
0x39: {  	_ = 	snop;
	(pc) =	sbr.ind lr, $3  }
0x3a: {  	_ = 	snop  }
0x3b: {  	_ = 	snop  }
0x3c: {  	p2 =	seq.s32 s10, $0x1;
	s10 =	sld [smem:$0x3FA8]  }
0x3d: {  	_ =	shalt  }
0x3e: {  	_ =	shalt  }
0x3f: {  	_ =	shalt  }
0x40: {  	_ =	shalt  }
0x41: {  	_ =	shalt  }
0x42: {  	_ =	shalt  }
0x43: {  	_ =	shalt  }
0x44: {  	_ =	shalt  }
0x45: {  	_ =	shalt  }
0x46: {  	_ =	shalt  }
0x47: {  	_ =	shalt  }
0x48: {  	_ =	shalt  }
0x49: {  	_ =	shalt  }
0x4a: {  	_ =	shalt  }
0x4b: {  	_ =	shalt  }
0x4c: {  	_ =	shalt  }
0x4d: {  	_ =	shalt  }
0x4e: {  	_ =	shalt  }
0x4f: {  	_ =	shalt  }
0x50: {  	_ =	shalt  }
0x51: {  	_ =	shalt  }
0x52: {  	_ =	shalt  }
0x53: {  	_ =	shalt  }
0x54: {  	_ =	shalt  }
0x55: {  	_ =	shalt  }
0x56: {  	_ =	shalt  }
0x57: {  	_ =	shalt  }
0x58: {  	_ =	shalt  }
0x59: {  	_ =	shalt  }
0x5a: {  	_ =	shalt  }
0x5b: {  	_ =	shalt  }
0x5c: {  	_ =	shalt  }
0x5d: {  	_ =	shalt  }
0x5e: {  	_ =	shalt  }
0x5f: {  	_ =	shalt  }
0x60: {  	_ =	shalt  }
0x61: {  	_ =	shalt  }
0x62: {  	_ =	shalt  }
0x63: {  	_ =	shalt  }
0x64: {  	_ =	shalt  }
0x65: {  	_ =	shalt  }
0x66: {  	_ =	shalt  }
0x67: {  	_ =	shalt  }
0x68: {  	_ =	shalt  }
0x69: {  	_ =	shalt  }
0x6a: {  	_ =	shalt  }
0x6b: {  	_ =	shalt  }
0x6c: {  	_ =	shalt  }
0x6d: {  	_ =	shalt  }
0x6e: {  	_ =	shalt  }
0x6f: {  	_ =	shalt  }
0x70: {  	_ =	shalt  }
0x71: {  	_ =	shalt  }
0x72: {  	_ =	shalt  }
0x73: {  	_ =	shalt  }
0x74: {  	_ =	shalt  }
0x75: {  	_ =	shalt  }
0x76: {  	_ =	shalt  }
0x77: {  	_ =	shalt  }
0x78: {  	_ =	shalt  }
0x79: {  	_ =	shalt  }
0x7a: {  	_ =	shalt  }
0x7b: {  	_ =	shalt  }
0x7c: {  	_ =	shalt  }
0x7d: {  	_ =	shalt  }
0x7e: {  	_ =	shalt  }
0x7f: {  	_ =	shalt  }
0x80: {  	_ =	shalt  }
0x81: {  	_ =	shalt  }
0x82: {  	_ =	shalt  }
0x83: {  	_ =	shalt  }
0x84: {  	_ =	shalt  }
0x85: {  	_ =	shalt  }
0x86: {  	_ =	shalt  }
0x87: {  	_ =	shalt  }
.Lfunc_end0:
.L_simem_size_0:
called_computation.4_lowered:
.L_overlay_start_0:
0x88: {  	s2 =	sld [smem:$0x3FD9]  }
0x89: {  	s3 =	sld [smem:$0x3FFE];
	_ =	sdelay $0x1  }
0x8a: {  	s1 =	srdreg.scid  }
0x8b: {  	s0 =	sand.u32 $0x1, s1  }
0x8c: {  	s16 =	sshll.u32 s0, $0xA;
	s2 =	sadd.s32 s3, s2  }
0x8d: {  	s2 =	sadd.s32 s2, s16  }
0x8e: {  	[smem:$0x3FB4] =	sst s2  }
0x8f: {  	_ = 	snop  }
0x90: {  	(tm) =	ssettm $0x1  }
0x91: {  	s17 =	sld [smem:$0x3FFB];
	_ =	sdelay $0x3  }
0x92: {  	_ =	strace s17  }
0x93: {  	s2 =	sld [smem:$0x3FFC];
	_ =	sdelay $0x3  }
0x94: {  	_ =	strace s2  }
0x95: {  	s2 =	sld [smem:$0x3FFD];
	_ =	sdelay $0x3  }
0x96: {  	_ =	strace s2  }
0x97: {  	_ =	strace $0x8FFFFFFF  }
0x98: {  	s18 =	sld [smem:$0x3FDB];
	_ =	sdelay $0x1  }
0x99: {  	s19 =	simm.s32 $_scs_section_size  }
0x9a: {  	s4 =	simm.s32 $_size__tile_overlayer_lowered;
	s5 =	simm.s32 $_tile_overlayer_lowered  }
0x9b: {  	s22 =	simm.s32 $0x1BFF;
	s21 =	sshll.u32 s5, $0x1;
	s2 =	sadd.s32 s19, s18  }
0x9c: {  	s6 =	simm.s32 $0x0;
	s20 =	sshll.u32 s4, $0x1;
	s4 =	sadd.s32 s21, s2  }
0x9d: {  	[timem:s6], [sflag:s22] =	dma.local [hbm:s4], s20  }
0x9e: {  	_ =	swait.ge [sflag:s22], s20  }
0x9f: {  	s3 =	ssub.s32 $0x0, s20;
	[sflag:s22] =	ssyncset.done $0x0  }
0xa0: {  	[sflag:s22] =	ssyncadd.s32 s3;
	_ =	sdelay $0x1  }
0xa1: {  	s23 =	simm.s32 $0x1B8B  }
0xa2: {  	_ =	swait.ge [sflag:s23], $0x1  }
0xa3: {  	[sflag:s23] =	ssyncset.done $0x0  }
0xa4: {  	s25 =	simm.s32 $0x1B8E;
	s24 =	sld [smem:$0x3FFE];
	[sflag:s23] =	ssyncadd.s32 $0xFFFFFFFF  }
0xa5: {  	s26 =	simm.s32 $execute0_lowered;
	[smem:$0x3FD2] =	sst s25  }
0xa6: {  	s4 =	sshll.u32 s26, $0x1;
	_ =	strace $0x80000052;
	[dreg:$0x1] =	wrdreg $0xFFFFFFFF  }
0xa7: {  	s28 =	simm.s32 $_size_execute0_lowered;
	s2 =	sadd.s32 s2, s4;
	[dreg:$0x0] =	wrdreg $0x0  }
0xa8: {  	s4 =	sshll.u32 s28, $0x1;
	[dreg:$0x2] =	wrdreg s2  }
0xa9: {  	[dreg:$0x3] =	wrdreg s4  }
0xaa: {  	[dreg:$0x4] =	wrdreg $0xC0  }
0xab: {  	_ =	task [dreg:s6], $0x5FFFF  }
0xac: {  	[dreg:$0x1] =	wrdreg $0xFFFFFFFF  }
0xad: {  	[dreg:$0x0] =	wrdreg $0x60  }
0xae: {  	[dreg:$0x2] =	wrdreg s24  }
0xaf: {  	[dreg:$0x3] =	wrdreg $0x8C000  }
0xb0: {  	[dreg:$0x4] =	wrdreg $0x9  }
0xb1: {  	_ =	task.clear_ibuf [dreg:s6], $0x5FFFF;
	_ =	strace $0x90000052  }
0xb2: {  	s29 =	simm.s32 $0x9;
	_ =	strace $0x80000054  }
0xb3: {  	_ =	swait.ge [sflag:s29], $0x1  }
0xb4: {  	[sflag:s29] =	ssyncadd.s32 $0xFFFFFFFF  }
0xb5: {  	_ =	strace $0x90000054  }
0xb6: {  	_ =	sfence  }
0xb7: {  	s30 =	sld [smem:$0x0];
	_ =	sdelay $0x2  }
0xb8: {  	s31 =	sshll.u32 s1, $0xD;
	s1 =	sshrl.u32 s1, $0x2  }
0xb9: {  	s3 =	sand.u32 $0x4000, s31;
	s1 =	sadd.s32 s1, s30  }
0xba: {  	s0 =	sor.u32 s3, s0;
	s1 =	sshll.u32 s1, $0x11  }
0xbb: {  	s0 =	sor.u32 s1, s0  }
0xbc: {  	s0 =	sadd.s32 $0x8F2B, s0  }
0xbd: {  	[sflag:s0] =	ssyncadd.remote.s32 $0x1  }
0xbe: {  	_ =	sfence.sel $0xFFFF  }
0xbf: {  	[dreg:$0x0] =	wrdreg $0xFFFFFFFF;
	(pc) =	sbr.abs _section_cstart, $3  }
0xc0: {  	[dreg:$0x1] =	wrdreg $0xFFFFFFFF  }
0xc1: {  	_ =	task.clear_ibuf [dreg:s6], $0x2FFFF;
	_ =	strace $0x9FFFFFFF  }
0xc2: {  	(tm) =	ssettm $0x7FFFFFFF  }
0xc3: {  	_ =	shalt  }
tec
execute0_lowered:
.L_overlay_start_1:
0x0: {  	(tag) =	ssettag $0x1  }
0x1: {  	s1 =	srdreg.scid;
	s4 =	rddreg [dreg:$0x0]  }
0x2: {  	s0 =	stileid.u32;
	s2 =	rddreg [dreg:$0x1];
	s3 =	simm.s32 $0x0  }
0x3: {  	s16 =	simm.s32 $0x4C00;
	s17 =	simm.s32 $0x1;
	s8 =	smul.u32 $0x1F400, s0  }
0x4: {  	s18 =	simm.s32 $0x80;
	s19 =	simm.s32 $0x2;
	s9 =	smul.u32 $0x7D000, s0  }
0x5: {  	s20 =	simm.s32 $0x900;
	s10 =	sand.u32 $0x1, s1;
	s25 =	smul.u32 $0xA0000, s0  }
0x6: {  	s21 =	sshll.u32 s0, $0x1;
	[smem:$0x7FF] =	sst s3;
	s28 =	smul.u32 $0x14000, s0  }
0x7: {  	s1 =	rddreg [dreg:$0x2];
	s11 =	sadd.s32 $0x2BB200, s4;
	s7 =	smul.u32 $0x138800, s10  }
0x8: {  	p0 =	sgt.u32 s0, $0x9;
	s5 =	sor.u32 s10, s21;
	s14 =	smul.u32 $0x50000, s10  }
0x9: {  	_ =	strace $0x80000053;
	s22 =	ssub.s32 $0x2, s10;
	s15 =	smul.u32 $0xA000, s10  }
0xa: {  	s21 =	simm.s32 $0x980;
	s6 =	smul.u32 $0x180, s5;
	s23 =	sshrl.u32 s22, $0x1  }
0xb: {  	s12 =	smul.u32 $0xA000, s5;
	s24 =	sshrl.u32 s9, $0x2;
	s30 =	sadd.s32 s28, s11  }
0xc: {  	s7 =	sadd.s32 s8, s7;
	s8 =	ssub.s32 s22, s23;
	s13 =	sadd.s32 s24, s2  }
0xd: {  	s26 =	sadd.s32 s14, s25;
	s31 =	sadd.s32 s15, s30;
	s14 =	simm.s32 $0x3  }
0xe: {  	s15 =	simm.s32 $0xC00;
	s22 =	simm.s32 $0x0;
	s6 =	sadd.s32 s6, s4  }
0xf: {  	s7 =	sshrl.u32 s7, $0x3;
	s8 =	smax.u32 s8, $0x1;
	s13 =	sshrl.u32 @!p0 s13, $0x3  }
0x10: {  	s7 =	sadd.s32 s7, s4;
	s5 =	sadd.s32 $0x175200, s6;
	s6 =	sadd.s32 s11, s12  }
0x11: {  	s12 =	sor.u32 $0x8000, s26;
	s4 =	sadd.s32 $0x2D000, s7;
	s7 =	sadd.s32 $0x7B200, s7  }
0x12: {  	s9 =	sadd.s32 $0x9800, s6;
	s29 =	sshrl.u32 s12, $0x3;
	s12 =	sshll.u32 @!p0 s0, $0x6  }
0x13: {  	s10 =	sadd.s32 s29, s11;
	s11 =	sadd.s32 $0x800, s31;
	s12 =	sor.u32 @!p0 $0x1C03, s12  }
.LBB2_1:
0x14: {  	[spmem:s13], [sflag:s12] =	dma.local @!p0 [hbm:s4], $0x3E80  }
0x15: {  	s23 =	simm.s32 @!p0 $0x3  }
0x16: {  	_ =	swait.ge @!p0 [sflag:s23], $0x3E80  }
0x17: {  	[sflag:s23] =	ssyncset.done @!p0 $0x0  }
0x18: {  	[sflag:s23] =	ssyncadd.s32 @!p0 $0xFFFFC180  }
0x19: {  	[tilespmem:s3], [sflag:$0x3] =	stream.linear.gather [hbm4b:s5+s3], $0xA00, $0x38;
	[tilespmem:$0x1C480] =	vst v63  }
0x1a: {  	_ =	swait.ge [sflag:s14], $0xA00  }
0x1b: {  	[sflag:s14] =	ssyncset.done $0x0  }
0x1c: {  	[sflag:s14] =	ssyncadd.s32 $0xFFFFF600  }
0x1d: {  	[bflag:$0x0] =	sbarrier.arrive $0xFFFF  }
0x1e: {  	[tilespmem:s15], [sflag:$0x1] =	stream.linear.gather [hbm4b:s6+s3], $0x4000, $0x38;
	[tilespmem:$0x1C480] =	vst v63  }
0x1f: {  	s29 =	sadd.s32 $0x0, s11  }
0x20: {  	[tilespmem:s16], [sflag:$0x2] =	stream.linear.gather [hbm4b:s29+s3], $0x4000, $0x38;
	[tilespmem:$0x1C480] =	vst v63  }
0x21: {  	_ =	swait.ge [sflag:s17], $0x4000  }
0x22: {  	[sflag:s17] =	ssyncset.done $0x0  }
0x23: {  	[sflag:s17] =	ssyncadd.s32 $0xFFFFC000  }
0x24: {  	[spmem:s2] =	stream.indirect.scatter.add.f32 [tilespmem:s15], [sflag:$0x3], $0x80, s3, s18, $0xb8;
	[tilespmem:$0x1C480] =	vst v63  }
0x25: {  	_ =	swait.ge [sflag:s14], $0x4000  }
0x26: {  	[sflag:s14] =	ssyncset.done $0x0  }
0x27: {  	s30 =	sadd.s32 $0x0, s10;
	[sflag:s14] =	ssyncadd.s32 $0xFFFFC000  }
0x28: {  	[tilespmem:s15], [sflag:$0x1] =	stream.linear.gather [hbm4b:s30+s3], $0x4000, $0x38;
	[tilespmem:$0x1C480] =	vst v63  }
0x29: {  	_ =	swait.ge [sflag:s19], $0x4000  }
0x2a: {  	[sflag:s19] =	ssyncset.done $0x0  }
0x2b: {  	s31 =	simm.s32 $0x80;
	[sflag:s19] =	ssyncadd.s32 $0xFFFFC000  }
0x2c: {  	[spmem:s2] =	stream.indirect.scatter.add.f32 [tilespmem:s16], [sflag:$0x3], $0x80, s31, s18, $0xb8;
	[tilespmem:$0x1C480] =	vst v63  }
0x2d: {  	s24 =	simm.s32 $0x1000;
	_ =	swait.ge [sflag:s14], $0x4000  }
0x2e: {  	s25 =	simm.s32 $0x2000;
	s23 =	simm.s32 $0x100;
	[sflag:s14] =	ssyncset.done $0x0  }
.LBB2_2:
0x2f: {  	s26 =	sadd.s32 s24, s11  }
0x30: {  	[sflag:s14] =	ssyncadd.s32 $0xFFFFC000;
	s28 =	smov.u32 s25;
	s29 =	sadd.s32 $0x1000, s25  }
0x31: {  	[tilespmem:s16], [sflag:$0x2] =	stream.linear.gather [hbm4b:s26+s3], $0x4000, $0x38;
	[tilespmem:$0x1C480] =	vst v63  }
0x32: {  	p1 =	sne.s32 s25, $0x8000;
	_ =	swait.ge [sflag:s17], $0x4000  }
0x33: {  	[sflag:s17] =	ssyncset.done $0x0  }
0x34: {  	[sflag:s17] =	ssyncadd.s32 $0xFFFFC000  }
0x35: {  	[spmem:s2] =	stream.indirect.scatter.add.f32 [tilespmem:s15], [sflag:$0x3], $0x80, s23, s18, $0xb8;
	[tilespmem:$0x1C480] =	vst v63  }
0x36: {  	_ =	swait.ge [sflag:s14], $0x4000  }
0x37: {  	[sflag:s14] =	ssyncset.done $0x0  }
0x38: {  	s25 =	sadd.s32 s24, s10;
	s24 =	smov.u32 s28;
	[sflag:s14] =	ssyncadd.s32 $0xFFFFC000  }
0x39: {  	[tilespmem:s15], [sflag:$0x1] =	stream.linear.gather [hbm4b:s25+s3], $0x4000, $0x38;
	[tilespmem:$0x1C480] =	vst v63  }
0x3a: {  	_ =	swait.ge [sflag:s19], $0x4000  }
.Ltmp0:
0x3b: {  	[sflag:s19] =	ssyncset.done $0x0;
	(pc) =	sbr.rel @p1 .LBB2_2-.Ltmp0, $4  }
0x3c: {  	s25 =	sadd.s32 $0x80, s23;
	[sflag:s19] =	ssyncadd.s32 $0xFFFFC000  }
0x3d: {  	[spmem:s2] =	stream.indirect.scatter.add.f32 [tilespmem:s16], [sflag:$0x3], $0x80, s25, s18, $0xb8;
	[tilespmem:$0x1C480] =	vst v63  }
0x3e: {  	_ =	swait.ge [sflag:s14], $0x4000  }
0x3f: {  	s23 =	sadd.s32 $0x100, s23;
	s25 =	smov.u32 s29;
	[sflag:s14] =	ssyncset.done $0x0  }
0x40: {  	s25 =	sadd.s32 s24, s11;
	[sflag:s14] =	ssyncadd.s32 $0xFFFFC000  }
0x41: {  	[tilespmem:s16], [sflag:$0x2] =	stream.linear.gather [hbm4b:s25+s3], $0x4000, $0x38;
	[tilespmem:$0x1C480] =	vst v63  }
0x42: {  	_ =	swait.ge [sflag:s17], $0x4000  }
0x43: {  	[sflag:s17] =	ssyncset.done $0x0  }
0x44: {  	[sflag:s17] =	ssyncadd.s32 $0xFFFFC000  }
0x45: {  	[spmem:s2] =	stream.indirect.scatter.add.f32 [tilespmem:s15], [sflag:$0x3], $0x80, s23, s18, $0xb8;
	[tilespmem:$0x1C480] =	vst v63  }
0x46: {  	_ =	swait.ge [sflag:s14], $0x4000  }
0x47: {  	[sflag:s14] =	ssyncset.done $0x0  }
0x48: {  	s30 =	sadd.s32 s24, s10;
	[sflag:s14] =	ssyncadd.s32 $0xFFFFC000  }
0x49: {  	[tilespmem:s15], [sflag:$0x1] =	stream.linear.gather [hbm4b:s30+s3], $0x4000, $0x38;
	[tilespmem:$0x1C480] =	vst v63  }
0x4a: {  	_ =	swait.ge [sflag:s19], $0x4000  }
0x4b: {  	[sflag:s19] =	ssyncset.done $0x0  }
0x4c: {  	s31 =	sadd.s32 $0x80, s23;
	[sflag:s19] =	ssyncadd.s32 $0xFFFFC000  }
0x4d: {  	[spmem:s2] =	stream.indirect.scatter.add.f32 [tilespmem:s16], [sflag:$0x3], $0x80, s31, s18, $0xb8;
	[tilespmem:$0x1C480] =	vst v63  }
0x4e: {  	_ =	swait.ge [sflag:s14], $0x4000  }
0x4f: {  	[sflag:s14] =	ssyncset.done $0x0  }
0x50: {  	[sflag:s14] =	ssyncadd.s32 $0xFFFFC000  }
0x51: {  	[tilespmem:s16], [sflag:$0x2] =	stream.linear.gather [hbm4b:s9+s3], $0x4000, $0x38;
	[tilespmem:$0x1C480] =	vst v63  }
0x52: {  	_ =	swait.ge [sflag:s17], $0x4000  }
0x53: {  	[sflag:s17] =	ssyncset.done $0x0  }
0x54: {  	[sflag:s17] =	ssyncadd.s32 $0xFFFFC000  }
0x55: {  	[spmem:s2] =	stream.indirect.scatter.add.f32 [tilespmem:s15], [sflag:$0x3], $0x80, s20, s18, $0xb8;
	[tilespmem:$0x1C480] =	vst v63  }
0x56: {  	_ =	swait.ge [sflag:s14], $0x4000  }
0x57: {  	[sflag:s14] =	ssyncset.done $0x0  }
0x58: {  	[sflag:s14] =	ssyncadd.s32 $0xFFFFC000  }
0x59: {  	_ =	swait.ge [sflag:s19], $0x4000  }
0x5a: {  	[sflag:s19] =	ssyncset.done $0x0  }
0x5b: {  	[sflag:s19] =	ssyncadd.s32 $0xFFFFC000  }
0x5c: {  	[spmem:s2] =	stream.indirect.scatter.add.f32 [tilespmem:s16], [sflag:$0x3], $0x80, s21, s18, $0xb8;
	[tilespmem:$0x1C480] =	vst v63  }
0x5d: {  	_ =	swait.ge [sflag:s14], $0x4000  }
0x5e: {  	s22 =	sadd.s32 $0x1, s22;
	[sflag:s14] =	ssyncset.done $0x0  }
0x5f: {  	p1 =	sne.s32 s22, s8;
	[sflag:s14] =	ssyncadd.s32 $0xFFFFC000  }
.Ltmp1:
0x60: {  	s23 =	simm.s32 @!p0 $0x3;
	[bflag:$0x0] =	sbarrier.arrive $0xFFFF;
	(pc) =	sbr.rel @p1 .LBB2_1-.Ltmp1, $4  }
0x61: {  	[hbm:s7], [sflag:s12] =	dma.local @!p0 [spmem:s13], $0x3E80  }
0x62: {  	_ =	swait.ge @!p0 [sflag:s23], $0x3E80  }
0x63: {  	[sflag:s23] =	ssyncset.done @!p0 $0x0  }
0x64: {  	[sflag:s23] =	ssyncadd.s32 @!p0 $0xFFFFC180  }
0x65: {  	_ =	sfence.sel $0x180000  }
0x66: {  	[bflag:$0x0] =	sbarrier.arrive $0xFFFF  }
0x67: {  	p0 =	sne.s32 s0, $0x0;
	_ =	strace $0x90000053  }
0x68: {  	s0 =	sadd.s32 @!p0 $0x100000, s1;
	[bflag:$0x2] =	sbarrier.arrive $0xFFFF  }
0x69: {  	[sflag:s0] =	ssyncadd.tile.s32 @!p0 $0x1;
	_ =	shalt  }
.Lfunc_end2:
_tile_overlayer_lowered:
.L_overlay_start_2:
0x6a: {  	(tag) =	ssettag $0x2  }
0x6b: {  	s0 =	rddreg [dreg:$0x0];
	s2 =	stileid.u32  }
0x6c: {  	s1 =	rddreg [dreg:$0x1];
	p0 =	sne.s32 s2, $0x0  }
0x6d: {  	s3 =	rddreg [dreg:$0x2];
	[bflag:$0x3] =	sbarrier.arrive $0xFFFF;
	s2 =	simm.s32 @!p0 $0x1C03  }
0x6e: {  	[timem:s3], [sflag:s2] =	dma.local @!p0 [hbm:s0], s1  }
0x6f: {  	s0 =	simm.s32 @!p0 $0x3  }
0x70: {  	_ =	swait.ge @!p0 [sflag:s0], s1  }
0x71: {  	s1 =	ssub.s32 @!p0 $0x0, s1;
	[sflag:s0] =	ssyncset.done @!p0 $0x0  }
0x72: {  	[sflag:s0] =	ssyncadd.s32 @!p0 s1  }
0x73: {  	[bflag:$0x3] =	sbarrier.arrive $0xFFFF  }
0x74: {  	_ =	shalt  }

// kernel: kernel.31.cloned.1.call-start
scs
__scs_entry_jumppad:
0x0: {  	(pc) =	sbr.rel $0x88, $3  }
0x1: {  	(tag) =	ssettag $0x0;
	lr =	simm.s32 $0x1  }
0x2: {  	[smem:$0x3F8D] =	sst lr;
	_ =	strace $0xD0000000  }
0x3: {  	_ = 	snop  }
0x4: {  	_ = 	snop  }
0x5: {  	_ = 	snop  }
0x6: {  	_ = 	snop  }
0x7: {  	_ = 	snop  }
__scs_overlays_trampoline_lowered:
0x8: {  	[smem:$0x3F9C] =	sst s0  }
0x9: {  	[smem:$0x3F9D] =	sst s1  }
0xa: {  	[smem:$0x3F9E] =	sst s2  }
0xb: {  	[smem:$0x3F9F] =	sst s3  }
0xc: {  	[smem:$0x3FA0] =	sst s4  }
0xd: {  	[smem:$0x3FA1] =	sst s5  }
0xe: {  	[smem:$0x3FA2] =	sst s6  }
0xf: {  	[smem:$0x3FA3] =	sst s7  }
0x10: {  	[smem:$0x3FA4] =	sst s8  }
0x11: {  	[smem:$0x3FA5] =	sst s9;
	s0 =	simm.s32 @!p0 $0x0  }
0x12: {  	s1 =	sld [smem:$0x3F8B];
	s0 =	simm.s32 @p0 $0x1  }
0x13: {  	[smem:$0x3FA6] =	sst s0;
	s0 =	simm.s32 @!p1 $0x0  }
0x14: {  	s2 =	sld [smem:$0x3F8A];
	s0 =	simm.s32 @p1 $0x1  }
0x15: {  	[smem:$0x3FA7] =	sst s0;
	s0 =	simm.s32 @!p2 $0x0  }
0x16: {  	s3 =	sld [smem:$0x3FDB];
	s0 =	simm.s32 @p2 $0x1  }
0x17: {  	s4 =	simm.s32 $0x1BF5;
	[smem:$0x3FA9] =	sst s0  }
0x18: {  	s0 =	sld [smem:$0x3F8C];
	_ =	swait.ge [sflag:s4], $0x0  }
0x19: {  	s7 =	sld [smem:$0x3F8D]  }
0x1a: {  	s8 =	sadd.s32 $0xFFFFE003, lr  }
0x1b: {  	s9 =	sadd.s32 $0xFFFFFEF7, lr;
	s5 =	simm.s32 $0xFFFFFFFF;
	p2 =	slt.u32 s8, $0xFFFFF086  }
0x1c: {  	p1 =	slt.u32 s9, $0xF7A;
	s5 =	simm.s32 @!p2 $0x0  }
0x1d: {  	s5 =	simm.s32 @p1 $0x1;
	p0 =	seq.s32 s7, s2  }
0x1e: {  	s7 =	smul.u32 @!p0 $0xF7A, s2;
	p2 =	seq.s32 @!p0 s5, $0x0  }
0x1f: {  	s9 =	smul.u32 $0xF7A, s1;
	s8 =	simm.s32 @!p0 $0x1BF5;
	p2 =	por !p2, p0  }
0x20: {  	[sflag:s8] =	ssyncset.s32 @!p0 $0xFFFFF086;
	s6 =	sadd.s32 @!p0 s3, s7;
	s7 =	simm.s32 @!p0 $0x108  }
0x21: {  	s3 =	sadd.s32 s3, s9;
	s6 =	sadd.s32 @!p0 $0x88, s6;
	s7 =	simm.s32 @p2 $0x1082  }
0x22: {  	[simem:s7], [sflag:s8] =	dma.local @!p0 [hbm:s6], $0xF7A  }
0x23: {  	s9 =	sor.u32 $0xD0000000, s2;
	s6 =	simm.s32 $0x108;
	_ =	swait.ge @!p0 [sflag:s8], $0x0  }
0x24: {  	s3 =	sadd.s32 $0x88, s3;
	s6 =	simm.s32 @!p1 $0x1082;
	[sflag:s4] =	ssyncset.s32 $0xFFFFF086  }
0x25: {  	[simem:s6], [sflag:s4] =	dma.local [hbm:s3], $0xF7A  }
0x26: {  	[smem:$0x3F8D] =	sst s1;
	(tag) =	ssettag s2;
	_ =	strace s9  }
0x27: {  	s1 =	sld [smem:$0x3F9D]  }
0x28: {  	s2 =	sld [smem:$0x3F9E]  }
0x29: {  	s4 =	sld [smem:$0x3FA0]  }
0x2a: {  	p0 =	seq.s32 s5, $0x0;
	s5 =	sld [smem:$0x3FA1]  }
0x2b: {  	s6 =	sld [smem:$0x3FA2]  }
0x2c: {  	s7 =	sld [smem:$0x3FA3]  }
0x2d: {  	s3 =	simm.s32 $0x108;
	s8 =	sld [smem:$0x3FA4]  }
0x2e: {  	s3 =	simm.s32 @!p0 $0x1082;
	s9 =	sld [smem:$0x3FA5]  }
0x2f: {  	lr =	sadd.s32 s0, s3;
	s0 =	sld [smem:$0x3F9C]  }
0x30: {  	s3 =	sld [smem:$0x3F9F]  }
0x31: {  	[smem:$0x3FA8] =	sst s10  }
0x32: {  	s10 =	sld [smem:$0x3FA6];
	_ =	sdelay $0x3  }
0x33: {  	p0 =	seq.s32 s10, $0x1;
	s10 =	sld [smem:$0x3FA8];
	_ =	sdelay $0x3  }
0x34: {  	[smem:$0x3FA8] =	sst s10  }
0x35: {  	s10 =	sld [smem:$0x3FA7];
	_ =	sdelay $0x3  }
0x36: {  	p1 =	seq.s32 s10, $0x1;
	s10 =	sld [smem:$0x3FA8];
	_ =	sdelay $0x3  }
0x37: {  	[smem:$0x3FA8] =	sst s10  }
0x38: {  	s10 =	sld [smem:$0x3FA9]  }
0x39: {  	_ = 	snop;
	(pc) =	sbr.ind lr, $3  }
0x3a: {  	_ = 	snop  }
0x3b: {  	_ = 	snop  }
0x3c: {  	p2 =	seq.s32 s10, $0x1;
	s10 =	sld [smem:$0x3FA8]  }
0x3d: {  	_ =	shalt  }
0x3e: {  	_ =	shalt  }
0x3f: {  	_ =	shalt  }
0x40: {  	_ =	shalt  }
0x41: {  	_ =	shalt  }
0x42: {  	_ =	shalt  }
0x43: {  	_ =	shalt  }
0x44: {  	_ =	shalt  }
0x45: {  	_ =	shalt  }
0x46: {  	_ =	shalt  }
0x47: {  	_ =	shalt  }
0x48: {  	_ =	shalt  }
0x49: {  	_ =	shalt  }
0x4a: {  	_ =	shalt  }
0x4b: {  	_ =	shalt  }
0x4c: {  	_ =	shalt  }
0x4d: {  	_ =	shalt  }
0x4e: {  	_ =	shalt  }
0x4f: {  	_ =	shalt  }
0x50: {  	_ =	shalt  }
0x51: {  	_ =	shalt  }
0x52: {  	_ =	shalt  }
0x53: {  	_ =	shalt  }
0x54: {  	_ =	shalt  }
0x55: {  	_ =	shalt  }
0x56: {  	_ =	shalt  }
0x57: {  	_ =	shalt  }
0x58: {  	_ =	shalt  }
0x59: {  	_ =	shalt  }
0x5a: {  	_ =	shalt  }
0x5b: {  	_ =	shalt  }
0x5c: {  	_ =	shalt  }
0x5d: {  	_ =	shalt  }
0x5e: {  	_ =	shalt  }
0x5f: {  	_ =	shalt  }
0x60: {  	_ =	shalt  }
0x61: {  	_ =	shalt  }
0x62: {  	_ =	shalt  }
0x63: {  	_ =	shalt  }
0x64: {  	_ =	shalt  }
0x65: {  	_ =	shalt  }
0x66: {  	_ =	shalt  }
0x67: {  	_ =	shalt  }
0x68: {  	_ =	shalt  }
0x69: {  	_ =	shalt  }
0x6a: {  	_ =	shalt  }
0x6b: {  	_ =	shalt  }
0x6c: {  	_ =	shalt  }
0x6d: {  	_ =	shalt  }
0x6e: {  	_ =	shalt  }
0x6f: {  	_ =	shalt  }
0x70: {  	_ =	shalt  }
0x71: {  	_ =	shalt  }
0x72: {  	_ =	shalt  }
0x73: {  	_ =	shalt  }
0x74: {  	_ =	shalt  }
0x75: {  	_ =	shalt  }
0x76: {  	_ =	shalt  }
0x77: {  	_ =	shalt  }
0x78: {  	_ =	shalt  }
0x79: {  	_ =	shalt  }
0x7a: {  	_ =	shalt  }
0x7b: {  	_ =	shalt  }
0x7c: {  	_ =	shalt  }
0x7d: {  	_ =	shalt  }
0x7e: {  	_ =	shalt  }
0x7f: {  	_ =	shalt  }
0x80: {  	_ =	shalt  }
0x81: {  	_ =	shalt  }
0x82: {  	_ =	shalt  }
0x83: {  	_ =	shalt  }
0x84: {  	_ =	shalt  }
0x85: {  	_ =	shalt  }
0x86: {  	_ =	shalt  }
0x87: {  	_ =	shalt  }
.Lfunc_end0:
.L_simem_size_0:
called_computation.5_lowered:
.L_overlay_start_0:
0x88: {  	s2 =	sld [smem:$0x3FD9]  }
0x89: {  	s3 =	sld [smem:$0x3FFE];
	_ =	sdelay $0x1  }
0x8a: {  	s1 =	srdreg.scid  }
0x8b: {  	s0 =	sand.u32 $0x1, s1  }
0x8c: {  	s16 =	sshll.u32 s0, $0xA;
	s2 =	sadd.s32 s3, s2  }
0x8d: {  	s2 =	sadd.s32 s2, s16  }
0x8e: {  	[smem:$0x3FB4] =	sst s2  }
0x8f: {  	_ = 	snop  }
0x90: {  	(tm) =	ssettm $0x1  }
0x91: {  	s17 =	sld [smem:$0x3FFB];
	_ =	sdelay $0x3  }
0x92: {  	_ =	strace s17  }
0x93: {  	s2 =	sld [smem:$0x3FFC];
	_ =	sdelay $0x3  }
0x94: {  	_ =	strace s2  }
0x95: {  	s2 =	sld [smem:$0x3FFD];
	_ =	sdelay $0x3  }
0x96: {  	_ =	strace s2  }
0x97: {  	_ =	strace $0x8FFFFFFF  }
0x98: {  	s18 =	sld [smem:$0x3FDB];
	_ =	sdelay $0x1  }
0x99: {  	s19 =	simm.s32 $_scs_section_size  }
0x9a: {  	s4 =	simm.s32 $_size__tile_overlayer_lowered;
	s5 =	simm.s32 $_tile_overlayer_lowered  }
0x9b: {  	s22 =	simm.s32 $0x1BFF;
	s21 =	sshll.u32 s5, $0x1;
	s2 =	sadd.s32 s19, s18  }
0x9c: {  	s6 =	simm.s32 $0x0;
	s20 =	sshll.u32 s4, $0x1;
	s4 =	sadd.s32 s21, s2  }
0x9d: {  	[timem:s6], [sflag:s22] =	dma.local [hbm:s4], s20  }
0x9e: {  	_ =	swait.ge [sflag:s22], s20  }
0x9f: {  	s3 =	ssub.s32 $0x0, s20;
	[sflag:s22] =	ssyncset.done $0x0  }
0xa0: {  	[sflag:s22] =	ssyncadd.s32 s3;
	_ =	sdelay $0x1  }
0xa1: {  	s23 =	simm.s32 $0x1B8B  }
0xa2: {  	_ =	swait.ge [sflag:s23], $0x1  }
0xa3: {  	[sflag:s23] =	ssyncset.done $0x0  }
0xa4: {  	s25 =	simm.s32 $0x1B8E;
	s24 =	sld [smem:$0x3FFE];
	[sflag:s23] =	ssyncadd.s32 $0xFFFFFFFF  }
0xa5: {  	s26 =	simm.s32 $execute0_lowered;
	[smem:$0x3FD2] =	sst s25  }
0xa6: {  	s4 =	sshll.u32 s26, $0x1;
	_ =	strace $0x80000055;
	[dreg:$0x1] =	wrdreg $0xFFFFFFFF  }
0xa7: {  	s28 =	simm.s32 $_size_execute0_lowered;
	s2 =	sadd.s32 s2, s4;
	[dreg:$0x0] =	wrdreg $0x0  }
0xa8: {  	s4 =	sshll.u32 s28, $0x1;
	[dreg:$0x2] =	wrdreg s2  }
0xa9: {  	[dreg:$0x3] =	wrdreg s4  }
0xaa: {  	[dreg:$0x4] =	wrdreg $0xC0  }
0xab: {  	_ =	task [dreg:s6], $0x5FFFF  }
0xac: {  	[dreg:$0x1] =	wrdreg $0xFFFFFFFF  }
0xad: {  	[dreg:$0x0] =	wrdreg $0x60  }
0xae: {  	[dreg:$0x2] =	wrdreg s24  }
0xaf: {  	[dreg:$0x3] =	wrdreg $0x8C000  }
0xb0: {  	[dreg:$0x4] =	wrdreg $0x9  }
0xb1: {  	_ =	task.clear_ibuf [dreg:s6], $0x5FFFF;
	_ =	strace $0x90000055  }
0xb2: {  	s29 =	simm.s32 $0x9;
	_ =	strace $0x80000057  }
0xb3: {  	_ =	swait.ge [sflag:s29], $0x1  }
0xb4: {  	[sflag:s29] =	ssyncadd.s32 $0xFFFFFFFF  }
0xb5: {  	_ =	strace $0x90000057  }
0xb6: {  	_ =	sfence  }
0xb7: {  	s30 =	sld [smem:$0x0];
	_ =	sdelay $0x2  }
0xb8: {  	s31 =	sshll.u32 s1, $0xD;
	s1 =	sshrl.u32 s1, $0x2  }
0xb9: {  	s3 =	sand.u32 $0x4000, s31;
	s1 =	sadd.s32 s1, s30  }
0xba: {  	s0 =	sor.u32 s3, s0;
	s1 =	sshll.u32 s1, $0x11  }
0xbb: {  	s0 =	sor.u32 s1, s0  }
0xbc: {  	s0 =	sadd.s32 $0x8F2B, s0  }
0xbd: {  	[sflag:s0] =	ssyncadd.remote.s32 $0x1  }
0xbe: {  	_ =	sfence.sel $0xFFFF  }
0xbf: {  	[dreg:$0x0] =	wrdreg $0xFFFFFFFF;
	(pc) =	sbr.abs _section_cstart, $3  }
0xc0: {  	[dreg:$0x1] =	wrdreg $0xFFFFFFFF  }
0xc1: {  	_ =	task.clear_ibuf [dreg:s6], $0x2FFFF;
	_ =	strace $0x9FFFFFFF  }
0xc2: {  	(tm) =	ssettm $0x7FFFFFFF  }
0xc3: {  	_ =	shalt  }
tec
execute0_lowered:
.L_overlay_start_1:
0x0: {  	(tag) =	ssettag $0x1  }
0x1: {  	s1 =	srdreg.scid;
	s4 =	rddreg [dreg:$0x0]  }
0x2: {  	s0 =	stileid.u32;
	s2 =	rddreg [dreg:$0x1];
	s3 =	simm.s32 $0x0  }
0x3: {  	s16 =	simm.s32 $0x4C00;
	s17 =	simm.s32 $0x1;
	s8 =	smul.u32 $0x1F400, s0  }
0x4: {  	s18 =	simm.s32 $0x80;
	s19 =	simm.s32 $0x2;
	s9 =	smul.u32 $0x7D000, s0  }
0x5: {  	s20 =	simm.s32 $0x900;
	s10 =	sand.u32 $0x1, s1;
	s25 =	smul.u32 $0xA0000, s0  }
0x6: {  	s21 =	sshll.u32 s0, $0x1;
	[smem:$0x7FF] =	sst s3;
	s28 =	smul.u32 $0x14000, s0  }
0x7: {  	s1 =	rddreg [dreg:$0x2];
	s11 =	sadd.s32 $0x17B200, s4;
	s7 =	smul.u32 $0x138800, s10  }
0x8: {  	p0 =	sgt.u32 s0, $0x9;
	s5 =	sor.u32 s10, s21;
	s14 =	smul.u32 $0x50000, s10  }
0x9: {  	_ =	strace $0x80000056;
	s22 =	ssub.s32 $0x2, s10;
	s15 =	smul.u32 $0xA000, s10  }
0xa: {  	s21 =	simm.s32 $0x980;
	s6 =	smul.u32 $0x180, s5;
	s23 =	sshrl.u32 s22, $0x1  }
0xb: {  	s12 =	smul.u32 $0xA000, s5;
	s24 =	sshrl.u32 s9, $0x2;
	s30 =	sadd.s32 s28, s11  }
0xc: {  	s7 =	sadd.s32 s8, s7;
	s8 =	ssub.s32 s22, s23;
	s13 =	sadd.s32 s24, s2  }
0xd: {  	s26 =	sadd.s32 s14, s25;
	s31 =	sadd.s32 s15, s30;
	s14 =	simm.s32 $0x3  }
0xe: {  	s15 =	simm.s32 $0xC00;
	s22 =	simm.s32 $0x0;
	s6 =	sadd.s32 s6, s4  }
0xf: {  	s7 =	sshrl.u32 s7, $0x3;
	s8 =	smax.u32 s8, $0x1;
	s13 =	sshrl.u32 @!p0 s13, $0x3  }
0x10: {  	s7 =	sadd.s32 s7, s4;
	s5 =	sadd.s32 $0x178200, s6;
	s6 =	sadd.s32 s11, s12  }
0x11: {  	s12 =	sor.u32 $0x8000, s26;
	s4 =	sadd.s32 $0x7B200, s7;
	s7 =	sadd.s32 $0x5800, s7  }
0x12: {  	s9 =	sadd.s32 $0x9800, s6;
	s29 =	sshrl.u32 s12, $0x3;
	s12 =	sshll.u32 @!p0 s0, $0x6  }
0x13: {  	s10 =	sadd.s32 s29, s11;
	s11 =	sadd.s32 $0x800, s31;
	s12 =	sor.u32 @!p0 $0x1C03, s12  }
.LBB2_1:
0x14: {  	[spmem:s13], [sflag:s12] =	dma.local @!p0 [hbm:s4], $0x3E80  }
0x15: {  	s23 =	simm.s32 @!p0 $0x3  }
0x16: {  	_ =	swait.ge @!p0 [sflag:s23], $0x3E80  }
0x17: {  	[sflag:s23] =	ssyncset.done @!p0 $0x0  }
0x18: {  	[sflag:s23] =	ssyncadd.s32 @!p0 $0xFFFFC180  }
0x19: {  	[tilespmem:s3], [sflag:$0x3] =	stream.linear.gather [hbm4b:s5+s3], $0xA00, $0x38;
	[tilespmem:$0x1C480] =	vst v63  }
0x1a: {  	_ =	swait.ge [sflag:s14], $0xA00  }
0x1b: {  	[sflag:s14] =	ssyncset.done $0x0  }
0x1c: {  	[sflag:s14] =	ssyncadd.s32 $0xFFFFF600  }
0x1d: {  	[bflag:$0x0] =	sbarrier.arrive $0xFFFF  }
0x1e: {  	[tilespmem:s15], [sflag:$0x1] =	stream.linear.gather [hbm4b:s6+s3], $0x4000, $0x38;
	[tilespmem:$0x1C480] =	vst v63  }
0x1f: {  	s29 =	sadd.s32 $0x0, s11  }
0x20: {  	[tilespmem:s16], [sflag:$0x2] =	stream.linear.gather [hbm4b:s29+s3], $0x4000, $0x38;
	[tilespmem:$0x1C480] =	vst v63  }
0x21: {  	_ =	swait.ge [sflag:s17], $0x4000  }
0x22: {  	[sflag:s17] =	ssyncset.done $0x0  }
0x23: {  	[sflag:s17] =	ssyncadd.s32 $0xFFFFC000  }
0x24: {  	[spmem:s2] =	stream.indirect.scatter.add.f32 [tilespmem:s15], [sflag:$0x3], $0x80, s3, s18, $0xb8;
	[tilespmem:$0x1C480] =	vst v63  }
0x25: {  	_ =	swait.ge [sflag:s14], $0x4000  }
0x26: {  	[sflag:s14] =	ssyncset.done $0x0  }
0x27: {  	s30 =	sadd.s32 $0x0, s10;
	[sflag:s14] =	ssyncadd.s32 $0xFFFFC000  }
0x28: {  	[tilespmem:s15], [sflag:$0x1] =	stream.linear.gather [hbm4b:s30+s3], $0x4000, $0x38;
	[tilespmem:$0x1C480] =	vst v63  }
0x29: {  	_ =	swait.ge [sflag:s19], $0x4000  }
0x2a: {  	[sflag:s19] =	ssyncset.done $0x0  }
0x2b: {  	s31 =	simm.s32 $0x80;
	[sflag:s19] =	ssyncadd.s32 $0xFFFFC000  }
0x2c: {  	[spmem:s2] =	stream.indirect.scatter.add.f32 [tilespmem:s16], [sflag:$0x3], $0x80, s31, s18, $0xb8;
	[tilespmem:$0x1C480] =	vst v63  }
0x2d: {  	s24 =	simm.s32 $0x1000;
	_ =	swait.ge [sflag:s14], $0x4000  }
0x2e: {  	s25 =	simm.s32 $0x2000;
	s23 =	simm.s32 $0x100;
	[sflag:s14] =	ssyncset.done $0x0  }
.LBB2_2:
0x2f: {  	s26 =	sadd.s32 s24, s11  }
0x30: {  	[sflag:s14] =	ssyncadd.s32 $0xFFFFC000;
	s28 =	smov.u32 s25;
	s29 =	sadd.s32 $0x1000, s25  }
0x31: {  	[tilespmem:s16], [sflag:$0x2] =	stream.linear.gather [hbm4b:s26+s3], $0x4000, $0x38;
	[tilespmem:$0x1C480] =	vst v63  }
0x32: {  	p1 =	sne.s32 s25, $0x8000;
	_ =	swait.ge [sflag:s17], $0x4000  }
0x33: {  	[sflag:s17] =	ssyncset.done $0x0  }
0x34: {  	[sflag:s17] =	ssyncadd.s32 $0xFFFFC000  }
0x35: {  	[spmem:s2] =	stream.indirect.scatter.add.f32 [tilespmem:s15], [sflag:$0x3], $0x80, s23, s18, $0xb8;
	[tilespmem:$0x1C480] =	vst v63  }
0x36: {  	_ =	swait.ge [sflag:s14], $0x4000  }
0x37: {  	[sflag:s14] =	ssyncset.done $0x0  }
0x38: {  	s25 =	sadd.s32 s24, s10;
	s24 =	smov.u32 s28;
	[sflag:s14] =	ssyncadd.s32 $0xFFFFC000  }
0x39: {  	[tilespmem:s15], [sflag:$0x1] =	stream.linear.gather [hbm4b:s25+s3], $0x4000, $0x38;
	[tilespmem:$0x1C480] =	vst v63  }
0x3a: {  	_ =	swait.ge [sflag:s19], $0x4000  }
.Ltmp0:
0x3b: {  	[sflag:s19] =	ssyncset.done $0x0;
	(pc) =	sbr.rel @p1 .LBB2_2-.Ltmp0, $4  }
0x3c: {  	s25 =	sadd.s32 $0x80, s23;
	[sflag:s19] =	ssyncadd.s32 $0xFFFFC000  }
0x3d: {  	[spmem:s2] =	stream.indirect.scatter.add.f32 [tilespmem:s16], [sflag:$0x3], $0x80, s25, s18, $0xb8;
	[tilespmem:$0x1C480] =	vst v63  }
0x3e: {  	_ =	swait.ge [sflag:s14], $0x4000  }
0x3f: {  	s23 =	sadd.s32 $0x100, s23;
	s25 =	smov.u32 s29;
	[sflag:s14] =	ssyncset.done $0x0  }
0x40: {  	s25 =	sadd.s32 s24, s11;
	[sflag:s14] =	ssyncadd.s32 $0xFFFFC000  }
0x41: {  	[tilespmem:s16], [sflag:$0x2] =	stream.linear.gather [hbm4b:s25+s3], $0x4000, $0x38;
	[tilespmem:$0x1C480] =	vst v63  }
0x42: {  	_ =	swait.ge [sflag:s17], $0x4000  }
0x43: {  	[sflag:s17] =	ssyncset.done $0x0  }
0x44: {  	[sflag:s17] =	ssyncadd.s32 $0xFFFFC000  }
0x45: {  	[spmem:s2] =	stream.indirect.scatter.add.f32 [tilespmem:s15], [sflag:$0x3], $0x80, s23, s18, $0xb8;
	[tilespmem:$0x1C480] =	vst v63  }
0x46: {  	_ =	swait.ge [sflag:s14], $0x4000  }
0x47: {  	[sflag:s14] =	ssyncset.done $0x0  }
0x48: {  	s30 =	sadd.s32 s24, s10;
	[sflag:s14] =	ssyncadd.s32 $0xFFFFC000  }
0x49: {  	[tilespmem:s15], [sflag:$0x1] =	stream.linear.gather [hbm4b:s30+s3], $0x4000, $0x38;
	[tilespmem:$0x1C480] =	vst v63  }
0x4a: {  	_ =	swait.ge [sflag:s19], $0x4000  }
0x4b: {  	[sflag:s19] =	ssyncset.done $0x0  }
0x4c: {  	s31 =	sadd.s32 $0x80, s23;
	[sflag:s19] =	ssyncadd.s32 $0xFFFFC000  }
0x4d: {  	[spmem:s2] =	stream.indirect.scatter.add.f32 [tilespmem:s16], [sflag:$0x3], $0x80, s31, s18, $0xb8;
	[tilespmem:$0x1C480] =	vst v63  }
0x4e: {  	_ =	swait.ge [sflag:s14], $0x4000  }
0x4f: {  	[sflag:s14] =	ssyncset.done $0x0  }
0x50: {  	[sflag:s14] =	ssyncadd.s32 $0xFFFFC000  }
0x51: {  	[tilespmem:s16], [sflag:$0x2] =	stream.linear.gather [hbm4b:s9+s3], $0x4000, $0x38;
	[tilespmem:$0x1C480] =	vst v63  }
0x52: {  	_ =	swait.ge [sflag:s17], $0x4000  }
0x53: {  	[sflag:s17] =	ssyncset.done $0x0  }
0x54: {  	[sflag:s17] =	ssyncadd.s32 $0xFFFFC000  }
0x55: {  	[spmem:s2] =	stream.indirect.scatter.add.f32 [tilespmem:s15], [sflag:$0x3], $0x80, s20, s18, $0xb8;
	[tilespmem:$0x1C480] =	vst v63  }
0x56: {  	_ =	swait.ge [sflag:s14], $0x4000  }
0x57: {  	[sflag:s14] =	ssyncset.done $0x0  }
0x58: {  	[sflag:s14] =	ssyncadd.s32 $0xFFFFC000  }
0x59: {  	_ =	swait.ge [sflag:s19], $0x4000  }
0x5a: {  	[sflag:s19] =	ssyncset.done $0x0  }
0x5b: {  	[sflag:s19] =	ssyncadd.s32 $0xFFFFC000  }
0x5c: {  	[spmem:s2] =	stream.indirect.scatter.add.f32 [tilespmem:s16], [sflag:$0x3], $0x80, s21, s18, $0xb8;
	[tilespmem:$0x1C480] =	vst v63  }
0x5d: {  	_ =	swait.ge [sflag:s14], $0x4000  }
0x5e: {  	s22 =	sadd.s32 $0x1, s22;
	[sflag:s14] =	ssyncset.done $0x0  }
0x5f: {  	p1 =	sne.s32 s22, s8;
	[sflag:s14] =	ssyncadd.s32 $0xFFFFC000  }
.Ltmp1:
0x60: {  	s23 =	simm.s32 @!p0 $0x3;
	[bflag:$0x0] =	sbarrier.arrive $0xFFFF;
	(pc) =	sbr.rel @p1 .LBB2_1-.Ltmp1, $4  }
0x61: {  	[hbm:s7], [sflag:s12] =	dma.local @!p0 [spmem:s13], $0x3E80  }
0x62: {  	_ =	swait.ge @!p0 [sflag:s23], $0x3E80  }
0x63: {  	[sflag:s23] =	ssyncset.done @!p0 $0x0  }
0x64: {  	[sflag:s23] =	ssyncadd.s32 @!p0 $0xFFFFC180  }
0x65: {  	_ =	sfence.sel $0x180000  }
0x66: {  	[bflag:$0x0] =	sbarrier.arrive $0xFFFF  }
0x67: {  	p0 =	sne.s32 s0, $0x0;
	_ =	strace $0x90000056  }
0x68: {  	s0 =	sadd.s32 @!p0 $0x100000, s1;
	[bflag:$0x2] =	sbarrier.arrive $0xFFFF  }
0x69: {  	[sflag:s0] =	ssyncadd.tile.s32 @!p0 $0x1;
	_ =	shalt  }
.Lfunc_end2:
_tile_overlayer_lowered:
.L_overlay_start_2:
0x6a: {  	(tag) =	ssettag $0x2  }
0x6b: {  	s0 =	rddreg [dreg:$0x0];
	s2 =	stileid.u32  }
0x6c: {  	s1 =	rddreg [dreg:$0x1];
	p0 =	sne.s32 s2, $0x0  }
0x6d: {  	s3 =	rddreg [dreg:$0x2];
	[bflag:$0x3] =	sbarrier.arrive $0xFFFF;
	s2 =	simm.s32 @!p0 $0x1C03  }
0x6e: {  	[timem:s3], [sflag:s2] =	dma.local @!p0 [hbm:s0], s1  }
0x6f: {  	s0 =	simm.s32 @!p0 $0x3  }
0x70: {  	_ =	swait.ge @!p0 [sflag:s0], s1  }
0x71: {  	s1 =	ssub.s32 @!p0 $0x0, s1;
	[sflag:s0] =	ssyncset.done @!p0 $0x0  }
0x72: {  	[sflag:s0] =	ssyncadd.s32 @!p0 s1  }
0x73: {  	[bflag:$0x3] =	sbarrier.arrive $0xFFFF  }
0x74: {  	_ =	shalt  }

// kernel: kernel.34.cloned.1.call-start
scs
__scs_entry_jumppad:
0x0: {  	(pc) =	sbr.rel $0x88, $3  }
0x1: {  	(tag) =	ssettag $0x0;
	lr =	simm.s32 $0x1  }
0x2: {  	[smem:$0x3F8D] =	sst lr;
	_ =	strace $0xD0000000  }
0x3: {  	_ = 	snop  }
0x4: {  	_ = 	snop  }
0x5: {  	_ = 	snop  }
0x6: {  	_ = 	snop  }
0x7: {  	_ = 	snop  }
__scs_overlays_trampoline_lowered:
0x8: {  	[smem:$0x3F9C] =	sst s0  }
0x9: {  	[smem:$0x3F9D] =	sst s1  }
0xa: {  	[smem:$0x3F9E] =	sst s2  }
0xb: {  	[smem:$0x3F9F] =	sst s3  }
0xc: {  	[smem:$0x3FA0] =	sst s4  }
0xd: {  	[smem:$0x3FA1] =	sst s5  }
0xe: {  	[smem:$0x3FA2] =	sst s6  }
0xf: {  	[smem:$0x3FA3] =	sst s7  }
0x10: {  	[smem:$0x3FA4] =	sst s8  }
0x11: {  	[smem:$0x3FA5] =	sst s9;
	s0 =	simm.s32 @!p0 $0x0  }
0x12: {  	s1 =	sld [smem:$0x3F8B];
	s0 =	simm.s32 @p0 $0x1  }
0x13: {  	[smem:$0x3FA6] =	sst s0;
	s0 =	simm.s32 @!p1 $0x0  }
0x14: {  	s2 =	sld [smem:$0x3F8A];
	s0 =	simm.s32 @p1 $0x1  }
0x15: {  	[smem:$0x3FA7] =	sst s0;
	s0 =	simm.s32 @!p2 $0x0  }
0x16: {  	s3 =	sld [smem:$0x3FDB];
	s0 =	simm.s32 @p2 $0x1  }
0x17: {  	s4 =	simm.s32 $0x1BF5;
	[smem:$0x3FA9] =	sst s0  }
0x18: {  	s0 =	sld [smem:$0x3F8C];
	_ =	swait.ge [sflag:s4], $0x0  }
0x19: {  	s7 =	sld [smem:$0x3F8D]  }
0x1a: {  	s8 =	sadd.s32 $0xFFFFE003, lr  }
0x1b: {  	s9 =	sadd.s32 $0xFFFFFEF7, lr;
	s5 =	simm.s32 $0xFFFFFFFF;
	p2 =	slt.u32 s8, $0xFFFFF086  }
0x1c: {  	p1 =	slt.u32 s9, $0xF7A;
	s5 =	simm.s32 @!p2 $0x0  }
0x1d: {  	s5 =	simm.s32 @p1 $0x1;
	p0 =	seq.s32 s7, s2  }
0x1e: {  	s7 =	smul.u32 @!p0 $0xF7A, s2;
	p2 =	seq.s32 @!p0 s5, $0x0  }
0x1f: {  	s9 =	smul.u32 $0xF7A, s1;
	s8 =	simm.s32 @!p0 $0x1BF5;
	p2 =	por !p2, p0  }
0x20: {  	[sflag:s8] =	ssyncset.s32 @!p0 $0xFFFFF086;
	s6 =	sadd.s32 @!p0 s3, s7;
	s7 =	simm.s32 @!p0 $0x108  }
0x21: {  	s3 =	sadd.s32 s3, s9;
	s6 =	sadd.s32 @!p0 $0x88, s6;
	s7 =	simm.s32 @p2 $0x1082  }
0x22: {  	[simem:s7], [sflag:s8] =	dma.local @!p0 [hbm:s6], $0xF7A  }
0x23: {  	s9 =	sor.u32 $0xD0000000, s2;
	s6 =	simm.s32 $0x108;
	_ =	swait.ge @!p0 [sflag:s8], $0x0  }
0x24: {  	s3 =	sadd.s32 $0x88, s3;
	s6 =	simm.s32 @!p1 $0x1082;
	[sflag:s4] =	ssyncset.s32 $0xFFFFF086  }
0x25: {  	[simem:s6], [sflag:s4] =	dma.local [hbm:s3], $0xF7A  }
0x26: {  	[smem:$0x3F8D] =	sst s1;
	(tag) =	ssettag s2;
	_ =	strace s9  }
0x27: {  	s1 =	sld [smem:$0x3F9D]  }
0x28: {  	s2 =	sld [smem:$0x3F9E]  }
0x29: {  	s4 =	sld [smem:$0x3FA0]  }
0x2a: {  	p0 =	seq.s32 s5, $0x0;
	s5 =	sld [smem:$0x3FA1]  }
0x2b: {  	s6 =	sld [smem:$0x3FA2]  }
0x2c: {  	s7 =	sld [smem:$0x3FA3]  }
0x2d: {  	s3 =	simm.s32 $0x108;
	s8 =	sld [smem:$0x3FA4]  }
0x2e: {  	s3 =	simm.s32 @!p0 $0x1082;
	s9 =	sld [smem:$0x3FA5]  }
0x2f: {  	lr =	sadd.s32 s0, s3;
	s0 =	sld [smem:$0x3F9C]  }
0x30: {  	s3 =	sld [smem:$0x3F9F]  }
0x31: {  	[smem:$0x3FA8] =	sst s10  }
0x32: {  	s10 =	sld [smem:$0x3FA6];
	_ =	sdelay $0x3  }
0x33: {  	p0 =	seq.s32 s10, $0x1;
	s10 =	sld [smem:$0x3FA8];
	_ =	sdelay $0x3  }
0x34: {  	[smem:$0x3FA8] =	sst s10  }
0x35: {  	s10 =	sld [smem:$0x3FA7];
	_ =	sdelay $0x3  }
0x36: {  	p1 =	seq.s32 s10, $0x1;
	s10 =	sld [smem:$0x3FA8];
	_ =	sdelay $0x3  }
0x37: {  	[smem:$0x3FA8] =	sst s10  }
0x38: {  	s10 =	sld [smem:$0x3FA9]  }
0x39: {  	_ = 	snop;
	(pc) =	sbr.ind lr, $3  }
0x3a: {  	_ = 	snop  }
0x3b: {  	_ = 	snop  }
0x3c: {  	p2 =	seq.s32 s10, $0x1;
	s10 =	sld [smem:$0x3FA8]  }
0x3d: {  	_ =	shalt  }
0x3e: {  	_ =	shalt  }
0x3f: {  	_ =	shalt  }
0x40: {  	_ =	shalt  }
0x41: {  	_ =	shalt  }
0x42: {  	_ =	shalt  }
0x43: {  	_ =	shalt  }
0x44: {  	_ =	shalt  }
0x45: {  	_ =	shalt  }
0x46: {  	_ =	shalt  }
0x47: {  	_ =	shalt  }
0x48: {  	_ =	shalt  }
0x49: {  	_ =	shalt  }
0x4a: {  	_ =	shalt  }
0x4b: {  	_ =	shalt  }
0x4c: {  	_ =	shalt  }
0x4d: {  	_ =	shalt  }
0x4e: {  	_ =	shalt  }
0x4f: {  	_ =	shalt  }
0x50: {  	_ =	shalt  }
0x51: {  	_ =	shalt  }
0x52: {  	_ =	shalt  }
0x53: {  	_ =	shalt  }
0x54: {  	_ =	shalt  }
0x55: {  	_ =	shalt  }
0x56: {  	_ =	shalt  }
0x57: {  	_ =	shalt  }
0x58: {  	_ =	shalt  }
0x59: {  	_ =	shalt  }
0x5a: {  	_ =	shalt  }
0x5b: {  	_ =	shalt  }
0x5c: {  	_ =	shalt  }
0x5d: {  	_ =	shalt  }
0x5e: {  	_ =	shalt  }
0x5f: {  	_ =	shalt  }
0x60: {  	_ =	shalt  }
0x61: {  	_ =	shalt  }
0x62: {  	_ =	shalt  }
0x63: {  	_ =	shalt  }
0x64: {  	_ =	shalt  }
0x65: {  	_ =	shalt  }
0x66: {  	_ =	shalt  }
0x67: {  	_ =	shalt  }
0x68: {  	_ =	shalt  }
0x69: {  	_ =	shalt  }
0x6a: {  	_ =	shalt  }
0x6b: {  	_ =	shalt  }
0x6c: {  	_ =	shalt  }
0x6d: {  	_ =	shalt  }
0x6e: {  	_ =	shalt  }
0x6f: {  	_ =	shalt  }
0x70: {  	_ =	shalt  }
0x71: {  	_ =	shalt  }
0x72: {  	_ =	shalt  }
0x73: {  	_ =	shalt  }
0x74: {  	_ =	shalt  }
0x75: {  	_ =	shalt  }
0x76: {  	_ =	shalt  }
0x77: {  	_ =	shalt  }
0x78: {  	_ =	shalt  }
0x79: {  	_ =	shalt  }
0x7a: {  	_ =	shalt  }
0x7b: {  	_ =	shalt  }
0x7c: {  	_ =	shalt  }
0x7d: {  	_ =	shalt  }
0x7e: {  	_ =	shalt  }
0x7f: {  	_ =	shalt  }
0x80: {  	_ =	shalt  }
0x81: {  	_ =	shalt  }
0x82: {  	_ =	shalt  }
0x83: {  	_ =	shalt  }
0x84: {  	_ =	shalt  }
0x85: {  	_ =	shalt  }
0x86: {  	_ =	shalt  }
0x87: {  	_ =	shalt  }
.Lfunc_end0:
.L_simem_size_0:
called_computation.6_lowered:
.L_overlay_start_0:
0x88: {  	s2 =	sld [smem:$0x3FD9]  }
0x89: {  	s3 =	sld [smem:$0x3FFE];
	_ =	sdelay $0x1  }
0x8a: {  	s1 =	srdreg.scid  }
0x8b: {  	s0 =	sand.u32 $0x1, s1  }
0x8c: {  	s17 =	sshll.u32 s0, $0xA;
	s2 =	sadd.s32 s3, s2  }
0x8d: {  	s2 =	sadd.s32 s2, s17  }
0x8e: {  	[smem:$0x3FB4] =	sst s2  }
0x8f: {  	_ = 	snop  }
0x90: {  	s2 =	sld [smem:$0x3FD0];
	(tm) =	ssettm $0x1  }
0x91: {  	s18 =	sld [smem:$0x3FFB];
	_ =	sdelay $0x3  }
0x92: {  	_ =	strace s18  }
0x93: {  	s3 =	sld [smem:$0x3FFC];
	_ =	sdelay $0x3  }
0x94: {  	_ =	strace s3  }
0x95: {  	s3 =	sld [smem:$0x3FFD];
	_ =	sdelay $0x3  }
0x96: {  	_ =	strace s3  }
0x97: {  	_ =	strace $0x8FFFFFFF  }
0x98: {  	s19 =	sld [smem:$0x3FDB];
	_ =	sdelay $0x1  }
0x99: {  	s4 =	simm.s32 $_scs_section_size  }
0x9a: {  	s5 =	simm.s32 $_size__tile_overlayer_lowered;
	s6 =	simm.s32 $_tile_overlayer_lowered  }
0x9b: {  	s22 =	simm.s32 $0x1BFF;
	s21 =	sshll.u32 s6, $0x1;
	s3 =	sadd.s32 s4, s19  }
0x9c: {  	s7 =	simm.s32 $0x0;
	s20 =	sshll.u32 s5, $0x1;
	s5 =	sadd.s32 s21, s3  }
0x9d: {  	[timem:s7], [sflag:s22] =	dma.local [hbm:s5], s20  }
0x9e: {  	_ =	swait.ge [sflag:s22], s20  }
0x9f: {  	s4 =	ssub.s32 $0x0, s20;
	[sflag:s22] =	ssyncset.done $0x0  }
0xa0: {  	[sflag:s22] =	ssyncadd.s32 s4;
	_ =	sdelay $0x1  }
0xa1: {  	s23 =	simm.s32 $0x1B8B  }
0xa2: {  	_ =	swait.ge [sflag:s23], $0x1  }
0xa3: {  	[sflag:s23] =	ssyncset.done $0x0  }
0xa4: {  	s25 =	simm.s32 $0x1B8E;
	s24 =	sld [smem:$0x3FFE];
	[sflag:s23] =	ssyncadd.s32 $0xFFFFFFFF  }
0xa5: {  	s26 =	simm.s32 $execute0_lowered;
	[smem:$0x3FD2] =	sst s25  }
0xa6: {  	s5 =	sshll.u32 s26, $0x1;
	_ =	strace $0x80000058;
	[dreg:$0x1] =	wrdreg $0xFFFFFFFF  }
0xa7: {  	s28 =	simm.s32 $_size_execute0_lowered;
	s3 =	sadd.s32 s3, s5;
	[dreg:$0x0] =	wrdreg $0x0  }
0xa8: {  	s5 =	sshll.u32 s28, $0x1;
	[dreg:$0x2] =	wrdreg s3  }
0xa9: {  	[dreg:$0x3] =	wrdreg s5  }
0xaa: {  	[dreg:$0x4] =	wrdreg $0xC0  }
0xab: {  	_ =	task [dreg:s7], $0x5FFFF  }
0xac: {  	[dreg:$0x1] =	wrdreg $0xFFFFFFFF  }
0xad: {  	[dreg:$0x0] =	wrdreg $0x60  }
0xae: {  	[dreg:$0x2] =	wrdreg s24  }
0xaf: {  	[dreg:$0x3] =	wrdreg s2  }
0xb0: {  	[dreg:$0x4] =	wrdreg $0x58000  }
0xb1: {  	[dreg:$0x5] =	wrdreg $0x9  }
0xb2: {  	_ =	task.clear_ibuf [dreg:s7], $0x6FFFF;
	_ =	strace $0x90000058  }
0xb3: {  	s29 =	simm.s32 $0x9;
	_ =	strace $0x8000005A  }
0xb4: {  	_ =	swait.ge [sflag:s29], $0x1  }
0xb5: {  	[sflag:s29] =	ssyncadd.s32 $0xFFFFFFFF  }
0xb6: {  	_ =	strace $0x9000005A  }
0xb7: {  	_ =	sfence  }
0xb8: {  	s30 =	sld [smem:$0x0];
	_ =	sdelay $0x2  }
0xb9: {  	s31 =	sshll.u32 s1, $0xD;
	s1 =	sshrl.u32 s1, $0x2  }
0xba: {  	s3 =	sand.u32 $0x4000, s31;
	s1 =	sadd.s32 s1, s30  }
0xbb: {  	s0 =	sor.u32 s3, s0;
	s1 =	sshll.u32 s1, $0x11  }
0xbc: {  	s0 =	sor.u32 s1, s0  }
0xbd: {  	s0 =	sadd.s32 $0x8F2B, s0  }
0xbe: {  	[sflag:s0] =	ssyncadd.remote.s32 $0x1  }
0xbf: {  	_ =	sfence.sel $0xFFFF  }
0xc0: {  	[dreg:$0x0] =	wrdreg $0xFFFFFFFF;
	(pc) =	sbr.abs _section_cstart, $3  }
0xc1: {  	[dreg:$0x1] =	wrdreg $0xFFFFFFFF  }
0xc2: {  	_ =	task.clear_ibuf [dreg:s7], $0x2FFFF;
	_ =	strace $0x9FFFFFFF  }
0xc3: {  	(tm) =	ssettm $0x7FFFFFFF  }
tec
execute0_lowered:
.L_overlay_start_1:
0x0: {  	(tag) =	ssettag $0x1  }
0x1: {  	s1 =	rddreg [dreg:$0x0]  }
0x2: {  	s0 =	srdreg.scid;
	s4 =	rddreg [dreg:$0x1]  }
0x3: {  	s9 =	stileid.u32;
	s2 =	rddreg [dreg:$0x2];
	s11 =	simm.s32 $0x3000  }
0x4: {  	s12 =	simm.s32 $0x2;
	s30 =	simm.s32 $0x80;
	s29 =	simm.s32 $0x100  }
0x5: {  	s28 =	simm.s32 $0x180;
	p1 =	por $0x0, $0x0;
	s5 =	smul.u32 $0x1F400, s9  }
0x6: {  	s0 =	sand.u32 $0x1, s0;
	s6 =	sshll.u32 s9, $0x1;
	s21 =	smul.u32 $0x7D000, s9  }
0x7: {  	s16 =	simm.s32 $0x580;
	s3 =	smul.u32 $0x138800, s0;
	s6 =	sor.u32 s0, s6  }
0x8: {  	p0 =	sgt.u32 s9, $0x9;
	s0 =	ssub.s32 $0x2, s0;
	s7 =	smul.u32 $0x4100, s6  }
0x9: {  	s6 =	sshll.u32 s6, $0x8;
	s19 =	sshrl.u32 s0, $0x1;
	s24 =	sshrl.u32 s21, $0x2  }
0xa: {  	s5 =	sadd.s32 s5, s3;
	s3 =	simm.s32 $0x0;
	s4 =	sadd.s32 s4, s6  }
0xb: {  	s0 =	ssub.s32 s0, s19;
	s6 =	simm.s32 $0x3;
	s5 =	sshrl.u32 s5, $0x3  }
0xc: {  	[smem:$0x7FF] =	sst s3;
	s0 =	smax.u32 s0, $0x1;
	s5 =	sadd.s32 s5, s1  }
0xd: {  	_ =	strace $0x80000059;
	s1 =	sadd.s32 s7, s1;
	[dreg:$0x5] =	wrdreg s4  }
0xe: {  	s7 =	simm.s32 $0x800;
	s15 =	sadd.s32 $0xFFFFFFFF, s0;
	s8 =	sadd.s32 $0x5800, s5  }
0xf: {  	s17 =	sadd.s32 $0xC9400, s1;
	s18 =	sadd.s32 $0x53A00, s5;
	[dreg:$0x4] =	wrdreg s8  }
0x10: {  	s20 =	sadd.s32 $0xC9900, s1;
	s22 =	sadd.s32 $0xC9E00, s1;
	[dreg:$0x6] =	wrdreg s17  }
0x11: {  	s23 =	sadd.s32 $0xCA300, s1;
	s25 =	sadd.s32 $0xCA800, s1;
	[dreg:$0x7] =	wrdreg s18  }
0x12: {  	s5 =	sadd.s32 s24, s2;
	s26 =	sadd.s32 $0xCAD00, s1;
	[dreg:$0x8] =	wrdreg s20  }
0x13: {  	s31 =	sadd.s32 $0xCB200, s1;
	s21 =	sadd.s32 $0xCB700, s1;
	[dreg:$0x9] =	wrdreg s22  }
0x14: {  	s19 =	sadd.s32 $0xCBC00, s1;
	s14 =	sadd.s32 $0xCC600, s1;
	[dreg:$0xa] =	wrdreg s23  }
0x15: {  	s13 =	sadd.s32 $0xCCB00, s1;
	s10 =	sadd.s32 $0xCD000, s1;
	[dreg:$0xb] =	wrdreg s25  }
0x16: {  	s24 =	simm.s32 $0x300;
	p2 =	sne.s32 s15, $0x0;
	[dreg:$0xc] =	wrdreg s26  }
.Ltmp0:
0x17: {  	[dreg:$0xd] =	wrdreg s31;
	s17 =	sadd.s32 $0xCC100, s1;
	(pc) =	sbr.rel @!p2 .LBB2_1-.Ltmp0, $4  }
0x18: {  	s1 =	sshll.u32 @!p0 s9, $0x6;
	s5 =	sshrl.u32 @!p0 s5, $0x3;
	s8 =	simm.s32 $0x1  }
0x19: {  	s9 =	simm.s32 $0x50;
	s26 =	simm.s32 $0x200;
	s25 =	simm.s32 $0x280  }
0x1a: {  	s23 =	simm.s32 $0x380;
	s22 =	simm.s32 $0x400;
	s20 =	simm.s32 $0x480  }
0x1b: {  	s18 =	simm.s32 $0x500;
	s4 =	sor.u32 @!p0 $0x1C03, s1;
	s0 =	rddreg [dreg:$0x4]  }
0x1c: {  	s31 =	simm.s32 @!p0 $0x3  }
0x1d: {  	[spmem:s5], [sflag:s4] =	dma.local @!p0 [hbm:s0], $0x3E80  }
0x1e: {  	_ =	swait.ge @!p0 [sflag:s31], $0x3E80  }
0x1f: {  	[sflag:s31] =	ssyncset.done @!p0 $0x0  }
0x20: {  	s1 =	rddreg [dreg:$0x5];
	[sflag:s31] =	ssyncadd.s32 @!p0 $0xFFFFC180  }
0x21: {  	[tilespmem:s3], [sflag:$0x3] =	stream.linear.gather [hbm4b:s1+s3], $0x680, $0x38;
	[tilespmem:$0x19080] =	vst v63  }
0x22: {  	_ =	swait.ge [sflag:s6], $0x680  }
0x23: {  	[sflag:s6] =	ssyncset.done $0x0  }
0x24: {  	[sflag:s6] =	ssyncadd.s32 $0xFFFFF980  }
0x25: {  	[bflag:$0x0] =	sbarrier.arrive $0xFFFF  }
0x26: {  	s0 =	rddreg [dreg:$0x6]  }
0x27: {  	[tilespmem:s7], [sflag:$0x1] =	stream.linear.gather [hbm4b:s0+s3], $0x2800, $0x38;
	[tilespmem:$0x19080] =	vst v63  }
0x28: {  	s1 =	rddreg [dreg:$0x8]  }
0x29: {  	[tilespmem:s11], [sflag:$0x2] =	stream.linear.gather [hbm4b:s1+s3], $0x2800, $0x38;
	[tilespmem:$0x19080] =	vst v63  }
0x2a: {  	_ =	swait.ge [sflag:s8], $0x2800  }
0x2b: {  	[sflag:s8] =	ssyncset.done $0x0  }
0x2c: {  	[sflag:s8] =	ssyncadd.s32 $0xFFFFD800  }
0x2d: {  	[spmem:s2] =	stream.indirect.scatter.add.f32 [tilespmem:s7], [sflag:$0x3], $0x80, s3, s9, $0xb8;
	[tilespmem:$0x19080] =	vst v63  }
0x2e: {  	_ =	swait.ge [sflag:s6], $0x2800  }
0x2f: {  	[sflag:s6] =	ssyncset.done $0x0  }
0x30: {  	s1 =	rddreg [dreg:$0x9];
	[sflag:s6] =	ssyncadd.s32 $0xFFFFD800  }
0x31: {  	[tilespmem:s7], [sflag:$0x1] =	stream.linear.gather [hbm4b:s1+s3], $0x2800, $0x38;
	[tilespmem:$0x19080] =	vst v63  }
0x32: {  	_ =	swait.ge [sflag:s12], $0x2800  }
0x33: {  	[sflag:s12] =	ssyncset.done $0x0  }
0x34: {  	[sflag:s12] =	ssyncadd.s32 $0xFFFFD800  }
0x35: {  	[spmem:s2] =	stream.indirect.scatter.add.f32 [tilespmem:s11], [sflag:$0x3], $0x80, s30, s9, $0xb8;
	[tilespmem:$0x19080] =	vst v63  }
0x36: {  	_ =	swait.ge [sflag:s6], $0x2800  }
0x37: {  	[sflag:s6] =	ssyncset.done $0x0  }
0x38: {  	s1 =	rddreg [dreg:$0xa];
	[sflag:s6] =	ssyncadd.s32 $0xFFFFD800  }
0x39: {  	[tilespmem:s11], [sflag:$0x2] =	stream.linear.gather [hbm4b:s1+s3], $0x2800, $0x38;
	[tilespmem:$0x19080] =	vst v63  }
0x3a: {  	_ =	swait.ge [sflag:s8], $0x2800  }
0x3b: {  	[sflag:s8] =	ssyncset.done $0x0  }
0x3c: {  	[sflag:s8] =	ssyncadd.s32 $0xFFFFD800  }
0x3d: {  	[spmem:s2] =	stream.indirect.scatter.add.f32 [tilespmem:s7], [sflag:$0x3], $0x80, s29, s9, $0xb8;
	[tilespmem:$0x19080] =	vst v63  }
0x3e: {  	_ =	swait.ge [sflag:s6], $0x2800  }
0x3f: {  	[sflag:s6] =	ssyncset.done $0x0  }
0x40: {  	s1 =	rddreg [dreg:$0xb];
	[sflag:s6] =	ssyncadd.s32 $0xFFFFD800  }
0x41: {  	[tilespmem:s7], [sflag:$0x1] =	stream.linear.gather [hbm4b:s1+s3], $0x2800, $0x38;
	[tilespmem:$0x19080] =	vst v63  }
0x42: {  	_ =	swait.ge [sflag:s12], $0x2800  }
0x43: {  	[sflag:s12] =	ssyncset.done $0x0  }
0x44: {  	[sflag:s12] =	ssyncadd.s32 $0xFFFFD800  }
0x45: {  	[spmem:s2] =	stream.indirect.scatter.add.f32 [tilespmem:s11], [sflag:$0x3], $0x80, s28, s9, $0xb8;
	[tilespmem:$0x19080] =	vst v63  }
0x46: {  	_ =	swait.ge [sflag:s6], $0x2800  }
0x47: {  	[sflag:s6] =	ssyncset.done $0x0  }
0x48: {  	s1 =	rddreg [dreg:$0xc];
	[sflag:s6] =	ssyncadd.s32 $0xFFFFD800  }
0x49: {  	[tilespmem:s11], [sflag:$0x2] =	stream.linear.gather [hbm4b:s1+s3], $0x2800, $0x38;
	[tilespmem:$0x19080] =	vst v63  }
0x4a: {  	_ =	swait.ge [sflag:s8], $0x2800  }
0x4b: {  	[sflag:s8] =	ssyncset.done $0x0  }
0x4c: {  	[sflag:s8] =	ssyncadd.s32 $0xFFFFD800  }
0x4d: {  	[spmem:s2] =	stream.indirect.scatter.add.f32 [tilespmem:s7], [sflag:$0x3], $0x80, s26, s9, $0xb8;
	[tilespmem:$0x19080] =	vst v63  }
0x4e: {  	_ =	swait.ge [sflag:s6], $0x2800  }
0x4f: {  	[sflag:s6] =	ssyncset.done $0x0  }
0x50: {  	s1 =	rddreg [dreg:$0xd];
	[sflag:s6] =	ssyncadd.s32 $0xFFFFD800  }
0x51: {  	[tilespmem:s7], [sflag:$0x1] =	stream.linear.gather [hbm4b:s1+s3], $0x2800, $0x38;
	[tilespmem:$0x19080] =	vst v63  }
0x52: {  	_ =	swait.ge [sflag:s12], $0x2800  }
0x53: {  	[sflag:s12] =	ssyncset.done $0x0  }
0x54: {  	[sflag:s12] =	ssyncadd.s32 $0xFFFFD800  }
0x55: {  	[spmem:s2] =	stream.indirect.scatter.add.f32 [tilespmem:s11], [sflag:$0x3], $0x80, s25, s9, $0xb8;
	[tilespmem:$0x19080] =	vst v63  }
0x56: {  	_ =	swait.ge [sflag:s6], $0x2800  }
0x57: {  	[sflag:s6] =	ssyncset.done $0x0  }
0x58: {  	[sflag:s6] =	ssyncadd.s32 $0xFFFFD800  }
0x59: {  	[tilespmem:s11], [sflag:$0x2] =	stream.linear.gather [hbm4b:s21+s3], $0x2800, $0x38;
	[tilespmem:$0x19080] =	vst v63  }
0x5a: {  	_ =	swait.ge [sflag:s8], $0x2800  }
0x5b: {  	[sflag:s8] =	ssyncset.done $0x0  }
0x5c: {  	[sflag:s8] =	ssyncadd.s32 $0xFFFFD800  }
0x5d: {  	[spmem:s2] =	stream.indirect.scatter.add.f32 [tilespmem:s7], [sflag:$0x3], $0x80, s24, s9, $0xb8;
	[tilespmem:$0x19080] =	vst v63  }
0x5e: {  	_ =	swait.ge [sflag:s6], $0x2800  }
0x5f: {  	[sflag:s6] =	ssyncset.done $0x0  }
0x60: {  	[sflag:s6] =	ssyncadd.s32 $0xFFFFD800  }
0x61: {  	[tilespmem:s7], [sflag:$0x1] =	stream.linear.gather [hbm4b:s19+s3], $0x2800, $0x38;
	[tilespmem:$0x19080] =	vst v63  }
0x62: {  	_ =	swait.ge [sflag:s12], $0x2800  }
0x63: {  	[sflag:s12] =	ssyncset.done $0x0  }
0x64: {  	[sflag:s12] =	ssyncadd.s32 $0xFFFFD800  }
0x65: {  	[spmem:s2] =	stream.indirect.scatter.add.f32 [tilespmem:s11], [sflag:$0x3], $0x80, s23, s9, $0xb8;
	[tilespmem:$0x19080] =	vst v63  }
0x66: {  	_ =	swait.ge [sflag:s6], $0x2800  }
0x67: {  	[sflag:s6] =	ssyncset.done $0x0  }
0x68: {  	[sflag:s6] =	ssyncadd.s32 $0xFFFFD800  }
0x69: {  	[tilespmem:s11], [sflag:$0x2] =	stream.linear.gather [hbm4b:s17+s3], $0x2800, $0x38;
	[tilespmem:$0x19080] =	vst v63  }
0x6a: {  	_ =	swait.ge [sflag:s8], $0x2800  }
0x6b: {  	[sflag:s8] =	ssyncset.done $0x0  }
0x6c: {  	[sflag:s8] =	ssyncadd.s32 $0xFFFFD800  }
0x6d: {  	[spmem:s2] =	stream.indirect.scatter.add.f32 [tilespmem:s7], [sflag:$0x3], $0x80, s22, s9, $0xb8;
	[tilespmem:$0x19080] =	vst v63  }
0x6e: {  	_ =	swait.ge [sflag:s6], $0x2800  }
0x6f: {  	[sflag:s6] =	ssyncset.done $0x0  }
0x70: {  	[sflag:s6] =	ssyncadd.s32 $0xFFFFD800  }
0x71: {  	[tilespmem:s7], [sflag:$0x1] =	stream.linear.gather [hbm4b:s14+s3], $0x2800, $0x38;
	[tilespmem:$0x19080] =	vst v63  }
0x72: {  	_ =	swait.ge [sflag:s12], $0x2800  }
0x73: {  	[sflag:s12] =	ssyncset.done $0x0  }
0x74: {  	[sflag:s12] =	ssyncadd.s32 $0xFFFFD800  }
0x75: {  	[spmem:s2] =	stream.indirect.scatter.add.f32 [tilespmem:s11], [sflag:$0x3], $0x80, s20, s9, $0xb8;
	[tilespmem:$0x19080] =	vst v63  }
0x76: {  	_ =	swait.ge [sflag:s6], $0x2800  }
0x77: {  	[sflag:s6] =	ssyncset.done $0x0  }
0x78: {  	[sflag:s6] =	ssyncadd.s32 $0xFFFFD800  }
0x79: {  	[tilespmem:s11], [sflag:$0x2] =	stream.linear.gather [hbm4b:s13+s3], $0x2800, $0x38;
	[tilespmem:$0x19080] =	vst v63  }
0x7a: {  	_ =	swait.ge [sflag:s8], $0x2800  }
0x7b: {  	[sflag:s8] =	ssyncset.done $0x0  }
0x7c: {  	[sflag:s8] =	ssyncadd.s32 $0xFFFFD800  }
0x7d: {  	[spmem:s2] =	stream.indirect.scatter.add.f32 [tilespmem:s7], [sflag:$0x3], $0x80, s18, s9, $0xb8;
	[tilespmem:$0x19080] =	vst v63  }
0x7e: {  	_ =	swait.ge [sflag:s6], $0x2800  }
0x7f: {  	[sflag:s6] =	ssyncset.done $0x0  }
0x80: {  	[sflag:s6] =	ssyncadd.s32 $0xFFFFD800  }
0x81: {  	[tilespmem:s7], [sflag:$0x1] =	stream.linear.gather [hbm4b:s10+s3], $0x2800, $0x38;
	[tilespmem:$0x19080] =	vst v63  }
0x82: {  	_ =	swait.ge [sflag:s12], $0x2800  }
0x83: {  	[sflag:s12] =	ssyncset.done $0x0  }
0x84: {  	[sflag:s12] =	ssyncadd.s32 $0xFFFFD800  }
0x85: {  	[spmem:s2] =	stream.indirect.scatter.add.f32 [tilespmem:s11], [sflag:$0x3], $0x80, s16, s9, $0xb8;
	[tilespmem:$0x19080] =	vst v63  }
0x86: {  	_ =	swait.ge [sflag:s6], $0x2800  }
0x87: {  	[sflag:s6] =	ssyncset.done $0x0  }
0x88: {  	[sflag:s6] =	ssyncadd.s32 $0xFFFFD800  }
0x89: {  	_ =	swait.ge [sflag:s8], $0x2800  }
0x8a: {  	[sflag:s8] =	ssyncset.done $0x0  }
0x8b: {  	s1 =	simm.s32 $0x600;
	[sflag:s8] =	ssyncadd.s32 $0xFFFFD800  }
0x8c: {  	[spmem:s2] =	stream.indirect.scatter.add.f32 [tilespmem:s7], [sflag:$0x3], $0x80, s1, s9, $0xb8;
	[tilespmem:$0x19080] =	vst v63  }
0x8d: {  	_ =	swait.ge [sflag:s6], $0x2800  }
0x8e: {  	s1 =	sadd.s32 $0xFFFFFFFF, s15;
	[sflag:s6] =	ssyncset.done $0x0  }
0x8f: {  	p2 =	sne.s32 s1, $0x0;
	[sflag:s6] =	ssyncadd.s32 $0xFFFFD800  }
.Ltmp1:
0x90: {  	[bflag:$0x0] =	sbarrier.arrive $0xFFFF;
	(pc) =	sbr.rel @!p2 .LBB2_4-.Ltmp1, $4  }
0x91: {  	s0 =	rddreg [dreg:$0x7]  }
0x92: {  	[hbm:s0], [sflag:s4] =	dma.local @!p0 [spmem:s5], $0x3E80  }
0x93: {  	_ =	swait.ge @!p0 [sflag:s31], $0x3E80  }
0x94: {  	p1 =	por $0x1, $0x1;
	s0 =	rddreg [dreg:$0x4];
	[sflag:s31] =	ssyncset.done @!p0 $0x0  }
.LBB2_3:
0x95: {  	[sflag:s31] =	ssyncadd.s32 @!p0 $0xFFFFC180  }
0x96: {  	[spmem:s5], [sflag:s4] =	dma.local @!p0 [hbm:s0], $0x3E80  }
0x97: {  	_ =	swait.ge @!p0 [sflag:s31], $0x3E80  }
0x98: {  	[sflag:s31] =	ssyncset.done @!p0 $0x0  }
0x99: {  	s15 =	rddreg [dreg:$0x5];
	[sflag:s31] =	ssyncadd.s32 @!p0 $0xFFFFC180  }
0x9a: {  	[tilespmem:s3], [sflag:$0x3] =	stream.linear.gather [hbm4b:s15+s3], $0x680, $0x38;
	[tilespmem:$0x19080] =	vst v63  }
0x9b: {  	_ =	swait.ge [sflag:s6], $0x680  }
0x9c: {  	[sflag:s6] =	ssyncset.done $0x0  }
0x9d: {  	[sflag:s6] =	ssyncadd.s32 $0xFFFFF980  }
0x9e: {  	[bflag:$0x0] =	sbarrier.arrive $0xFFFF  }
0x9f: {  	s0 =	rddreg [dreg:$0x6]  }
0xa0: {  	[tilespmem:s7], [sflag:$0x1] =	stream.linear.gather [hbm4b:s0+s3], $0x2800, $0x38;
	[tilespmem:$0x19080] =	vst v63  }
0xa1: {  	s15 =	rddreg [dreg:$0x8]  }
0xa2: {  	[tilespmem:s11], [sflag:$0x2] =	stream.linear.gather [hbm4b:s15+s3], $0x2800, $0x38;
	[tilespmem:$0x19080] =	vst v63  }
0xa3: {  	_ =	swait.ge [sflag:s8], $0x2800  }
0xa4: {  	[sflag:s8] =	ssyncset.done $0x0  }
0xa5: {  	[sflag:s8] =	ssyncadd.s32 $0xFFFFD800  }
0xa6: {  	[spmem:s2] =	stream.indirect.scatter.add.f32 [tilespmem:s7], [sflag:$0x3], $0x80, s3, s9, $0xb8;
	[tilespmem:$0x19080] =	vst v63  }
0xa7: {  	_ =	swait.ge [sflag:s6], $0x2800  }
0xa8: {  	[sflag:s6] =	ssyncset.done $0x0  }
0xa9: {  	s0 =	rddreg [dreg:$0x9];
	[sflag:s6] =	ssyncadd.s32 $0xFFFFD800  }
0xaa: {  	[tilespmem:s7], [sflag:$0x1] =	stream.linear.gather [hbm4b:s0+s3], $0x2800, $0x38;
	[tilespmem:$0x19080] =	vst v63  }
0xab: {  	_ =	swait.ge [sflag:s12], $0x2800  }
0xac: {  	[sflag:s12] =	ssyncset.done $0x0  }
0xad: {  	[sflag:s12] =	ssyncadd.s32 $0xFFFFD800  }
0xae: {  	[spmem:s2] =	stream.indirect.scatter.add.f32 [tilespmem:s11], [sflag:$0x3], $0x80, s30, s9, $0xb8;
	[tilespmem:$0x19080] =	vst v63  }
0xaf: {  	_ =	swait.ge [sflag:s6], $0x2800  }
0xb0: {  	[sflag:s6] =	ssyncset.done $0x0  }
0xb1: {  	s0 =	rddreg [dreg:$0xa];
	[sflag:s6] =	ssyncadd.s32 $0xFFFFD800  }
0xb2: {  	[tilespmem:s11], [sflag:$0x2] =	stream.linear.gather [hbm4b:s0+s3], $0x2800, $0x38;
	[tilespmem:$0x19080] =	vst v63  }
0xb3: {  	_ =	swait.ge [sflag:s8], $0x2800  }
0xb4: {  	[sflag:s8] =	ssyncset.done $0x0  }
0xb5: {  	[sflag:s8] =	ssyncadd.s32 $0xFFFFD800  }
0xb6: {  	[spmem:s2] =	stream.indirect.scatter.add.f32 [tilespmem:s7], [sflag:$0x3], $0x80, s29, s9, $0xb8;
	[tilespmem:$0x19080] =	vst v63  }
0xb7: {  	_ =	swait.ge [sflag:s6], $0x2800  }
0xb8: {  	[sflag:s6] =	ssyncset.done $0x0  }
0xb9: {  	s0 =	rddreg [dreg:$0xb];
	[sflag:s6] =	ssyncadd.s32 $0xFFFFD800  }
0xba: {  	[tilespmem:s7], [sflag:$0x1] =	stream.linear.gather [hbm4b:s0+s3], $0x2800, $0x38;
	[tilespmem:$0x19080] =	vst v63  }
0xbb: {  	_ =	swait.ge [sflag:s12], $0x2800  }
0xbc: {  	[sflag:s12] =	ssyncset.done $0x0  }
0xbd: {  	[sflag:s12] =	ssyncadd.s32 $0xFFFFD800  }
0xbe: {  	[spmem:s2] =	stream.indirect.scatter.add.f32 [tilespmem:s11], [sflag:$0x3], $0x80, s28, s9, $0xb8;
	[tilespmem:$0x19080] =	vst v63  }
0xbf: {  	_ =	swait.ge [sflag:s6], $0x2800  }
0xc0: {  	[sflag:s6] =	ssyncset.done $0x0  }
0xc1: {  	s0 =	rddreg [dreg:$0xc];
	[sflag:s6] =	ssyncadd.s32 $0xFFFFD800  }
0xc2: {  	[tilespmem:s11], [sflag:$0x2] =	stream.linear.gather [hbm4b:s0+s3], $0x2800, $0x38;
	[tilespmem:$0x19080] =	vst v63  }
0xc3: {  	_ =	swait.ge [sflag:s8], $0x2800  }
0xc4: {  	[sflag:s8] =	ssyncset.done $0x0  }
0xc5: {  	[sflag:s8] =	ssyncadd.s32 $0xFFFFD800  }
0xc6: {  	[spmem:s2] =	stream.indirect.scatter.add.f32 [tilespmem:s7], [sflag:$0x3], $0x80, s26, s9, $0xb8;
	[tilespmem:$0x19080] =	vst v63  }
0xc7: {  	_ =	swait.ge [sflag:s6], $0x2800  }
0xc8: {  	[sflag:s6] =	ssyncset.done $0x0  }
0xc9: {  	s0 =	rddreg [dreg:$0xd];
	[sflag:s6] =	ssyncadd.s32 $0xFFFFD800  }
0xca: {  	[tilespmem:s7], [sflag:$0x1] =	stream.linear.gather [hbm4b:s0+s3], $0x2800, $0x38;
	[tilespmem:$0x19080] =	vst v63  }
0xcb: {  	_ =	swait.ge [sflag:s12], $0x2800  }
0xcc: {  	[sflag:s12] =	ssyncset.done $0x0  }
0xcd: {  	[sflag:s12] =	ssyncadd.s32 $0xFFFFD800  }
0xce: {  	[spmem:s2] =	stream.indirect.scatter.add.f32 [tilespmem:s11], [sflag:$0x3], $0x80, s25, s9, $0xb8;
	[tilespmem:$0x19080] =	vst v63  }
0xcf: {  	_ =	swait.ge [sflag:s6], $0x2800  }
0xd0: {  	[sflag:s6] =	ssyncset.done $0x0  }
0xd1: {  	[sflag:s6] =	ssyncadd.s32 $0xFFFFD800  }
0xd2: {  	[tilespmem:s11], [sflag:$0x2] =	stream.linear.gather [hbm4b:s21+s3], $0x2800, $0x38;
	[tilespmem:$0x19080] =	vst v63  }
0xd3: {  	_ =	swait.ge [sflag:s8], $0x2800  }
0xd4: {  	[sflag:s8] =	ssyncset.done $0x0  }
0xd5: {  	[sflag:s8] =	ssyncadd.s32 $0xFFFFD800  }
0xd6: {  	[spmem:s2] =	stream.indirect.scatter.add.f32 [tilespmem:s7], [sflag:$0x3], $0x80, s24, s9, $0xb8;
	[tilespmem:$0x19080] =	vst v63  }
0xd7: {  	_ =	swait.ge [sflag:s6], $0x2800  }
0xd8: {  	[sflag:s6] =	ssyncset.done $0x0  }
0xd9: {  	[sflag:s6] =	ssyncadd.s32 $0xFFFFD800  }
0xda: {  	[tilespmem:s7], [sflag:$0x1] =	stream.linear.gather [hbm4b:s19+s3], $0x2800, $0x38;
	[tilespmem:$0x19080] =	vst v63  }
0xdb: {  	_ =	swait.ge [sflag:s12], $0x2800  }
0xdc: {  	[sflag:s12] =	ssyncset.done $0x0  }
0xdd: {  	[sflag:s12] =	ssyncadd.s32 $0xFFFFD800  }
0xde: {  	[spmem:s2] =	stream.indirect.scatter.add.f32 [tilespmem:s11], [sflag:$0x3], $0x80, s23, s9, $0xb8;
	[tilespmem:$0x19080] =	vst v63  }
0xdf: {  	_ =	swait.ge [sflag:s6], $0x2800  }
0xe0: {  	[sflag:s6] =	ssyncset.done $0x0  }
0xe1: {  	[sflag:s6] =	ssyncadd.s32 $0xFFFFD800  }
0xe2: {  	[tilespmem:s11], [sflag:$0x2] =	stream.linear.gather [hbm4b:s17+s3], $0x2800, $0x38;
	[tilespmem:$0x19080] =	vst v63  }
0xe3: {  	_ =	swait.ge [sflag:s8], $0x2800  }
0xe4: {  	[sflag:s8] =	ssyncset.done $0x0  }
0xe5: {  	[sflag:s8] =	ssyncadd.s32 $0xFFFFD800  }
0xe6: {  	[spmem:s2] =	stream.indirect.scatter.add.f32 [tilespmem:s7], [sflag:$0x3], $0x80, s22, s9, $0xb8;
	[tilespmem:$0x19080] =	vst v63  }
0xe7: {  	_ =	swait.ge [sflag:s6], $0x2800  }
0xe8: {  	[sflag:s6] =	ssyncset.done $0x0  }
0xe9: {  	[sflag:s6] =	ssyncadd.s32 $0xFFFFD800  }
0xea: {  	[tilespmem:s7], [sflag:$0x1] =	stream.linear.gather [hbm4b:s14+s3], $0x2800, $0x38;
	[tilespmem:$0x19080] =	vst v63  }
0xeb: {  	_ =	swait.ge [sflag:s12], $0x2800  }
0xec: {  	[sflag:s12] =	ssyncset.done $0x0  }
0xed: {  	[sflag:s12] =	ssyncadd.s32 $0xFFFFD800  }
0xee: {  	[spmem:s2] =	stream.indirect.scatter.add.f32 [tilespmem:s11], [sflag:$0x3], $0x80, s20, s9, $0xb8;
	[tilespmem:$0x19080] =	vst v63  }
0xef: {  	_ =	swait.ge [sflag:s6], $0x2800  }
0xf0: {  	[sflag:s6] =	ssyncset.done $0x0  }
0xf1: {  	[sflag:s6] =	ssyncadd.s32 $0xFFFFD800  }
0xf2: {  	[tilespmem:s11], [sflag:$0x2] =	stream.linear.gather [hbm4b:s13+s3], $0x2800, $0x38;
	[tilespmem:$0x19080] =	vst v63  }
0xf3: {  	_ =	swait.ge [sflag:s8], $0x2800  }
0xf4: {  	[sflag:s8] =	ssyncset.done $0x0  }
0xf5: {  	[sflag:s8] =	ssyncadd.s32 $0xFFFFD800  }
0xf6: {  	[spmem:s2] =	stream.indirect.scatter.add.f32 [tilespmem:s7], [sflag:$0x3], $0x80, s18, s9, $0xb8;
	[tilespmem:$0x19080] =	vst v63  }
0xf7: {  	_ =	swait.ge [sflag:s6], $0x2800  }
0xf8: {  	[sflag:s6] =	ssyncset.done $0x0  }
0xf9: {  	[sflag:s6] =	ssyncadd.s32 $0xFFFFD800  }
0xfa: {  	[tilespmem:s7], [sflag:$0x1] =	stream.linear.gather [hbm4b:s10+s3], $0x2800, $0x38;
	[tilespmem:$0x19080] =	vst v63  }
0xfb: {  	_ =	swait.ge [sflag:s12], $0x2800  }
0xfc: {  	[sflag:s12] =	ssyncset.done $0x0  }
0xfd: {  	[sflag:s12] =	ssyncadd.s32 $0xFFFFD800  }
0xfe: {  	[spmem:s2] =	stream.indirect.scatter.add.f32 [tilespmem:s11], [sflag:$0x3], $0x80, s16, s9, $0xb8;
	[tilespmem:$0x19080] =	vst v63  }
0xff: {  	_ =	swait.ge [sflag:s6], $0x2800  }
0x100: {  	[sflag:s6] =	ssyncset.done $0x0  }
0x101: {  	[sflag:s6] =	ssyncadd.s32 $0xFFFFD800  }
0x102: {  	_ =	swait.ge [sflag:s8], $0x2800  }
0x103: {  	[sflag:s8] =	ssyncset.done $0x0  }
0x104: {  	s15 =	simm.s32 $0x600;
	[sflag:s8] =	ssyncadd.s32 $0xFFFFD800  }
0x105: {  	[spmem:s2] =	stream.indirect.scatter.add.f32 [tilespmem:s7], [sflag:$0x3], $0x80, s15, s9, $0xb8;
	[tilespmem:$0x19080] =	vst v63  }
0x106: {  	_ =	swait.ge [sflag:s6], $0x2800  }
0x107: {  	s1 =	sadd.s32 $0xFFFFFFFF, s1;
	[sflag:s6] =	ssyncset.done $0x0  }
0x108: {  	p2 =	sne.s32 s1, $0x0;
	[sflag:s6] =	ssyncadd.s32 $0xFFFFD800  }
.Ltmp2:
0x109: {  	[bflag:$0x0] =	sbarrier.arrive $0xFFFF;
	(pc) =	sbr.rel @p2 .LBB2_3-.Ltmp2, $4  }
0x10a: {  	s0 =	rddreg [dreg:$0x7]  }
0x10b: {  	[hbm:s0], [sflag:s4] =	dma.local @!p0 [spmem:s5], $0x3E80  }
0x10c: {  	_ =	swait.ge @!p0 [sflag:s31], $0x3E80  }
0x10d: {  	s0 =	rddreg [dreg:$0x4];
	[sflag:s31] =	ssyncset.done @!p0 $0x0  }
.LBB2_4:
0x10e: {  	p1 =	por p0, !p1  }
0x10f: {  	s1 =	simm.s32 @!p0 $0x3;
	[sflag:s31] =	ssyncadd.s32 @!p1 $0xFFFFC180  }
0x110: {  	[spmem:s5], [sflag:s4] =	dma.local @!p0 [hbm:s0], $0x3E80  }
0x111: {  	_ =	swait.ge @!p0 [sflag:s1], $0x3E80  }
0x112: {  	[sflag:s1] =	ssyncset.done @!p0 $0x0  }
0x113: {  	s15 =	rddreg [dreg:$0x5];
	[sflag:s1] =	ssyncadd.s32 @!p0 $0xFFFFC180  }
0x114: {  	[tilespmem:s3], [sflag:$0x3] =	stream.linear.gather [hbm4b:s15+s3], $0x680, $0x38;
	[tilespmem:$0x19080] =	vst v63  }
0x115: {  	_ =	swait.ge [sflag:s6], $0x680  }
0x116: {  	[sflag:s6] =	ssyncset.done $0x0  }
0x117: {  	[sflag:s6] =	ssyncadd.s32 $0xFFFFF980  }
0x118: {  	[bflag:$0x0] =	sbarrier.arrive $0xFFFF  }
0x119: {  	s31 =	rddreg [dreg:$0x6]  }
0x11a: {  	[tilespmem:s7], [sflag:$0x1] =	stream.linear.gather [hbm4b:s31+s3], $0x2800, $0x38;
	[tilespmem:$0x19080] =	vst v63  }
0x11b: {  	s15 =	rddreg [dreg:$0x8]  }
0x11c: {  	[tilespmem:s11], [sflag:$0x2] =	stream.linear.gather [hbm4b:s15+s3], $0x2800, $0x38;
	[tilespmem:$0x19080] =	vst v63  }
0x11d: {  	_ =	swait.ge [sflag:s8], $0x2800  }
0x11e: {  	[sflag:s8] =	ssyncset.done $0x0  }
0x11f: {  	[sflag:s8] =	ssyncadd.s32 $0xFFFFD800  }
0x120: {  	[spmem:s2] =	stream.indirect.scatter.add.f32 [tilespmem:s7], [sflag:$0x3], $0x80, s3, s9, $0xb8;
	[tilespmem:$0x19080] =	vst v63  }
0x121: {  	_ =	swait.ge [sflag:s6], $0x2800  }
0x122: {  	[sflag:s6] =	ssyncset.done $0x0  }
0x123: {  	s15 =	rddreg [dreg:$0x9];
	[sflag:s6] =	ssyncadd.s32 $0xFFFFD800  }
0x124: {  	[tilespmem:s7], [sflag:$0x1] =	stream.linear.gather [hbm4b:s15+s3], $0x2800, $0x38;
	[tilespmem:$0x19080] =	vst v63  }
0x125: {  	_ =	swait.ge [sflag:s12], $0x2800  }
0x126: {  	[sflag:s12] =	ssyncset.done $0x0  }
0x127: {  	[sflag:s12] =	ssyncadd.s32 $0xFFFFD800  }
0x128: {  	[spmem:s2] =	stream.indirect.scatter.add.f32 [tilespmem:s11], [sflag:$0x3], $0x80, s30, s9, $0xb8;
	[tilespmem:$0x19080] =	vst v63  }
0x129: {  	_ =	swait.ge [sflag:s6], $0x2800  }
0x12a: {  	[sflag:s6] =	ssyncset.done $0x0  }
0x12b: {  	s31 =	rddreg [dreg:$0xa];
	[sflag:s6] =	ssyncadd.s32 $0xFFFFD800  }
0x12c: {  	[tilespmem:s11], [sflag:$0x2] =	stream.linear.gather [hbm4b:s31+s3], $0x2800, $0x38;
	[tilespmem:$0x19080] =	vst v63  }
0x12d: {  	_ =	swait.ge [sflag:s8], $0x2800  }
0x12e: {  	[sflag:s8] =	ssyncset.done $0x0  }
0x12f: {  	[sflag:s8] =	ssyncadd.s32 $0xFFFFD800  }
0x130: {  	[spmem:s2] =	stream.indirect.scatter.add.f32 [tilespmem:s7], [sflag:$0x3], $0x80, s29, s9, $0xb8;
	[tilespmem:$0x19080] =	vst v63  }
0x131: {  	_ =	swait.ge [sflag:s6], $0x2800  }
0x132: {  	[sflag:s6] =	ssyncset.done $0x0  }
0x133: {  	s15 =	rddreg [dreg:$0xb];
	[sflag:s6] =	ssyncadd.s32 $0xFFFFD800  }
0x134: {  	[tilespmem:s7], [sflag:$0x1] =	stream.linear.gather [hbm4b:s15+s3], $0x2800, $0x38;
	[tilespmem:$0x19080] =	vst v63  }
0x135: {  	_ =	swait.ge [sflag:s12], $0x2800  }
0x136: {  	[sflag:s12] =	ssyncset.done $0x0  }
0x137: {  	[sflag:s12] =	ssyncadd.s32 $0xFFFFD800  }
0x138: {  	[spmem:s2] =	stream.indirect.scatter.add.f32 [tilespmem:s11], [sflag:$0x3], $0x80, s28, s9, $0xb8;
	[tilespmem:$0x19080] =	vst v63  }
0x139: {  	_ =	swait.ge [sflag:s6], $0x2800  }
0x13a: {  	[sflag:s6] =	ssyncset.done $0x0  }
0x13b: {  	s28 =	rddreg [dreg:$0xc];
	[sflag:s6] =	ssyncadd.s32 $0xFFFFD800  }
0x13c: {  	[tilespmem:s11], [sflag:$0x2] =	stream.linear.gather [hbm4b:s28+s3], $0x2800, $0x38;
	[tilespmem:$0x19080] =	vst v63  }
0x13d: {  	_ =	swait.ge [sflag:s8], $0x2800  }
0x13e: {  	[sflag:s8] =	ssyncset.done $0x0  }
0x13f: {  	[sflag:s8] =	ssyncadd.s32 $0xFFFFD800  }
0x140: {  	[spmem:s2] =	stream.indirect.scatter.add.f32 [tilespmem:s7], [sflag:$0x3], $0x80, s26, s9, $0xb8;
	[tilespmem:$0x19080] =	vst v63  }
0x141: {  	_ =	swait.ge [sflag:s6], $0x2800  }
0x142: {  	[sflag:s6] =	ssyncset.done $0x0  }
0x143: {  	s29 =	rddreg [dreg:$0xd];
	[sflag:s6] =	ssyncadd.s32 $0xFFFFD800  }
0x144: {  	[tilespmem:s7], [sflag:$0x1] =	stream.linear.gather [hbm4b:s29+s3], $0x2800, $0x38;
	[tilespmem:$0x19080] =	vst v63  }
0x145: {  	_ =	swait.ge [sflag:s12], $0x2800  }
0x146: {  	[sflag:s12] =	ssyncset.done $0x0  }
0x147: {  	[sflag:s12] =	ssyncadd.s32 $0xFFFFD800  }
0x148: {  	[spmem:s2] =	stream.indirect.scatter.add.f32 [tilespmem:s11], [sflag:$0x3], $0x80, s25, s9, $0xb8;
	[tilespmem:$0x19080] =	vst v63  }
0x149: {  	_ =	swait.ge [sflag:s6], $0x2800  }
0x14a: {  	[sflag:s6] =	ssyncset.done $0x0  }
0x14b: {  	[sflag:s6] =	ssyncadd.s32 $0xFFFFD800  }
0x14c: {  	[tilespmem:s11], [sflag:$0x2] =	stream.linear.gather [hbm4b:s21+s3], $0x2800, $0x38;
	[tilespmem:$0x19080] =	vst v63  }
0x14d: {  	_ =	swait.ge [sflag:s8], $0x2800  }
0x14e: {  	[sflag:s8] =	ssyncset.done $0x0  }
0x14f: {  	[sflag:s8] =	ssyncadd.s32 $0xFFFFD800  }
0x150: {  	[spmem:s2] =	stream.indirect.scatter.add.f32 [tilespmem:s7], [sflag:$0x3], $0x80, s24, s9, $0xb8;
	[tilespmem:$0x19080] =	vst v63  }
0x151: {  	_ =	swait.ge [sflag:s6], $0x2800  }
0x152: {  	[sflag:s6] =	ssyncset.done $0x0  }
0x153: {  	[sflag:s6] =	ssyncadd.s32 $0xFFFFD800  }
0x154: {  	[tilespmem:s7], [sflag:$0x1] =	stream.linear.gather [hbm4b:s19+s3], $0x2800, $0x38;
	[tilespmem:$0x19080] =	vst v63  }
0x155: {  	_ =	swait.ge [sflag:s12], $0x2800  }
0x156: {  	[sflag:s12] =	ssyncset.done $0x0  }
0x157: {  	[sflag:s12] =	ssyncadd.s32 $0xFFFFD800  }
0x158: {  	[spmem:s2] =	stream.indirect.scatter.add.f32 [tilespmem:s11], [sflag:$0x3], $0x80, s23, s9, $0xb8;
	[tilespmem:$0x19080] =	vst v63  }
0x159: {  	_ =	swait.ge [sflag:s6], $0x2800  }
0x15a: {  	[sflag:s6] =	ssyncset.done $0x0  }
0x15b: {  	[sflag:s6] =	ssyncadd.s32 $0xFFFFD800  }
0x15c: {  	[tilespmem:s11], [sflag:$0x2] =	stream.linear.gather [hbm4b:s17+s3], $0x2800, $0x38;
	[tilespmem:$0x19080] =	vst v63  }
0x15d: {  	_ =	swait.ge [sflag:s8], $0x2800  }
0x15e: {  	[sflag:s8] =	ssyncset.done $0x0  }
0x15f: {  	[sflag:s8] =	ssyncadd.s32 $0xFFFFD800  }
0x160: {  	[spmem:s2] =	stream.indirect.scatter.add.f32 [tilespmem:s7], [sflag:$0x3], $0x80, s22, s9, $0xb8;
	[tilespmem:$0x19080] =	vst v63  }
0x161: {  	_ =	swait.ge [sflag:s6], $0x2800  }
0x162: {  	[sflag:s6] =	ssyncset.done $0x0  }
0x163: {  	[sflag:s6] =	ssyncadd.s32 $0xFFFFD800  }
0x164: {  	[tilespmem:s7], [sflag:$0x1] =	stream.linear.gather [hbm4b:s14+s3], $0x2800, $0x38;
	[tilespmem:$0x19080] =	vst v63  }
0x165: {  	_ =	swait.ge [sflag:s12], $0x2800  }
0x166: {  	[sflag:s12] =	ssyncset.done $0x0  }
0x167: {  	[sflag:s12] =	ssyncadd.s32 $0xFFFFD800  }
0x168: {  	[spmem:s2] =	stream.indirect.scatter.add.f32 [tilespmem:s11], [sflag:$0x3], $0x80, s20, s9, $0xb8;
	[tilespmem:$0x19080] =	vst v63  }
0x169: {  	_ =	swait.ge [sflag:s6], $0x2800  }
0x16a: {  	[sflag:s6] =	ssyncset.done $0x0  }
0x16b: {  	[sflag:s6] =	ssyncadd.s32 $0xFFFFD800  }
0x16c: {  	[tilespmem:s11], [sflag:$0x2] =	stream.linear.gather [hbm4b:s13+s3], $0x2800, $0x38;
	[tilespmem:$0x19080] =	vst v63  }
0x16d: {  	_ =	swait.ge [sflag:s8], $0x2800  }
0x16e: {  	[sflag:s8] =	ssyncset.done $0x0  }
0x16f: {  	[sflag:s8] =	ssyncadd.s32 $0xFFFFD800  }
0x170: {  	[spmem:s2] =	stream.indirect.scatter.add.f32 [tilespmem:s7], [sflag:$0x3], $0x80, s18, s9, $0xb8;
	[tilespmem:$0x19080] =	vst v63  }
0x171: {  	_ =	swait.ge [sflag:s6], $0x2800  }
0x172: {  	[sflag:s6] =	ssyncset.done $0x0  }
0x173: {  	[sflag:s6] =	ssyncadd.s32 $0xFFFFD800  }
0x174: {  	[tilespmem:s7], [sflag:$0x1] =	stream.linear.gather [hbm4b:s10+s3], $0x2800, $0x38;
	[tilespmem:$0x19080] =	vst v63  }
0x175: {  	_ =	swait.ge [sflag:s12], $0x2800  }
0x176: {  	[sflag:s12] =	ssyncset.done $0x0  }
0x177: {  	[sflag:s12] =	ssyncadd.s32 $0xFFFFD800  }
0x178: {  	[spmem:s2] =	stream.indirect.scatter.add.f32 [tilespmem:s11], [sflag:$0x3], $0x80, s16, s9, $0xb8;
	[tilespmem:$0x19080] =	vst v63  }
0x179: {  	_ =	swait.ge [sflag:s6], $0x2800  }
0x17a: {  	[sflag:s6] =	ssyncset.done $0x0  }
0x17b: {  	[sflag:s6] =	ssyncadd.s32 $0xFFFFD800  }
0x17c: {  	_ =	swait.ge [sflag:s8], $0x2800  }
0x17d: {  	[sflag:s8] =	ssyncset.done $0x0  }
0x17e: {  	s30 =	simm.s32 $0x600;
	[sflag:s8] =	ssyncadd.s32 $0xFFFFD800  }
0x17f: {  	[spmem:s2] =	stream.indirect.scatter.add.f32 [tilespmem:s7], [sflag:$0x3], $0x80, s30, s9, $0xb8;
	[tilespmem:$0x19080] =	vst v63  }
0x180: {  	_ =	swait.ge [sflag:s6], $0x2800  }
0x181: {  	[sflag:s6] =	ssyncset.done $0x0  }
0x182: {  	[sflag:s6] =	ssyncadd.s32 $0xFFFFD800  }
0x183: {  	[bflag:$0x0] =	sbarrier.arrive $0xFFFF  }
0x184: {  	s0 =	rddreg [dreg:$0x7]  }
0x185: {  	[hbm:s0], [sflag:s4] =	dma.local @!p0 [spmem:s5], $0x3E80  }
0x186: {  	_ =	swait.ge @!p0 [sflag:s1], $0x3E80  }
0x187: {  	[sflag:s1] =	ssyncset.done @!p0 $0x0  }
0x188: {  	[sflag:s1] =	ssyncadd.s32 @!p0 $0xFFFFC180  }
0x189: {  	_ =	sfence.sel $0x180000  }
0x18a: {  	[bflag:$0x0] =	sbarrier.arrive $0xFFFF  }
0x18b: {  	_ =	strace $0x90000059  }
0x18c: {  	s31 =	stileid.u32;
	[bflag:$0x2] =	sbarrier.arrive $0xFFFF  }
0x18d: {  	p0 =	sne.s32 s31, $0x0;
	s0 =	rddreg [dreg:$0x3]  }
0x18e: {  	s0 =	sadd.s32 @!p0 $0x100000, s0  }
0x18f: {  	[sflag:s0] =	ssyncadd.tile.s32 @!p0 $0x1;
	_ =	shalt  }
.LBB2_1:
.Ltmp3:
0x190: {  	(pc) =	sbr.rel .LBB2_4-.Ltmp3, $2  }
0x191: {  	_ =	sdelay $0x2  }
0x192: {  	_ = 	snop  }
.Lfunc_end2:
_tile_overlayer_lowered:
.L_overlay_start_2:
0x193: {  	(tag) =	ssettag $0x2  }
0x194: {  	s0 =	rddreg [dreg:$0x0];
	s2 =	stileid.u32  }
0x195: {  	s1 =	rddreg [dreg:$0x1];
	p0 =	sne.s32 s2, $0x0  }
0x196: {  	s3 =	rddreg [dreg:$0x2];
	[bflag:$0x3] =	sbarrier.arrive $0xFFFF;
	s2 =	simm.s32 @!p0 $0x1C03  }
0x197: {  	[timem:s3], [sflag:s2] =	dma.local @!p0 [hbm:s0], s1  }
0x198: {  	s0 =	simm.s32 @!p0 $0x3  }
0x199: {  	_ =	swait.ge @!p0 [sflag:s0], s1  }
0x19a: {  	s1 =	ssub.s32 @!p0 $0x0, s1;
	[sflag:s0] =	ssyncset.done @!p0 $0x0  }
0x19b: {  	[sflag:s0] =	ssyncadd.s32 @!p0 s1  }
0x19c: {  	[bflag:$0x3] =	sbarrier.arrive $0xFFFF  }
0x19d: {  	_ =	shalt  }

</sc_bundles>
